<compile_context>
chip_gen: v7x
topology: tpu7x:2x2x1
jax: 0.10.2.dev20260603
libtpu: 0.0.44.dev20260713+nightly
codegen_flags: <defaults>
</compile_context>

<pallas_src>
import functools

import jax
import jax.numpy as jnp
from jax import lax
from jax.experimental import pallas as pl
from jax.experimental.pallas import tpu as pltpu
from jax.experimental.pallas import tpu_sc as plsc

_P = (1 << 31) - 1
_DIM = 64
_TDIM = 56
_NH = 8
_BT = 71428
_KT = 500000
_WROWS = _KT * _NH // 128
_BATCH = 16384
_NC = 2
_NS = 16
_NW = _NC * _NS
_PER_W = _BATCH // _NW
_CB = 64
_NSC = _PER_W // _CB


def _i(v):
    return jnp.int32(v)


def _mod_p_mul(x1, x0, chi, clo, out_mod):
    m31 = jnp.uint32(_P)
    a = x1 * chi
    ap = (a >> 5) + ((a & 31) << 26)
    b = x1 * clo
    bp = (b >> 21) + ((b & ((1 << 21) - 1)) << 10)
    c = x0 * chi
    cp = (c >> 15) + ((c & ((1 << 15) - 1)) << 16)
    d = x0 * clo
    s = ap + bp
    s = (s >> 31) + (s & m31)
    s = s + cp
    s = (s >> 31) + (s & m31)
    s = s + d
    s = (s >> 31) + (s & m31)
    s = jnp.where(s >= m31, s - m31, s)
    return (s % jnp.uint32(out_mod)).astype(jnp.int32)


def _dyngather(v, idx):
    dnums = lax.GatherDimensionNumbers(
        offset_dims=(), collapsed_slice_dims=(0,), start_index_map=(0,))
    return lax.gather(v, idx[:, None], dnums, slice_sizes=(1,),
                      mode=lax.GatherScatterMode.PROMISE_IN_BOUNDS)


_TROWS = 71680


def _tp_body(t_ref, o_ref):
    o_ref[:, : _TDIM] = jnp.transpose(t_ref[...])


_transpose_pad = pl.pallas_call(
    _tp_body,
    grid=(_TROWS // 2048,),
    in_specs=[pl.BlockSpec((_TDIM, 2048),
                           lambda i: (jnp.int32(0), jnp.int32(i)))],
    out_specs=pl.BlockSpec((2048, 128),
                           lambda i: (jnp.int32(i), jnp.int32(0))),
    out_shape=jax.ShapeDtypeStruct((_TROWS, 128), jnp.float32),
)


_mesh = plsc.VectorSubcoreMesh(core_axis_name="c", subcore_axis_name="s")


@functools.partial(
    pl.kernel,
    mesh=_mesh,
    out_type=jax.ShapeDtypeStruct((_BATCH, 128), jnp.float32),
    scratch_types=[
        pltpu.VMEM((_PER_W,), jnp.int32),
        pltpu.VMEM((9 * 16,), jnp.int32),
        pltpu.VMEM((9 * 16,), jnp.int32),
        pltpu.VMEM((_NH, _CB), jnp.int32),
        pltpu.VMEM((_CB,), jnp.int32),
        pltpu.VMEM((_CB // 16, 16), jnp.int32),
        pltpu.VMEM((_NH, _CB, 128), jnp.float32),
        pltpu.VMEM((_CB, 128), jnp.float32),
        pltpu.VMEM((_CB, 128), jnp.float32),
        pltpu.SemaphoreType.DMA,
    ],
)
def _sc_embed(x_hbm, table_hbm, w128_hbm, chi_hbm, clo_hbm, out_hbm,
              x_v, chi_v, clo_v, idx0, idx1, pb, rows, wrow, outb, sem):
    wid = lax.axis_index("s") * _NC + lax.axis_index("c")
    base_w = pl.multiple_of(wid * _PER_W, _PER_W)
    pltpu.sync_copy(x_hbm.at[pl.ds(base_w, _PER_W)], x_v)
    pltpu.sync_copy(chi_hbm, chi_v)
    pltpu.sync_copy(clo_hbm, clo_v)

    lane = lax.iota(jnp.int32, 16)
    shift8 = jnp.minimum(lane + 8, 15)
    is_head = lane < 8
    ohs = [jnp.where(lane == 8 + k, jnp.float32(0.125), jnp.float32(0.0))
           for k in range(_NH)]

    def subchunk(sc, carry):
        def hash16(ic, c2):
            xv = x_v[pl.ds(sc * _CB + ic * 16, 16)].astype(jnp.uint32)
            x1 = xv >> 10
            x0 = xv & 1023
            for j in range(_NH):
                chi = chi_v[pl.ds(16 * j, 16)].astype(jnp.uint32)
                clo = clo_v[pl.ds(16 * j, 16)].astype(jnp.uint32)
                idx0[_i(j), pl.ds(ic * 16, 16)] = _mod_p_mul(
                    x1, x0, chi, clo, _BT)
            chi = chi_v[pl.ds(16 * _NH, 16)].astype(jnp.uint32)
            clo = clo_v[pl.ds(16 * _NH, 16)].astype(jnp.uint32)
            h1 = _mod_p_mul(x1, x0, chi, clo, _KT)
            idx1[pl.ds(ic * 16, 16)] = h1 >> 4
            pb[ic, :] = h1 & 15
            return c2

        lax.fori_loop(_i(0), _i(_CB // 16), hash16, _i(0))

        copies = [
            pltpu.async_copy(table_hbm.at[idx0.at[_i(j)]], rows.at[_i(j)],
                             sem)
            for j in range(_NH)
        ]
        copies.append(pltpu.async_copy(w128_hbm.at[idx1], wrow, sem))
        for cp in copies:
            cp.wait()

        def combine(i, c2):
            mv = _dyngather(pb[i // 16, :], jnp.full((16,), i & 15,
                                                     jnp.int32))
            ws = [_dyngather(wrow[i, pl.ds(16 * k, 16)], mv)
                  for k in range(_NH)]
            wtail = ws[0] * ohs[0]
            for k in range(1, _NH):
                wtail = wtail + ws[k] * ohs[k]
            for c in range(3):
                acc = ws[0] * rows[_i(0), i, pl.ds(c * 16, 16)]
                for j in range(1, _NH):
                    acc = acc + ws[j] * rows[_i(j), i, pl.ds(c * 16, 16)]
                outb[i, pl.ds(c * 16, 16)] = acc
            acc = ws[0] * rows[_i(0), i, pl.ds(40, 16)]
            for j in range(1, _NH):
                acc = acc + ws[j] * rows[_i(j), i, pl.ds(40, 16)]
            tail = _dyngather(acc, shift8)
            outb[i, pl.ds(48, 16)] = jnp.where(is_head, tail, wtail)
            return c2

        lax.fori_loop(_i(0), _i(_CB), combine, _i(0))
        pltpu.sync_copy(outb, out_hbm.at[pl.ds(base_w + sc * _CB, _CB)])
        return carry

    lax.fori_loop(_i(0), _i(_NSC), subchunk, _i(0))


def kernel(x, table, weights, hash0_coeffs, hash1_coeffs):
    x32 = x.astype(jnp.int32)
    table128 = _transpose_pad(table.T)
    wT = weights.T
    w128 = wT.reshape(_NH, _WROWS, 16).transpose(1, 0, 2).reshape(_WROWS, 128)
    coeffs = jnp.concatenate([hash0_coeffs, hash1_coeffs])
    chi = jnp.broadcast_to(
        (coeffs >> 16).astype(jnp.int32)[:, None], (9, 16)).reshape(144)
    clo = jnp.broadcast_to(
        (coeffs & 0xFFFF).astype(jnp.int32)[:, None], (9, 16)).reshape(144)
    return _sc_embed(x32, table128, w128, chi, clo)[:, :_DIM]

# --- scband reference (transcript-rebuilt; emitter-appended) ---
"""Pipeline reference for scband-hash-embedding2-9457517985964 (READ-ONLY COPY).

The authoritative reference and input builder live on the scoring server;
editing this copy changes nothing except your own understanding.
"""

import jax, jax.numpy as jnp
import numpy as np

jax.config.update("jax_enable_x64", True)

PRIME = (1 << 31) - 1  # Mersenne prime 2^31-1 used by PolyHash
DIM = 64
N_HASH = 8
NUM_PARAMS = 8000000
BATCH = 16384
VOCAB = 1000000
B_TABLE = max(NUM_PARAMS // (2 * (DIM - N_HASH)), 1)  # 71428
K_TABLE = max(NUM_PARAMS // (2 * N_HASH), 1)          # 500000


def _poly_hash(x, coeffs, output_range):
    # PolyHash: h_i(x) = ((x * c_i) mod P) mod output_range, one column per hash.
    # x < 2^20, c_i < 2^31 -> product < 2^51, safe in int64.
    return ((x[..., None].astype(jnp.int64) * coeffs) % PRIME) % output_range


def setup_inputs(seed: int = 0) -> dict:
    key = jax.random.key(seed)
    kx, kt, kw = jax.random.split(key, 3)
    x = jax.random.randint(kx, (BATCH,), 0, VOCAB, dtype=jnp.int64)
    bound = DIM ** (-0.5)
    table = jax.random.uniform(kt, (B_TABLE, DIM - N_HASH), dtype=jnp.float32, minval=-bound, maxval=bound)
    weights = jax.random.uniform(kw, (K_TABLE, N_HASH), dtype=jnp.float32, minval=-1.0, maxval=1.0)
    rng = np.random.RandomState(42)
    hash0_coeffs = jnp.asarray(rng.randint(1, PRIME, size=(N_HASH,)), dtype=jnp.int64)
    hash1_coeffs = jnp.asarray(rng.randint(1, PRIME, size=(1,)), dtype=jnp.int64)
    return {
        "x": x,
        "table": table,
        "weights": weights,
        "hash0_coeffs": hash0_coeffs,
        "hash1_coeffs": hash1_coeffs,
    }


def reference(x, table, weights, hash0_coeffs, hash1_coeffs):
    # vecs = self.table[self.hash0(x)] -> [N, n_hash, dim - n_hash]
    vecs = jnp.take(table, _poly_hash(x, hash0_coeffs, B_TABLE), axis=0)
    # weights = self.weights[self.hash1(x)] -> [N, 1, n_hash]
    w = jnp.take(weights, _poly_hash(x, hash1_coeffs, K_TABLE), axis=0)
    # concat([w @ vecs, w / sqrt(dim)], dim=2) -> [N, 1, dim]; squeeze(1)
    res = jnp.concatenate([jnp.matmul(w, vecs), w / (DIM ** 0.5)], axis=2)
    return res[:, 0, :]

if __name__ == "__main__":
    import jax
    _d = setup_inputs()
    print(jax.jit(kernel)(*tuple(_d.values())))

</pallas_src>

<mosaic_0001>
#map = affine_map<(d0, d1) -> (0)>
#map1 = affine_map<(d0, d1) -> (0, 0)>
module attributes {stable_mosaic.version = 14 : i64} {
  func.func @_sc_embed(%arg0: i32, %arg1: i32, %arg2: memref<16384xi32, #tpu.memory_space<hbm>>, %arg3: memref<71680x128xf32, #tpu.memory_space<hbm>>, %arg4: memref<31250x128xf32, #tpu.memory_space<hbm>>, %arg5: memref<144xi32, #tpu.memory_space<hbm>>, %arg6: memref<144xi32, #tpu.memory_space<hbm>>, %arg7: memref<16384x128xf32, #tpu.memory_space<hbm>>, %arg8: memref<512xi32, #tpu.memory_space<vmem>>, %arg9: memref<144xi32, #tpu.memory_space<vmem>>, %arg10: memref<144xi32, #tpu.memory_space<vmem>>, %arg11: memref<8x64xi32, #tpu.memory_space<vmem>>, %arg12: memref<64xi32, #tpu.memory_space<vmem>>, %arg13: memref<4x16xi32, #tpu.memory_space<vmem>>, %arg14: memref<8x64x128xf32, #tpu.memory_space<vmem>>, %arg15: memref<64x128xf32, #tpu.memory_space<vmem>>, %arg16: memref<64x128xf32, #tpu.memory_space<vmem>>, %arg17: memref<!tpu.dma_semaphore, #tpu.memory_space<semaphore_mem>>) attributes {dimension_semantics = [#tpu.dimension_semantics<core_parallel>, #tpu.dimension_semantics<subcore_parallel>], iteration_bounds = array<i64: 2, 16>, scalar_prefetch = 0 : i64, scratch_operands = 10 : i64, tpu.core_type = #tpu.core_type<sc_vector_subcore>, window_params = [{transform_indices = #map}, {transform_indices = #map1}, {transform_indices = #map1}, {transform_indices = #map}, {transform_indices = #map}, {transform_indices = #map1}]} {
    %mul3A = arith.constant 2 : i32
    %mul3A_0 = arith.muli %arg1, %mul3A : i32
    %add3A = arith.addi %mul3A_0, %arg0 : i32
    %mul3A_1 = arith.constant 512 : i32
    %mul3A_2 = arith.muli %add3A, %mul3A_1 : i32
    %multiple_of3A = tpu.assume_multiple %mul3A_2, 512 : i32
    "tpu.region"() ({
      %run_scoped3A = tpu.sem_alloc : memref<!tpu.dma_semaphore, #tpu.memory_space<semaphore_mem>>
      %dma_start3A = tpu.memref_slice %arg2[%multiple_of3A] : memref<16384xi32, #tpu.memory_space<hbm>> -> memref<512xi32, #tpu.memory_space<hbm>>
      %dma_start3A_80 = tpu.memref_slice %arg2[%multiple_of3A] : memref<16384xi32, #tpu.memory_space<hbm>> -> memref<512xi32, #tpu.memory_space<hbm>>
      tpu.enqueue_dma source(%dma_start3A_80 : memref<512xi32, #tpu.memory_space<hbm>>) target(%arg8 : memref<512xi32, #tpu.memory_space<vmem>>) target_semaphore(%run_scoped3A : memref<!tpu.dma_semaphore, #tpu.memory_space<semaphore_mem>>)
      %dma_wait3A = tpu.memref_slice %arg2[%multiple_of3A] : memref<16384xi32, #tpu.memory_space<hbm>> -> memref<512xi32, #tpu.memory_space<hbm>>
      %dma_wait3A_81 = tpu.memref_slice %arg2[%multiple_of3A] : memref<16384xi32, #tpu.memory_space<hbm>> -> memref<512xi32, #tpu.memory_space<hbm>>
      tpu.wait_dma2 semaphore(%run_scoped3A : memref<!tpu.dma_semaphore, #tpu.memory_space<semaphore_mem>>) src(%dma_wait3A_81 : memref<512xi32, #tpu.memory_space<hbm>>) dst(%arg8 : memref<512xi32, #tpu.memory_space<vmem>>)
      tpu.yield
    }) : () -> ()
    "tpu.region"() ({
      %run_scoped3A = tpu.sem_alloc : memref<!tpu.dma_semaphore, #tpu.memory_space<semaphore_mem>>
      tpu.enqueue_dma source(%arg5 : memref<144xi32, #tpu.memory_space<hbm>>) target(%arg9 : memref<144xi32, #tpu.memory_space<vmem>>) target_semaphore(%run_scoped3A : memref<!tpu.dma_semaphore, #tpu.memory_space<semaphore_mem>>)
      tpu.wait_dma2 semaphore(%run_scoped3A : memref<!tpu.dma_semaphore, #tpu.memory_space<semaphore_mem>>) src(%arg5 : memref<144xi32, #tpu.memory_space<hbm>>) dst(%arg9 : memref<144xi32, #tpu.memory_space<vmem>>)
      tpu.yield
    }) : () -> ()
    "tpu.region"() ({
      %run_scoped3A = tpu.sem_alloc : memref<!tpu.dma_semaphore, #tpu.memory_space<semaphore_mem>>
      tpu.enqueue_dma source(%arg6 : memref<144xi32, #tpu.memory_space<hbm>>) target(%arg10 : memref<144xi32, #tpu.memory_space<vmem>>) target_semaphore(%run_scoped3A : memref<!tpu.dma_semaphore, #tpu.memory_space<semaphore_mem>>)
      tpu.wait_dma2 semaphore(%run_scoped3A : memref<!tpu.dma_semaphore, #tpu.memory_space<semaphore_mem>>) src(%arg6 : memref<144xi32, #tpu.memory_space<hbm>>) dst(%arg10 : memref<144xi32, #tpu.memory_space<vmem>>)
      tpu.yield
    }) : () -> ()
    %iota3A = tpu.iota {dimensions = array<i32: 0>} : vector<16xi32>
    %add3A_3 = arith.constant 8 : i32
    %add3A_4 = vector.broadcast %add3A_3 : i32 to vector<16xi32>
    %add3A_5 = arith.addi %iota3A, %add3A_4 : vector<16xi32>
    %min3A = arith.constant 15 : i32
    %min3A_6 = vector.broadcast %min3A : i32 to vector<16xi32>
    %min3A_7 = arith.minsi %add3A_5, %min3A_6 : vector<16xi32>
    %lt3A = arith.constant 8 : i32
    %lt3A_8 = vector.broadcast %lt3A : i32 to vector<16xi32>
    %lt3A_9 = arith.cmpi slt, %iota3A, %lt3A_8 : vector<16xi32>
    %eq3A = arith.constant 8 : i32
    %eq3A_10 = vector.broadcast %eq3A : i32 to vector<16xi32>
    %eq3A_11 = arith.cmpi eq, %iota3A, %eq3A_10 : vector<16xi32>
    %jit3A = arith.constant 1.250000e-01 : f32
    %jit3A_12 = arith.constant 0.000000e+00 : f32
    %broadcast_in_dim3A = vector.broadcast %jit3A : f32 to vector<16xf32>
    %broadcast_in_dim3A_13 = vector.broadcast %jit3A_12 : f32 to vector<16xf32>
    %select_n3A = arith.select %eq3A_11, %broadcast_in_dim3A, %broadcast_in_dim3A_13 : vector<16xi1>, vector<16xf32>
    %eq3A_14 = arith.constant 9 : i32
    %eq3A_15 = vector.broadcast %eq3A_14 : i32 to vector<16xi32>
    %eq3A_16 = arith.cmpi eq, %iota3A, %eq3A_15 : vector<16xi32>
    %jit3A_17 = arith.constant 1.250000e-01 : f32
    %jit3A_18 = arith.constant 0.000000e+00 : f32
    %broadcast_in_dim3A_19 = vector.broadcast %jit3A_17 : f32 to vector<16xf32>
    %broadcast_in_dim3A_20 = vector.broadcast %jit3A_18 : f32 to vector<16xf32>
    %select_n3A_21 = arith.select %eq3A_16, %broadcast_in_dim3A_19, %broadcast_in_dim3A_20 : vector<16xi1>, vector<16xf32>
    %eq3A_22 = arith.constant 10 : i32
    %eq3A_23 = vector.broadcast %eq3A_22 : i32 to vector<16xi32>
    %eq3A_24 = arith.cmpi eq, %iota3A, %eq3A_23 : vector<16xi32>
    %jit3A_25 = arith.constant 1.250000e-01 : f32
    %jit3A_26 = arith.constant 0.000000e+00 : f32
    %broadcast_in_dim3A_27 = vector.broadcast %jit3A_25 : f32 to vector<16xf32>
    %broadcast_in_dim3A_28 = vector.broadcast %jit3A_26 : f32 to vector<16xf32>
    %select_n3A_29 = arith.select %eq3A_24, %broadcast_in_dim3A_27, %broadcast_in_dim3A_28 : vector<16xi1>, vector<16xf32>
    %eq3A_30 = arith.constant 11 : i32
    %eq3A_31 = vector.broadcast %eq3A_30 : i32 to vector<16xi32>
    %eq3A_32 = arith.cmpi eq, %iota3A, %eq3A_31 : vector<16xi32>
    %jit3A_33 = arith.constant 1.250000e-01 : f32
    %jit3A_34 = arith.constant 0.000000e+00 : f32
    %broadcast_in_dim3A_35 = vector.broadcast %jit3A_33 : f32 to vector<16xf32>
    %broadcast_in_dim3A_36 = vector.broadcast %jit3A_34 : f32 to vector<16xf32>
    %select_n3A_37 = arith.select %eq3A_32, %broadcast_in_dim3A_35, %broadcast_in_dim3A_36 : vector<16xi1>, vector<16xf32>
    %eq3A_38 = arith.constant 12 : i32
    %eq3A_39 = vector.broadcast %eq3A_38 : i32 to vector<16xi32>
    %eq3A_40 = arith.cmpi eq, %iota3A, %eq3A_39 : vector<16xi32>
    %jit3A_41 = arith.constant 1.250000e-01 : f32
    %jit3A_42 = arith.constant 0.000000e+00 : f32
    %broadcast_in_dim3A_43 = vector.broadcast %jit3A_41 : f32 to vector<16xf32>
    %broadcast_in_dim3A_44 = vector.broadcast %jit3A_42 : f32 to vector<16xf32>
    %select_n3A_45 = arith.select %eq3A_40, %broadcast_in_dim3A_43, %broadcast_in_dim3A_44 : vector<16xi1>, vector<16xf32>
    %eq3A_46 = arith.constant 13 : i32
    %eq3A_47 = vector.broadcast %eq3A_46 : i32 to vector<16xi32>
    %eq3A_48 = arith.cmpi eq, %iota3A, %eq3A_47 : vector<16xi32>
    %jit3A_49 = arith.constant 1.250000e-01 : f32
    %jit3A_50 = arith.constant 0.000000e+00 : f32
    %broadcast_in_dim3A_51 = vector.broadcast %jit3A_49 : f32 to vector<16xf32>
    %broadcast_in_dim3A_52 = vector.broadcast %jit3A_50 : f32 to vector<16xf32>
    %select_n3A_53 = arith.select %eq3A_48, %broadcast_in_dim3A_51, %broadcast_in_dim3A_52 : vector<16xi1>, vector<16xf32>
    %eq3A_54 = arith.constant 14 : i32
    %eq3A_55 = vector.broadcast %eq3A_54 : i32 to vector<16xi32>
    %eq3A_56 = arith.cmpi eq, %iota3A, %eq3A_55 : vector<16xi32>
    %jit3A_57 = arith.constant 1.250000e-01 : f32
    %jit3A_58 = arith.constant 0.000000e+00 : f32
    %broadcast_in_dim3A_59 = vector.broadcast %jit3A_57 : f32 to vector<16xf32>
    %broadcast_in_dim3A_60 = vector.broadcast %jit3A_58 : f32 to vector<16xf32>
    %select_n3A_61 = arith.select %eq3A_56, %broadcast_in_dim3A_59, %broadcast_in_dim3A_60 : vector<16xi1>, vector<16xf32>
    %eq3A_62 = arith.constant 15 : i32
    %eq3A_63 = vector.broadcast %eq3A_62 : i32 to vector<16xi32>
    %eq3A_64 = arith.cmpi eq, %iota3A, %eq3A_63 : vector<16xi32>
    %jit3A_65 = arith.constant 1.250000e-01 : f32
    %jit3A_66 = arith.constant 0.000000e+00 : f32
    %broadcast_in_dim3A_67 = vector.broadcast %jit3A_65 : f32 to vector<16xf32>
    %broadcast_in_dim3A_68 = vector.broadcast %jit3A_66 : f32 to vector<16xf32>
    %select_n3A_69 = arith.select %eq3A_64, %broadcast_in_dim3A_67, %broadcast_in_dim3A_68 : vector<16xi1>, vector<16xf32>
    %while3A = arith.constant 0 : i32
    %while3A_70 = arith.constant 0 : i32
    %while3A_71 = arith.constant 8 : i32
    %while3A_72 = arith.subi %while3A_71, %while3A_70 : i32
    %while3A_73 = arith.addi %while3A_70, %while3A_72 : i32
    %while3A_74 = arith.constant 1 : i32
    %while3A_75 = arith.divsi %while3A_72, %while3A_74 : i32
    %while3A_76 = arith.muli %while3A_75, %while3A_74 : i32
    %while3A_77 = arith.addi %while3A_70, %while3A_76 : i32
    %while3A_78 = arith.constant 1 : i32
    scf.for %while3A_80 = %while3A_70 to %while3A_77 step %while3A_78  : i32 {
      %while3A_81 = arith.constant 0 : i32
      %while3A_82 = arith.constant 0 : i32
      %while3A_83 = arith.constant 4 : i32
      %while3A_84 = arith.subi %while3A_83, %while3A_82 : i32
      %while3A_85 = arith.addi %while3A_82, %while3A_84 : i32
      %while3A_86 = arith.constant 1 : i32
      %while3A_87 = arith.divsi %while3A_84, %while3A_86 : i32
      %while3A_88 = arith.muli %while3A_87, %while3A_86 : i32
      %while3A_89 = arith.addi %while3A_82, %while3A_88 : i32
      %while3A_90 = arith.constant 1 : i32
      scf.for %while3A_302 = %while3A_82 to %while3A_89 step %while3A_90  : i32 {
        %mul3A_303 = arith.constant 64 : i32
        %mul3A_304 = arith.muli %while3A_80, %mul3A_303 : i32
        %mul3A_305 = arith.constant 16 : i32
        %mul3A_306 = arith.muli %while3A_302, %mul3A_305 : i32
        %add3A_307 = arith.addi %mul3A_304, %mul3A_306 : i32
        %get3A = arith.index_cast %add3A_307 : i32 to index
        %get3A_308 = tpu.vector_load %arg8[%get3A] {strides = array<i32>} : memref<512xi32, #tpu.memory_space<vmem>>, vector<16xi32>,
        %get3A_309 = vector.shape_cast %get3A_308 : vector<16xi32> to vector<16xi32>
        %shift_right_logical3A = arith.constant 10 : i32
        %shift_right_logical3A_310 = vector.broadcast %shift_right_logical3A : i32 to vector<16xi32>
        %shift_right_logical3A_311 = arith.shrui %get3A_309, %shift_right_logical3A_310 : vector<16xi32>
        %and3A = arith.constant 1023 : i32
        %and3A_312 = vector.broadcast %and3A : i32 to vector<16xi32>
        %and3A_313 = arith.andi %get3A_309, %and3A_312 : vector<16xi32>
        %get3A_314 = arith.constant 0 : index
        %get3A_315 = tpu.vector_load %arg9[%get3A_314] {strides = array<i32>} : memref<144xi32, #tpu.memory_space<vmem>>, vector<16xi32>,
        %get3A_316 = vector.shape_cast %get3A_315 : vector<16xi32> to vector<16xi32>
        %get3A_317 = arith.constant 0 : index
        %get3A_318 = tpu.vector_load %arg10[%get3A_317] {strides = array<i32>} : memref<144xi32, #tpu.memory_space<vmem>>, vector<16xi32>,
        %get3A_319 = vector.shape_cast %get3A_318 : vector<16xi32> to vector<16xi32>
        %mul3A_320 = arith.muli %shift_right_logical3A_311, %get3A_316 : vector<16xi32>
        %shift_right_logical3A_321 = arith.constant 5 : i32
        %shift_right_logical3A_322 = vector.broadcast %shift_right_logical3A_321 : i32 to vector<16xi32>
        %shift_right_logical3A_323 = arith.shrui %mul3A_320, %shift_right_logical3A_322 : vector<16xi32>
        %and3A_324 = arith.constant 31 : i32
        %and3A_325 = vector.broadcast %and3A_324 : i32 to vector<16xi32>
        %and3A_326 = arith.andi %mul3A_320, %and3A_325 : vector<16xi32>
        %shift_left3A = arith.constant 26 : i32
        %shift_left3A_327 = vector.broadcast %shift_left3A : i32 to vector<16xi32>
        %shift_left3A_328 = arith.shli %and3A_326, %shift_left3A_327 : vector<16xi32>
        %add3A_329 = arith.addi %shift_right_logical3A_323, %shift_left3A_328 : vector<16xi32>
        %mul3A_330 = arith.muli %shift_right_logical3A_311, %get3A_319 : vector<16xi32>
        %shift_right_logical3A_331 = arith.constant 21 : i32
        %shift_right_logical3A_332 = vector.broadcast %shift_right_logical3A_331 : i32 to vector<16xi32>
        %shift_right_logical3A_333 = arith.shrui %mul3A_330, %shift_right_logical3A_332 : vector<16xi32>
        %and3A_334 = arith.constant 2097151 : i32
        %and3A_335 = vector.broadcast %and3A_334 : i32 to vector<16xi32>
        %and3A_336 = arith.andi %mul3A_330, %and3A_335 : vector<16xi32>
        %shift_left3A_337 = arith.constant 10 : i32
        %shift_left3A_338 = vector.broadcast %shift_left3A_337 : i32 to vector<16xi32>
        %shift_left3A_339 = arith.shli %and3A_336, %shift_left3A_338 : vector<16xi32>
        %add3A_340 = arith.addi %shift_right_logical3A_333, %shift_left3A_339 : vector<16xi32>
        %mul3A_341 = arith.muli %and3A_313, %get3A_316 : vector<16xi32>
        %shift_right_logical3A_342 = arith.constant 15 : i32
        %shift_right_logical3A_343 = vector.broadcast %shift_right_logical3A_342 : i32 to vector<16xi32>
        %shift_right_logical3A_344 = arith.shrui %mul3A_341, %shift_right_logical3A_343 : vector<16xi32>
        %and3A_345 = arith.constant 32767 : i32
        %and3A_346 = vector.broadcast %and3A_345 : i32 to vector<16xi32>
        %and3A_347 = arith.andi %mul3A_341, %and3A_346 : vector<16xi32>
        %shift_left3A_348 = arith.constant 16 : i32
        %shift_left3A_349 = vector.broadcast %shift_left3A_348 : i32 to vector<16xi32>
        %shift_left3A_350 = arith.shli %and3A_347, %shift_left3A_349 : vector<16xi32>
        %add3A_351 = arith.addi %shift_right_logical3A_344, %shift_left3A_350 : vector<16xi32>
        %mul3A_352 = arith.muli %and3A_313, %get3A_319 : vector<16xi32>
        %add3A_353 = arith.addi %add3A_329, %add3A_340 : vector<16xi32>
        %shift_right_logical3A_354 = arith.constant 31 : i32
        %shift_right_logical3A_355 = vector.broadcast %shift_right_logical3A_354 : i32 to vector<16xi32>
        %shift_right_logical3A_356 = arith.shrui %add3A_353, %shift_right_logical3A_355 : vector<16xi32>
        %and3A_357 = arith.constant 2147483647 : i32
        %and3A_358 = vector.broadcast %and3A_357 : i32 to vector<16xi32>
        %and3A_359 = arith.andi %add3A_353, %and3A_358 : vector<16xi32>
        %add3A_360 = arith.addi %shift_right_logical3A_356, %and3A_359 : vector<16xi32>
        %add3A_361 = arith.addi %add3A_360, %add3A_351 : vector<16xi32>
        %shift_right_logical3A_362 = arith.constant 31 : i32
        %shift_right_logical3A_363 = vector.broadcast %shift_right_logical3A_362 : i32 to vector<16xi32>
        %shift_right_logical3A_364 = arith.shrui %add3A_361, %shift_right_logical3A_363 : vector<16xi32>
        %and3A_365 = arith.constant 2147483647 : i32
        %and3A_366 = vector.broadcast %and3A_365 : i32 to vector<16xi32>
        %and3A_367 = arith.andi %add3A_361, %and3A_366 : vector<16xi32>
        %add3A_368 = arith.addi %shift_right_logical3A_364, %and3A_367 : vector<16xi32>
        %add3A_369 = arith.addi %add3A_368, %mul3A_352 : vector<16xi32>
        %shift_right_logical3A_370 = arith.constant 31 : i32
        %shift_right_logical3A_371 = vector.broadcast %shift_right_logical3A_370 : i32 to vector<16xi32>
        %shift_right_logical3A_372 = arith.shrui %add3A_369, %shift_right_logical3A_371 : vector<16xi32>
        %and3A_373 = arith.constant 2147483647 : i32
        %and3A_374 = vector.broadcast %and3A_373 : i32 to vector<16xi32>
        %and3A_375 = arith.andi %add3A_369, %and3A_374 : vector<16xi32>
        %add3A_376 = arith.addi %shift_right_logical3A_372, %and3A_375 : vector<16xi32>
        %ge3A = arith.constant 2147483647 : i32
        %ge3A_377 = vector.broadcast %ge3A : i32 to vector<16xi32>
        %ge3A_378 = arith.cmpi uge, %add3A_376, %ge3A_377 : vector<16xi32>
        %sub3A = arith.constant 2147483647 : i32
        %sub3A_379 = vector.broadcast %sub3A : i32 to vector<16xi32>
        %sub3A_380 = arith.subi %add3A_376, %sub3A_379 : vector<16xi32>
        %select_n3A_381 = arith.select %ge3A_378, %sub3A_380, %add3A_376 : vector<16xi1>, vector<16xi32>
        %jit3A_382 = arith.constant 71428 : i32
        %eq3A_383 = arith.constant 0 : i32
        %eq3A_384 = arith.cmpi eq, %jit3A_382, %eq3A_383 : i32
        %jit3A_385 = arith.constant 1 : i32
        %select_n3A_386 = arith.select %eq3A_384, %jit3A_385, %jit3A_382 : i32
        %rem3A = vector.broadcast %select_n3A_386 : i32 to vector<16xi32>
        %rem3A_387 = arith.remui %select_n3A_381, %rem3A : vector<16xi32>
        %ne3A = arith.constant 0 : i32
        %ne3A_388 = vector.broadcast %ne3A : i32 to vector<16xi32>
        %ne3A_389 = arith.cmpi ne, %rem3A_387, %ne3A_388 : vector<16xi32>
        %lt3A_390 = arith.constant 0 : i32
        %lt3A_391 = vector.broadcast %lt3A_390 : i32 to vector<16xi32>
        %lt3A_392 = arith.cmpi ult, %rem3A_387, %lt3A_391 : vector<16xi32>
        %lt3A_393 = arith.constant 0 : i32
        %lt3A_394 = arith.cmpi ult, %select_n3A_386, %lt3A_393 : i32
        %ne3A_395 = vector.broadcast %lt3A_394 : i1 to vector<16xi1>
        %ne3A_396 = vector.broadcast %ne3A_395 : vector<16xi1> to vector<16xi1>
        %ne3A_397 = arith.xori %lt3A_392, %ne3A_396 : vector<16xi1>
        %and3A_398 = arith.andi %ne3A_397, %ne3A_389 : vector<16xi1>
        %add3A_399 = vector.broadcast %select_n3A_386 : i32 to vector<16xi32>
        %add3A_400 = arith.addi %rem3A_387, %add3A_399 : vector<16xi32>
        %select_n3A_401 = arith.select %and3A_398, %add3A_400, %rem3A_387 : vector<16xi1>, vector<16xi32>
        %mul3A_402 = arith.constant 16 : i32
        %mul3A_403 = arith.muli %while3A_302, %mul3A_402 : i32
        %swap3A = arith.constant 0 : i32
        %swap3A_404 = arith.index_cast %swap3A : i32 to index
        %swap3A_405 = arith.index_cast %mul3A_403 : i32 to index
        %swap3A_406 = tpu.vector_load %arg11[%swap3A_404, %swap3A_405] {strides = array<i32>} : memref<8x64xi32, #tpu.memory_space<vmem>>, vector<1x16xi32>,
        %swap3A_407 = vector.shape_cast %swap3A_406 : vector<1x16xi32> to vector<16xi32>
        %swap3A_408 = vector.shape_cast %select_n3A_401 : vector<16xi32> to vector<1x16xi32>
        tpu.vector_store %arg11[%swap3A_404, %swap3A_405], %swap3A_408 {strides = array<i32>} : memref<8x64xi32, #tpu.memory_space<vmem>>, vector<1x16xi32>,
        %get3A_409 = arith.constant 16 : index
        %get3A_410 = tpu.vector_load %arg9[%get3A_409] {strides = array<i32>} : memref<144xi32, #tpu.memory_space<vmem>>, vector<16xi32>,
        %get3A_411 = vector.shape_cast %get3A_410 : vector<16xi32> to vector<16xi32>
        %get3A_412 = arith.constant 16 : index
        %get3A_413 = tpu.vector_load %arg10[%get3A_412] {strides = array<i32>} : memref<144xi32, #tpu.memory_space<vmem>>, vector<16xi32>,
        %get3A_414 = vector.shape_cast %get3A_413 : vector<16xi32> to vector<16xi32>
        %mul3A_415 = arith.muli %shift_right_logical3A_311, %get3A_411 : vector<16xi32>
        %shift_right_logical3A_416 = arith.constant 5 : i32
        %shift_right_logical3A_417 = vector.broadcast %shift_right_logical3A_416 : i32 to vector<16xi32>
        %shift_right_logical3A_418 = arith.shrui %mul3A_415, %shift_right_logical3A_417 : vector<16xi32>
        %and3A_419 = arith.constant 31 : i32
        %and3A_420 = vector.broadcast %and3A_419 : i32 to vector<16xi32>
        %and3A_421 = arith.andi %mul3A_415, %and3A_420 : vector<16xi32>
        %shift_left3A_422 = arith.constant 26 : i32
        %shift_left3A_423 = vector.broadcast %shift_left3A_422 : i32 to vector<16xi32>
        %shift_left3A_424 = arith.shli %and3A_421, %shift_left3A_423 : vector<16xi32>
        %add3A_425 = arith.addi %shift_right_logical3A_418, %shift_left3A_424 : vector<16xi32>
        %mul3A_426 = arith.muli %shift_right_logical3A_311, %get3A_414 : vector<16xi32>
        %shift_right_logical3A_427 = arith.constant 21 : i32
        %shift_right_logical3A_428 = vector.broadcast %shift_right_logical3A_427 : i32 to vector<16xi32>
        %shift_right_logical3A_429 = arith.shrui %mul3A_426, %shift_right_logical3A_428 : vector<16xi32>
        %and3A_430 = arith.constant 2097151 : i32
        %and3A_431 = vector.broadcast %and3A_430 : i32 to vector<16xi32>
        %and3A_432 = arith.andi %mul3A_426, %and3A_431 : vector<16xi32>
        %shift_left3A_433 = arith.constant 10 : i32
        %shift_left3A_434 = vector.broadcast %shift_left3A_433 : i32 to vector<16xi32>
        %shift_left3A_435 = arith.shli %and3A_432, %shift_left3A_434 : vector<16xi32>
        %add3A_436 = arith.addi %shift_right_logical3A_429, %shift_left3A_435 : vector<16xi32>
        %mul3A_437 = arith.muli %and3A_313, %get3A_411 : vector<16xi32>
        %shift_right_logical3A_438 = arith.constant 15 : i32
        %shift_right_logical3A_439 = vector.broadcast %shift_right_logical3A_438 : i32 to vector<16xi32>
        %shift_right_logical3A_440 = arith.shrui %mul3A_437, %shift_right_logical3A_439 : vector<16xi32>
        %and3A_441 = arith.constant 32767 : i32
        %and3A_442 = vector.broadcast %and3A_441 : i32 to vector<16xi32>
        %and3A_443 = arith.andi %mul3A_437, %and3A_442 : vector<16xi32>
        %shift_left3A_444 = arith.constant 16 : i32
        %shift_left3A_445 = vector.broadcast %shift_left3A_444 : i32 to vector<16xi32>
        %shift_left3A_446 = arith.shli %and3A_443, %shift_left3A_445 : vector<16xi32>
        %add3A_447 = arith.addi %shift_right_logical3A_440, %shift_left3A_446 : vector<16xi32>
        %mul3A_448 = arith.muli %and3A_313, %get3A_414 : vector<16xi32>
        %add3A_449 = arith.addi %add3A_425, %add3A_436 : vector<16xi32>
        %shift_right_logical3A_450 = arith.constant 31 : i32
        %shift_right_logical3A_451 = vector.broadcast %shift_right_logical3A_450 : i32 to vector<16xi32>
        %shift_right_logical3A_452 = arith.shrui %add3A_449, %shift_right_logical3A_451 : vector<16xi32>
        %and3A_453 = arith.constant 2147483647 : i32
        %and3A_454 = vector.broadcast %and3A_453 : i32 to vector<16xi32>
        %and3A_455 = arith.andi %add3A_449, %and3A_454 : vector<16xi32>
        %add3A_456 = arith.addi %shift_right_logical3A_452, %and3A_455 : vector<16xi32>
        %add3A_457 = arith.addi %add3A_456, %add3A_447 : vector<16xi32>
        %shift_right_logical3A_458 = arith.constant 31 : i32
        %shift_right_logical3A_459 = vector.broadcast %shift_right_logical3A_458 : i32 to vector<16xi32>
        %shift_right_logical3A_460 = arith.shrui %add3A_457, %shift_right_logical3A_459 : vector<16xi32>
        %and3A_461 = arith.constant 2147483647 : i32
        %and3A_462 = vector.broadcast %and3A_461 : i32 to vector<16xi32>
        %and3A_463 = arith.andi %add3A_457, %and3A_462 : vector<16xi32>
        %add3A_464 = arith.addi %shift_right_logical3A_460, %and3A_463 : vector<16xi32>
        %add3A_465 = arith.addi %add3A_464, %mul3A_448 : vector<16xi32>
        %shift_right_logical3A_466 = arith.constant 31 : i32
        %shift_right_logical3A_467 = vector.broadcast %shift_right_logical3A_466 : i32 to vector<16xi32>
        %shift_right_logical3A_468 = arith.shrui %add3A_465, %shift_right_logical3A_467 : vector<16xi32>
        %and3A_469 = arith.constant 2147483647 : i32
        %and3A_470 = vector.broadcast %and3A_469 : i32 to vector<16xi32>
        %and3A_471 = arith.andi %add3A_465, %and3A_470 : vector<16xi32>
        %add3A_472 = arith.addi %shift_right_logical3A_468, %and3A_471 : vector<16xi32>
        %ge3A_473 = arith.constant 2147483647 : i32
        %ge3A_474 = vector.broadcast %ge3A_473 : i32 to vector<16xi32>
        %ge3A_475 = arith.cmpi uge, %add3A_472, %ge3A_474 : vector<16xi32>
        %sub3A_476 = arith.constant 2147483647 : i32
        %sub3A_477 = vector.broadcast %sub3A_476 : i32 to vector<16xi32>
        %sub3A_478 = arith.subi %add3A_472, %sub3A_477 : vector<16xi32>
        %select_n3A_479 = arith.select %ge3A_475, %sub3A_478, %add3A_472 : vector<16xi1>, vector<16xi32>
        %jit3A_480 = arith.constant 71428 : i32
        %eq3A_481 = arith.constant 0 : i32
        %eq3A_482 = arith.cmpi eq, %jit3A_480, %eq3A_481 : i32
        %jit3A_483 = arith.constant 1 : i32
        %select_n3A_484 = arith.select %eq3A_482, %jit3A_483, %jit3A_480 : i32
        %rem3A_485 = vector.broadcast %select_n3A_484 : i32 to vector<16xi32>
        %rem3A_486 = arith.remui %select_n3A_479, %rem3A_485 : vector<16xi32>
        %ne3A_487 = arith.constant 0 : i32
        %ne3A_488 = vector.broadcast %ne3A_487 : i32 to vector<16xi32>
        %ne3A_489 = arith.cmpi ne, %rem3A_486, %ne3A_488 : vector<16xi32>
        %lt3A_490 = arith.constant 0 : i32
        %lt3A_491 = vector.broadcast %lt3A_490 : i32 to vector<16xi32>
        %lt3A_492 = arith.cmpi ult, %rem3A_486, %lt3A_491 : vector<16xi32>
        %lt3A_493 = arith.constant 0 : i32
        %lt3A_494 = arith.cmpi ult, %select_n3A_484, %lt3A_493 : i32
        %ne3A_495 = vector.broadcast %lt3A_494 : i1 to vector<16xi1>
        %ne3A_496 = vector.broadcast %ne3A_495 : vector<16xi1> to vector<16xi1>
        %ne3A_497 = arith.xori %lt3A_492, %ne3A_496 : vector<16xi1>
        %and3A_498 = arith.andi %ne3A_497, %ne3A_489 : vector<16xi1>
        %add3A_499 = vector.broadcast %select_n3A_484 : i32 to vector<16xi32>
        %add3A_500 = arith.addi %rem3A_486, %add3A_499 : vector<16xi32>
        %select_n3A_501 = arith.select %and3A_498, %add3A_500, %rem3A_486 : vector<16xi1>, vector<16xi32>
        %mul3A_502 = arith.constant 16 : i32
        %mul3A_503 = arith.muli %while3A_302, %mul3A_502 : i32
        %swap3A_504 = arith.constant 1 : i32
        %swap3A_505 = arith.index_cast %swap3A_504 : i32 to index
        %swap3A_506 = arith.index_cast %mul3A_503 : i32 to index
        %swap3A_507 = tpu.vector_load %arg11[%swap3A_505, %swap3A_506] {strides = array<i32>} : memref<8x64xi32, #tpu.memory_space<vmem>>, vector<1x16xi32>,
        %swap3A_508 = vector.shape_cast %swap3A_507 : vector<1x16xi32> to vector<16xi32>
        %swap3A_509 = vector.shape_cast %select_n3A_501 : vector<16xi32> to vector<1x16xi32>
        tpu.vector_store %arg11[%swap3A_505, %swap3A_506], %swap3A_509 {strides = array<i32>} : memref<8x64xi32, #tpu.memory_space<vmem>>, vector<1x16xi32>,
        %get3A_510 = arith.constant 32 : index
        %get3A_511 = tpu.vector_load %arg9[%get3A_510] {strides = array<i32>} : memref<144xi32, #tpu.memory_space<vmem>>, vector<16xi32>,
        %get3A_512 = vector.shape_cast %get3A_511 : vector<16xi32> to vector<16xi32>
        %get3A_513 = arith.constant 32 : index
        %get3A_514 = tpu.vector_load %arg10[%get3A_513] {strides = array<i32>} : memref<144xi32, #tpu.memory_space<vmem>>, vector<16xi32>,
        %get3A_515 = vector.shape_cast %get3A_514 : vector<16xi32> to vector<16xi32>
        %mul3A_516 = arith.muli %shift_right_logical3A_311, %get3A_512 : vector<16xi32>
        %shift_right_logical3A_517 = arith.constant 5 : i32
        %shift_right_logical3A_518 = vector.broadcast %shift_right_logical3A_517 : i32 to vector<16xi32>
        %shift_right_logical3A_519 = arith.shrui %mul3A_516, %shift_right_logical3A_518 : vector<16xi32>
        %and3A_520 = arith.constant 31 : i32
        %and3A_521 = vector.broadcast %and3A_520 : i32 to vector<16xi32>
        %and3A_522 = arith.andi %mul3A_516, %and3A_521 : vector<16xi32>
        %shift_left3A_523 = arith.constant 26 : i32
        %shift_left3A_524 = vector.broadcast %shift_left3A_523 : i32 to vector<16xi32>
        %shift_left3A_525 = arith.shli %and3A_522, %shift_left3A_524 : vector<16xi32>
        %add3A_526 = arith.addi %shift_right_logical3A_519, %shift_left3A_525 : vector<16xi32>
        %mul3A_527 = arith.muli %shift_right_logical3A_311, %get3A_515 : vector<16xi32>
        %shift_right_logical3A_528 = arith.constant 21 : i32
        %shift_right_logical3A_529 = vector.broadcast %shift_right_logical3A_528 : i32 to vector<16xi32>
        %shift_right_logical3A_530 = arith.shrui %mul3A_527, %shift_right_logical3A_529 : vector<16xi32>
        %and3A_531 = arith.constant 2097151 : i32
        %and3A_532 = vector.broadcast %and3A_531 : i32 to vector<16xi32>
        %and3A_533 = arith.andi %mul3A_527, %and3A_532 : vector<16xi32>
        %shift_left3A_534 = arith.constant 10 : i32
        %shift_left3A_535 = vector.broadcast %shift_left3A_534 : i32 to vector<16xi32>
        %shift_left3A_536 = arith.shli %and3A_533, %shift_left3A_535 : vector<16xi32>
        %add3A_537 = arith.addi %shift_right_logical3A_530, %shift_left3A_536 : vector<16xi32>
        %mul3A_538 = arith.muli %and3A_313, %get3A_512 : vector<16xi32>
        %shift_right_logical3A_539 = arith.constant 15 : i32
        %shift_right_logical3A_540 = vector.broadcast %shift_right_logical3A_539 : i32 to vector<16xi32>
        %shift_right_logical3A_541 = arith.shrui %mul3A_538, %shift_right_logical3A_540 : vector<16xi32>
        %and3A_542 = arith.constant 32767 : i32
        %and3A_543 = vector.broadcast %and3A_542 : i32 to vector<16xi32>
        %and3A_544 = arith.andi %mul3A_538, %and3A_543 : vector<16xi32>
        %shift_left3A_545 = arith.constant 16 : i32
        %shift_left3A_546 = vector.broadcast %shift_left3A_545 : i32 to vector<16xi32>
        %shift_left3A_547 = arith.shli %and3A_544, %shift_left3A_546 : vector<16xi32>
        %add3A_548 = arith.addi %shift_right_logical3A_541, %shift_left3A_547 : vector<16xi32>
        %mul3A_549 = arith.muli %and3A_313, %get3A_515 : vector<16xi32>
        %add3A_550 = arith.addi %add3A_526, %add3A_537 : vector<16xi32>
        %shift_right_logical3A_551 = arith.constant 31 : i32
        %shift_right_logical3A_552 = vector.broadcast %shift_right_logical3A_551 : i32 to vector<16xi32>
        %shift_right_logical3A_553 = arith.shrui %add3A_550, %shift_right_logical3A_552 : vector<16xi32>
        %and3A_554 = arith.constant 2147483647 : i32
        %and3A_555 = vector.broadcast %and3A_554 : i32 to vector<16xi32>
        %and3A_556 = arith.andi %add3A_550, %and3A_555 : vector<16xi32>
        %add3A_557 = arith.addi %shift_right_logical3A_553, %and3A_556 : vector<16xi32>
        %add3A_558 = arith.addi %add3A_557, %add3A_548 : vector<16xi32>
        %shift_right_logical3A_559 = arith.constant 31 : i32
        %shift_right_logical3A_560 = vector.broadcast %shift_right_logical3A_559 : i32 to vector<16xi32>
        %shift_right_logical3A_561 = arith.shrui %add3A_558, %shift_right_logical3A_560 : vector<16xi32>
        %and3A_562 = arith.constant 2147483647 : i32
        %and3A_563 = vector.broadcast %and3A_562 : i32 to vector<16xi32>
        %and3A_564 = arith.andi %add3A_558, %and3A_563 : vector<16xi32>
        %add3A_565 = arith.addi %shift_right_logical3A_561, %and3A_564 : vector<16xi32>
        %add3A_566 = arith.addi %add3A_565, %mul3A_549 : vector<16xi32>
        %shift_right_logical3A_567 = arith.constant 31 : i32
        %shift_right_logical3A_568 = vector.broadcast %shift_right_logical3A_567 : i32 to vector<16xi32>
        %shift_right_logical3A_569 = arith.shrui %add3A_566, %shift_right_logical3A_568 : vector<16xi32>
        %and3A_570 = arith.constant 2147483647 : i32
        %and3A_571 = vector.broadcast %and3A_570 : i32 to vector<16xi32>
        %and3A_572 = arith.andi %add3A_566, %and3A_571 : vector<16xi32>
        %add3A_573 = arith.addi %shift_right_logical3A_569, %and3A_572 : vector<16xi32>
        %ge3A_574 = arith.constant 2147483647 : i32
        %ge3A_575 = vector.broadcast %ge3A_574 : i32 to vector<16xi32>
        %ge3A_576 = arith.cmpi uge, %add3A_573, %ge3A_575 : vector<16xi32>
        %sub3A_577 = arith.constant 2147483647 : i32
        %sub3A_578 = vector.broadcast %sub3A_577 : i32 to vector<16xi32>
        %sub3A_579 = arith.subi %add3A_573, %sub3A_578 : vector<16xi32>
        %select_n3A_580 = arith.select %ge3A_576, %sub3A_579, %add3A_573 : vector<16xi1>, vector<16xi32>
        %jit3A_581 = arith.constant 71428 : i32
        %eq3A_582 = arith.constant 0 : i32
        %eq3A_583 = arith.cmpi eq, %jit3A_581, %eq3A_582 : i32
        %jit3A_584 = arith.constant 1 : i32
        %select_n3A_585 = arith.select %eq3A_583, %jit3A_584, %jit3A_581 : i32
        %rem3A_586 = vector.broadcast %select_n3A_585 : i32 to vector<16xi32>
        %rem3A_587 = arith.remui %select_n3A_580, %rem3A_586 : vector<16xi32>
        %ne3A_588 = arith.constant 0 : i32
        %ne3A_589 = vector.broadcast %ne3A_588 : i32 to vector<16xi32>
        %ne3A_590 = arith.cmpi ne, %rem3A_587, %ne3A_589 : vector<16xi32>
        %lt3A_591 = arith.constant 0 : i32
        %lt3A_592 = vector.broadcast %lt3A_591 : i32 to vector<16xi32>
        %lt3A_593 = arith.cmpi ult, %rem3A_587, %lt3A_592 : vector<16xi32>
        %lt3A_594 = arith.constant 0 : i32
        %lt3A_595 = arith.cmpi ult, %select_n3A_585, %lt3A_594 : i32
        %ne3A_596 = vector.broadcast %lt3A_595 : i1 to vector<16xi1>
        %ne3A_597 = vector.broadcast %ne3A_596 : vector<16xi1> to vector<16xi1>
        %ne3A_598 = arith.xori %lt3A_593, %ne3A_597 : vector<16xi1>
        %and3A_599 = arith.andi %ne3A_598, %ne3A_590 : vector<16xi1>
        %add3A_600 = vector.broadcast %select_n3A_585 : i32 to vector<16xi32>
        %add3A_601 = arith.addi %rem3A_587, %add3A_600 : vector<16xi32>
        %select_n3A_602 = arith.select %and3A_599, %add3A_601, %rem3A_587 : vector<16xi1>, vector<16xi32>
        %mul3A_603 = arith.constant 16 : i32
        %mul3A_604 = arith.muli %while3A_302, %mul3A_603 : i32
        %swap3A_605 = arith.constant 2 : i32
        %swap3A_606 = arith.index_cast %swap3A_605 : i32 to index
        %swap3A_607 = arith.index_cast %mul3A_604 : i32 to index
        %swap3A_608 = tpu.vector_load %arg11[%swap3A_606, %swap3A_607] {strides = array<i32>} : memref<8x64xi32, #tpu.memory_space<vmem>>, vector<1x16xi32>,
        %swap3A_609 = vector.shape_cast %swap3A_608 : vector<1x16xi32> to vector<16xi32>
        %swap3A_610 = vector.shape_cast %select_n3A_602 : vector<16xi32> to vector<1x16xi32>
        tpu.vector_store %arg11[%swap3A_606, %swap3A_607], %swap3A_610 {strides = array<i32>} : memref<8x64xi32, #tpu.memory_space<vmem>>, vector<1x16xi32>,
        %get3A_611 = arith.constant 48 : index
        %get3A_612 = tpu.vector_load %arg9[%get3A_611] {strides = array<i32>} : memref<144xi32, #tpu.memory_space<vmem>>, vector<16xi32>,
        %get3A_613 = vector.shape_cast %get3A_612 : vector<16xi32> to vector<16xi32>
        %get3A_614 = arith.constant 48 : index
        %get3A_615 = tpu.vector_load %arg10[%get3A_614] {strides = array<i32>} : memref<144xi32, #tpu.memory_space<vmem>>, vector<16xi32>,
        %get3A_616 = vector.shape_cast %get3A_615 : vector<16xi32> to vector<16xi32>
        %mul3A_617 = arith.muli %shift_right_logical3A_311, %get3A_613 : vector<16xi32>
        %shift_right_logical3A_618 = arith.constant 5 : i32
        %shift_right_logical3A_619 = vector.broadcast %shift_right_logical3A_618 : i32 to vector<16xi32>
        %shift_right_logical3A_620 = arith.shrui %mul3A_617, %shift_right_logical3A_619 : vector<16xi32>
        %and3A_621 = arith.constant 31 : i32
        %and3A_622 = vector.broadcast %and3A_621 : i32 to vector<16xi32>
        %and3A_623 = arith.andi %mul3A_617, %and3A_622 : vector<16xi32>
        %shift_left3A_624 = arith.constant 26 : i32
        %shift_left3A_625 = vector.broadcast %shift_left3A_624 : i32 to vector<16xi32>
        %shift_left3A_626 = arith.shli %and3A_623, %shift_left3A_625 : vector<16xi32>
        %add3A_627 = arith.addi %shift_right_logical3A_620, %shift_left3A_626 : vector<16xi32>
        %mul3A_628 = arith.muli %shift_right_logical3A_311, %get3A_616 : vector<16xi32>
        %shift_right_logical3A_629 = arith.constant 21 : i32
        %shift_right_logical3A_630 = vector.broadcast %shift_right_logical3A_629 : i32 to vector<16xi32>
        %shift_right_logical3A_631 = arith.shrui %mul3A_628, %shift_right_logical3A_630 : vector<16xi32>
        %and3A_632 = arith.constant 2097151 : i32
        %and3A_633 = vector.broadcast %and3A_632 : i32 to vector<16xi32>
        %and3A_634 = arith.andi %mul3A_628, %and3A_633 : vector<16xi32>
        %shift_left3A_635 = arith.constant 10 : i32
        %shift_left3A_636 = vector.broadcast %shift_left3A_635 : i32 to vector<16xi32>
        %shift_left3A_637 = arith.shli %and3A_634, %shift_left3A_636 : vector<16xi32>
        %add3A_638 = arith.addi %shift_right_logical3A_631, %shift_left3A_637 : vector<16xi32>
        %mul3A_639 = arith.muli %and3A_313, %get3A_613 : vector<16xi32>
        %shift_right_logical3A_640 = arith.constant 15 : i32
        %shift_right_logical3A_641 = vector.broadcast %shift_right_logical3A_640 : i32 to vector<16xi32>
        %shift_right_logical3A_642 = arith.shrui %mul3A_639, %shift_right_logical3A_641 : vector<16xi32>
        %and3A_643 = arith.constant 32767 : i32
        %and3A_644 = vector.broadcast %and3A_643 : i32 to vector<16xi32>
        %and3A_645 = arith.andi %mul3A_639, %and3A_644 : vector<16xi32>
        %shift_left3A_646 = arith.constant 16 : i32
        %shift_left3A_647 = vector.broadcast %shift_left3A_646 : i32 to vector<16xi32>
        %shift_left3A_648 = arith.shli %and3A_645, %shift_left3A_647 : vector<16xi32>
        %add3A_649 = arith.addi %shift_right_logical3A_642, %shift_left3A_648 : vector<16xi32>
        %mul3A_650 = arith.muli %and3A_313, %get3A_616 : vector<16xi32>
        %add3A_651 = arith.addi %add3A_627, %add3A_638 : vector<16xi32>
        %shift_right_logical3A_652 = arith.constant 31 : i32
        %shift_right_logical3A_653 = vector.broadcast %shift_right_logical3A_652 : i32 to vector<16xi32>
        %shift_right_logical3A_654 = arith.shrui %add3A_651, %shift_right_logical3A_653 : vector<16xi32>
        %and3A_655 = arith.constant 2147483647 : i32
        %and3A_656 = vector.broadcast %and3A_655 : i32 to vector<16xi32>
        %and3A_657 = arith.andi %add3A_651, %and3A_656 : vector<16xi32>
        %add3A_658 = arith.addi %shift_right_logical3A_654, %and3A_657 : vector<16xi32>
        %add3A_659 = arith.addi %add3A_658, %add3A_649 : vector<16xi32>
        %shift_right_logical3A_660 = arith.constant 31 : i32
        %shift_right_logical3A_661 = vector.broadcast %shift_right_logical3A_660 : i32 to vector<16xi32>
        %shift_right_logical3A_662 = arith.shrui %add3A_659, %shift_right_logical3A_661 : vector<16xi32>
        %and3A_663 = arith.constant 2147483647 : i32
        %and3A_664 = vector.broadcast %and3A_663 : i32 to vector<16xi32>
        %and3A_665 = arith.andi %add3A_659, %and3A_664 : vector<16xi32>
        %add3A_666 = arith.addi %shift_right_logical3A_662, %and3A_665 : vector<16xi32>
        %add3A_667 = arith.addi %add3A_666, %mul3A_650 : vector<16xi32>
        %shift_right_logical3A_668 = arith.constant 31 : i32
        %shift_right_logical3A_669 = vector.broadcast %shift_right_logical3A_668 : i32 to vector<16xi32>
        %shift_right_logical3A_670 = arith.shrui %add3A_667, %shift_right_logical3A_669 : vector<16xi32>
        %and3A_671 = arith.constant 2147483647 : i32
        %and3A_672 = vector.broadcast %and3A_671 : i32 to vector<16xi32>
        %and3A_673 = arith.andi %add3A_667, %and3A_672 : vector<16xi32>
        %add3A_674 = arith.addi %shift_right_logical3A_670, %and3A_673 : vector<16xi32>
        %ge3A_675 = arith.constant 2147483647 : i32
        %ge3A_676 = vector.broadcast %ge3A_675 : i32 to vector<16xi32>
        %ge3A_677 = arith.cmpi uge, %add3A_674, %ge3A_676 : vector<16xi32>
        %sub3A_678 = arith.constant 2147483647 : i32
        %sub3A_679 = vector.broadcast %sub3A_678 : i32 to vector<16xi32>
        %sub3A_680 = arith.subi %add3A_674, %sub3A_679 : vector<16xi32>
        %select_n3A_681 = arith.select %ge3A_677, %sub3A_680, %add3A_674 : vector<16xi1>, vector<16xi32>
        %jit3A_682 = arith.constant 71428 : i32
        %eq3A_683 = arith.constant 0 : i32
        %eq3A_684 = arith.cmpi eq, %jit3A_682, %eq3A_683 : i32
        %jit3A_685 = arith.constant 1 : i32
        %select_n3A_686 = arith.select %eq3A_684, %jit3A_685, %jit3A_682 : i32
        %rem3A_687 = vector.broadcast %select_n3A_686 : i32 to vector<16xi32>
        %rem3A_688 = arith.remui %select_n3A_681, %rem3A_687 : vector<16xi32>
        %ne3A_689 = arith.constant 0 : i32
        %ne3A_690 = vector.broadcast %ne3A_689 : i32 to vector<16xi32>
        %ne3A_691 = arith.cmpi ne, %rem3A_688, %ne3A_690 : vector<16xi32>
        %lt3A_692 = arith.constant 0 : i32
        %lt3A_693 = vector.broadcast %lt3A_692 : i32 to vector<16xi32>
        %lt3A_694 = arith.cmpi ult, %rem3A_688, %lt3A_693 : vector<16xi32>
        %lt3A_695 = arith.constant 0 : i32
        %lt3A_696 = arith.cmpi ult, %select_n3A_686, %lt3A_695 : i32
        %ne3A_697 = vector.broadcast %lt3A_696 : i1 to vector<16xi1>
        %ne3A_698 = vector.broadcast %ne3A_697 : vector<16xi1> to vector<16xi1>
        %ne3A_699 = arith.xori %lt3A_694, %ne3A_698 : vector<16xi1>
        %and3A_700 = arith.andi %ne3A_699, %ne3A_691 : vector<16xi1>
        %add3A_701 = vector.broadcast %select_n3A_686 : i32 to vector<16xi32>
        %add3A_702 = arith.addi %rem3A_688, %add3A_701 : vector<16xi32>
        %select_n3A_703 = arith.select %and3A_700, %add3A_702, %rem3A_688 : vector<16xi1>, vector<16xi32>
        %mul3A_704 = arith.constant 16 : i32
        %mul3A_705 = arith.muli %while3A_302, %mul3A_704 : i32
        %swap3A_706 = arith.constant 3 : i32
        %swap3A_707 = arith.index_cast %swap3A_706 : i32 to index
        %swap3A_708 = arith.index_cast %mul3A_705 : i32 to index
        %swap3A_709 = tpu.vector_load %arg11[%swap3A_707, %swap3A_708] {strides = array<i32>} : memref<8x64xi32, #tpu.memory_space<vmem>>, vector<1x16xi32>,
        %swap3A_710 = vector.shape_cast %swap3A_709 : vector<1x16xi32> to vector<16xi32>
        %swap3A_711 = vector.shape_cast %select_n3A_703 : vector<16xi32> to vector<1x16xi32>
        tpu.vector_store %arg11[%swap3A_707, %swap3A_708], %swap3A_711 {strides = array<i32>} : memref<8x64xi32, #tpu.memory_space<vmem>>, vector<1x16xi32>,
        %get3A_712 = arith.constant 64 : index
        %get3A_713 = tpu.vector_load %arg9[%get3A_712] {strides = array<i32>} : memref<144xi32, #tpu.memory_space<vmem>>, vector<16xi32>,
        %get3A_714 = vector.shape_cast %get3A_713 : vector<16xi32> to vector<16xi32>
        %get3A_715 = arith.constant 64 : index
        %get3A_716 = tpu.vector_load %arg10[%get3A_715] {strides = array<i32>} : memref<144xi32, #tpu.memory_space<vmem>>, vector<16xi32>,
        %get3A_717 = vector.shape_cast %get3A_716 : vector<16xi32> to vector<16xi32>
        %mul3A_718 = arith.muli %shift_right_logical3A_311, %get3A_714 : vector<16xi32>
        %shift_right_logical3A_719 = arith.constant 5 : i32
        %shift_right_logical3A_720 = vector.broadcast %shift_right_logical3A_719 : i32 to vector<16xi32>
        %shift_right_logical3A_721 = arith.shrui %mul3A_718, %shift_right_logical3A_720 : vector<16xi32>
        %and3A_722 = arith.constant 31 : i32
        %and3A_723 = vector.broadcast %and3A_722 : i32 to vector<16xi32>
        %and3A_724 = arith.andi %mul3A_718, %and3A_723 : vector<16xi32>
        %shift_left3A_725 = arith.constant 26 : i32
        %shift_left3A_726 = vector.broadcast %shift_left3A_725 : i32 to vector<16xi32>
        %shift_left3A_727 = arith.shli %and3A_724, %shift_left3A_726 : vector<16xi32>
        %add3A_728 = arith.addi %shift_right_logical3A_721, %shift_left3A_727 : vector<16xi32>
        %mul3A_729 = arith.muli %shift_right_logical3A_311, %get3A_717 : vector<16xi32>
        %shift_right_logical3A_730 = arith.constant 21 : i32
        %shift_right_logical3A_731 = vector.broadcast %shift_right_logical3A_730 : i32 to vector<16xi32>
        %shift_right_logical3A_732 = arith.shrui %mul3A_729, %shift_right_logical3A_731 : vector<16xi32>
        %and3A_733 = arith.constant 2097151 : i32
        %and3A_734 = vector.broadcast %and3A_733 : i32 to vector<16xi32>
        %and3A_735 = arith.andi %mul3A_729, %and3A_734 : vector<16xi32>
        %shift_left3A_736 = arith.constant 10 : i32
        %shift_left3A_737 = vector.broadcast %shift_left3A_736 : i32 to vector<16xi32>
        %shift_left3A_738 = arith.shli %and3A_735, %shift_left3A_737 : vector<16xi32>
        %add3A_739 = arith.addi %shift_right_logical3A_732, %shift_left3A_738 : vector<16xi32>
        %mul3A_740 = arith.muli %and3A_313, %get3A_714 : vector<16xi32>
        %shift_right_logical3A_741 = arith.constant 15 : i32
        %shift_right_logical3A_742 = vector.broadcast %shift_right_logical3A_741 : i32 to vector<16xi32>
        %shift_right_logical3A_743 = arith.shrui %mul3A_740, %shift_right_logical3A_742 : vector<16xi32>
        %and3A_744 = arith.constant 32767 : i32
        %and3A_745 = vector.broadcast %and3A_744 : i32 to vector<16xi32>
        %and3A_746 = arith.andi %mul3A_740, %and3A_745 : vector<16xi32>
        %shift_left3A_747 = arith.constant 16 : i32
        %shift_left3A_748 = vector.broadcast %shift_left3A_747 : i32 to vector<16xi32>
        %shift_left3A_749 = arith.shli %and3A_746, %shift_left3A_748 : vector<16xi32>
        %add3A_750 = arith.addi %shift_right_logical3A_743, %shift_left3A_749 : vector<16xi32>
        %mul3A_751 = arith.muli %and3A_313, %get3A_717 : vector<16xi32>
        %add3A_752 = arith.addi %add3A_728, %add3A_739 : vector<16xi32>
        %shift_right_logical3A_753 = arith.constant 31 : i32
        %shift_right_logical3A_754 = vector.broadcast %shift_right_logical3A_753 : i32 to vector<16xi32>
        %shift_right_logical3A_755 = arith.shrui %add3A_752, %shift_right_logical3A_754 : vector<16xi32>
        %and3A_756 = arith.constant 2147483647 : i32
        %and3A_757 = vector.broadcast %and3A_756 : i32 to vector<16xi32>
        %and3A_758 = arith.andi %add3A_752, %and3A_757 : vector<16xi32>
        %add3A_759 = arith.addi %shift_right_logical3A_755, %and3A_758 : vector<16xi32>
        %add3A_760 = arith.addi %add3A_759, %add3A_750 : vector<16xi32>
        %shift_right_logical3A_761 = arith.constant 31 : i32
        %shift_right_logical3A_762 = vector.broadcast %shift_right_logical3A_761 : i32 to vector<16xi32>
        %shift_right_logical3A_763 = arith.shrui %add3A_760, %shift_right_logical3A_762 : vector<16xi32>
        %and3A_764 = arith.constant 2147483647 : i32
        %and3A_765 = vector.broadcast %and3A_764 : i32 to vector<16xi32>
        %and3A_766 = arith.andi %add3A_760, %and3A_765 : vector<16xi32>
        %add3A_767 = arith.addi %shift_right_logical3A_763, %and3A_766 : vector<16xi32>
        %add3A_768 = arith.addi %add3A_767, %mul3A_751 : vector<16xi32>
        %shift_right_logical3A_769 = arith.constant 31 : i32
        %shift_right_logical3A_770 = vector.broadcast %shift_right_logical3A_769 : i32 to vector<16xi32>
        %shift_right_logical3A_771 = arith.shrui %add3A_768, %shift_right_logical3A_770 : vector<16xi32>
        %and3A_772 = arith.constant 2147483647 : i32
        %and3A_773 = vector.broadcast %and3A_772 : i32 to vector<16xi32>
        %and3A_774 = arith.andi %add3A_768, %and3A_773 : vector<16xi32>
        %add3A_775 = arith.addi %shift_right_logical3A_771, %and3A_774 : vector<16xi32>
        %ge3A_776 = arith.constant 2147483647 : i32
        %ge3A_777 = vector.broadcast %ge3A_776 : i32 to vector<16xi32>
        %ge3A_778 = arith.cmpi uge, %add3A_775, %ge3A_777 : vector<16xi32>
        %sub3A_779 = arith.constant 2147483647 : i32
        %sub3A_780 = vector.broadcast %sub3A_779 : i32 to vector<16xi32>
        %sub3A_781 = arith.subi %add3A_775, %sub3A_780 : vector<16xi32>
        %select_n3A_782 = arith.select %ge3A_778, %sub3A_781, %add3A_775 : vector<16xi1>, vector<16xi32>
        %jit3A_783 = arith.constant 71428 : i32
        %eq3A_784 = arith.constant 0 : i32
        %eq3A_785 = arith.cmpi eq, %jit3A_783, %eq3A_784 : i32
        %jit3A_786 = arith.constant 1 : i32
        %select_n3A_787 = arith.select %eq3A_785, %jit3A_786, %jit3A_783 : i32
        %rem3A_788 = vector.broadcast %select_n3A_787 : i32 to vector<16xi32>
        %rem3A_789 = arith.remui %select_n3A_782, %rem3A_788 : vector<16xi32>
        %ne3A_790 = arith.constant 0 : i32
        %ne3A_791 = vector.broadcast %ne3A_790 : i32 to vector<16xi32>
        %ne3A_792 = arith.cmpi ne, %rem3A_789, %ne3A_791 : vector<16xi32>
        %lt3A_793 = arith.constant 0 : i32
        %lt3A_794 = vector.broadcast %lt3A_793 : i32 to vector<16xi32>
        %lt3A_795 = arith.cmpi ult, %rem3A_789, %lt3A_794 : vector<16xi32>
        %lt3A_796 = arith.constant 0 : i32
        %lt3A_797 = arith.cmpi ult, %select_n3A_787, %lt3A_796 : i32
        %ne3A_798 = vector.broadcast %lt3A_797 : i1 to vector<16xi1>
        %ne3A_799 = vector.broadcast %ne3A_798 : vector<16xi1> to vector<16xi1>
        %ne3A_800 = arith.xori %lt3A_795, %ne3A_799 : vector<16xi1>
        %and3A_801 = arith.andi %ne3A_800, %ne3A_792 : vector<16xi1>
        %add3A_802 = vector.broadcast %select_n3A_787 : i32 to vector<16xi32>
        %add3A_803 = arith.addi %rem3A_789, %add3A_802 : vector<16xi32>
        %select_n3A_804 = arith.select %and3A_801, %add3A_803, %rem3A_789 : vector<16xi1>, vector<16xi32>
        %mul3A_805 = arith.constant 16 : i32
        %mul3A_806 = arith.muli %while3A_302, %mul3A_805 : i32
        %swap3A_807 = arith.constant 4 : i32
        %swap3A_808 = arith.index_cast %swap3A_807 : i32 to index
        %swap3A_809 = arith.index_cast %mul3A_806 : i32 to index
        %swap3A_810 = tpu.vector_load %arg11[%swap3A_808, %swap3A_809] {strides = array<i32>} : memref<8x64xi32, #tpu.memory_space<vmem>>, vector<1x16xi32>,
        %swap3A_811 = vector.shape_cast %swap3A_810 : vector<1x16xi32> to vector<16xi32>
        %swap3A_812 = vector.shape_cast %select_n3A_804 : vector<16xi32> to vector<1x16xi32>
        tpu.vector_store %arg11[%swap3A_808, %swap3A_809], %swap3A_812 {strides = array<i32>} : memref<8x64xi32, #tpu.memory_space<vmem>>, vector<1x16xi32>,
        %get3A_813 = arith.constant 80 : index
        %get3A_814 = tpu.vector_load %arg9[%get3A_813] {strides = array<i32>} : memref<144xi32, #tpu.memory_space<vmem>>, vector<16xi32>,
        %get3A_815 = vector.shape_cast %get3A_814 : vector<16xi32> to vector<16xi32>
        %get3A_816 = arith.constant 80 : index
        %get3A_817 = tpu.vector_load %arg10[%get3A_816] {strides = array<i32>} : memref<144xi32, #tpu.memory_space<vmem>>, vector<16xi32>,
        %get3A_818 = vector.shape_cast %get3A_817 : vector<16xi32> to vector<16xi32>
        %mul3A_819 = arith.muli %shift_right_logical3A_311, %get3A_815 : vector<16xi32>
        %shift_right_logical3A_820 = arith.constant 5 : i32
        %shift_right_logical3A_821 = vector.broadcast %shift_right_logical3A_820 : i32 to vector<16xi32>
        %shift_right_logical3A_822 = arith.shrui %mul3A_819, %shift_right_logical3A_821 : vector<16xi32>
        %and3A_823 = arith.constant 31 : i32
        %and3A_824 = vector.broadcast %and3A_823 : i32 to vector<16xi32>
        %and3A_825 = arith.andi %mul3A_819, %and3A_824 : vector<16xi32>
        %shift_left3A_826 = arith.constant 26 : i32
        %shift_left3A_827 = vector.broadcast %shift_left3A_826 : i32 to vector<16xi32>
        %shift_left3A_828 = arith.shli %and3A_825, %shift_left3A_827 : vector<16xi32>
        %add3A_829 = arith.addi %shift_right_logical3A_822, %shift_left3A_828 : vector<16xi32>
        %mul3A_830 = arith.muli %shift_right_logical3A_311, %get3A_818 : vector<16xi32>
        %shift_right_logical3A_831 = arith.constant 21 : i32
        %shift_right_logical3A_832 = vector.broadcast %shift_right_logical3A_831 : i32 to vector<16xi32>
        %shift_right_logical3A_833 = arith.shrui %mul3A_830, %shift_right_logical3A_832 : vector<16xi32>
        %and3A_834 = arith.constant 2097151 : i32
        %and3A_835 = vector.broadcast %and3A_834 : i32 to vector<16xi32>
        %and3A_836 = arith.andi %mul3A_830, %and3A_835 : vector<16xi32>
        %shift_left3A_837 = arith.constant 10 : i32
        %shift_left3A_838 = vector.broadcast %shift_left3A_837 : i32 to vector<16xi32>
        %shift_left3A_839 = arith.shli %and3A_836, %shift_left3A_838 : vector<16xi32>
        %add3A_840 = arith.addi %shift_right_logical3A_833, %shift_left3A_839 : vector<16xi32>
        %mul3A_841 = arith.muli %and3A_313, %get3A_815 : vector<16xi32>
        %shift_right_logical3A_842 = arith.constant 15 : i32
        %shift_right_logical3A_843 = vector.broadcast %shift_right_logical3A_842 : i32 to vector<16xi32>
        %shift_right_logical3A_844 = arith.shrui %mul3A_841, %shift_right_logical3A_843 : vector<16xi32>
        %and3A_845 = arith.constant 32767 : i32
        %and3A_846 = vector.broadcast %and3A_845 : i32 to vector<16xi32>
        %and3A_847 = arith.andi %mul3A_841, %and3A_846 : vector<16xi32>
        %shift_left3A_848 = arith.constant 16 : i32
        %shift_left3A_849 = vector.broadcast %shift_left3A_848 : i32 to vector<16xi32>
        %shift_left3A_850 = arith.shli %and3A_847, %shift_left3A_849 : vector<16xi32>
        %add3A_851 = arith.addi %shift_right_logical3A_844, %shift_left3A_850 : vector<16xi32>
        %mul3A_852 = arith.muli %and3A_313, %get3A_818 : vector<16xi32>
        %add3A_853 = arith.addi %add3A_829, %add3A_840 : vector<16xi32>
        %shift_right_logical3A_854 = arith.constant 31 : i32
        %shift_right_logical3A_855 = vector.broadcast %shift_right_logical3A_854 : i32 to vector<16xi32>
        %shift_right_logical3A_856 = arith.shrui %add3A_853, %shift_right_logical3A_855 : vector<16xi32>
        %and3A_857 = arith.constant 2147483647 : i32
        %and3A_858 = vector.broadcast %and3A_857 : i32 to vector<16xi32>
        %and3A_859 = arith.andi %add3A_853, %and3A_858 : vector<16xi32>
        %add3A_860 = arith.addi %shift_right_logical3A_856, %and3A_859 : vector<16xi32>
        %add3A_861 = arith.addi %add3A_860, %add3A_851 : vector<16xi32>
        %shift_right_logical3A_862 = arith.constant 31 : i32
        %shift_right_logical3A_863 = vector.broadcast %shift_right_logical3A_862 : i32 to vector<16xi32>
        %shift_right_logical3A_864 = arith.shrui %add3A_861, %shift_right_logical3A_863 : vector<16xi32>
        %and3A_865 = arith.constant 2147483647 : i32
        %and3A_866 = vector.broadcast %and3A_865 : i32 to vector<16xi32>
        %and3A_867 = arith.andi %add3A_861, %and3A_866 : vector<16xi32>
        %add3A_868 = arith.addi %shift_right_logical3A_864, %and3A_867 : vector<16xi32>
        %add3A_869 = arith.addi %add3A_868, %mul3A_852 : vector<16xi32>
        %shift_right_logical3A_870 = arith.constant 31 : i32
        %shift_right_logical3A_871 = vector.broadcast %shift_right_logical3A_870 : i32 to vector<16xi32>
        %shift_right_logical3A_872 = arith.shrui %add3A_869, %shift_right_logical3A_871 : vector<16xi32>
        %and3A_873 = arith.constant 2147483647 : i32
        %and3A_874 = vector.broadcast %and3A_873 : i32 to vector<16xi32>
        %and3A_875 = arith.andi %add3A_869, %and3A_874 : vector<16xi32>
        %add3A_876 = arith.addi %shift_right_logical3A_872, %and3A_875 : vector<16xi32>
        %ge3A_877 = arith.constant 2147483647 : i32
        %ge3A_878 = vector.broadcast %ge3A_877 : i32 to vector<16xi32>
        %ge3A_879 = arith.cmpi uge, %add3A_876, %ge3A_878 : vector<16xi32>
        %sub3A_880 = arith.constant 2147483647 : i32
        %sub3A_881 = vector.broadcast %sub3A_880 : i32 to vector<16xi32>
        %sub3A_882 = arith.subi %add3A_876, %sub3A_881 : vector<16xi32>
        %select_n3A_883 = arith.select %ge3A_879, %sub3A_882, %add3A_876 : vector<16xi1>, vector<16xi32>
        %jit3A_884 = arith.constant 71428 : i32
        %eq3A_885 = arith.constant 0 : i32
        %eq3A_886 = arith.cmpi eq, %jit3A_884, %eq3A_885 : i32
        %jit3A_887 = arith.constant 1 : i32
        %select_n3A_888 = arith.select %eq3A_886, %jit3A_887, %jit3A_884 : i32
        %rem3A_889 = vector.broadcast %select_n3A_888 : i32 to vector<16xi32>
        %rem3A_890 = arith.remui %select_n3A_883, %rem3A_889 : vector<16xi32>
        %ne3A_891 = arith.constant 0 : i32
        %ne3A_892 = vector.broadcast %ne3A_891 : i32 to vector<16xi32>
        %ne3A_893 = arith.cmpi ne, %rem3A_890, %ne3A_892 : vector<16xi32>
        %lt3A_894 = arith.constant 0 : i32
        %lt3A_895 = vector.broadcast %lt3A_894 : i32 to vector<16xi32>
        %lt3A_896 = arith.cmpi ult, %rem3A_890, %lt3A_895 : vector<16xi32>
        %lt3A_897 = arith.constant 0 : i32
        %lt3A_898 = arith.cmpi ult, %select_n3A_888, %lt3A_897 : i32
        %ne3A_899 = vector.broadcast %lt3A_898 : i1 to vector<16xi1>
        %ne3A_900 = vector.broadcast %ne3A_899 : vector<16xi1> to vector<16xi1>
        %ne3A_901 = arith.xori %lt3A_896, %ne3A_900 : vector<16xi1>
        %and3A_902 = arith.andi %ne3A_901, %ne3A_893 : vector<16xi1>
        %add3A_903 = vector.broadcast %select_n3A_888 : i32 to vector<16xi32>
        %add3A_904 = arith.addi %rem3A_890, %add3A_903 : vector<16xi32>
        %select_n3A_905 = arith.select %and3A_902, %add3A_904, %rem3A_890 : vector<16xi1>, vector<16xi32>
        %mul3A_906 = arith.constant 16 : i32
        %mul3A_907 = arith.muli %while3A_302, %mul3A_906 : i32
        %swap3A_908 = arith.constant 5 : i32
        %swap3A_909 = arith.index_cast %swap3A_908 : i32 to index
        %swap3A_910 = arith.index_cast %mul3A_907 : i32 to index
        %swap3A_911 = tpu.vector_load %arg11[%swap3A_909, %swap3A_910] {strides = array<i32>} : memref<8x64xi32, #tpu.memory_space<vmem>>, vector<1x16xi32>,
        %swap3A_912 = vector.shape_cast %swap3A_911 : vector<1x16xi32> to vector<16xi32>
        %swap3A_913 = vector.shape_cast %select_n3A_905 : vector<16xi32> to vector<1x16xi32>
        tpu.vector_store %arg11[%swap3A_909, %swap3A_910], %swap3A_913 {strides = array<i32>} : memref<8x64xi32, #tpu.memory_space<vmem>>, vector<1x16xi32>,
        %get3A_914 = arith.constant 96 : index
        %get3A_915 = tpu.vector_load %arg9[%get3A_914] {strides = array<i32>} : memref<144xi32, #tpu.memory_space<vmem>>, vector<16xi32>,
        %get3A_916 = vector.shape_cast %get3A_915 : vector<16xi32> to vector<16xi32>
        %get3A_917 = arith.constant 96 : index
        %get3A_918 = tpu.vector_load %arg10[%get3A_917] {strides = array<i32>} : memref<144xi32, #tpu.memory_space<vmem>>, vector<16xi32>,
        %get3A_919 = vector.shape_cast %get3A_918 : vector<16xi32> to vector<16xi32>
        %mul3A_920 = arith.muli %shift_right_logical3A_311, %get3A_916 : vector<16xi32>
        %shift_right_logical3A_921 = arith.constant 5 : i32
        %shift_right_logical3A_922 = vector.broadcast %shift_right_logical3A_921 : i32 to vector<16xi32>
        %shift_right_logical3A_923 = arith.shrui %mul3A_920, %shift_right_logical3A_922 : vector<16xi32>
        %and3A_924 = arith.constant 31 : i32
        %and3A_925 = vector.broadcast %and3A_924 : i32 to vector<16xi32>
        %and3A_926 = arith.andi %mul3A_920, %and3A_925 : vector<16xi32>
        %shift_left3A_927 = arith.constant 26 : i32
        %shift_left3A_928 = vector.broadcast %shift_left3A_927 : i32 to vector<16xi32>
        %shift_left3A_929 = arith.shli %and3A_926, %shift_left3A_928 : vector<16xi32>
        %add3A_930 = arith.addi %shift_right_logical3A_923, %shift_left3A_929 : vector<16xi32>
        %mul3A_931 = arith.muli %shift_right_logical3A_311, %get3A_919 : vector<16xi32>
        %shift_right_logical3A_932 = arith.constant 21 : i32
        %shift_right_logical3A_933 = vector.broadcast %shift_right_logical3A_932 : i32 to vector<16xi32>
        %shift_right_logical3A_934 = arith.shrui %mul3A_931, %shift_right_logical3A_933 : vector<16xi32>
        %and3A_935 = arith.constant 2097151 : i32
        %and3A_936 = vector.broadcast %and3A_935 : i32 to vector<16xi32>
        %and3A_937 = arith.andi %mul3A_931, %and3A_936 : vector<16xi32>
        %shift_left3A_938 = arith.constant 10 : i32
        %shift_left3A_939 = vector.broadcast %shift_left3A_938 : i32 to vector<16xi32>
        %shift_left3A_940 = arith.shli %and3A_937, %shift_left3A_939 : vector<16xi32>
        %add3A_941 = arith.addi %shift_right_logical3A_934, %shift_left3A_940 : vector<16xi32>
        %mul3A_942 = arith.muli %and3A_313, %get3A_916 : vector<16xi32>
        %shift_right_logical3A_943 = arith.constant 15 : i32
        %shift_right_logical3A_944 = vector.broadcast %shift_right_logical3A_943 : i32 to vector<16xi32>
        %shift_right_logical3A_945 = arith.shrui %mul3A_942, %shift_right_logical3A_944 : vector<16xi32>
        %and3A_946 = arith.constant 32767 : i32
        %and3A_947 = vector.broadcast %and3A_946 : i32 to vector<16xi32>
        %and3A_948 = arith.andi %mul3A_942, %and3A_947 : vector<16xi32>
        %shift_left3A_949 = arith.constant 16 : i32
        %shift_left3A_950 = vector.broadcast %shift_left3A_949 : i32 to vector<16xi32>
        %shift_left3A_951 = arith.shli %and3A_948, %shift_left3A_950 : vector<16xi32>
        %add3A_952 = arith.addi %shift_right_logical3A_945, %shift_left3A_951 : vector<16xi32>
        %mul3A_953 = arith.muli %and3A_313, %get3A_919 : vector<16xi32>
        %add3A_954 = arith.addi %add3A_930, %add3A_941 : vector<16xi32>
        %shift_right_logical3A_955 = arith.constant 31 : i32
        %shift_right_logical3A_956 = vector.broadcast %shift_right_logical3A_955 : i32 to vector<16xi32>
        %shift_right_logical3A_957 = arith.shrui %add3A_954, %shift_right_logical3A_956 : vector<16xi32>
        %and3A_958 = arith.constant 2147483647 : i32
        %and3A_959 = vector.broadcast %and3A_958 : i32 to vector<16xi32>
        %and3A_960 = arith.andi %add3A_954, %and3A_959 : vector<16xi32>
        %add3A_961 = arith.addi %shift_right_logical3A_957, %and3A_960 : vector<16xi32>
        %add3A_962 = arith.addi %add3A_961, %add3A_952 : vector<16xi32>
        %shift_right_logical3A_963 = arith.constant 31 : i32
        %shift_right_logical3A_964 = vector.broadcast %shift_right_logical3A_963 : i32 to vector<16xi32>
        %shift_right_logical3A_965 = arith.shrui %add3A_962, %shift_right_logical3A_964 : vector<16xi32>
        %and3A_966 = arith.constant 2147483647 : i32
        %and3A_967 = vector.broadcast %and3A_966 : i32 to vector<16xi32>
        %and3A_968 = arith.andi %add3A_962, %and3A_967 : vector<16xi32>
        %add3A_969 = arith.addi %shift_right_logical3A_965, %and3A_968 : vector<16xi32>
        %add3A_970 = arith.addi %add3A_969, %mul3A_953 : vector<16xi32>
        %shift_right_logical3A_971 = arith.constant 31 : i32
        %shift_right_logical3A_972 = vector.broadcast %shift_right_logical3A_971 : i32 to vector<16xi32>
        %shift_right_logical3A_973 = arith.shrui %add3A_970, %shift_right_logical3A_972 : vector<16xi32>
        %and3A_974 = arith.constant 2147483647 : i32
        %and3A_975 = vector.broadcast %and3A_974 : i32 to vector<16xi32>
        %and3A_976 = arith.andi %add3A_970, %and3A_975 : vector<16xi32>
        %add3A_977 = arith.addi %shift_right_logical3A_973, %and3A_976 : vector<16xi32>
        %ge3A_978 = arith.constant 2147483647 : i32
        %ge3A_979 = vector.broadcast %ge3A_978 : i32 to vector<16xi32>
        %ge3A_980 = arith.cmpi uge, %add3A_977, %ge3A_979 : vector<16xi32>
        %sub3A_981 = arith.constant 2147483647 : i32
        %sub3A_982 = vector.broadcast %sub3A_981 : i32 to vector<16xi32>
        %sub3A_983 = arith.subi %add3A_977, %sub3A_982 : vector<16xi32>
        %select_n3A_984 = arith.select %ge3A_980, %sub3A_983, %add3A_977 : vector<16xi1>, vector<16xi32>
        %jit3A_985 = arith.constant 71428 : i32
        %eq3A_986 = arith.constant 0 : i32
        %eq3A_987 = arith.cmpi eq, %jit3A_985, %eq3A_986 : i32
        %jit3A_988 = arith.constant 1 : i32
        %select_n3A_989 = arith.select %eq3A_987, %jit3A_988, %jit3A_985 : i32
        %rem3A_990 = vector.broadcast %select_n3A_989 : i32 to vector<16xi32>
        %rem3A_991 = arith.remui %select_n3A_984, %rem3A_990 : vector<16xi32>
        %ne3A_992 = arith.constant 0 : i32
        %ne3A_993 = vector.broadcast %ne3A_992 : i32 to vector<16xi32>
        %ne3A_994 = arith.cmpi ne, %rem3A_991, %ne3A_993 : vector<16xi32>
        %lt3A_995 = arith.constant 0 : i32
        %lt3A_996 = vector.broadcast %lt3A_995 : i32 to vector<16xi32>
        %lt3A_997 = arith.cmpi ult, %rem3A_991, %lt3A_996 : vector<16xi32>
        %lt3A_998 = arith.constant 0 : i32
        %lt3A_999 = arith.cmpi ult, %select_n3A_989, %lt3A_998 : i32
        %ne3A_1000 = vector.broadcast %lt3A_999 : i1 to vector<16xi1>
        %ne3A_1001 = vector.broadcast %ne3A_1000 : vector<16xi1> to vector<16xi1>
        %ne3A_1002 = arith.xori %lt3A_997, %ne3A_1001 : vector<16xi1>
        %and3A_1003 = arith.andi %ne3A_1002, %ne3A_994 : vector<16xi1>
        %add3A_1004 = vector.broadcast %select_n3A_989 : i32 to vector<16xi32>
        %add3A_1005 = arith.addi %rem3A_991, %add3A_1004 : vector<16xi32>
        %select_n3A_1006 = arith.select %and3A_1003, %add3A_1005, %rem3A_991 : vector<16xi1>, vector<16xi32>
        %mul3A_1007 = arith.constant 16 : i32
        %mul3A_1008 = arith.muli %while3A_302, %mul3A_1007 : i32
        %swap3A_1009 = arith.constant 6 : i32
        %swap3A_1010 = arith.index_cast %swap3A_1009 : i32 to index
        %swap3A_1011 = arith.index_cast %mul3A_1008 : i32 to index
        %swap3A_1012 = tpu.vector_load %arg11[%swap3A_1010, %swap3A_1011] {strides = array<i32>} : memref<8x64xi32, #tpu.memory_space<vmem>>, vector<1x16xi32>,
        %swap3A_1013 = vector.shape_cast %swap3A_1012 : vector<1x16xi32> to vector<16xi32>
        %swap3A_1014 = vector.shape_cast %select_n3A_1006 : vector<16xi32> to vector<1x16xi32>
        tpu.vector_store %arg11[%swap3A_1010, %swap3A_1011], %swap3A_1014 {strides = array<i32>} : memref<8x64xi32, #tpu.memory_space<vmem>>, vector<1x16xi32>,
        %get3A_1015 = arith.constant 112 : index
        %get3A_1016 = tpu.vector_load %arg9[%get3A_1015] {strides = array<i32>} : memref<144xi32, #tpu.memory_space<vmem>>, vector<16xi32>,
        %get3A_1017 = vector.shape_cast %get3A_1016 : vector<16xi32> to vector<16xi32>
        %get3A_1018 = arith.constant 112 : index
        %get3A_1019 = tpu.vector_load %arg10[%get3A_1018] {strides = array<i32>} : memref<144xi32, #tpu.memory_space<vmem>>, vector<16xi32>,
        %get3A_1020 = vector.shape_cast %get3A_1019 : vector<16xi32> to vector<16xi32>
        %mul3A_1021 = arith.muli %shift_right_logical3A_311, %get3A_1017 : vector<16xi32>
        %shift_right_logical3A_1022 = arith.constant 5 : i32
        %shift_right_logical3A_1023 = vector.broadcast %shift_right_logical3A_1022 : i32 to vector<16xi32>
        %shift_right_logical3A_1024 = arith.shrui %mul3A_1021, %shift_right_logical3A_1023 : vector<16xi32>
        %and3A_1025 = arith.constant 31 : i32
        %and3A_1026 = vector.broadcast %and3A_1025 : i32 to vector<16xi32>
        %and3A_1027 = arith.andi %mul3A_1021, %and3A_1026 : vector<16xi32>
        %shift_left3A_1028 = arith.constant 26 : i32
        %shift_left3A_1029 = vector.broadcast %shift_left3A_1028 : i32 to vector<16xi32>
        %shift_left3A_1030 = arith.shli %and3A_1027, %shift_left3A_1029 : vector<16xi32>
        %add3A_1031 = arith.addi %shift_right_logical3A_1024, %shift_left3A_1030 : vector<16xi32>
        %mul3A_1032 = arith.muli %shift_right_logical3A_311, %get3A_1020 : vector<16xi32>
        %shift_right_logical3A_1033 = arith.constant 21 : i32
        %shift_right_logical3A_1034 = vector.broadcast %shift_right_logical3A_1033 : i32 to vector<16xi32>
        %shift_right_logical3A_1035 = arith.shrui %mul3A_1032, %shift_right_logical3A_1034 : vector<16xi32>
        %and3A_1036 = arith.constant 2097151 : i32
        %and3A_1037 = vector.broadcast %and3A_1036 : i32 to vector<16xi32>
        %and3A_1038 = arith.andi %mul3A_1032, %and3A_1037 : vector<16xi32>
        %shift_left3A_1039 = arith.constant 10 : i32
        %shift_left3A_1040 = vector.broadcast %shift_left3A_1039 : i32 to vector<16xi32>
        %shift_left3A_1041 = arith.shli %and3A_1038, %shift_left3A_1040 : vector<16xi32>
        %add3A_1042 = arith.addi %shift_right_logical3A_1035, %shift_left3A_1041 : vector<16xi32>
        %mul3A_1043 = arith.muli %and3A_313, %get3A_1017 : vector<16xi32>
        %shift_right_logical3A_1044 = arith.constant 15 : i32
        %shift_right_logical3A_1045 = vector.broadcast %shift_right_logical3A_1044 : i32 to vector<16xi32>
        %shift_right_logical3A_1046 = arith.shrui %mul3A_1043, %shift_right_logical3A_1045 : vector<16xi32>
        %and3A_1047 = arith.constant 32767 : i32
        %and3A_1048 = vector.broadcast %and3A_1047 : i32 to vector<16xi32>
        %and3A_1049 = arith.andi %mul3A_1043, %and3A_1048 : vector<16xi32>
        %shift_left3A_1050 = arith.constant 16 : i32
        %shift_left3A_1051 = vector.broadcast %shift_left3A_1050 : i32 to vector<16xi32>
        %shift_left3A_1052 = arith.shli %and3A_1049, %shift_left3A_1051 : vector<16xi32>
        %add3A_1053 = arith.addi %shift_right_logical3A_1046, %shift_left3A_1052 : vector<16xi32>
        %mul3A_1054 = arith.muli %and3A_313, %get3A_1020 : vector<16xi32>
        %add3A_1055 = arith.addi %add3A_1031, %add3A_1042 : vector<16xi32>
        %shift_right_logical3A_1056 = arith.constant 31 : i32
        %shift_right_logical3A_1057 = vector.broadcast %shift_right_logical3A_1056 : i32 to vector<16xi32>
        %shift_right_logical3A_1058 = arith.shrui %add3A_1055, %shift_right_logical3A_1057 : vector<16xi32>
        %and3A_1059 = arith.constant 2147483647 : i32
        %and3A_1060 = vector.broadcast %and3A_1059 : i32 to vector<16xi32>
        %and3A_1061 = arith.andi %add3A_1055, %and3A_1060 : vector<16xi32>
        %add3A_1062 = arith.addi %shift_right_logical3A_1058, %and3A_1061 : vector<16xi32>
        %add3A_1063 = arith.addi %add3A_1062, %add3A_1053 : vector<16xi32>
        %shift_right_logical3A_1064 = arith.constant 31 : i32
        %shift_right_logical3A_1065 = vector.broadcast %shift_right_logical3A_1064 : i32 to vector<16xi32>
        %shift_right_logical3A_1066 = arith.shrui %add3A_1063, %shift_right_logical3A_1065 : vector<16xi32>
        %and3A_1067 = arith.constant 2147483647 : i32
        %and3A_1068 = vector.broadcast %and3A_1067 : i32 to vector<16xi32>
        %and3A_1069 = arith.andi %add3A_1063, %and3A_1068 : vector<16xi32>
        %add3A_1070 = arith.addi %shift_right_logical3A_1066, %and3A_1069 : vector<16xi32>
        %add3A_1071 = arith.addi %add3A_1070, %mul3A_1054 : vector<16xi32>
        %shift_right_logical3A_1072 = arith.constant 31 : i32
        %shift_right_logical3A_1073 = vector.broadcast %shift_right_logical3A_1072 : i32 to vector<16xi32>
        %shift_right_logical3A_1074 = arith.shrui %add3A_1071, %shift_right_logical3A_1073 : vector<16xi32>
        %and3A_1075 = arith.constant 2147483647 : i32
        %and3A_1076 = vector.broadcast %and3A_1075 : i32 to vector<16xi32>
        %and3A_1077 = arith.andi %add3A_1071, %and3A_1076 : vector<16xi32>
        %add3A_1078 = arith.addi %shift_right_logical3A_1074, %and3A_1077 : vector<16xi32>
        %ge3A_1079 = arith.constant 2147483647 : i32
        %ge3A_1080 = vector.broadcast %ge3A_1079 : i32 to vector<16xi32>
        %ge3A_1081 = arith.cmpi uge, %add3A_1078, %ge3A_1080 : vector<16xi32>
        %sub3A_1082 = arith.constant 2147483647 : i32
        %sub3A_1083 = vector.broadcast %sub3A_1082 : i32 to vector<16xi32>
        %sub3A_1084 = arith.subi %add3A_1078, %sub3A_1083 : vector<16xi32>
        %select_n3A_1085 = arith.select %ge3A_1081, %sub3A_1084, %add3A_1078 : vector<16xi1>, vector<16xi32>
        %jit3A_1086 = arith.constant 71428 : i32
        %eq3A_1087 = arith.constant 0 : i32
        %eq3A_1088 = arith.cmpi eq, %jit3A_1086, %eq3A_1087 : i32
        %jit3A_1089 = arith.constant 1 : i32
        %select_n3A_1090 = arith.select %eq3A_1088, %jit3A_1089, %jit3A_1086 : i32
        %rem3A_1091 = vector.broadcast %select_n3A_1090 : i32 to vector<16xi32>
        %rem3A_1092 = arith.remui %select_n3A_1085, %rem3A_1091 : vector<16xi32>
        %ne3A_1093 = arith.constant 0 : i32
        %ne3A_1094 = vector.broadcast %ne3A_1093 : i32 to vector<16xi32>
        %ne3A_1095 = arith.cmpi ne, %rem3A_1092, %ne3A_1094 : vector<16xi32>
        %lt3A_1096 = arith.constant 0 : i32
        %lt3A_1097 = vector.broadcast %lt3A_1096 : i32 to vector<16xi32>
        %lt3A_1098 = arith.cmpi ult, %rem3A_1092, %lt3A_1097 : vector<16xi32>
        %lt3A_1099 = arith.constant 0 : i32
        %lt3A_1100 = arith.cmpi ult, %select_n3A_1090, %lt3A_1099 : i32
        %ne3A_1101 = vector.broadcast %lt3A_1100 : i1 to vector<16xi1>
        %ne3A_1102 = vector.broadcast %ne3A_1101 : vector<16xi1> to vector<16xi1>
        %ne3A_1103 = arith.xori %lt3A_1098, %ne3A_1102 : vector<16xi1>
        %and3A_1104 = arith.andi %ne3A_1103, %ne3A_1095 : vector<16xi1>
        %add3A_1105 = vector.broadcast %select_n3A_1090 : i32 to vector<16xi32>
        %add3A_1106 = arith.addi %rem3A_1092, %add3A_1105 : vector<16xi32>
        %select_n3A_1107 = arith.select %and3A_1104, %add3A_1106, %rem3A_1092 : vector<16xi1>, vector<16xi32>
        %mul3A_1108 = arith.constant 16 : i32
        %mul3A_1109 = arith.muli %while3A_302, %mul3A_1108 : i32
        %swap3A_1110 = arith.constant 7 : i32
        %swap3A_1111 = arith.index_cast %swap3A_1110 : i32 to index
        %swap3A_1112 = arith.index_cast %mul3A_1109 : i32 to index
        %swap3A_1113 = tpu.vector_load %arg11[%swap3A_1111, %swap3A_1112] {strides = array<i32>} : memref<8x64xi32, #tpu.memory_space<vmem>>, vector<1x16xi32>,
        %swap3A_1114 = vector.shape_cast %swap3A_1113 : vector<1x16xi32> to vector<16xi32>
        %swap3A_1115 = vector.shape_cast %select_n3A_1107 : vector<16xi32> to vector<1x16xi32>
        tpu.vector_store %arg11[%swap3A_1111, %swap3A_1112], %swap3A_1115 {strides = array<i32>} : memref<8x64xi32, #tpu.memory_space<vmem>>, vector<1x16xi32>,
        %get3A_1116 = arith.constant 128 : index
        %get3A_1117 = tpu.vector_load %arg9[%get3A_1116] {strides = array<i32>} : memref<144xi32, #tpu.memory_space<vmem>>, vector<16xi32>,
        %get3A_1118 = vector.shape_cast %get3A_1117 : vector<16xi32> to vector<16xi32>
        %get3A_1119 = arith.constant 128 : index
        %get3A_1120 = tpu.vector_load %arg10[%get3A_1119] {strides = array<i32>} : memref<144xi32, #tpu.memory_space<vmem>>, vector<16xi32>,
        %get3A_1121 = vector.shape_cast %get3A_1120 : vector<16xi32> to vector<16xi32>
        %mul3A_1122 = arith.muli %shift_right_logical3A_311, %get3A_1118 : vector<16xi32>
        %shift_right_logical3A_1123 = arith.constant 5 : i32
        %shift_right_logical3A_1124 = vector.broadcast %shift_right_logical3A_1123 : i32 to vector<16xi32>
        %shift_right_logical3A_1125 = arith.shrui %mul3A_1122, %shift_right_logical3A_1124 : vector<16xi32>
        %and3A_1126 = arith.constant 31 : i32
        %and3A_1127 = vector.broadcast %and3A_1126 : i32 to vector<16xi32>
        %and3A_1128 = arith.andi %mul3A_1122, %and3A_1127 : vector<16xi32>
        %shift_left3A_1129 = arith.constant 26 : i32
        %shift_left3A_1130 = vector.broadcast %shift_left3A_1129 : i32 to vector<16xi32>
        %shift_left3A_1131 = arith.shli %and3A_1128, %shift_left3A_1130 : vector<16xi32>
        %add3A_1132 = arith.addi %shift_right_logical3A_1125, %shift_left3A_1131 : vector<16xi32>
        %mul3A_1133 = arith.muli %shift_right_logical3A_311, %get3A_1121 : vector<16xi32>
        %shift_right_logical3A_1134 = arith.constant 21 : i32
        %shift_right_logical3A_1135 = vector.broadcast %shift_right_logical3A_1134 : i32 to vector<16xi32>
        %shift_right_logical3A_1136 = arith.shrui %mul3A_1133, %shift_right_logical3A_1135 : vector<16xi32>
        %and3A_1137 = arith.constant 2097151 : i32
        %and3A_1138 = vector.broadcast %and3A_1137 : i32 to vector<16xi32>
        %and3A_1139 = arith.andi %mul3A_1133, %and3A_1138 : vector<16xi32>
        %shift_left3A_1140 = arith.constant 10 : i32
        %shift_left3A_1141 = vector.broadcast %shift_left3A_1140 : i32 to vector<16xi32>
        %shift_left3A_1142 = arith.shli %and3A_1139, %shift_left3A_1141 : vector<16xi32>
        %add3A_1143 = arith.addi %shift_right_logical3A_1136, %shift_left3A_1142 : vector<16xi32>
        %mul3A_1144 = arith.muli %and3A_313, %get3A_1118 : vector<16xi32>
        %shift_right_logical3A_1145 = arith.constant 15 : i32
        %shift_right_logical3A_1146 = vector.broadcast %shift_right_logical3A_1145 : i32 to vector<16xi32>
        %shift_right_logical3A_1147 = arith.shrui %mul3A_1144, %shift_right_logical3A_1146 : vector<16xi32>
        %and3A_1148 = arith.constant 32767 : i32
        %and3A_1149 = vector.broadcast %and3A_1148 : i32 to vector<16xi32>
        %and3A_1150 = arith.andi %mul3A_1144, %and3A_1149 : vector<16xi32>
        %shift_left3A_1151 = arith.constant 16 : i32
        %shift_left3A_1152 = vector.broadcast %shift_left3A_1151 : i32 to vector<16xi32>
        %shift_left3A_1153 = arith.shli %and3A_1150, %shift_left3A_1152 : vector<16xi32>
        %add3A_1154 = arith.addi %shift_right_logical3A_1147, %shift_left3A_1153 : vector<16xi32>
        %mul3A_1155 = arith.muli %and3A_313, %get3A_1121 : vector<16xi32>
        %add3A_1156 = arith.addi %add3A_1132, %add3A_1143 : vector<16xi32>
        %shift_right_logical3A_1157 = arith.constant 31 : i32
        %shift_right_logical3A_1158 = vector.broadcast %shift_right_logical3A_1157 : i32 to vector<16xi32>
        %shift_right_logical3A_1159 = arith.shrui %add3A_1156, %shift_right_logical3A_1158 : vector<16xi32>
        %and3A_1160 = arith.constant 2147483647 : i32
        %and3A_1161 = vector.broadcast %and3A_1160 : i32 to vector<16xi32>
        %and3A_1162 = arith.andi %add3A_1156, %and3A_1161 : vector<16xi32>
        %add3A_1163 = arith.addi %shift_right_logical3A_1159, %and3A_1162 : vector<16xi32>
        %add3A_1164 = arith.addi %add3A_1163, %add3A_1154 : vector<16xi32>
        %shift_right_logical3A_1165 = arith.constant 31 : i32
        %shift_right_logical3A_1166 = vector.broadcast %shift_right_logical3A_1165 : i32 to vector<16xi32>
        %shift_right_logical3A_1167 = arith.shrui %add3A_1164, %shift_right_logical3A_1166 : vector<16xi32>
        %and3A_1168 = arith.constant 2147483647 : i32
        %and3A_1169 = vector.broadcast %and3A_1168 : i32 to vector<16xi32>
        %and3A_1170 = arith.andi %add3A_1164, %and3A_1169 : vector<16xi32>
        %add3A_1171 = arith.addi %shift_right_logical3A_1167, %and3A_1170 : vector<16xi32>
        %add3A_1172 = arith.addi %add3A_1171, %mul3A_1155 : vector<16xi32>
        %shift_right_logical3A_1173 = arith.constant 31 : i32
        %shift_right_logical3A_1174 = vector.broadcast %shift_right_logical3A_1173 : i32 to vector<16xi32>
        %shift_right_logical3A_1175 = arith.shrui %add3A_1172, %shift_right_logical3A_1174 : vector<16xi32>
        %and3A_1176 = arith.constant 2147483647 : i32
        %and3A_1177 = vector.broadcast %and3A_1176 : i32 to vector<16xi32>
        %and3A_1178 = arith.andi %add3A_1172, %and3A_1177 : vector<16xi32>
        %add3A_1179 = arith.addi %shift_right_logical3A_1175, %and3A_1178 : vector<16xi32>
        %ge3A_1180 = arith.constant 2147483647 : i32
        %ge3A_1181 = vector.broadcast %ge3A_1180 : i32 to vector<16xi32>
        %ge3A_1182 = arith.cmpi uge, %add3A_1179, %ge3A_1181 : vector<16xi32>
        %sub3A_1183 = arith.constant 2147483647 : i32
        %sub3A_1184 = vector.broadcast %sub3A_1183 : i32 to vector<16xi32>
        %sub3A_1185 = arith.subi %add3A_1179, %sub3A_1184 : vector<16xi32>
        %select_n3A_1186 = arith.select %ge3A_1182, %sub3A_1185, %add3A_1179 : vector<16xi1>, vector<16xi32>
        %jit3A_1187 = arith.constant 500000 : i32
        %eq3A_1188 = arith.constant 0 : i32
        %eq3A_1189 = arith.cmpi eq, %jit3A_1187, %eq3A_1188 : i32
        %jit3A_1190 = arith.constant 1 : i32
        %select_n3A_1191 = arith.select %eq3A_1189, %jit3A_1190, %jit3A_1187 : i32
        %rem3A_1192 = vector.broadcast %select_n3A_1191 : i32 to vector<16xi32>
        %rem3A_1193 = arith.remui %select_n3A_1186, %rem3A_1192 : vector<16xi32>
        %ne3A_1194 = arith.constant 0 : i32
        %ne3A_1195 = vector.broadcast %ne3A_1194 : i32 to vector<16xi32>
        %ne3A_1196 = arith.cmpi ne, %rem3A_1193, %ne3A_1195 : vector<16xi32>
        %lt3A_1197 = arith.constant 0 : i32
        %lt3A_1198 = vector.broadcast %lt3A_1197 : i32 to vector<16xi32>
        %lt3A_1199 = arith.cmpi ult, %rem3A_1193, %lt3A_1198 : vector<16xi32>
        %lt3A_1200 = arith.constant 0 : i32
        %lt3A_1201 = arith.cmpi ult, %select_n3A_1191, %lt3A_1200 : i32
        %ne3A_1202 = vector.broadcast %lt3A_1201 : i1 to vector<16xi1>
        %ne3A_1203 = vector.broadcast %ne3A_1202 : vector<16xi1> to vector<16xi1>
        %ne3A_1204 = arith.xori %lt3A_1199, %ne3A_1203 : vector<16xi1>
        %and3A_1205 = arith.andi %ne3A_1204, %ne3A_1196 : vector<16xi1>
        %add3A_1206 = vector.broadcast %select_n3A_1191 : i32 to vector<16xi32>
        %add3A_1207 = arith.addi %rem3A_1193, %add3A_1206 : vector<16xi32>
        %select_n3A_1208 = arith.select %and3A_1205, %add3A_1207, %rem3A_1193 : vector<16xi1>, vector<16xi32>
        %shift_right_arithmetic3A = arith.constant 4 : i32
        %shift_right_arithmetic3A_1209 = vector.broadcast %shift_right_arithmetic3A : i32 to vector<16xi32>
        %shift_right_arithmetic3A_1210 = arith.shrsi %select_n3A_1208, %shift_right_arithmetic3A_1209 : vector<16xi32>
        %mul3A_1211 = arith.constant 16 : i32
        %mul3A_1212 = arith.muli %while3A_302, %mul3A_1211 : i32
        %swap3A_1213 = arith.index_cast %mul3A_1212 : i32 to index
        %swap3A_1214 = tpu.vector_load %arg12[%swap3A_1213] {strides = array<i32>} : memref<64xi32, #tpu.memory_space<vmem>>, vector<16xi32>,
        %swap3A_1215 = vector.shape_cast %swap3A_1214 : vector<16xi32> to vector<16xi32>
        %swap3A_1216 = vector.shape_cast %shift_right_arithmetic3A_1210 : vector<16xi32> to vector<16xi32>
        tpu.vector_store %arg12[%swap3A_1213], %swap3A_1216 {strides = array<i32>} : memref<64xi32, #tpu.memory_space<vmem>>, vector<16xi32>,
        %and3A_1217 = arith.constant 15 : i32
        %and3A_1218 = vector.broadcast %and3A_1217 : i32 to vector<16xi32>
        %and3A_1219 = arith.andi %select_n3A_1208, %and3A_1218 : vector<16xi32>
        %swap3A_1220 = arith.index_cast %while3A_302 : i32 to index
        %swap3A_1221 = arith.constant 0 : index
        %swap3A_1222 = tpu.vector_load %arg13[%swap3A_1220, %swap3A_1221] {strides = array<i32>} : memref<4x16xi32, #tpu.memory_space<vmem>>, vector<1x16xi32>,
        %swap3A_1223 = vector.shape_cast %swap3A_1222 : vector<1x16xi32> to vector<16xi32>
        %swap3A_1224 = vector.shape_cast %and3A_1219 : vector<16xi32> to vector<1x16xi32>
        tpu.vector_store %arg13[%swap3A_1220, %swap3A_1221], %swap3A_1224 {strides = array<i32>} : memref<4x16xi32, #tpu.memory_space<vmem>>, vector<1x16xi32>,
      }
      %while3A_91 = arith.constant 1 : i32
      scf.for %while3A_302 = %while3A_89 to %while3A_85 step %while3A_91  : i32 {
        %mul3A_303 = arith.constant 64 : i32
        %mul3A_304 = arith.muli %while3A_80, %mul3A_303 : i32
        %mul3A_305 = arith.constant 16 : i32
        %mul3A_306 = arith.muli %while3A_302, %mul3A_305 : i32
        %add3A_307 = arith.addi %mul3A_304, %mul3A_306 : i32
        %get3A = arith.index_cast %add3A_307 : i32 to index
        %get3A_308 = tpu.vector_load %arg8[%get3A] {strides = array<i32>} : memref<512xi32, #tpu.memory_space<vmem>>, vector<16xi32>,
        %get3A_309 = vector.shape_cast %get3A_308 : vector<16xi32> to vector<16xi32>
        %shift_right_logical3A = arith.constant 10 : i32
        %shift_right_logical3A_310 = vector.broadcast %shift_right_logical3A : i32 to vector<16xi32>
        %shift_right_logical3A_311 = arith.shrui %get3A_309, %shift_right_logical3A_310 : vector<16xi32>
        %and3A = arith.constant 1023 : i32
        %and3A_312 = vector.broadcast %and3A : i32 to vector<16xi32>
        %and3A_313 = arith.andi %get3A_309, %and3A_312 : vector<16xi32>
        %get3A_314 = arith.constant 0 : index
        %get3A_315 = tpu.vector_load %arg9[%get3A_314] {strides = array<i32>} : memref<144xi32, #tpu.memory_space<vmem>>, vector<16xi32>,
        %get3A_316 = vector.shape_cast %get3A_315 : vector<16xi32> to vector<16xi32>
        %get3A_317 = arith.constant 0 : index
        %get3A_318 = tpu.vector_load %arg10[%get3A_317] {strides = array<i32>} : memref<144xi32, #tpu.memory_space<vmem>>, vector<16xi32>,
        %get3A_319 = vector.shape_cast %get3A_318 : vector<16xi32> to vector<16xi32>
        %mul3A_320 = arith.muli %shift_right_logical3A_311, %get3A_316 : vector<16xi32>
        %shift_right_logical3A_321 = arith.constant 5 : i32
        %shift_right_logical3A_322 = vector.broadcast %shift_right_logical3A_321 : i32 to vector<16xi32>
        %shift_right_logical3A_323 = arith.shrui %mul3A_320, %shift_right_logical3A_322 : vector<16xi32>
        %and3A_324 = arith.constant 31 : i32
        %and3A_325 = vector.broadcast %and3A_324 : i32 to vector<16xi32>
        %and3A_326 = arith.andi %mul3A_320, %and3A_325 : vector<16xi32>
        %shift_left3A = arith.constant 26 : i32
        %shift_left3A_327 = vector.broadcast %shift_left3A : i32 to vector<16xi32>
        %shift_left3A_328 = arith.shli %and3A_326, %shift_left3A_327 : vector<16xi32>
        %add3A_329 = arith.addi %shift_right_logical3A_323, %shift_left3A_328 : vector<16xi32>
        %mul3A_330 = arith.muli %shift_right_logical3A_311, %get3A_319 : vector<16xi32>
        %shift_right_logical3A_331 = arith.constant 21 : i32
        %shift_right_logical3A_332 = vector.broadcast %shift_right_logical3A_331 : i32 to vector<16xi32>
        %shift_right_logical3A_333 = arith.shrui %mul3A_330, %shift_right_logical3A_332 : vector<16xi32>
        %and3A_334 = arith.constant 2097151 : i32
        %and3A_335 = vector.broadcast %and3A_334 : i32 to vector<16xi32>
        %and3A_336 = arith.andi %mul3A_330, %and3A_335 : vector<16xi32>
        %shift_left3A_337 = arith.constant 10 : i32
        %shift_left3A_338 = vector.broadcast %shift_left3A_337 : i32 to vector<16xi32>
        %shift_left3A_339 = arith.shli %and3A_336, %shift_left3A_338 : vector<16xi32>
        %add3A_340 = arith.addi %shift_right_logical3A_333, %shift_left3A_339 : vector<16xi32>
        %mul3A_341 = arith.muli %and3A_313, %get3A_316 : vector<16xi32>
        %shift_right_logical3A_342 = arith.constant 15 : i32
        %shift_right_logical3A_343 = vector.broadcast %shift_right_logical3A_342 : i32 to vector<16xi32>
        %shift_right_logical3A_344 = arith.shrui %mul3A_341, %shift_right_logical3A_343 : vector<16xi32>
        %and3A_345 = arith.constant 32767 : i32
        %and3A_346 = vector.broadcast %and3A_345 : i32 to vector<16xi32>
        %and3A_347 = arith.andi %mul3A_341, %and3A_346 : vector<16xi32>
        %shift_left3A_348 = arith.constant 16 : i32
        %shift_left3A_349 = vector.broadcast %shift_left3A_348 : i32 to vector<16xi32>
        %shift_left3A_350 = arith.shli %and3A_347, %shift_left3A_349 : vector<16xi32>
        %add3A_351 = arith.addi %shift_right_logical3A_344, %shift_left3A_350 : vector<16xi32>
        %mul3A_352 = arith.muli %and3A_313, %get3A_319 : vector<16xi32>
        %add3A_353 = arith.addi %add3A_329, %add3A_340 : vector<16xi32>
        %shift_right_logical3A_354 = arith.constant 31 : i32
        %shift_right_logical3A_355 = vector.broadcast %shift_right_logical3A_354 : i32 to vector<16xi32>
        %shift_right_logical3A_356 = arith.shrui %add3A_353, %shift_right_logical3A_355 : vector<16xi32>
        %and3A_357 = arith.constant 2147483647 : i32
        %and3A_358 = vector.broadcast %and3A_357 : i32 to vector<16xi32>
        %and3A_359 = arith.andi %add3A_353, %and3A_358 : vector<16xi32>
        %add3A_360 = arith.addi %shift_right_logical3A_356, %and3A_359 : vector<16xi32>
        %add3A_361 = arith.addi %add3A_360, %add3A_351 : vector<16xi32>
        %shift_right_logical3A_362 = arith.constant 31 : i32
        %shift_right_logical3A_363 = vector.broadcast %shift_right_logical3A_362 : i32 to vector<16xi32>
        %shift_right_logical3A_364 = arith.shrui %add3A_361, %shift_right_logical3A_363 : vector<16xi32>
        %and3A_365 = arith.constant 2147483647 : i32
        %and3A_366 = vector.broadcast %and3A_365 : i32 to vector<16xi32>
        %and3A_367 = arith.andi %add3A_361, %and3A_366 : vector<16xi32>
        %add3A_368 = arith.addi %shift_right_logical3A_364, %and3A_367 : vector<16xi32>
        %add3A_369 = arith.addi %add3A_368, %mul3A_352 : vector<16xi32>
        %shift_right_logical3A_370 = arith.constant 31 : i32
        %shift_right_logical3A_371 = vector.broadcast %shift_right_logical3A_370 : i32 to vector<16xi32>
        %shift_right_logical3A_372 = arith.shrui %add3A_369, %shift_right_logical3A_371 : vector<16xi32>
        %and3A_373 = arith.constant 2147483647 : i32
        %and3A_374 = vector.broadcast %and3A_373 : i32 to vector<16xi32>
        %and3A_375 = arith.andi %add3A_369, %and3A_374 : vector<16xi32>
        %add3A_376 = arith.addi %shift_right_logical3A_372, %and3A_375 : vector<16xi32>
        %ge3A = arith.constant 2147483647 : i32
        %ge3A_377 = vector.broadcast %ge3A : i32 to vector<16xi32>
        %ge3A_378 = arith.cmpi uge, %add3A_376, %ge3A_377 : vector<16xi32>
        %sub3A = arith.constant 2147483647 : i32
        %sub3A_379 = vector.broadcast %sub3A : i32 to vector<16xi32>
        %sub3A_380 = arith.subi %add3A_376, %sub3A_379 : vector<16xi32>
        %select_n3A_381 = arith.select %ge3A_378, %sub3A_380, %add3A_376 : vector<16xi1>, vector<16xi32>
        %jit3A_382 = arith.constant 71428 : i32
        %eq3A_383 = arith.constant 0 : i32
        %eq3A_384 = arith.cmpi eq, %jit3A_382, %eq3A_383 : i32
        %jit3A_385 = arith.constant 1 : i32
        %select_n3A_386 = arith.select %eq3A_384, %jit3A_385, %jit3A_382 : i32
        %rem3A = vector.broadcast %select_n3A_386 : i32 to vector<16xi32>
        %rem3A_387 = arith.remui %select_n3A_381, %rem3A : vector<16xi32>
        %ne3A = arith.constant 0 : i32
        %ne3A_388 = vector.broadcast %ne3A : i32 to vector<16xi32>
        %ne3A_389 = arith.cmpi ne, %rem3A_387, %ne3A_388 : vector<16xi32>
        %lt3A_390 = arith.constant 0 : i32
        %lt3A_391 = vector.broadcast %lt3A_390 : i32 to vector<16xi32>
        %lt3A_392 = arith.cmpi ult, %rem3A_387, %lt3A_391 : vector<16xi32>
        %lt3A_393 = arith.constant 0 : i32
        %lt3A_394 = arith.cmpi ult, %select_n3A_386, %lt3A_393 : i32
        %ne3A_395 = vector.broadcast %lt3A_394 : i1 to vector<16xi1>
        %ne3A_396 = vector.broadcast %ne3A_395 : vector<16xi1> to vector<16xi1>
        %ne3A_397 = arith.xori %lt3A_392, %ne3A_396 : vector<16xi1>
        %and3A_398 = arith.andi %ne3A_397, %ne3A_389 : vector<16xi1>
        %add3A_399 = vector.broadcast %select_n3A_386 : i32 to vector<16xi32>
        %add3A_400 = arith.addi %rem3A_387, %add3A_399 : vector<16xi32>
        %select_n3A_401 = arith.select %and3A_398, %add3A_400, %rem3A_387 : vector<16xi1>, vector<16xi32>
        %mul3A_402 = arith.constant 16 : i32
        %mul3A_403 = arith.muli %while3A_302, %mul3A_402 : i32
        %swap3A = arith.constant 0 : i32
        %swap3A_404 = arith.index_cast %swap3A : i32 to index
        %swap3A_405 = arith.index_cast %mul3A_403 : i32 to index
        %swap3A_406 = tpu.vector_load %arg11[%swap3A_404, %swap3A_405] {strides = array<i32>} : memref<8x64xi32, #tpu.memory_space<vmem>>, vector<1x16xi32>,
        %swap3A_407 = vector.shape_cast %swap3A_406 : vector<1x16xi32> to vector<16xi32>
        %swap3A_408 = vector.shape_cast %select_n3A_401 : vector<16xi32> to vector<1x16xi32>
        tpu.vector_store %arg11[%swap3A_404, %swap3A_405], %swap3A_408 {strides = array<i32>} : memref<8x64xi32, #tpu.memory_space<vmem>>, vector<1x16xi32>,
        %get3A_409 = arith.constant 16 : index
        %get3A_410 = tpu.vector_load %arg9[%get3A_409] {strides = array<i32>} : memref<144xi32, #tpu.memory_space<vmem>>, vector<16xi32>,
        %get3A_411 = vector.shape_cast %get3A_410 : vector<16xi32> to vector<16xi32>
        %get3A_412 = arith.constant 16 : index
        %get3A_413 = tpu.vector_load %arg10[%get3A_412] {strides = array<i32>} : memref<144xi32, #tpu.memory_space<vmem>>, vector<16xi32>,
        %get3A_414 = vector.shape_cast %get3A_413 : vector<16xi32> to vector<16xi32>
        %mul3A_415 = arith.muli %shift_right_logical3A_311, %get3A_411 : vector<16xi32>
        %shift_right_logical3A_416 = arith.constant 5 : i32
        %shift_right_logical3A_417 = vector.broadcast %shift_right_logical3A_416 : i32 to vector<16xi32>
        %shift_right_logical3A_418 = arith.shrui %mul3A_415, %shift_right_logical3A_417 : vector<16xi32>
        %and3A_419 = arith.constant 31 : i32
        %and3A_420 = vector.broadcast %and3A_419 : i32 to vector<16xi32>
        %and3A_421 = arith.andi %mul3A_415, %and3A_420 : vector<16xi32>
        %shift_left3A_422 = arith.constant 26 : i32
        %shift_left3A_423 = vector.broadcast %shift_left3A_422 : i32 to vector<16xi32>
        %shift_left3A_424 = arith.shli %and3A_421, %shift_left3A_423 : vector<16xi32>
        %add3A_425 = arith.addi %shift_right_logical3A_418, %shift_left3A_424 : vector<16xi32>
        %mul3A_426 = arith.muli %shift_right_logical3A_311, %get3A_414 : vector<16xi32>
        %shift_right_logical3A_427 = arith.constant 21 : i32
        %shift_right_logical3A_428 = vector.broadcast %shift_right_logical3A_427 : i32 to vector<16xi32>
        %shift_right_logical3A_429 = arith.shrui %mul3A_426, %shift_right_logical3A_428 : vector<16xi32>
        %and3A_430 = arith.constant 2097151 : i32
        %and3A_431 = vector.broadcast %and3A_430 : i32 to vector<16xi32>
        %and3A_432 = arith.andi %mul3A_426, %and3A_431 : vector<16xi32>
        %shift_left3A_433 = arith.constant 10 : i32
        %shift_left3A_434 = vector.broadcast %shift_left3A_433 : i32 to vector<16xi32>
        %shift_left3A_435 = arith.shli %and3A_432, %shift_left3A_434 : vector<16xi32>
        %add3A_436 = arith.addi %shift_right_logical3A_429, %shift_left3A_435 : vector<16xi32>
        %mul3A_437 = arith.muli %and3A_313, %get3A_411 : vector<16xi32>
        %shift_right_logical3A_438 = arith.constant 15 : i32
        %shift_right_logical3A_439 = vector.broadcast %shift_right_logical3A_438 : i32 to vector<16xi32>
        %shift_right_logical3A_440 = arith.shrui %mul3A_437, %shift_right_logical3A_439 : vector<16xi32>
        %and3A_441 = arith.constant 32767 : i32
        %and3A_442 = vector.broadcast %and3A_441 : i32 to vector<16xi32>
        %and3A_443 = arith.andi %mul3A_437, %and3A_442 : vector<16xi32>
        %shift_left3A_444 = arith.constant 16 : i32
        %shift_left3A_445 = vector.broadcast %shift_left3A_444 : i32 to vector<16xi32>
        %shift_left3A_446 = arith.shli %and3A_443, %shift_left3A_445 : vector<16xi32>
        %add3A_447 = arith.addi %shift_right_logical3A_440, %shift_left3A_446 : vector<16xi32>
        %mul3A_448 = arith.muli %and3A_313, %get3A_414 : vector<16xi32>
        %add3A_449 = arith.addi %add3A_425, %add3A_436 : vector<16xi32>
        %shift_right_logical3A_450 = arith.constant 31 : i32
        %shift_right_logical3A_451 = vector.broadcast %shift_right_logical3A_450 : i32 to vector<16xi32>
        %shift_right_logical3A_452 = arith.shrui %add3A_449, %shift_right_logical3A_451 : vector<16xi32>
        %and3A_453 = arith.constant 2147483647 : i32
        %and3A_454 = vector.broadcast %and3A_453 : i32 to vector<16xi32>
        %and3A_455 = arith.andi %add3A_449, %and3A_454 : vector<16xi32>
        %add3A_456 = arith.addi %shift_right_logical3A_452, %and3A_455 : vector<16xi32>
        %add3A_457 = arith.addi %add3A_456, %add3A_447 : vector<16xi32>
        %shift_right_logical3A_458 = arith.constant 31 : i32
        %shift_right_logical3A_459 = vector.broadcast %shift_right_logical3A_458 : i32 to vector<16xi32>
        %shift_right_logical3A_460 = arith.shrui %add3A_457, %shift_right_logical3A_459 : vector<16xi32>
        %and3A_461 = arith.constant 2147483647 : i32
        %and3A_462 = vector.broadcast %and3A_461 : i32 to vector<16xi32>
        %and3A_463 = arith.andi %add3A_457, %and3A_462 : vector<16xi32>
        %add3A_464 = arith.addi %shift_right_logical3A_460, %and3A_463 : vector<16xi32>
        %add3A_465 = arith.addi %add3A_464, %mul3A_448 : vector<16xi32>
        %shift_right_logical3A_466 = arith.constant 31 : i32
        %shift_right_logical3A_467 = vector.broadcast %shift_right_logical3A_466 : i32 to vector<16xi32>
        %shift_right_logical3A_468 = arith.shrui %add3A_465, %shift_right_logical3A_467 : vector<16xi32>
        %and3A_469 = arith.constant 2147483647 : i32
        %and3A_470 = vector.broadcast %and3A_469 : i32 to vector<16xi32>
        %and3A_471 = arith.andi %add3A_465, %and3A_470 : vector<16xi32>
        %add3A_472 = arith.addi %shift_right_logical3A_468, %and3A_471 : vector<16xi32>
        %ge3A_473 = arith.constant 2147483647 : i32
        %ge3A_474 = vector.broadcast %ge3A_473 : i32 to vector<16xi32>
        %ge3A_475 = arith.cmpi uge, %add3A_472, %ge3A_474 : vector<16xi32>
        %sub3A_476 = arith.constant 2147483647 : i32
        %sub3A_477 = vector.broadcast %sub3A_476 : i32 to vector<16xi32>
        %sub3A_478 = arith.subi %add3A_472, %sub3A_477 : vector<16xi32>
        %select_n3A_479 = arith.select %ge3A_475, %sub3A_478, %add3A_472 : vector<16xi1>, vector<16xi32>
        %jit3A_480 = arith.constant 71428 : i32
        %eq3A_481 = arith.constant 0 : i32
        %eq3A_482 = arith.cmpi eq, %jit3A_480, %eq3A_481 : i32
        %jit3A_483 = arith.constant 1 : i32
        %select_n3A_484 = arith.select %eq3A_482, %jit3A_483, %jit3A_480 : i32
        %rem3A_485 = vector.broadcast %select_n3A_484 : i32 to vector<16xi32>
        %rem3A_486 = arith.remui %select_n3A_479, %rem3A_485 : vector<16xi32>
        %ne3A_487 = arith.constant 0 : i32
        %ne3A_488 = vector.broadcast %ne3A_487 : i32 to vector<16xi32>
        %ne3A_489 = arith.cmpi ne, %rem3A_486, %ne3A_488 : vector<16xi32>
        %lt3A_490 = arith.constant 0 : i32
        %lt3A_491 = vector.broadcast %lt3A_490 : i32 to vector<16xi32>
        %lt3A_492 = arith.cmpi ult, %rem3A_486, %lt3A_491 : vector<16xi32>
        %lt3A_493 = arith.constant 0 : i32
        %lt3A_494 = arith.cmpi ult, %select_n3A_484, %lt3A_493 : i32
        %ne3A_495 = vector.broadcast %lt3A_494 : i1 to vector<16xi1>
        %ne3A_496 = vector.broadcast %ne3A_495 : vector<16xi1> to vector<16xi1>
        %ne3A_497 = arith.xori %lt3A_492, %ne3A_496 : vector<16xi1>
        %and3A_498 = arith.andi %ne3A_497, %ne3A_489 : vector<16xi1>
        %add3A_499 = vector.broadcast %select_n3A_484 : i32 to vector<16xi32>
        %add3A_500 = arith.addi %rem3A_486, %add3A_499 : vector<16xi32>
        %select_n3A_501 = arith.select %and3A_498, %add3A_500, %rem3A_486 : vector<16xi1>, vector<16xi32>
        %mul3A_502 = arith.constant 16 : i32
        %mul3A_503 = arith.muli %while3A_302, %mul3A_502 : i32
        %swap3A_504 = arith.constant 1 : i32
        %swap3A_505 = arith.index_cast %swap3A_504 : i32 to index
        %swap3A_506 = arith.index_cast %mul3A_503 : i32 to index
        %swap3A_507 = tpu.vector_load %arg11[%swap3A_505, %swap3A_506] {strides = array<i32>} : memref<8x64xi32, #tpu.memory_space<vmem>>, vector<1x16xi32>,
        %swap3A_508 = vector.shape_cast %swap3A_507 : vector<1x16xi32> to vector<16xi32>
        %swap3A_509 = vector.shape_cast %select_n3A_501 : vector<16xi32> to vector<1x16xi32>
        tpu.vector_store %arg11[%swap3A_505, %swap3A_506], %swap3A_509 {strides = array<i32>} : memref<8x64xi32, #tpu.memory_space<vmem>>, vector<1x16xi32>,
        %get3A_510 = arith.constant 32 : index
        %get3A_511 = tpu.vector_load %arg9[%get3A_510] {strides = array<i32>} : memref<144xi32, #tpu.memory_space<vmem>>, vector<16xi32>,
        %get3A_512 = vector.shape_cast %get3A_511 : vector<16xi32> to vector<16xi32>
        %get3A_513 = arith.constant 32 : index
        %get3A_514 = tpu.vector_load %arg10[%get3A_513] {strides = array<i32>} : memref<144xi32, #tpu.memory_space<vmem>>, vector<16xi32>,
        %get3A_515 = vector.shape_cast %get3A_514 : vector<16xi32> to vector<16xi32>
        %mul3A_516 = arith.muli %shift_right_logical3A_311, %get3A_512 : vector<16xi32>
        %shift_right_logical3A_517 = arith.constant 5 : i32
        %shift_right_logical3A_518 = vector.broadcast %shift_right_logical3A_517 : i32 to vector<16xi32>
        %shift_right_logical3A_519 = arith.shrui %mul3A_516, %shift_right_logical3A_518 : vector<16xi32>
        %and3A_520 = arith.constant 31 : i32
        %and3A_521 = vector.broadcast %and3A_520 : i32 to vector<16xi32>
        %and3A_522 = arith.andi %mul3A_516, %and3A_521 : vector<16xi32>
        %shift_left3A_523 = arith.constant 26 : i32
        %shift_left3A_524 = vector.broadcast %shift_left3A_523 : i32 to vector<16xi32>
        %shift_left3A_525 = arith.shli %and3A_522, %shift_left3A_524 : vector<16xi32>
        %add3A_526 = arith.addi %shift_right_logical3A_519, %shift_left3A_525 : vector<16xi32>
        %mul3A_527 = arith.muli %shift_right_logical3A_311, %get3A_515 : vector<16xi32>
        %shift_right_logical3A_528 = arith.constant 21 : i32
        %shift_right_logical3A_529 = vector.broadcast %shift_right_logical3A_528 : i32 to vector<16xi32>
        %shift_right_logical3A_530 = arith.shrui %mul3A_527, %shift_right_logical3A_529 : vector<16xi32>
        %and3A_531 = arith.constant 2097151 : i32
        %and3A_532 = vector.broadcast %and3A_531 : i32 to vector<16xi32>
        %and3A_533 = arith.andi %mul3A_527, %and3A_532 : vector<16xi32>
        %shift_left3A_534 = arith.constant 10 : i32
        %shift_left3A_535 = vector.broadcast %shift_left3A_534 : i32 to vector<16xi32>
        %shift_left3A_536 = arith.shli %and3A_533, %shift_left3A_535 : vector<16xi32>
        %add3A_537 = arith.addi %shift_right_logical3A_530, %shift_left3A_536 : vector<16xi32>
        %mul3A_538 = arith.muli %and3A_313, %get3A_512 : vector<16xi32>
        %shift_right_logical3A_539 = arith.constant 15 : i32
        %shift_right_logical3A_540 = vector.broadcast %shift_right_logical3A_539 : i32 to vector<16xi32>
        %shift_right_logical3A_541 = arith.shrui %mul3A_538, %shift_right_logical3A_540 : vector<16xi32>
        %and3A_542 = arith.constant 32767 : i32
        %and3A_543 = vector.broadcast %and3A_542 : i32 to vector<16xi32>
        %and3A_544 = arith.andi %mul3A_538, %and3A_543 : vector<16xi32>
        %shift_left3A_545 = arith.constant 16 : i32
        %shift_left3A_546 = vector.broadcast %shift_left3A_545 : i32 to vector<16xi32>
        %shift_left3A_547 = arith.shli %and3A_544, %shift_left3A_546 : vector<16xi32>
        %add3A_548 = arith.addi %shift_right_logical3A_541, %shift_left3A_547 : vector<16xi32>
        %mul3A_549 = arith.muli %and3A_313, %get3A_515 : vector<16xi32>
        %add3A_550 = arith.addi %add3A_526, %add3A_537 : vector<16xi32>
        %shift_right_logical3A_551 = arith.constant 31 : i32
        %shift_right_logical3A_552 = vector.broadcast %shift_right_logical3A_551 : i32 to vector<16xi32>
        %shift_right_logical3A_553 = arith.shrui %add3A_550, %shift_right_logical3A_552 : vector<16xi32>
        %and3A_554 = arith.constant 2147483647 : i32
        %and3A_555 = vector.broadcast %and3A_554 : i32 to vector<16xi32>
        %and3A_556 = arith.andi %add3A_550, %and3A_555 : vector<16xi32>
        %add3A_557 = arith.addi %shift_right_logical3A_553, %and3A_556 : vector<16xi32>
        %add3A_558 = arith.addi %add3A_557, %add3A_548 : vector<16xi32>
        %shift_right_logical3A_559 = arith.constant 31 : i32
        %shift_right_logical3A_560 = vector.broadcast %shift_right_logical3A_559 : i32 to vector<16xi32>
        %shift_right_logical3A_561 = arith.shrui %add3A_558, %shift_right_logical3A_560 : vector<16xi32>
        %and3A_562 = arith.constant 2147483647 : i32
        %and3A_563 = vector.broadcast %and3A_562 : i32 to vector<16xi32>
        %and3A_564 = arith.andi %add3A_558, %and3A_563 : vector<16xi32>
        %add3A_565 = arith.addi %shift_right_logical3A_561, %and3A_564 : vector<16xi32>
        %add3A_566 = arith.addi %add3A_565, %mul3A_549 : vector<16xi32>
        %shift_right_logical3A_567 = arith.constant 31 : i32
        %shift_right_logical3A_568 = vector.broadcast %shift_right_logical3A_567 : i32 to vector<16xi32>
        %shift_right_logical3A_569 = arith.shrui %add3A_566, %shift_right_logical3A_568 : vector<16xi32>
        %and3A_570 = arith.constant 2147483647 : i32
        %and3A_571 = vector.broadcast %and3A_570 : i32 to vector<16xi32>
        %and3A_572 = arith.andi %add3A_566, %and3A_571 : vector<16xi32>
        %add3A_573 = arith.addi %shift_right_logical3A_569, %and3A_572 : vector<16xi32>
        %ge3A_574 = arith.constant 2147483647 : i32
        %ge3A_575 = vector.broadcast %ge3A_574 : i32 to vector<16xi32>
        %ge3A_576 = arith.cmpi uge, %add3A_573, %ge3A_575 : vector<16xi32>
        %sub3A_577 = arith.constant 2147483647 : i32
        %sub3A_578 = vector.broadcast %sub3A_577 : i32 to vector<16xi32>
        %sub3A_579 = arith.subi %add3A_573, %sub3A_578 : vector<16xi32>
        %select_n3A_580 = arith.select %ge3A_576, %sub3A_579, %add3A_573 : vector<16xi1>, vector<16xi32>
        %jit3A_581 = arith.constant 71428 : i32
        %eq3A_582 = arith.constant 0 : i32
        %eq3A_583 = arith.cmpi eq, %jit3A_581, %eq3A_582 : i32
        %jit3A_584 = arith.constant 1 : i32
        %select_n3A_585 = arith.select %eq3A_583, %jit3A_584, %jit3A_581 : i32
        %rem3A_586 = vector.broadcast %select_n3A_585 : i32 to vector<16xi32>
        %rem3A_587 = arith.remui %select_n3A_580, %rem3A_586 : vector<16xi32>
        %ne3A_588 = arith.constant 0 : i32
        %ne3A_589 = vector.broadcast %ne3A_588 : i32 to vector<16xi32>
        %ne3A_590 = arith.cmpi ne, %rem3A_587, %ne3A_589 : vector<16xi32>
        %lt3A_591 = arith.constant 0 : i32
        %lt3A_592 = vector.broadcast %lt3A_591 : i32 to vector<16xi32>
        %lt3A_593 = arith.cmpi ult, %rem3A_587, %lt3A_592 : vector<16xi32>
        %lt3A_594 = arith.constant 0 : i32
        %lt3A_595 = arith.cmpi ult, %select_n3A_585, %lt3A_594 : i32
        %ne3A_596 = vector.broadcast %lt3A_595 : i1 to vector<16xi1>
        %ne3A_597 = vector.broadcast %ne3A_596 : vector<16xi1> to vector<16xi1>
        %ne3A_598 = arith.xori %lt3A_593, %ne3A_597 : vector<16xi1>
        %and3A_599 = arith.andi %ne3A_598, %ne3A_590 : vector<16xi1>
        %add3A_600 = vector.broadcast %select_n3A_585 : i32 to vector<16xi32>
        %add3A_601 = arith.addi %rem3A_587, %add3A_600 : vector<16xi32>
        %select_n3A_602 = arith.select %and3A_599, %add3A_601, %rem3A_587 : vector<16xi1>, vector<16xi32>
        %mul3A_603 = arith.constant 16 : i32
        %mul3A_604 = arith.muli %while3A_302, %mul3A_603 : i32
        %swap3A_605 = arith.constant 2 : i32
        %swap3A_606 = arith.index_cast %swap3A_605 : i32 to index
        %swap3A_607 = arith.index_cast %mul3A_604 : i32 to index
        %swap3A_608 = tpu.vector_load %arg11[%swap3A_606, %swap3A_607] {strides = array<i32>} : memref<8x64xi32, #tpu.memory_space<vmem>>, vector<1x16xi32>,
        %swap3A_609 = vector.shape_cast %swap3A_608 : vector<1x16xi32> to vector<16xi32>
        %swap3A_610 = vector.shape_cast %select_n3A_602 : vector<16xi32> to vector<1x16xi32>
        tpu.vector_store %arg11[%swap3A_606, %swap3A_607], %swap3A_610 {strides = array<i32>} : memref<8x64xi32, #tpu.memory_space<vmem>>, vector<1x16xi32>,
        %get3A_611 = arith.constant 48 : index
        %get3A_612 = tpu.vector_load %arg9[%get3A_611] {strides = array<i32>} : memref<144xi32, #tpu.memory_space<vmem>>, vector<16xi32>,
        %get3A_613 = vector.shape_cast %get3A_612 : vector<16xi32> to vector<16xi32>
        %get3A_614 = arith.constant 48 : index
        %get3A_615 = tpu.vector_load %arg10[%get3A_614] {strides = array<i32>} : memref<144xi32, #tpu.memory_space<vmem>>, vector<16xi32>,
        %get3A_616 = vector.shape_cast %get3A_615 : vector<16xi32> to vector<16xi32>
        %mul3A_617 = arith.muli %shift_right_logical3A_311, %get3A_613 : vector<16xi32>
        %shift_right_logical3A_618 = arith.constant 5 : i32
        %shift_right_logical3A_619 = vector.broadcast %shift_right_logical3A_618 : i32 to vector<16xi32>
        %shift_right_logical3A_620 = arith.shrui %mul3A_617, %shift_right_logical3A_619 : vector<16xi32>
        %and3A_621 = arith.constant 31 : i32
        %and3A_622 = vector.broadcast %and3A_621 : i32 to vector<16xi32>
        %and3A_623 = arith.andi %mul3A_617, %and3A_622 : vector<16xi32>
        %shift_left3A_624 = arith.constant 26 : i32
        %shift_left3A_625 = vector.broadcast %shift_left3A_624 : i32 to vector<16xi32>
        %shift_left3A_626 = arith.shli %and3A_623, %shift_left3A_625 : vector<16xi32>
        %add3A_627 = arith.addi %shift_right_logical3A_620, %shift_left3A_626 : vector<16xi32>
        %mul3A_628 = arith.muli %shift_right_logical3A_311, %get3A_616 : vector<16xi32>
        %shift_right_logical3A_629 = arith.constant 21 : i32
        %shift_right_logical3A_630 = vector.broadcast %shift_right_logical3A_629 : i32 to vector<16xi32>
        %shift_right_logical3A_631 = arith.shrui %mul3A_628, %shift_right_logical3A_630 : vector<16xi32>
        %and3A_632 = arith.constant 2097151 : i32
        %and3A_633 = vector.broadcast %and3A_632 : i32 to vector<16xi32>
        %and3A_634 = arith.andi %mul3A_628, %and3A_633 : vector<16xi32>
        %shift_left3A_635 = arith.constant 10 : i32
        %shift_left3A_636 = vector.broadcast %shift_left3A_635 : i32 to vector<16xi32>
        %shift_left3A_637 = arith.shli %and3A_634, %shift_left3A_636 : vector<16xi32>
        %add3A_638 = arith.addi %shift_right_logical3A_631, %shift_left3A_637 : vector<16xi32>
        %mul3A_639 = arith.muli %and3A_313, %get3A_613 : vector<16xi32>
        %shift_right_logical3A_640 = arith.constant 15 : i32
        %shift_right_logical3A_641 = vector.broadcast %shift_right_logical3A_640 : i32 to vector<16xi32>
        %shift_right_logical3A_642 = arith.shrui %mul3A_639, %shift_right_logical3A_641 : vector<16xi32>
        %and3A_643 = arith.constant 32767 : i32
        %and3A_644 = vector.broadcast %and3A_643 : i32 to vector<16xi32>
        %and3A_645 = arith.andi %mul3A_639, %and3A_644 : vector<16xi32>
        %shift_left3A_646 = arith.constant 16 : i32
        %shift_left3A_647 = vector.broadcast %shift_left3A_646 : i32 to vector<16xi32>
        %shift_left3A_648 = arith.shli %and3A_645, %shift_left3A_647 : vector<16xi32>
        %add3A_649 = arith.addi %shift_right_logical3A_642, %shift_left3A_648 : vector<16xi32>
        %mul3A_650 = arith.muli %and3A_313, %get3A_616 : vector<16xi32>
        %add3A_651 = arith.addi %add3A_627, %add3A_638 : vector<16xi32>
        %shift_right_logical3A_652 = arith.constant 31 : i32
        %shift_right_logical3A_653 = vector.broadcast %shift_right_logical3A_652 : i32 to vector<16xi32>
        %shift_right_logical3A_654 = arith.shrui %add3A_651, %shift_right_logical3A_653 : vector<16xi32>
        %and3A_655 = arith.constant 2147483647 : i32
        %and3A_656 = vector.broadcast %and3A_655 : i32 to vector<16xi32>
        %and3A_657 = arith.andi %add3A_651, %and3A_656 : vector<16xi32>
        %add3A_658 = arith.addi %shift_right_logical3A_654, %and3A_657 : vector<16xi32>
        %add3A_659 = arith.addi %add3A_658, %add3A_649 : vector<16xi32>
        %shift_right_logical3A_660 = arith.constant 31 : i32
        %shift_right_logical3A_661 = vector.broadcast %shift_right_logical3A_660 : i32 to vector<16xi32>
        %shift_right_logical3A_662 = arith.shrui %add3A_659, %shift_right_logical3A_661 : vector<16xi32>
        %and3A_663 = arith.constant 2147483647 : i32
        %and3A_664 = vector.broadcast %and3A_663 : i32 to vector<16xi32>
        %and3A_665 = arith.andi %add3A_659, %and3A_664 : vector<16xi32>
        %add3A_666 = arith.addi %shift_right_logical3A_662, %and3A_665 : vector<16xi32>
        %add3A_667 = arith.addi %add3A_666, %mul3A_650 : vector<16xi32>
        %shift_right_logical3A_668 = arith.constant 31 : i32
        %shift_right_logical3A_669 = vector.broadcast %shift_right_logical3A_668 : i32 to vector<16xi32>
        %shift_right_logical3A_670 = arith.shrui %add3A_667, %shift_right_logical3A_669 : vector<16xi32>
        %and3A_671 = arith.constant 2147483647 : i32
        %and3A_672 = vector.broadcast %and3A_671 : i32 to vector<16xi32>
        %and3A_673 = arith.andi %add3A_667, %and3A_672 : vector<16xi32>
        %add3A_674 = arith.addi %shift_right_logical3A_670, %and3A_673 : vector<16xi32>
        %ge3A_675 = arith.constant 2147483647 : i32
        %ge3A_676 = vector.broadcast %ge3A_675 : i32 to vector<16xi32>
        %ge3A_677 = arith.cmpi uge, %add3A_674, %ge3A_676 : vector<16xi32>
        %sub3A_678 = arith.constant 2147483647 : i32
        %sub3A_679 = vector.broadcast %sub3A_678 : i32 to vector<16xi32>
        %sub3A_680 = arith.subi %add3A_674, %sub3A_679 : vector<16xi32>
        %select_n3A_681 = arith.select %ge3A_677, %sub3A_680, %add3A_674 : vector<16xi1>, vector<16xi32>
        %jit3A_682 = arith.constant 71428 : i32
        %eq3A_683 = arith.constant 0 : i32
        %eq3A_684 = arith.cmpi eq, %jit3A_682, %eq3A_683 : i32
        %jit3A_685 = arith.constant 1 : i32
        %select_n3A_686 = arith.select %eq3A_684, %jit3A_685, %jit3A_682 : i32
        %rem3A_687 = vector.broadcast %select_n3A_686 : i32 to vector<16xi32>
        %rem3A_688 = arith.remui %select_n3A_681, %rem3A_687 : vector<16xi32>
        %ne3A_689 = arith.constant 0 : i32
        %ne3A_690 = vector.broadcast %ne3A_689 : i32 to vector<16xi32>
        %ne3A_691 = arith.cmpi ne, %rem3A_688, %ne3A_690 : vector<16xi32>
        %lt3A_692 = arith.constant 0 : i32
        %lt3A_693 = vector.broadcast %lt3A_692 : i32 to vector<16xi32>
        %lt3A_694 = arith.cmpi ult, %rem3A_688, %lt3A_693 : vector<16xi32>
        %lt3A_695 = arith.constant 0 : i32
        %lt3A_696 = arith.cmpi ult, %select_n3A_686, %lt3A_695 : i32
        %ne3A_697 = vector.broadcast %lt3A_696 : i1 to vector<16xi1>
        %ne3A_698 = vector.broadcast %ne3A_697 : vector<16xi1> to vector<16xi1>
        %ne3A_699 = arith.xori %lt3A_694, %ne3A_698 : vector<16xi1>
        %and3A_700 = arith.andi %ne3A_699, %ne3A_691 : vector<16xi1>
        %add3A_701 = vector.broadcast %select_n3A_686 : i32 to vector<16xi32>
        %add3A_702 = arith.addi %rem3A_688, %add3A_701 : vector<16xi32>
        %select_n3A_703 = arith.select %and3A_700, %add3A_702, %rem3A_688 : vector<16xi1>, vector<16xi32>
        %mul3A_704 = arith.constant 16 : i32
        %mul3A_705 = arith.muli %while3A_302, %mul3A_704 : i32
        %swap3A_706 = arith.constant 3 : i32
        %swap3A_707 = arith.index_cast %swap3A_706 : i32 to index
        %swap3A_708 = arith.index_cast %mul3A_705 : i32 to index
        %swap3A_709 = tpu.vector_load %arg11[%swap3A_707, %swap3A_708] {strides = array<i32>} : memref<8x64xi32, #tpu.memory_space<vmem>>, vector<1x16xi32>,
        %swap3A_710 = vector.shape_cast %swap3A_709 : vector<1x16xi32> to vector<16xi32>
        %swap3A_711 = vector.shape_cast %select_n3A_703 : vector<16xi32> to vector<1x16xi32>
        tpu.vector_store %arg11[%swap3A_707, %swap3A_708], %swap3A_711 {strides = array<i32>} : memref<8x64xi32, #tpu.memory_space<vmem>>, vector<1x16xi32>,
        %get3A_712 = arith.constant 64 : index
        %get3A_713 = tpu.vector_load %arg9[%get3A_712] {strides = array<i32>} : memref<144xi32, #tpu.memory_space<vmem>>, vector<16xi32>,
        %get3A_714 = vector.shape_cast %get3A_713 : vector<16xi32> to vector<16xi32>
        %get3A_715 = arith.constant 64 : index
        %get3A_716 = tpu.vector_load %arg10[%get3A_715] {strides = array<i32>} : memref<144xi32, #tpu.memory_space<vmem>>, vector<16xi32>,
        %get3A_717 = vector.shape_cast %get3A_716 : vector<16xi32> to vector<16xi32>
        %mul3A_718 = arith.muli %shift_right_logical3A_311, %get3A_714 : vector<16xi32>
        %shift_right_logical3A_719 = arith.constant 5 : i32
        %shift_right_logical3A_720 = vector.broadcast %shift_right_logical3A_719 : i32 to vector<16xi32>
        %shift_right_logical3A_721 = arith.shrui %mul3A_718, %shift_right_logical3A_720 : vector<16xi32>
        %and3A_722 = arith.constant 31 : i32
        %and3A_723 = vector.broadcast %and3A_722 : i32 to vector<16xi32>
        %and3A_724 = arith.andi %mul3A_718, %and3A_723 : vector<16xi32>
        %shift_left3A_725 = arith.constant 26 : i32
        %shift_left3A_726 = vector.broadcast %shift_left3A_725 : i32 to vector<16xi32>
        %shift_left3A_727 = arith.shli %and3A_724, %shift_left3A_726 : vector<16xi32>
        %add3A_728 = arith.addi %shift_right_logical3A_721, %shift_left3A_727 : vector<16xi32>
        %mul3A_729 = arith.muli %shift_right_logical3A_311, %get3A_717 : vector<16xi32>
        %shift_right_logical3A_730 = arith.constant 21 : i32
        %shift_right_logical3A_731 = vector.broadcast %shift_right_logical3A_730 : i32 to vector<16xi32>
        %shift_right_logical3A_732 = arith.shrui %mul3A_729, %shift_right_logical3A_731 : vector<16xi32>
        %and3A_733 = arith.constant 2097151 : i32
        %and3A_734 = vector.broadcast %and3A_733 : i32 to vector<16xi32>
        %and3A_735 = arith.andi %mul3A_729, %and3A_734 : vector<16xi32>
        %shift_left3A_736 = arith.constant 10 : i32
        %shift_left3A_737 = vector.broadcast %shift_left3A_736 : i32 to vector<16xi32>
        %shift_left3A_738 = arith.shli %and3A_735, %shift_left3A_737 : vector<16xi32>
        %add3A_739 = arith.addi %shift_right_logical3A_732, %shift_left3A_738 : vector<16xi32>
        %mul3A_740 = arith.muli %and3A_313, %get3A_714 : vector<16xi32>
        %shift_right_logical3A_741 = arith.constant 15 : i32
        %shift_right_logical3A_742 = vector.broadcast %shift_right_logical3A_741 : i32 to vector<16xi32>
        %shift_right_logical3A_743 = arith.shrui %mul3A_740, %shift_right_logical3A_742 : vector<16xi32>
        %and3A_744 = arith.constant 32767 : i32
        %and3A_745 = vector.broadcast %and3A_744 : i32 to vector<16xi32>
        %and3A_746 = arith.andi %mul3A_740, %and3A_745 : vector<16xi32>
        %shift_left3A_747 = arith.constant 16 : i32
        %shift_left3A_748 = vector.broadcast %shift_left3A_747 : i32 to vector<16xi32>
        %shift_left3A_749 = arith.shli %and3A_746, %shift_left3A_748 : vector<16xi32>
        %add3A_750 = arith.addi %shift_right_logical3A_743, %shift_left3A_749 : vector<16xi32>
        %mul3A_751 = arith.muli %and3A_313, %get3A_717 : vector<16xi32>
        %add3A_752 = arith.addi %add3A_728, %add3A_739 : vector<16xi32>
        %shift_right_logical3A_753 = arith.constant 31 : i32
        %shift_right_logical3A_754 = vector.broadcast %shift_right_logical3A_753 : i32 to vector<16xi32>
        %shift_right_logical3A_755 = arith.shrui %add3A_752, %shift_right_logical3A_754 : vector<16xi32>
        %and3A_756 = arith.constant 2147483647 : i32
        %and3A_757 = vector.broadcast %and3A_756 : i32 to vector<16xi32>
        %and3A_758 = arith.andi %add3A_752, %and3A_757 : vector<16xi32>
        %add3A_759 = arith.addi %shift_right_logical3A_755, %and3A_758 : vector<16xi32>
        %add3A_760 = arith.addi %add3A_759, %add3A_750 : vector<16xi32>
        %shift_right_logical3A_761 = arith.constant 31 : i32
        %shift_right_logical3A_762 = vector.broadcast %shift_right_logical3A_761 : i32 to vector<16xi32>
        %shift_right_logical3A_763 = arith.shrui %add3A_760, %shift_right_logical3A_762 : vector<16xi32>
        %and3A_764 = arith.constant 2147483647 : i32
        %and3A_765 = vector.broadcast %and3A_764 : i32 to vector<16xi32>
        %and3A_766 = arith.andi %add3A_760, %and3A_765 : vector<16xi32>
        %add3A_767 = arith.addi %shift_right_logical3A_763, %and3A_766 : vector<16xi32>
        %add3A_768 = arith.addi %add3A_767, %mul3A_751 : vector<16xi32>
        %shift_right_logical3A_769 = arith.constant 31 : i32
        %shift_right_logical3A_770 = vector.broadcast %shift_right_logical3A_769 : i32 to vector<16xi32>
        %shift_right_logical3A_771 = arith.shrui %add3A_768, %shift_right_logical3A_770 : vector<16xi32>
        %and3A_772 = arith.constant 2147483647 : i32
        %and3A_773 = vector.broadcast %and3A_772 : i32 to vector<16xi32>
        %and3A_774 = arith.andi %add3A_768, %and3A_773 : vector<16xi32>
        %add3A_775 = arith.addi %shift_right_logical3A_771, %and3A_774 : vector<16xi32>
        %ge3A_776 = arith.constant 2147483647 : i32
        %ge3A_777 = vector.broadcast %ge3A_776 : i32 to vector<16xi32>
        %ge3A_778 = arith.cmpi uge, %add3A_775, %ge3A_777 : vector<16xi32>
        %sub3A_779 = arith.constant 2147483647 : i32
        %sub3A_780 = vector.broadcast %sub3A_779 : i32 to vector<16xi32>
        %sub3A_781 = arith.subi %add3A_775, %sub3A_780 : vector<16xi32>
        %select_n3A_782 = arith.select %ge3A_778, %sub3A_781, %add3A_775 : vector<16xi1>, vector<16xi32>
        %jit3A_783 = arith.constant 71428 : i32
        %eq3A_784 = arith.constant 0 : i32
        %eq3A_785 = arith.cmpi eq, %jit3A_783, %eq3A_784 : i32
        %jit3A_786 = arith.constant 1 : i32
        %select_n3A_787 = arith.select %eq3A_785, %jit3A_786, %jit3A_783 : i32
        %rem3A_788 = vector.broadcast %select_n3A_787 : i32 to vector<16xi32>
        %rem3A_789 = arith.remui %select_n3A_782, %rem3A_788 : vector<16xi32>
        %ne3A_790 = arith.constant 0 : i32
        %ne3A_791 = vector.broadcast %ne3A_790 : i32 to vector<16xi32>
        %ne3A_792 = arith.cmpi ne, %rem3A_789, %ne3A_791 : vector<16xi32>
        %lt3A_793 = arith.constant 0 : i32
        %lt3A_794 = vector.broadcast %lt3A_793 : i32 to vector<16xi32>
        %lt3A_795 = arith.cmpi ult, %rem3A_789, %lt3A_794 : vector<16xi32>
        %lt3A_796 = arith.constant 0 : i32
        %lt3A_797 = arith.cmpi ult, %select_n3A_787, %lt3A_796 : i32
        %ne3A_798 = vector.broadcast %lt3A_797 : i1 to vector<16xi1>
        %ne3A_799 = vector.broadcast %ne3A_798 : vector<16xi1> to vector<16xi1>
        %ne3A_800 = arith.xori %lt3A_795, %ne3A_799 : vector<16xi1>
        %and3A_801 = arith.andi %ne3A_800, %ne3A_792 : vector<16xi1>
        %add3A_802 = vector.broadcast %select_n3A_787 : i32 to vector<16xi32>
        %add3A_803 = arith.addi %rem3A_789, %add3A_802 : vector<16xi32>
        %select_n3A_804 = arith.select %and3A_801, %add3A_803, %rem3A_789 : vector<16xi1>, vector<16xi32>
        %mul3A_805 = arith.constant 16 : i32
        %mul3A_806 = arith.muli %while3A_302, %mul3A_805 : i32
        %swap3A_807 = arith.constant 4 : i32
        %swap3A_808 = arith.index_cast %swap3A_807 : i32 to index
        %swap3A_809 = arith.index_cast %mul3A_806 : i32 to index
        %swap3A_810 = tpu.vector_load %arg11[%swap3A_808, %swap3A_809] {strides = array<i32>} : memref<8x64xi32, #tpu.memory_space<vmem>>, vector<1x16xi32>,
        %swap3A_811 = vector.shape_cast %swap3A_810 : vector<1x16xi32> to vector<16xi32>
        %swap3A_812 = vector.shape_cast %select_n3A_804 : vector<16xi32> to vector<1x16xi32>
        tpu.vector_store %arg11[%swap3A_808, %swap3A_809], %swap3A_812 {strides = array<i32>} : memref<8x64xi32, #tpu.memory_space<vmem>>, vector<1x16xi32>,
        %get3A_813 = arith.constant 80 : index
        %get3A_814 = tpu.vector_load %arg9[%get3A_813] {strides = array<i32>} : memref<144xi32, #tpu.memory_space<vmem>>, vector<16xi32>,
        %get3A_815 = vector.shape_cast %get3A_814 : vector<16xi32> to vector<16xi32>
        %get3A_816 = arith.constant 80 : index
        %get3A_817 = tpu.vector_load %arg10[%get3A_816] {strides = array<i32>} : memref<144xi32, #tpu.memory_space<vmem>>, vector<16xi32>,
        %get3A_818 = vector.shape_cast %get3A_817 : vector<16xi32> to vector<16xi32>
        %mul3A_819 = arith.muli %shift_right_logical3A_311, %get3A_815 : vector<16xi32>
        %shift_right_logical3A_820 = arith.constant 5 : i32
        %shift_right_logical3A_821 = vector.broadcast %shift_right_logical3A_820 : i32 to vector<16xi32>
        %shift_right_logical3A_822 = arith.shrui %mul3A_819, %shift_right_logical3A_821 : vector<16xi32>
        %and3A_823 = arith.constant 31 : i32
        %and3A_824 = vector.broadcast %and3A_823 : i32 to vector<16xi32>
        %and3A_825 = arith.andi %mul3A_819, %and3A_824 : vector<16xi32>
        %shift_left3A_826 = arith.constant 26 : i32
        %shift_left3A_827 = vector.broadcast %shift_left3A_826 : i32 to vector<16xi32>
        %shift_left3A_828 = arith.shli %and3A_825, %shift_left3A_827 : vector<16xi32>
        %add3A_829 = arith.addi %shift_right_logical3A_822, %shift_left3A_828 : vector<16xi32>
        %mul3A_830 = arith.muli %shift_right_logical3A_311, %get3A_818 : vector<16xi32>
        %shift_right_logical3A_831 = arith.constant 21 : i32
        %shift_right_logical3A_832 = vector.broadcast %shift_right_logical3A_831 : i32 to vector<16xi32>
        %shift_right_logical3A_833 = arith.shrui %mul3A_830, %shift_right_logical3A_832 : vector<16xi32>
        %and3A_834 = arith.constant 2097151 : i32
        %and3A_835 = vector.broadcast %and3A_834 : i32 to vector<16xi32>
        %and3A_836 = arith.andi %mul3A_830, %and3A_835 : vector<16xi32>
        %shift_left3A_837 = arith.constant 10 : i32
        %shift_left3A_838 = vector.broadcast %shift_left3A_837 : i32 to vector<16xi32>
        %shift_left3A_839 = arith.shli %and3A_836, %shift_left3A_838 : vector<16xi32>
        %add3A_840 = arith.addi %shift_right_logical3A_833, %shift_left3A_839 : vector<16xi32>
        %mul3A_841 = arith.muli %and3A_313, %get3A_815 : vector<16xi32>
        %shift_right_logical3A_842 = arith.constant 15 : i32
        %shift_right_logical3A_843 = vector.broadcast %shift_right_logical3A_842 : i32 to vector<16xi32>
        %shift_right_logical3A_844 = arith.shrui %mul3A_841, %shift_right_logical3A_843 : vector<16xi32>
        %and3A_845 = arith.constant 32767 : i32
        %and3A_846 = vector.broadcast %and3A_845 : i32 to vector<16xi32>
        %and3A_847 = arith.andi %mul3A_841, %and3A_846 : vector<16xi32>
        %shift_left3A_848 = arith.constant 16 : i32
        %shift_left3A_849 = vector.broadcast %shift_left3A_848 : i32 to vector<16xi32>
        %shift_left3A_850 = arith.shli %and3A_847, %shift_left3A_849 : vector<16xi32>
        %add3A_851 = arith.addi %shift_right_logical3A_844, %shift_left3A_850 : vector<16xi32>
        %mul3A_852 = arith.muli %and3A_313, %get3A_818 : vector<16xi32>
        %add3A_853 = arith.addi %add3A_829, %add3A_840 : vector<16xi32>
        %shift_right_logical3A_854 = arith.constant 31 : i32
        %shift_right_logical3A_855 = vector.broadcast %shift_right_logical3A_854 : i32 to vector<16xi32>
        %shift_right_logical3A_856 = arith.shrui %add3A_853, %shift_right_logical3A_855 : vector<16xi32>
        %and3A_857 = arith.constant 2147483647 : i32
        %and3A_858 = vector.broadcast %and3A_857 : i32 to vector<16xi32>
        %and3A_859 = arith.andi %add3A_853, %and3A_858 : vector<16xi32>
        %add3A_860 = arith.addi %shift_right_logical3A_856, %and3A_859 : vector<16xi32>
        %add3A_861 = arith.addi %add3A_860, %add3A_851 : vector<16xi32>
        %shift_right_logical3A_862 = arith.constant 31 : i32
        %shift_right_logical3A_863 = vector.broadcast %shift_right_logical3A_862 : i32 to vector<16xi32>
        %shift_right_logical3A_864 = arith.shrui %add3A_861, %shift_right_logical3A_863 : vector<16xi32>
        %and3A_865 = arith.constant 2147483647 : i32
        %and3A_866 = vector.broadcast %and3A_865 : i32 to vector<16xi32>
        %and3A_867 = arith.andi %add3A_861, %and3A_866 : vector<16xi32>
        %add3A_868 = arith.addi %shift_right_logical3A_864, %and3A_867 : vector<16xi32>
        %add3A_869 = arith.addi %add3A_868, %mul3A_852 : vector<16xi32>
        %shift_right_logical3A_870 = arith.constant 31 : i32
        %shift_right_logical3A_871 = vector.broadcast %shift_right_logical3A_870 : i32 to vector<16xi32>
        %shift_right_logical3A_872 = arith.shrui %add3A_869, %shift_right_logical3A_871 : vector<16xi32>
        %and3A_873 = arith.constant 2147483647 : i32
        %and3A_874 = vector.broadcast %and3A_873 : i32 to vector<16xi32>
        %and3A_875 = arith.andi %add3A_869, %and3A_874 : vector<16xi32>
        %add3A_876 = arith.addi %shift_right_logical3A_872, %and3A_875 : vector<16xi32>
        %ge3A_877 = arith.constant 2147483647 : i32
        %ge3A_878 = vector.broadcast %ge3A_877 : i32 to vector<16xi32>
        %ge3A_879 = arith.cmpi uge, %add3A_876, %ge3A_878 : vector<16xi32>
        %sub3A_880 = arith.constant 2147483647 : i32
        %sub3A_881 = vector.broadcast %sub3A_880 : i32 to vector<16xi32>
        %sub3A_882 = arith.subi %add3A_876, %sub3A_881 : vector<16xi32>
        %select_n3A_883 = arith.select %ge3A_879, %sub3A_882, %add3A_876 : vector<16xi1>, vector<16xi32>
        %jit3A_884 = arith.constant 71428 : i32
        %eq3A_885 = arith.constant 0 : i32
        %eq3A_886 = arith.cmpi eq, %jit3A_884, %eq3A_885 : i32
        %jit3A_887 = arith.constant 1 : i32
        %select_n3A_888 = arith.select %eq3A_886, %jit3A_887, %jit3A_884 : i32
        %rem3A_889 = vector.broadcast %select_n3A_888 : i32 to vector<16xi32>
        %rem3A_890 = arith.remui %select_n3A_883, %rem3A_889 : vector<16xi32>
        %ne3A_891 = arith.constant 0 : i32
        %ne3A_892 = vector.broadcast %ne3A_891 : i32 to vector<16xi32>
        %ne3A_893 = arith.cmpi ne, %rem3A_890, %ne3A_892 : vector<16xi32>
        %lt3A_894 = arith.constant 0 : i32
        %lt3A_895 = vector.broadcast %lt3A_894 : i32 to vector<16xi32>
        %lt3A_896 = arith.cmpi ult, %rem3A_890, %lt3A_895 : vector<16xi32>
        %lt3A_897 = arith.constant 0 : i32
        %lt3A_898 = arith.cmpi ult, %select_n3A_888, %lt3A_897 : i32
        %ne3A_899 = vector.broadcast %lt3A_898 : i1 to vector<16xi1>
        %ne3A_900 = vector.broadcast %ne3A_899 : vector<16xi1> to vector<16xi1>
        %ne3A_901 = arith.xori %lt3A_896, %ne3A_900 : vector<16xi1>
        %and3A_902 = arith.andi %ne3A_901, %ne3A_893 : vector<16xi1>
        %add3A_903 = vector.broadcast %select_n3A_888 : i32 to vector<16xi32>
        %add3A_904 = arith.addi %rem3A_890, %add3A_903 : vector<16xi32>
        %select_n3A_905 = arith.select %and3A_902, %add3A_904, %rem3A_890 : vector<16xi1>, vector<16xi32>
        %mul3A_906 = arith.constant 16 : i32
        %mul3A_907 = arith.muli %while3A_302, %mul3A_906 : i32
        %swap3A_908 = arith.constant 5 : i32
        %swap3A_909 = arith.index_cast %swap3A_908 : i32 to index
        %swap3A_910 = arith.index_cast %mul3A_907 : i32 to index
        %swap3A_911 = tpu.vector_load %arg11[%swap3A_909, %swap3A_910] {strides = array<i32>} : memref<8x64xi32, #tpu.memory_space<vmem>>, vector<1x16xi32>,
        %swap3A_912 = vector.shape_cast %swap3A_911 : vector<1x16xi32> to vector<16xi32>
        %swap3A_913 = vector.shape_cast %select_n3A_905 : vector<16xi32> to vector<1x16xi32>
        tpu.vector_store %arg11[%swap3A_909, %swap3A_910], %swap3A_913 {strides = array<i32>} : memref<8x64xi32, #tpu.memory_space<vmem>>, vector<1x16xi32>,
        %get3A_914 = arith.constant 96 : index
        %get3A_915 = tpu.vector_load %arg9[%get3A_914] {strides = array<i32>} : memref<144xi32, #tpu.memory_space<vmem>>, vector<16xi32>,
        %get3A_916 = vector.shape_cast %get3A_915 : vector<16xi32> to vector<16xi32>
        %get3A_917 = arith.constant 96 : index
        %get3A_918 = tpu.vector_load %arg10[%get3A_917] {strides = array<i32>} : memref<144xi32, #tpu.memory_space<vmem>>, vector<16xi32>,
        %get3A_919 = vector.shape_cast %get3A_918 : vector<16xi32> to vector<16xi32>
        %mul3A_920 = arith.muli %shift_right_logical3A_311, %get3A_916 : vector<16xi32>
        %shift_right_logical3A_921 = arith.constant 5 : i32
        %shift_right_logical3A_922 = vector.broadcast %shift_right_logical3A_921 : i32 to vector<16xi32>
        %shift_right_logical3A_923 = arith.shrui %mul3A_920, %shift_right_logical3A_922 : vector<16xi32>
        %and3A_924 = arith.constant 31 : i32
        %and3A_925 = vector.broadcast %and3A_924 : i32 to vector<16xi32>
        %and3A_926 = arith.andi %mul3A_920, %and3A_925 : vector<16xi32>
        %shift_left3A_927 = arith.constant 26 : i32
        %shift_left3A_928 = vector.broadcast %shift_left3A_927 : i32 to vector<16xi32>
        %shift_left3A_929 = arith.shli %and3A_926, %shift_left3A_928 : vector<16xi32>
        %add3A_930 = arith.addi %shift_right_logical3A_923, %shift_left3A_929 : vector<16xi32>
        %mul3A_931 = arith.muli %shift_right_logical3A_311, %get3A_919 : vector<16xi32>
        %shift_right_logical3A_932 = arith.constant 21 : i32
        %shift_right_logical3A_933 = vector.broadcast %shift_right_logical3A_932 : i32 to vector<16xi32>
        %shift_right_logical3A_934 = arith.shrui %mul3A_931, %shift_right_logical3A_933 : vector<16xi32>
        %and3A_935 = arith.constant 2097151 : i32
        %and3A_936 = vector.broadcast %and3A_935 : i32 to vector<16xi32>
        %and3A_937 = arith.andi %mul3A_931, %and3A_936 : vector<16xi32>
        %shift_left3A_938 = arith.constant 10 : i32
        %shift_left3A_939 = vector.broadcast %shift_left3A_938 : i32 to vector<16xi32>
        %shift_left3A_940 = arith.shli %and3A_937, %shift_left3A_939 : vector<16xi32>
        %add3A_941 = arith.addi %shift_right_logical3A_934, %shift_left3A_940 : vector<16xi32>
        %mul3A_942 = arith.muli %and3A_313, %get3A_916 : vector<16xi32>
        %shift_right_logical3A_943 = arith.constant 15 : i32
        %shift_right_logical3A_944 = vector.broadcast %shift_right_logical3A_943 : i32 to vector<16xi32>
        %shift_right_logical3A_945 = arith.shrui %mul3A_942, %shift_right_logical3A_944 : vector<16xi32>
        %and3A_946 = arith.constant 32767 : i32
        %and3A_947 = vector.broadcast %and3A_946 : i32 to vector<16xi32>
        %and3A_948 = arith.andi %mul3A_942, %and3A_947 : vector<16xi32>
        %shift_left3A_949 = arith.constant 16 : i32
        %shift_left3A_950 = vector.broadcast %shift_left3A_949 : i32 to vector<16xi32>
        %shift_left3A_951 = arith.shli %and3A_948, %shift_left3A_950 : vector<16xi32>
        %add3A_952 = arith.addi %shift_right_logical3A_945, %shift_left3A_951 : vector<16xi32>
        %mul3A_953 = arith.muli %and3A_313, %get3A_919 : vector<16xi32>
        %add3A_954 = arith.addi %add3A_930, %add3A_941 : vector<16xi32>
        %shift_right_logical3A_955 = arith.constant 31 : i32
        %shift_right_logical3A_956 = vector.broadcast %shift_right_logical3A_955 : i32 to vector<16xi32>
        %shift_right_logical3A_957 = arith.shrui %add3A_954, %shift_right_logical3A_956 : vector<16xi32>
        %and3A_958 = arith.constant 2147483647 : i32
        %and3A_959 = vector.broadcast %and3A_958 : i32 to vector<16xi32>
        %and3A_960 = arith.andi %add3A_954, %and3A_959 : vector<16xi32>
        %add3A_961 = arith.addi %shift_right_logical3A_957, %and3A_960 : vector<16xi32>
        %add3A_962 = arith.addi %add3A_961, %add3A_952 : vector<16xi32>
        %shift_right_logical3A_963 = arith.constant 31 : i32
        %shift_right_logical3A_964 = vector.broadcast %shift_right_logical3A_963 : i32 to vector<16xi32>
        %shift_right_logical3A_965 = arith.shrui %add3A_962, %shift_right_logical3A_964 : vector<16xi32>
        %and3A_966 = arith.constant 2147483647 : i32
        %and3A_967 = vector.broadcast %and3A_966 : i32 to vector<16xi32>
        %and3A_968 = arith.andi %add3A_962, %and3A_967 : vector<16xi32>
        %add3A_969 = arith.addi %shift_right_logical3A_965, %and3A_968 : vector<16xi32>
        %add3A_970 = arith.addi %add3A_969, %mul3A_953 : vector<16xi32>
        %shift_right_logical3A_971 = arith.constant 31 : i32
        %shift_right_logical3A_972 = vector.broadcast %shift_right_logical3A_971 : i32 to vector<16xi32>
        %shift_right_logical3A_973 = arith.shrui %add3A_970, %shift_right_logical3A_972 : vector<16xi32>
        %and3A_974 = arith.constant 2147483647 : i32
        %and3A_975 = vector.broadcast %and3A_974 : i32 to vector<16xi32>
        %and3A_976 = arith.andi %add3A_970, %and3A_975 : vector<16xi32>
        %add3A_977 = arith.addi %shift_right_logical3A_973, %and3A_976 : vector<16xi32>
        %ge3A_978 = arith.constant 2147483647 : i32
        %ge3A_979 = vector.broadcast %ge3A_978 : i32 to vector<16xi32>
        %ge3A_980 = arith.cmpi uge, %add3A_977, %ge3A_979 : vector<16xi32>
        %sub3A_981 = arith.constant 2147483647 : i32
        %sub3A_982 = vector.broadcast %sub3A_981 : i32 to vector<16xi32>
        %sub3A_983 = arith.subi %add3A_977, %sub3A_982 : vector<16xi32>
        %select_n3A_984 = arith.select %ge3A_980, %sub3A_983, %add3A_977 : vector<16xi1>, vector<16xi32>
        %jit3A_985 = arith.constant 71428 : i32
        %eq3A_986 = arith.constant 0 : i32
        %eq3A_987 = arith.cmpi eq, %jit3A_985, %eq3A_986 : i32
        %jit3A_988 = arith.constant 1 : i32
        %select_n3A_989 = arith.select %eq3A_987, %jit3A_988, %jit3A_985 : i32
        %rem3A_990 = vector.broadcast %select_n3A_989 : i32 to vector<16xi32>
        %rem3A_991 = arith.remui %select_n3A_984, %rem3A_990 : vector<16xi32>
        %ne3A_992 = arith.constant 0 : i32
        %ne3A_993 = vector.broadcast %ne3A_992 : i32 to vector<16xi32>
        %ne3A_994 = arith.cmpi ne, %rem3A_991, %ne3A_993 : vector<16xi32>
        %lt3A_995 = arith.constant 0 : i32
        %lt3A_996 = vector.broadcast %lt3A_995 : i32 to vector<16xi32>
        %lt3A_997 = arith.cmpi ult, %rem3A_991, %lt3A_996 : vector<16xi32>
        %lt3A_998 = arith.constant 0 : i32
        %lt3A_999 = arith.cmpi ult, %select_n3A_989, %lt3A_998 : i32
        %ne3A_1000 = vector.broadcast %lt3A_999 : i1 to vector<16xi1>
        %ne3A_1001 = vector.broadcast %ne3A_1000 : vector<16xi1> to vector<16xi1>
        %ne3A_1002 = arith.xori %lt3A_997, %ne3A_1001 : vector<16xi1>
        %and3A_1003 = arith.andi %ne3A_1002, %ne3A_994 : vector<16xi1>
        %add3A_1004 = vector.broadcast %select_n3A_989 : i32 to vector<16xi32>
        %add3A_1005 = arith.addi %rem3A_991, %add3A_1004 : vector<16xi32>
        %select_n3A_1006 = arith.select %and3A_1003, %add3A_1005, %rem3A_991 : vector<16xi1>, vector<16xi32>
        %mul3A_1007 = arith.constant 16 : i32
        %mul3A_1008 = arith.muli %while3A_302, %mul3A_1007 : i32
        %swap3A_1009 = arith.constant 6 : i32
        %swap3A_1010 = arith.index_cast %swap3A_1009 : i32 to index
        %swap3A_1011 = arith.index_cast %mul3A_1008 : i32 to index
        %swap3A_1012 = tpu.vector_load %arg11[%swap3A_1010, %swap3A_1011] {strides = array<i32>} : memref<8x64xi32, #tpu.memory_space<vmem>>, vector<1x16xi32>,
        %swap3A_1013 = vector.shape_cast %swap3A_1012 : vector<1x16xi32> to vector<16xi32>
        %swap3A_1014 = vector.shape_cast %select_n3A_1006 : vector<16xi32> to vector<1x16xi32>
        tpu.vector_store %arg11[%swap3A_1010, %swap3A_1011], %swap3A_1014 {strides = array<i32>} : memref<8x64xi32, #tpu.memory_space<vmem>>, vector<1x16xi32>,
        %get3A_1015 = arith.constant 112 : index
        %get3A_1016 = tpu.vector_load %arg9[%get3A_1015] {strides = array<i32>} : memref<144xi32, #tpu.memory_space<vmem>>, vector<16xi32>,
        %get3A_1017 = vector.shape_cast %get3A_1016 : vector<16xi32> to vector<16xi32>
        %get3A_1018 = arith.constant 112 : index
        %get3A_1019 = tpu.vector_load %arg10[%get3A_1018] {strides = array<i32>} : memref<144xi32, #tpu.memory_space<vmem>>, vector<16xi32>,
        %get3A_1020 = vector.shape_cast %get3A_1019 : vector<16xi32> to vector<16xi32>
        %mul3A_1021 = arith.muli %shift_right_logical3A_311, %get3A_1017 : vector<16xi32>
        %shift_right_logical3A_1022 = arith.constant 5 : i32
        %shift_right_logical3A_1023 = vector.broadcast %shift_right_logical3A_1022 : i32 to vector<16xi32>
        %shift_right_logical3A_1024 = arith.shrui %mul3A_1021, %shift_right_logical3A_1023 : vector<16xi32>
        %and3A_1025 = arith.constant 31 : i32
        %and3A_1026 = vector.broadcast %and3A_1025 : i32 to vector<16xi32>
        %and3A_1027 = arith.andi %mul3A_1021, %and3A_1026 : vector<16xi32>
        %shift_left3A_1028 = arith.constant 26 : i32
        %shift_left3A_1029 = vector.broadcast %shift_left3A_1028 : i32 to vector<16xi32>
        %shift_left3A_1030 = arith.shli %and3A_1027, %shift_left3A_1029 : vector<16xi32>
        %add3A_1031 = arith.addi %shift_right_logical3A_1024, %shift_left3A_1030 : vector<16xi32>
        %mul3A_1032 = arith.muli %shift_right_logical3A_311, %get3A_1020 : vector<16xi32>
        %shift_right_logical3A_1033 = arith.constant 21 : i32
        %shift_right_logical3A_1034 = vector.broadcast %shift_right_logical3A_1033 : i32 to vector<16xi32>
        %shift_right_logical3A_1035 = arith.shrui %mul3A_1032, %shift_right_logical3A_1034 : vector<16xi32>
        %and3A_1036 = arith.constant 2097151 : i32
        %and3A_1037 = vector.broadcast %and3A_1036 : i32 to vector<16xi32>
        %and3A_1038 = arith.andi %mul3A_1032, %and3A_1037 : vector<16xi32>
        %shift_left3A_1039 = arith.constant 10 : i32
        %shift_left3A_1040 = vector.broadcast %shift_left3A_1039 : i32 to vector<16xi32>
        %shift_left3A_1041 = arith.shli %and3A_1038, %shift_left3A_1040 : vector<16xi32>
        %add3A_1042 = arith.addi %shift_right_logical3A_1035, %shift_left3A_1041 : vector<16xi32>
        %mul3A_1043 = arith.muli %and3A_313, %get3A_1017 : vector<16xi32>
        %shift_right_logical3A_1044 = arith.constant 15 : i32
        %shift_right_logical3A_1045 = vector.broadcast %shift_right_logical3A_1044 : i32 to vector<16xi32>
        %shift_right_logical3A_1046 = arith.shrui %mul3A_1043, %shift_right_logical3A_1045 : vector<16xi32>
        %and3A_1047 = arith.constant 32767 : i32
        %and3A_1048 = vector.broadcast %and3A_1047 : i32 to vector<16xi32>
        %and3A_1049 = arith.andi %mul3A_1043, %and3A_1048 : vector<16xi32>
        %shift_left3A_1050 = arith.constant 16 : i32
        %shift_left3A_1051 = vector.broadcast %shift_left3A_1050 : i32 to vector<16xi32>
        %shift_left3A_1052 = arith.shli %and3A_1049, %shift_left3A_1051 : vector<16xi32>
        %add3A_1053 = arith.addi %shift_right_logical3A_1046, %shift_left3A_1052 : vector<16xi32>
        %mul3A_1054 = arith.muli %and3A_313, %get3A_1020 : vector<16xi32>
        %add3A_1055 = arith.addi %add3A_1031, %add3A_1042 : vector<16xi32>
        %shift_right_logical3A_1056 = arith.constant 31 : i32
        %shift_right_logical3A_1057 = vector.broadcast %shift_right_logical3A_1056 : i32 to vector<16xi32>
        %shift_right_logical3A_1058 = arith.shrui %add3A_1055, %shift_right_logical3A_1057 : vector<16xi32>
        %and3A_1059 = arith.constant 2147483647 : i32
        %and3A_1060 = vector.broadcast %and3A_1059 : i32 to vector<16xi32>
        %and3A_1061 = arith.andi %add3A_1055, %and3A_1060 : vector<16xi32>
        %add3A_1062 = arith.addi %shift_right_logical3A_1058, %and3A_1061 : vector<16xi32>
        %add3A_1063 = arith.addi %add3A_1062, %add3A_1053 : vector<16xi32>
        %shift_right_logical3A_1064 = arith.constant 31 : i32
        %shift_right_logical3A_1065 = vector.broadcast %shift_right_logical3A_1064 : i32 to vector<16xi32>
        %shift_right_logical3A_1066 = arith.shrui %add3A_1063, %shift_right_logical3A_1065 : vector<16xi32>
        %and3A_1067 = arith.constant 2147483647 : i32
        %and3A_1068 = vector.broadcast %and3A_1067 : i32 to vector<16xi32>
        %and3A_1069 = arith.andi %add3A_1063, %and3A_1068 : vector<16xi32>
        %add3A_1070 = arith.addi %shift_right_logical3A_1066, %and3A_1069 : vector<16xi32>
        %add3A_1071 = arith.addi %add3A_1070, %mul3A_1054 : vector<16xi32>
        %shift_right_logical3A_1072 = arith.constant 31 : i32
        %shift_right_logical3A_1073 = vector.broadcast %shift_right_logical3A_1072 : i32 to vector<16xi32>
        %shift_right_logical3A_1074 = arith.shrui %add3A_1071, %shift_right_logical3A_1073 : vector<16xi32>
        %and3A_1075 = arith.constant 2147483647 : i32
        %and3A_1076 = vector.broadcast %and3A_1075 : i32 to vector<16xi32>
        %and3A_1077 = arith.andi %add3A_1071, %and3A_1076 : vector<16xi32>
        %add3A_1078 = arith.addi %shift_right_logical3A_1074, %and3A_1077 : vector<16xi32>
        %ge3A_1079 = arith.constant 2147483647 : i32
        %ge3A_1080 = vector.broadcast %ge3A_1079 : i32 to vector<16xi32>
        %ge3A_1081 = arith.cmpi uge, %add3A_1078, %ge3A_1080 : vector<16xi32>
        %sub3A_1082 = arith.constant 2147483647 : i32
        %sub3A_1083 = vector.broadcast %sub3A_1082 : i32 to vector<16xi32>
        %sub3A_1084 = arith.subi %add3A_1078, %sub3A_1083 : vector<16xi32>
        %select_n3A_1085 = arith.select %ge3A_1081, %sub3A_1084, %add3A_1078 : vector<16xi1>, vector<16xi32>
        %jit3A_1086 = arith.constant 71428 : i32
        %eq3A_1087 = arith.constant 0 : i32
        %eq3A_1088 = arith.cmpi eq, %jit3A_1086, %eq3A_1087 : i32
        %jit3A_1089 = arith.constant 1 : i32
        %select_n3A_1090 = arith.select %eq3A_1088, %jit3A_1089, %jit3A_1086 : i32
        %rem3A_1091 = vector.broadcast %select_n3A_1090 : i32 to vector<16xi32>
        %rem3A_1092 = arith.remui %select_n3A_1085, %rem3A_1091 : vector<16xi32>
        %ne3A_1093 = arith.constant 0 : i32
        %ne3A_1094 = vector.broadcast %ne3A_1093 : i32 to vector<16xi32>
        %ne3A_1095 = arith.cmpi ne, %rem3A_1092, %ne3A_1094 : vector<16xi32>
        %lt3A_1096 = arith.constant 0 : i32
        %lt3A_1097 = vector.broadcast %lt3A_1096 : i32 to vector<16xi32>
        %lt3A_1098 = arith.cmpi ult, %rem3A_1092, %lt3A_1097 : vector<16xi32>
        %lt3A_1099 = arith.constant 0 : i32
        %lt3A_1100 = arith.cmpi ult, %select_n3A_1090, %lt3A_1099 : i32
        %ne3A_1101 = vector.broadcast %lt3A_1100 : i1 to vector<16xi1>
        %ne3A_1102 = vector.broadcast %ne3A_1101 : vector<16xi1> to vector<16xi1>
        %ne3A_1103 = arith.xori %lt3A_1098, %ne3A_1102 : vector<16xi1>
        %and3A_1104 = arith.andi %ne3A_1103, %ne3A_1095 : vector<16xi1>
        %add3A_1105 = vector.broadcast %select_n3A_1090 : i32 to vector<16xi32>
        %add3A_1106 = arith.addi %rem3A_1092, %add3A_1105 : vector<16xi32>
        %select_n3A_1107 = arith.select %and3A_1104, %add3A_1106, %rem3A_1092 : vector<16xi1>, vector<16xi32>
        %mul3A_1108 = arith.constant 16 : i32
        %mul3A_1109 = arith.muli %while3A_302, %mul3A_1108 : i32
        %swap3A_1110 = arith.constant 7 : i32
        %swap3A_1111 = arith.index_cast %swap3A_1110 : i32 to index
        %swap3A_1112 = arith.index_cast %mul3A_1109 : i32 to index
        %swap3A_1113 = tpu.vector_load %arg11[%swap3A_1111, %swap3A_1112] {strides = array<i32>} : memref<8x64xi32, #tpu.memory_space<vmem>>, vector<1x16xi32>,
        %swap3A_1114 = vector.shape_cast %swap3A_1113 : vector<1x16xi32> to vector<16xi32>
        %swap3A_1115 = vector.shape_cast %select_n3A_1107 : vector<16xi32> to vector<1x16xi32>
        tpu.vector_store %arg11[%swap3A_1111, %swap3A_1112], %swap3A_1115 {strides = array<i32>} : memref<8x64xi32, #tpu.memory_space<vmem>>, vector<1x16xi32>,
        %get3A_1116 = arith.constant 128 : index
        %get3A_1117 = tpu.vector_load %arg9[%get3A_1116] {strides = array<i32>} : memref<144xi32, #tpu.memory_space<vmem>>, vector<16xi32>,
        %get3A_1118 = vector.shape_cast %get3A_1117 : vector<16xi32> to vector<16xi32>
        %get3A_1119 = arith.constant 128 : index
        %get3A_1120 = tpu.vector_load %arg10[%get3A_1119] {strides = array<i32>} : memref<144xi32, #tpu.memory_space<vmem>>, vector<16xi32>,
        %get3A_1121 = vector.shape_cast %get3A_1120 : vector<16xi32> to vector<16xi32>
        %mul3A_1122 = arith.muli %shift_right_logical3A_311, %get3A_1118 : vector<16xi32>
        %shift_right_logical3A_1123 = arith.constant 5 : i32
        %shift_right_logical3A_1124 = vector.broadcast %shift_right_logical3A_1123 : i32 to vector<16xi32>
        %shift_right_logical3A_1125 = arith.shrui %mul3A_1122, %shift_right_logical3A_1124 : vector<16xi32>
        %and3A_1126 = arith.constant 31 : i32
        %and3A_1127 = vector.broadcast %and3A_1126 : i32 to vector<16xi32>
        %and3A_1128 = arith.andi %mul3A_1122, %and3A_1127 : vector<16xi32>
        %shift_left3A_1129 = arith.constant 26 : i32
        %shift_left3A_1130 = vector.broadcast %shift_left3A_1129 : i32 to vector<16xi32>
        %shift_left3A_1131 = arith.shli %and3A_1128, %shift_left3A_1130 : vector<16xi32>
        %add3A_1132 = arith.addi %shift_right_logical3A_1125, %shift_left3A_1131 : vector<16xi32>
        %mul3A_1133 = arith.muli %shift_right_logical3A_311, %get3A_1121 : vector<16xi32>
        %shift_right_logical3A_1134 = arith.constant 21 : i32
        %shift_right_logical3A_1135 = vector.broadcast %shift_right_logical3A_1134 : i32 to vector<16xi32>
        %shift_right_logical3A_1136 = arith.shrui %mul3A_1133, %shift_right_logical3A_1135 : vector<16xi32>
        %and3A_1137 = arith.constant 2097151 : i32
        %and3A_1138 = vector.broadcast %and3A_1137 : i32 to vector<16xi32>
        %and3A_1139 = arith.andi %mul3A_1133, %and3A_1138 : vector<16xi32>
        %shift_left3A_1140 = arith.constant 10 : i32
        %shift_left3A_1141 = vector.broadcast %shift_left3A_1140 : i32 to vector<16xi32>
        %shift_left3A_1142 = arith.shli %and3A_1139, %shift_left3A_1141 : vector<16xi32>
        %add3A_1143 = arith.addi %shift_right_logical3A_1136, %shift_left3A_1142 : vector<16xi32>
        %mul3A_1144 = arith.muli %and3A_313, %get3A_1118 : vector<16xi32>
        %shift_right_logical3A_1145 = arith.constant 15 : i32
        %shift_right_logical3A_1146 = vector.broadcast %shift_right_logical3A_1145 : i32 to vector<16xi32>
        %shift_right_logical3A_1147 = arith.shrui %mul3A_1144, %shift_right_logical3A_1146 : vector<16xi32>
        %and3A_1148 = arith.constant 32767 : i32
        %and3A_1149 = vector.broadcast %and3A_1148 : i32 to vector<16xi32>
        %and3A_1150 = arith.andi %mul3A_1144, %and3A_1149 : vector<16xi32>
        %shift_left3A_1151 = arith.constant 16 : i32
        %shift_left3A_1152 = vector.broadcast %shift_left3A_1151 : i32 to vector<16xi32>
        %shift_left3A_1153 = arith.shli %and3A_1150, %shift_left3A_1152 : vector<16xi32>
        %add3A_1154 = arith.addi %shift_right_logical3A_1147, %shift_left3A_1153 : vector<16xi32>
        %mul3A_1155 = arith.muli %and3A_313, %get3A_1121 : vector<16xi32>
        %add3A_1156 = arith.addi %add3A_1132, %add3A_1143 : vector<16xi32>
        %shift_right_logical3A_1157 = arith.constant 31 : i32
        %shift_right_logical3A_1158 = vector.broadcast %shift_right_logical3A_1157 : i32 to vector<16xi32>
        %shift_right_logical3A_1159 = arith.shrui %add3A_1156, %shift_right_logical3A_1158 : vector<16xi32>
        %and3A_1160 = arith.constant 2147483647 : i32
        %and3A_1161 = vector.broadcast %and3A_1160 : i32 to vector<16xi32>
        %and3A_1162 = arith.andi %add3A_1156, %and3A_1161 : vector<16xi32>
        %add3A_1163 = arith.addi %shift_right_logical3A_1159, %and3A_1162 : vector<16xi32>
        %add3A_1164 = arith.addi %add3A_1163, %add3A_1154 : vector<16xi32>
        %shift_right_logical3A_1165 = arith.constant 31 : i32
        %shift_right_logical3A_1166 = vector.broadcast %shift_right_logical3A_1165 : i32 to vector<16xi32>
        %shift_right_logical3A_1167 = arith.shrui %add3A_1164, %shift_right_logical3A_1166 : vector<16xi32>
        %and3A_1168 = arith.constant 2147483647 : i32
        %and3A_1169 = vector.broadcast %and3A_1168 : i32 to vector<16xi32>
        %and3A_1170 = arith.andi %add3A_1164, %and3A_1169 : vector<16xi32>
        %add3A_1171 = arith.addi %shift_right_logical3A_1167, %and3A_1170 : vector<16xi32>
        %add3A_1172 = arith.addi %add3A_1171, %mul3A_1155 : vector<16xi32>
        %shift_right_logical3A_1173 = arith.constant 31 : i32
        %shift_right_logical3A_1174 = vector.broadcast %shift_right_logical3A_1173 : i32 to vector<16xi32>
        %shift_right_logical3A_1175 = arith.shrui %add3A_1172, %shift_right_logical3A_1174 : vector<16xi32>
        %and3A_1176 = arith.constant 2147483647 : i32
        %and3A_1177 = vector.broadcast %and3A_1176 : i32 to vector<16xi32>
        %and3A_1178 = arith.andi %add3A_1172, %and3A_1177 : vector<16xi32>
        %add3A_1179 = arith.addi %shift_right_logical3A_1175, %and3A_1178 : vector<16xi32>
        %ge3A_1180 = arith.constant 2147483647 : i32
        %ge3A_1181 = vector.broadcast %ge3A_1180 : i32 to vector<16xi32>
        %ge3A_1182 = arith.cmpi uge, %add3A_1179, %ge3A_1181 : vector<16xi32>
        %sub3A_1183 = arith.constant 2147483647 : i32
        %sub3A_1184 = vector.broadcast %sub3A_1183 : i32 to vector<16xi32>
        %sub3A_1185 = arith.subi %add3A_1179, %sub3A_1184 : vector<16xi32>
        %select_n3A_1186 = arith.select %ge3A_1182, %sub3A_1185, %add3A_1179 : vector<16xi1>, vector<16xi32>
        %jit3A_1187 = arith.constant 500000 : i32
        %eq3A_1188 = arith.constant 0 : i32
        %eq3A_1189 = arith.cmpi eq, %jit3A_1187, %eq3A_1188 : i32
        %jit3A_1190 = arith.constant 1 : i32
        %select_n3A_1191 = arith.select %eq3A_1189, %jit3A_1190, %jit3A_1187 : i32
        %rem3A_1192 = vector.broadcast %select_n3A_1191 : i32 to vector<16xi32>
        %rem3A_1193 = arith.remui %select_n3A_1186, %rem3A_1192 : vector<16xi32>
        %ne3A_1194 = arith.constant 0 : i32
        %ne3A_1195 = vector.broadcast %ne3A_1194 : i32 to vector<16xi32>
        %ne3A_1196 = arith.cmpi ne, %rem3A_1193, %ne3A_1195 : vector<16xi32>
        %lt3A_1197 = arith.constant 0 : i32
        %lt3A_1198 = vector.broadcast %lt3A_1197 : i32 to vector<16xi32>
        %lt3A_1199 = arith.cmpi ult, %rem3A_1193, %lt3A_1198 : vector<16xi32>
        %lt3A_1200 = arith.constant 0 : i32
        %lt3A_1201 = arith.cmpi ult, %select_n3A_1191, %lt3A_1200 : i32
        %ne3A_1202 = vector.broadcast %lt3A_1201 : i1 to vector<16xi1>
        %ne3A_1203 = vector.broadcast %ne3A_1202 : vector<16xi1> to vector<16xi1>
        %ne3A_1204 = arith.xori %lt3A_1199, %ne3A_1203 : vector<16xi1>
        %and3A_1205 = arith.andi %ne3A_1204, %ne3A_1196 : vector<16xi1>
        %add3A_1206 = vector.broadcast %select_n3A_1191 : i32 to vector<16xi32>
        %add3A_1207 = arith.addi %rem3A_1193, %add3A_1206 : vector<16xi32>
        %select_n3A_1208 = arith.select %and3A_1205, %add3A_1207, %rem3A_1193 : vector<16xi1>, vector<16xi32>
        %shift_right_arithmetic3A = arith.constant 4 : i32
        %shift_right_arithmetic3A_1209 = vector.broadcast %shift_right_arithmetic3A : i32 to vector<16xi32>
        %shift_right_arithmetic3A_1210 = arith.shrsi %select_n3A_1208, %shift_right_arithmetic3A_1209 : vector<16xi32>
        %mul3A_1211 = arith.constant 16 : i32
        %mul3A_1212 = arith.muli %while3A_302, %mul3A_1211 : i32
        %swap3A_1213 = arith.index_cast %mul3A_1212 : i32 to index
        %swap3A_1214 = tpu.vector_load %arg12[%swap3A_1213] {strides = array<i32>} : memref<64xi32, #tpu.memory_space<vmem>>, vector<16xi32>,
        %swap3A_1215 = vector.shape_cast %swap3A_1214 : vector<16xi32> to vector<16xi32>
        %swap3A_1216 = vector.shape_cast %shift_right_arithmetic3A_1210 : vector<16xi32> to vector<16xi32>
        tpu.vector_store %arg12[%swap3A_1213], %swap3A_1216 {strides = array<i32>} : memref<64xi32, #tpu.memory_space<vmem>>, vector<16xi32>,
        %and3A_1217 = arith.constant 15 : i32
        %and3A_1218 = vector.broadcast %and3A_1217 : i32 to vector<16xi32>
        %and3A_1219 = arith.andi %select_n3A_1208, %and3A_1218 : vector<16xi32>
        %swap3A_1220 = arith.index_cast %while3A_302 : i32 to index
        %swap3A_1221 = arith.constant 0 : index
        %swap3A_1222 = tpu.vector_load %arg13[%swap3A_1220, %swap3A_1221] {strides = array<i32>} : memref<4x16xi32, #tpu.memory_space<vmem>>, vector<1x16xi32>,
        %swap3A_1223 = vector.shape_cast %swap3A_1222 : vector<1x16xi32> to vector<16xi32>
        %swap3A_1224 = vector.shape_cast %and3A_1219 : vector<16xi32> to vector<1x16xi32>
        tpu.vector_store %arg13[%swap3A_1220, %swap3A_1221], %swap3A_1224 {strides = array<i32>} : memref<4x16xi32, #tpu.memory_space<vmem>>, vector<1x16xi32>,
      }
      %dma_start3A = arith.constant 0 : i32
      %dma_start3A_92 = arith.constant 0 : i32
      %dma_start3A_93 = arith.constant 0 : i32
      %dma_start3A_94 = arith.constant 0 : i32
      %dma_start3A_95 = tpu.memref_slice %arg14[%dma_start3A_92, %dma_start3A_93, %dma_start3A_94] : memref<8x64x128xf32, #tpu.memory_space<vmem>> -> memref<1x64x128xf32, #tpu.memory_space<vmem>>
      %dma_start3A_96 = tpu.memref_squeeze %dma_start3A_95 : memref<1x64x128xf32, #tpu.memory_space<vmem>> -> memref<64x128xf32, #tpu.memory_space<vmem>>
      %dma_start3A_97 = arith.constant 0 : i32
      %dma_start3A_98 = tpu.memref_slice %arg11[%dma_start3A, %dma_start3A_97] : memref<8x64xi32, #tpu.memory_space<vmem>> -> memref<1x64xi32, #tpu.memory_space<vmem>>
      %dma_start3A_99 = tpu.memref_squeeze %dma_start3A_98 : memref<1x64xi32, #tpu.memory_space<vmem>> -> memref<64xi32, #tpu.memory_space<vmem>>
      %dma_start3A_100 = arith.constant 0 : i32
      %dma_start3A_101 = arith.constant 0 : i32
      %dma_start3A_102 = tpu.memref_slice %arg3[%dma_start3A_100, %dma_start3A_101] : memref<71680x128xf32, #tpu.memory_space<hbm>> -> memref<71680x128xf32, #tpu.memory_space<hbm>>
      tpu.enqueue_indirect_dma source(%dma_start3A_102 : memref<71680x128xf32, #tpu.memory_space<hbm>>) target(%dma_start3A_96 : memref<64x128xf32, #tpu.memory_space<vmem>>) offsets(%dma_start3A_99 : memref<64xi32, #tpu.memory_space<vmem>>) semaphore(%arg17 : memref<!tpu.dma_semaphore, #tpu.memory_space<semaphore_mem>>)
      %dma_start3A_103 = arith.constant 1 : i32
      %dma_start3A_104 = arith.constant 1 : i32
      %dma_start3A_105 = arith.constant 0 : i32
      %dma_start3A_106 = arith.constant 0 : i32
      %dma_start3A_107 = tpu.memref_slice %arg14[%dma_start3A_104, %dma_start3A_105, %dma_start3A_106] : memref<8x64x128xf32, #tpu.memory_space<vmem>> -> memref<1x64x128xf32, #tpu.memory_space<vmem>>
      %dma_start3A_108 = tpu.memref_squeeze %dma_start3A_107 : memref<1x64x128xf32, #tpu.memory_space<vmem>> -> memref<64x128xf32, #tpu.memory_space<vmem>>
      %dma_start3A_109 = arith.constant 0 : i32
      %dma_start3A_110 = tpu.memref_slice %arg11[%dma_start3A_103, %dma_start3A_109] : memref<8x64xi32, #tpu.memory_space<vmem>> -> memref<1x64xi32, #tpu.memory_space<vmem>>
      %dma_start3A_111 = tpu.memref_squeeze %dma_start3A_110 : memref<1x64xi32, #tpu.memory_space<vmem>> -> memref<64xi32, #tpu.memory_space<vmem>>
      %dma_start3A_112 = arith.constant 0 : i32
      %dma_start3A_113 = arith.constant 0 : i32
      %dma_start3A_114 = tpu.memref_slice %arg3[%dma_start3A_112, %dma_start3A_113] : memref<71680x128xf32, #tpu.memory_space<hbm>> -> memref<71680x128xf32, #tpu.memory_space<hbm>>
      tpu.enqueue_indirect_dma source(%dma_start3A_114 : memref<71680x128xf32, #tpu.memory_space<hbm>>) target(%dma_start3A_108 : memref<64x128xf32, #tpu.memory_space<vmem>>) offsets(%dma_start3A_111 : memref<64xi32, #tpu.memory_space<vmem>>) semaphore(%arg17 : memref<!tpu.dma_semaphore, #tpu.memory_space<semaphore_mem>>)
      %dma_start3A_115 = arith.constant 2 : i32
      %dma_start3A_116 = arith.constant 2 : i32
      %dma_start3A_117 = arith.constant 0 : i32
      %dma_start3A_118 = arith.constant 0 : i32
      %dma_start3A_119 = tpu.memref_slice %arg14[%dma_start3A_116, %dma_start3A_117, %dma_start3A_118] : memref<8x64x128xf32, #tpu.memory_space<vmem>> -> memref<1x64x128xf32, #tpu.memory_space<vmem>>
      %dma_start3A_120 = tpu.memref_squeeze %dma_start3A_119 : memref<1x64x128xf32, #tpu.memory_space<vmem>> -> memref<64x128xf32, #tpu.memory_space<vmem>>
      %dma_start3A_121 = arith.constant 0 : i32
      %dma_start3A_122 = tpu.memref_slice %arg11[%dma_start3A_115, %dma_start3A_121] : memref<8x64xi32, #tpu.memory_space<vmem>> -> memref<1x64xi32, #tpu.memory_space<vmem>>
      %dma_start3A_123 = tpu.memref_squeeze %dma_start3A_122 : memref<1x64xi32, #tpu.memory_space<vmem>> -> memref<64xi32, #tpu.memory_space<vmem>>
      %dma_start3A_124 = arith.constant 0 : i32
      %dma_start3A_125 = arith.constant 0 : i32
      %dma_start3A_126 = tpu.memref_slice %arg3[%dma_start3A_124, %dma_start3A_125] : memref<71680x128xf32, #tpu.memory_space<hbm>> -> memref<71680x128xf32, #tpu.memory_space<hbm>>
      tpu.enqueue_indirect_dma source(%dma_start3A_126 : memref<71680x128xf32, #tpu.memory_space<hbm>>) target(%dma_start3A_120 : memref<64x128xf32, #tpu.memory_space<vmem>>) offsets(%dma_start3A_123 : memref<64xi32, #tpu.memory_space<vmem>>) semaphore(%arg17 : memref<!tpu.dma_semaphore, #tpu.memory_space<semaphore_mem>>)
      %dma_start3A_127 = arith.constant 3 : i32
      %dma_start3A_128 = arith.constant 3 : i32
      %dma_start3A_129 = arith.constant 0 : i32
      %dma_start3A_130 = arith.constant 0 : i32
      %dma_start3A_131 = tpu.memref_slice %arg14[%dma_start3A_128, %dma_start3A_129, %dma_start3A_130] : memref<8x64x128xf32, #tpu.memory_space<vmem>> -> memref<1x64x128xf32, #tpu.memory_space<vmem>>
      %dma_start3A_132 = tpu.memref_squeeze %dma_start3A_131 : memref<1x64x128xf32, #tpu.memory_space<vmem>> -> memref<64x128xf32, #tpu.memory_space<vmem>>
      %dma_start3A_133 = arith.constant 0 : i32
      %dma_start3A_134 = tpu.memref_slice %arg11[%dma_start3A_127, %dma_start3A_133] : memref<8x64xi32, #tpu.memory_space<vmem>> -> memref<1x64xi32, #tpu.memory_space<vmem>>
      %dma_start3A_135 = tpu.memref_squeeze %dma_start3A_134 : memref<1x64xi32, #tpu.memory_space<vmem>> -> memref<64xi32, #tpu.memory_space<vmem>>
      %dma_start3A_136 = arith.constant 0 : i32
      %dma_start3A_137 = arith.constant 0 : i32
      %dma_start3A_138 = tpu.memref_slice %arg3[%dma_start3A_136, %dma_start3A_137] : memref<71680x128xf32, #tpu.memory_space<hbm>> -> memref<71680x128xf32, #tpu.memory_space<hbm>>
      tpu.enqueue_indirect_dma source(%dma_start3A_138 : memref<71680x128xf32, #tpu.memory_space<hbm>>) target(%dma_start3A_132 : memref<64x128xf32, #tpu.memory_space<vmem>>) offsets(%dma_start3A_135 : memref<64xi32, #tpu.memory_space<vmem>>) semaphore(%arg17 : memref<!tpu.dma_semaphore, #tpu.memory_space<semaphore_mem>>)
      %dma_start3A_139 = arith.constant 4 : i32
      %dma_start3A_140 = arith.constant 4 : i32
      %dma_start3A_141 = arith.constant 0 : i32
      %dma_start3A_142 = arith.constant 0 : i32
      %dma_start3A_143 = tpu.memref_slice %arg14[%dma_start3A_140, %dma_start3A_141, %dma_start3A_142] : memref<8x64x128xf32, #tpu.memory_space<vmem>> -> memref<1x64x128xf32, #tpu.memory_space<vmem>>
      %dma_start3A_144 = tpu.memref_squeeze %dma_start3A_143 : memref<1x64x128xf32, #tpu.memory_space<vmem>> -> memref<64x128xf32, #tpu.memory_space<vmem>>
      %dma_start3A_145 = arith.constant 0 : i32
      %dma_start3A_146 = tpu.memref_slice %arg11[%dma_start3A_139, %dma_start3A_145] : memref<8x64xi32, #tpu.memory_space<vmem>> -> memref<1x64xi32, #tpu.memory_space<vmem>>
      %dma_start3A_147 = tpu.memref_squeeze %dma_start3A_146 : memref<1x64xi32, #tpu.memory_space<vmem>> -> memref<64xi32, #tpu.memory_space<vmem>>
      %dma_start3A_148 = arith.constant 0 : i32
      %dma_start3A_149 = arith.constant 0 : i32
      %dma_start3A_150 = tpu.memref_slice %arg3[%dma_start3A_148, %dma_start3A_149] : memref<71680x128xf32, #tpu.memory_space<hbm>> -> memref<71680x128xf32, #tpu.memory_space<hbm>>
      tpu.enqueue_indirect_dma source(%dma_start3A_150 : memref<71680x128xf32, #tpu.memory_space<hbm>>) target(%dma_start3A_144 : memref<64x128xf32, #tpu.memory_space<vmem>>) offsets(%dma_start3A_147 : memref<64xi32, #tpu.memory_space<vmem>>) semaphore(%arg17 : memref<!tpu.dma_semaphore, #tpu.memory_space<semaphore_mem>>)
      %dma_start3A_151 = arith.constant 5 : i32
      %dma_start3A_152 = arith.constant 5 : i32
      %dma_start3A_153 = arith.constant 0 : i32
      %dma_start3A_154 = arith.constant 0 : i32
      %dma_start3A_155 = tpu.memref_slice %arg14[%dma_start3A_152, %dma_start3A_153, %dma_start3A_154] : memref<8x64x128xf32, #tpu.memory_space<vmem>> -> memref<1x64x128xf32, #tpu.memory_space<vmem>>
      %dma_start3A_156 = tpu.memref_squeeze %dma_start3A_155 : memref<1x64x128xf32, #tpu.memory_space<vmem>> -> memref<64x128xf32, #tpu.memory_space<vmem>>
      %dma_start3A_157 = arith.constant 0 : i32
      %dma_start3A_158 = tpu.memref_slice %arg11[%dma_start3A_151, %dma_start3A_157] : memref<8x64xi32, #tpu.memory_space<vmem>> -> memref<1x64xi32, #tpu.memory_space<vmem>>
      %dma_start3A_159 = tpu.memref_squeeze %dma_start3A_158 : memref<1x64xi32, #tpu.memory_space<vmem>> -> memref<64xi32, #tpu.memory_space<vmem>>
      %dma_start3A_160 = arith.constant 0 : i32
      %dma_start3A_161 = arith.constant 0 : i32
      %dma_start3A_162 = tpu.memref_slice %arg3[%dma_start3A_160, %dma_start3A_161] : memref<71680x128xf32, #tpu.memory_space<hbm>> -> memref<71680x128xf32, #tpu.memory_space<hbm>>
      tpu.enqueue_indirect_dma source(%dma_start3A_162 : memref<71680x128xf32, #tpu.memory_space<hbm>>) target(%dma_start3A_156 : memref<64x128xf32, #tpu.memory_space<vmem>>) offsets(%dma_start3A_159 : memref<64xi32, #tpu.memory_space<vmem>>) semaphore(%arg17 : memref<!tpu.dma_semaphore, #tpu.memory_space<semaphore_mem>>)
      %dma_start3A_163 = arith.constant 6 : i32
      %dma_start3A_164 = arith.constant 6 : i32
      %dma_start3A_165 = arith.constant 0 : i32
      %dma_start3A_166 = arith.constant 0 : i32
      %dma_start3A_167 = tpu.memref_slice %arg14[%dma_start3A_164, %dma_start3A_165, %dma_start3A_166] : memref<8x64x128xf32, #tpu.memory_space<vmem>> -> memref<1x64x128xf32, #tpu.memory_space<vmem>>
      %dma_start3A_168 = tpu.memref_squeeze %dma_start3A_167 : memref<1x64x128xf32, #tpu.memory_space<vmem>> -> memref<64x128xf32, #tpu.memory_space<vmem>>
      %dma_start3A_169 = arith.constant 0 : i32
      %dma_start3A_170 = tpu.memref_slice %arg11[%dma_start3A_163, %dma_start3A_169] : memref<8x64xi32, #tpu.memory_space<vmem>> -> memref<1x64xi32, #tpu.memory_space<vmem>>
      %dma_start3A_171 = tpu.memref_squeeze %dma_start3A_170 : memref<1x64xi32, #tpu.memory_space<vmem>> -> memref<64xi32, #tpu.memory_space<vmem>>
      %dma_start3A_172 = arith.constant 0 : i32
      %dma_start3A_173 = arith.constant 0 : i32
      %dma_start3A_174 = tpu.memref_slice %arg3[%dma_start3A_172, %dma_start3A_173] : memref<71680x128xf32, #tpu.memory_space<hbm>> -> memref<71680x128xf32, #tpu.memory_space<hbm>>
      tpu.enqueue_indirect_dma source(%dma_start3A_174 : memref<71680x128xf32, #tpu.memory_space<hbm>>) target(%dma_start3A_168 : memref<64x128xf32, #tpu.memory_space<vmem>>) offsets(%dma_start3A_171 : memref<64xi32, #tpu.memory_space<vmem>>) semaphore(%arg17 : memref<!tpu.dma_semaphore, #tpu.memory_space<semaphore_mem>>)
      %dma_start3A_175 = arith.constant 7 : i32
      %dma_start3A_176 = arith.constant 7 : i32
      %dma_start3A_177 = arith.constant 0 : i32
      %dma_start3A_178 = arith.constant 0 : i32
      %dma_start3A_179 = tpu.memref_slice %arg14[%dma_start3A_176, %dma_start3A_177, %dma_start3A_178] : memref<8x64x128xf32, #tpu.memory_space<vmem>> -> memref<1x64x128xf32, #tpu.memory_space<vmem>>
      %dma_start3A_180 = tpu.memref_squeeze %dma_start3A_179 : memref<1x64x128xf32, #tpu.memory_space<vmem>> -> memref<64x128xf32, #tpu.memory_space<vmem>>
      %dma_start3A_181 = arith.constant 0 : i32
      %dma_start3A_182 = tpu.memref_slice %arg11[%dma_start3A_175, %dma_start3A_181] : memref<8x64xi32, #tpu.memory_space<vmem>> -> memref<1x64xi32, #tpu.memory_space<vmem>>
      %dma_start3A_183 = tpu.memref_squeeze %dma_start3A_182 : memref<1x64xi32, #tpu.memory_space<vmem>> -> memref<64xi32, #tpu.memory_space<vmem>>
      %dma_start3A_184 = arith.constant 0 : i32
      %dma_start3A_185 = arith.constant 0 : i32
      %dma_start3A_186 = tpu.memref_slice %arg3[%dma_start3A_184, %dma_start3A_185] : memref<71680x128xf32, #tpu.memory_space<hbm>> -> memref<71680x128xf32, #tpu.memory_space<hbm>>
      tpu.enqueue_indirect_dma source(%dma_start3A_186 : memref<71680x128xf32, #tpu.memory_space<hbm>>) target(%dma_start3A_180 : memref<64x128xf32, #tpu.memory_space<vmem>>) offsets(%dma_start3A_183 : memref<64xi32, #tpu.memory_space<vmem>>) semaphore(%arg17 : memref<!tpu.dma_semaphore, #tpu.memory_space<semaphore_mem>>)
      %dma_start3A_187 = arith.constant 0 : i32
      %dma_start3A_188 = arith.constant 0 : i32
      %dma_start3A_189 = tpu.memref_slice %arg4[%dma_start3A_187, %dma_start3A_188] : memref<31250x128xf32, #tpu.memory_space<hbm>> -> memref<31250x128xf32, #tpu.memory_space<hbm>>
      tpu.enqueue_indirect_dma source(%dma_start3A_189 : memref<31250x128xf32, #tpu.memory_space<hbm>>) target(%arg15 : memref<64x128xf32, #tpu.memory_space<vmem>>) offsets(%arg12 : memref<64xi32, #tpu.memory_space<vmem>>) semaphore(%arg17 : memref<!tpu.dma_semaphore, #tpu.memory_space<semaphore_mem>>)
      %dma_wait3A = arith.constant 0 : i32
      %dma_wait3A_190 = arith.constant 0 : i32
      %dma_wait3A_191 = arith.constant 0 : i32
      %dma_wait3A_192 = arith.constant 0 : i32
      %dma_wait3A_193 = tpu.memref_slice %arg14[%dma_wait3A_190, %dma_wait3A_191, %dma_wait3A_192] : memref<8x64x128xf32, #tpu.memory_space<vmem>> -> memref<1x64x128xf32, #tpu.memory_space<vmem>>
      %dma_wait3A_194 = tpu.memref_squeeze %dma_wait3A_193 : memref<1x64x128xf32, #tpu.memory_space<vmem>> -> memref<64x128xf32, #tpu.memory_space<vmem>>
      %dma_wait3A_195 = arith.constant 0 : i32
      %dma_wait3A_196 = tpu.memref_slice %arg11[%dma_wait3A, %dma_wait3A_195] : memref<8x64xi32, #tpu.memory_space<vmem>> -> memref<1x64xi32, #tpu.memory_space<vmem>>
      %dma_wait3A_197 = tpu.memref_squeeze %dma_wait3A_196 : memref<1x64xi32, #tpu.memory_space<vmem>> -> memref<64xi32, #tpu.memory_space<vmem>>
      %dma_wait3A_198 = arith.constant 0 : i32
      %dma_wait3A_199 = arith.constant 0 : i32
      %dma_wait3A_200 = tpu.memref_slice %arg3[%dma_wait3A_198, %dma_wait3A_199] : memref<71680x128xf32, #tpu.memory_space<hbm>> -> memref<71680x128xf32, #tpu.memory_space<hbm>>
      tpu.wait_indirect_dma semaphore(%arg17 : memref<!tpu.dma_semaphore, #tpu.memory_space<semaphore_mem>>) src(%dma_wait3A_200 : memref<71680x128xf32, #tpu.memory_space<hbm>>) dst(%dma_wait3A_194 : memref<64x128xf32, #tpu.memory_space<vmem>>)
      %dma_wait3A_201 = arith.constant 1 : i32
      %dma_wait3A_202 = arith.constant 1 : i32
      %dma_wait3A_203 = arith.constant 0 : i32
      %dma_wait3A_204 = arith.constant 0 : i32
      %dma_wait3A_205 = tpu.memref_slice %arg14[%dma_wait3A_202, %dma_wait3A_203, %dma_wait3A_204] : memref<8x64x128xf32, #tpu.memory_space<vmem>> -> memref<1x64x128xf32, #tpu.memory_space<vmem>>
      %dma_wait3A_206 = tpu.memref_squeeze %dma_wait3A_205 : memref<1x64x128xf32, #tpu.memory_space<vmem>> -> memref<64x128xf32, #tpu.memory_space<vmem>>
      %dma_wait3A_207 = arith.constant 0 : i32
      %dma_wait3A_208 = tpu.memref_slice %arg11[%dma_wait3A_201, %dma_wait3A_207] : memref<8x64xi32, #tpu.memory_space<vmem>> -> memref<1x64xi32, #tpu.memory_space<vmem>>
      %dma_wait3A_209 = tpu.memref_squeeze %dma_wait3A_208 : memref<1x64xi32, #tpu.memory_space<vmem>> -> memref<64xi32, #tpu.memory_space<vmem>>
      %dma_wait3A_210 = arith.constant 0 : i32
      %dma_wait3A_211 = arith.constant 0 : i32
      %dma_wait3A_212 = tpu.memref_slice %arg3[%dma_wait3A_210, %dma_wait3A_211] : memref<71680x128xf32, #tpu.memory_space<hbm>> -> memref<71680x128xf32, #tpu.memory_space<hbm>>
      tpu.wait_indirect_dma semaphore(%arg17 : memref<!tpu.dma_semaphore, #tpu.memory_space<semaphore_mem>>) src(%dma_wait3A_212 : memref<71680x128xf32, #tpu.memory_space<hbm>>) dst(%dma_wait3A_206 : memref<64x128xf32, #tpu.memory_space<vmem>>)
      %dma_wait3A_213 = arith.constant 2 : i32
      %dma_wait3A_214 = arith.constant 2 : i32
      %dma_wait3A_215 = arith.constant 0 : i32
      %dma_wait3A_216 = arith.constant 0 : i32
      %dma_wait3A_217 = tpu.memref_slice %arg14[%dma_wait3A_214, %dma_wait3A_215, %dma_wait3A_216] : memref<8x64x128xf32, #tpu.memory_space<vmem>> -> memref<1x64x128xf32, #tpu.memory_space<vmem>>
      %dma_wait3A_218 = tpu.memref_squeeze %dma_wait3A_217 : memref<1x64x128xf32, #tpu.memory_space<vmem>> -> memref<64x128xf32, #tpu.memory_space<vmem>>
      %dma_wait3A_219 = arith.constant 0 : i32
      %dma_wait3A_220 = tpu.memref_slice %arg11[%dma_wait3A_213, %dma_wait3A_219] : memref<8x64xi32, #tpu.memory_space<vmem>> -> memref<1x64xi32, #tpu.memory_space<vmem>>
      %dma_wait3A_221 = tpu.memref_squeeze %dma_wait3A_220 : memref<1x64xi32, #tpu.memory_space<vmem>> -> memref<64xi32, #tpu.memory_space<vmem>>
      %dma_wait3A_222 = arith.constant 0 : i32
      %dma_wait3A_223 = arith.constant 0 : i32
      %dma_wait3A_224 = tpu.memref_slice %arg3[%dma_wait3A_222, %dma_wait3A_223] : memref<71680x128xf32, #tpu.memory_space<hbm>> -> memref<71680x128xf32, #tpu.memory_space<hbm>>
      tpu.wait_indirect_dma semaphore(%arg17 : memref<!tpu.dma_semaphore, #tpu.memory_space<semaphore_mem>>) src(%dma_wait3A_224 : memref<71680x128xf32, #tpu.memory_space<hbm>>) dst(%dma_wait3A_218 : memref<64x128xf32, #tpu.memory_space<vmem>>)
      %dma_wait3A_225 = arith.constant 3 : i32
      %dma_wait3A_226 = arith.constant 3 : i32
      %dma_wait3A_227 = arith.constant 0 : i32
      %dma_wait3A_228 = arith.constant 0 : i32
      %dma_wait3A_229 = tpu.memref_slice %arg14[%dma_wait3A_226, %dma_wait3A_227, %dma_wait3A_228] : memref<8x64x128xf32, #tpu.memory_space<vmem>> -> memref<1x64x128xf32, #tpu.memory_space<vmem>>
      %dma_wait3A_230 = tpu.memref_squeeze %dma_wait3A_229 : memref<1x64x128xf32, #tpu.memory_space<vmem>> -> memref<64x128xf32, #tpu.memory_space<vmem>>
      %dma_wait3A_231 = arith.constant 0 : i32
      %dma_wait3A_232 = tpu.memref_slice %arg11[%dma_wait3A_225, %dma_wait3A_231] : memref<8x64xi32, #tpu.memory_space<vmem>> -> memref<1x64xi32, #tpu.memory_space<vmem>>
      %dma_wait3A_233 = tpu.memref_squeeze %dma_wait3A_232 : memref<1x64xi32, #tpu.memory_space<vmem>> -> memref<64xi32, #tpu.memory_space<vmem>>
      %dma_wait3A_234 = arith.constant 0 : i32
      %dma_wait3A_235 = arith.constant 0 : i32
      %dma_wait3A_236 = tpu.memref_slice %arg3[%dma_wait3A_234, %dma_wait3A_235] : memref<71680x128xf32, #tpu.memory_space<hbm>> -> memref<71680x128xf32, #tpu.memory_space<hbm>>
      tpu.wait_indirect_dma semaphore(%arg17 : memref<!tpu.dma_semaphore, #tpu.memory_space<semaphore_mem>>) src(%dma_wait3A_236 : memref<71680x128xf32, #tpu.memory_space<hbm>>) dst(%dma_wait3A_230 : memref<64x128xf32, #tpu.memory_space<vmem>>)
      %dma_wait3A_237 = arith.constant 4 : i32
      %dma_wait3A_238 = arith.constant 4 : i32
      %dma_wait3A_239 = arith.constant 0 : i32
      %dma_wait3A_240 = arith.constant 0 : i32
      %dma_wait3A_241 = tpu.memref_slice %arg14[%dma_wait3A_238, %dma_wait3A_239, %dma_wait3A_240] : memref<8x64x128xf32, #tpu.memory_space<vmem>> -> memref<1x64x128xf32, #tpu.memory_space<vmem>>
      %dma_wait3A_242 = tpu.memref_squeeze %dma_wait3A_241 : memref<1x64x128xf32, #tpu.memory_space<vmem>> -> memref<64x128xf32, #tpu.memory_space<vmem>>
      %dma_wait3A_243 = arith.constant 0 : i32
      %dma_wait3A_244 = tpu.memref_slice %arg11[%dma_wait3A_237, %dma_wait3A_243] : memref<8x64xi32, #tpu.memory_space<vmem>> -> memref<1x64xi32, #tpu.memory_space<vmem>>
      %dma_wait3A_245 = tpu.memref_squeeze %dma_wait3A_244 : memref<1x64xi32, #tpu.memory_space<vmem>> -> memref<64xi32, #tpu.memory_space<vmem>>
      %dma_wait3A_246 = arith.constant 0 : i32
      %dma_wait3A_247 = arith.constant 0 : i32
      %dma_wait3A_248 = tpu.memref_slice %arg3[%dma_wait3A_246, %dma_wait3A_247] : memref<71680x128xf32, #tpu.memory_space<hbm>> -> memref<71680x128xf32, #tpu.memory_space<hbm>>
      tpu.wait_indirect_dma semaphore(%arg17 : memref<!tpu.dma_semaphore, #tpu.memory_space<semaphore_mem>>) src(%dma_wait3A_248 : memref<71680x128xf32, #tpu.memory_space<hbm>>) dst(%dma_wait3A_242 : memref<64x128xf32, #tpu.memory_space<vmem>>)
      %dma_wait3A_249 = arith.constant 5 : i32
      %dma_wait3A_250 = arith.constant 5 : i32
      %dma_wait3A_251 = arith.constant 0 : i32
      %dma_wait3A_252 = arith.constant 0 : i32
      %dma_wait3A_253 = tpu.memref_slice %arg14[%dma_wait3A_250, %dma_wait3A_251, %dma_wait3A_252] : memref<8x64x128xf32, #tpu.memory_space<vmem>> -> memref<1x64x128xf32, #tpu.memory_space<vmem>>
      %dma_wait3A_254 = tpu.memref_squeeze %dma_wait3A_253 : memref<1x64x128xf32, #tpu.memory_space<vmem>> -> memref<64x128xf32, #tpu.memory_space<vmem>>
      %dma_wait3A_255 = arith.constant 0 : i32
      %dma_wait3A_256 = tpu.memref_slice %arg11[%dma_wait3A_249, %dma_wait3A_255] : memref<8x64xi32, #tpu.memory_space<vmem>> -> memref<1x64xi32, #tpu.memory_space<vmem>>
      %dma_wait3A_257 = tpu.memref_squeeze %dma_wait3A_256 : memref<1x64xi32, #tpu.memory_space<vmem>> -> memref<64xi32, #tpu.memory_space<vmem>>
      %dma_wait3A_258 = arith.constant 0 : i32
      %dma_wait3A_259 = arith.constant 0 : i32
      %dma_wait3A_260 = tpu.memref_slice %arg3[%dma_wait3A_258, %dma_wait3A_259] : memref<71680x128xf32, #tpu.memory_space<hbm>> -> memref<71680x128xf32, #tpu.memory_space<hbm>>
      tpu.wait_indirect_dma semaphore(%arg17 : memref<!tpu.dma_semaphore, #tpu.memory_space<semaphore_mem>>) src(%dma_wait3A_260 : memref<71680x128xf32, #tpu.memory_space<hbm>>) dst(%dma_wait3A_254 : memref<64x128xf32, #tpu.memory_space<vmem>>)
      %dma_wait3A_261 = arith.constant 6 : i32
      %dma_wait3A_262 = arith.constant 6 : i32
      %dma_wait3A_263 = arith.constant 0 : i32
      %dma_wait3A_264 = arith.constant 0 : i32
      %dma_wait3A_265 = tpu.memref_slice %arg14[%dma_wait3A_262, %dma_wait3A_263, %dma_wait3A_264] : memref<8x64x128xf32, #tpu.memory_space<vmem>> -> memref<1x64x128xf32, #tpu.memory_space<vmem>>
      %dma_wait3A_266 = tpu.memref_squeeze %dma_wait3A_265 : memref<1x64x128xf32, #tpu.memory_space<vmem>> -> memref<64x128xf32, #tpu.memory_space<vmem>>
      %dma_wait3A_267 = arith.constant 0 : i32
      %dma_wait3A_268 = tpu.memref_slice %arg11[%dma_wait3A_261, %dma_wait3A_267] : memref<8x64xi32, #tpu.memory_space<vmem>> -> memref<1x64xi32, #tpu.memory_space<vmem>>
      %dma_wait3A_269 = tpu.memref_squeeze %dma_wait3A_268 : memref<1x64xi32, #tpu.memory_space<vmem>> -> memref<64xi32, #tpu.memory_space<vmem>>
      %dma_wait3A_270 = arith.constant 0 : i32
      %dma_wait3A_271 = arith.constant 0 : i32
      %dma_wait3A_272 = tpu.memref_slice %arg3[%dma_wait3A_270, %dma_wait3A_271] : memref<71680x128xf32, #tpu.memory_space<hbm>> -> memref<71680x128xf32, #tpu.memory_space<hbm>>
      tpu.wait_indirect_dma semaphore(%arg17 : memref<!tpu.dma_semaphore, #tpu.memory_space<semaphore_mem>>) src(%dma_wait3A_272 : memref<71680x128xf32, #tpu.memory_space<hbm>>) dst(%dma_wait3A_266 : memref<64x128xf32, #tpu.memory_space<vmem>>)
      %dma_wait3A_273 = arith.constant 7 : i32
      %dma_wait3A_274 = arith.constant 7 : i32
      %dma_wait3A_275 = arith.constant 0 : i32
      %dma_wait3A_276 = arith.constant 0 : i32
      %dma_wait3A_277 = tpu.memref_slice %arg14[%dma_wait3A_274, %dma_wait3A_275, %dma_wait3A_276] : memref<8x64x128xf32, #tpu.memory_space<vmem>> -> memref<1x64x128xf32, #tpu.memory_space<vmem>>
      %dma_wait3A_278 = tpu.memref_squeeze %dma_wait3A_277 : memref<1x64x128xf32, #tpu.memory_space<vmem>> -> memref<64x128xf32, #tpu.memory_space<vmem>>
      %dma_wait3A_279 = arith.constant 0 : i32
      %dma_wait3A_280 = tpu.memref_slice %arg11[%dma_wait3A_273, %dma_wait3A_279] : memref<8x64xi32, #tpu.memory_space<vmem>> -> memref<1x64xi32, #tpu.memory_space<vmem>>
      %dma_wait3A_281 = tpu.memref_squeeze %dma_wait3A_280 : memref<1x64xi32, #tpu.memory_space<vmem>> -> memref<64xi32, #tpu.memory_space<vmem>>
      %dma_wait3A_282 = arith.constant 0 : i32
      %dma_wait3A_283 = arith.constant 0 : i32
      %dma_wait3A_284 = tpu.memref_slice %arg3[%dma_wait3A_282, %dma_wait3A_283] : memref<71680x128xf32, #tpu.memory_space<hbm>> -> memref<71680x128xf32, #tpu.memory_space<hbm>>
      tpu.wait_indirect_dma semaphore(%arg17 : memref<!tpu.dma_semaphore, #tpu.memory_space<semaphore_mem>>) src(%dma_wait3A_284 : memref<71680x128xf32, #tpu.memory_space<hbm>>) dst(%dma_wait3A_278 : memref<64x128xf32, #tpu.memory_space<vmem>>)
      %dma_wait3A_285 = arith.constant 0 : i32
      %dma_wait3A_286 = arith.constant 0 : i32
      %dma_wait3A_287 = tpu.memref_slice %arg4[%dma_wait3A_285, %dma_wait3A_286] : memref<31250x128xf32, #tpu.memory_space<hbm>> -> memref<31250x128xf32, #tpu.memory_space<hbm>>
      tpu.wait_indirect_dma semaphore(%arg17 : memref<!tpu.dma_semaphore, #tpu.memory_space<semaphore_mem>>) src(%dma_wait3A_287 : memref<31250x128xf32, #tpu.memory_space<hbm>>) dst(%arg15 : memref<64x128xf32, #tpu.memory_space<vmem>>)
      %while3A_288 = arith.constant 0 : i32
      %while3A_289 = arith.constant 0 : i32
      %while3A_290 = arith.constant 64 : i32
      %while3A_291 = arith.subi %while3A_290, %while3A_289 : i32
      %while3A_292 = arith.addi %while3A_289, %while3A_291 : i32
      %while3A_293 = arith.constant 1 : i32
      %while3A_294 = arith.divsi %while3A_291, %while3A_293 : i32
      %while3A_295 = arith.muli %while3A_294, %while3A_293 : i32
      %while3A_296 = arith.addi %while3A_289, %while3A_295 : i32
      %while3A_297 = arith.constant 1 : i32
      scf.for %while3A_302 = %while3A_289 to %while3A_296 step %while3A_297  : i32 {
        %jit3A_303 = arith.constant 16 : i64
        %convert_element_type3A = arith.trunci %jit3A_303 : i64 to i32
        %div3A = arith.divsi %while3A_302, %convert_element_type3A : i32
        %sign3A = arith.constant 0 : i32
        %sign3A_304 = arith.cmpi sgt, %while3A_302, %sign3A : i32
        %sign3A_305 = arith.extui %sign3A_304 : i1 to i32
        %sign3A_306 = arith.constant 0 : i32
        %sign3A_307 = arith.cmpi slt, %while3A_302, %sign3A_306 : i32
        %sign3A_308 = arith.extui %sign3A_307 : i1 to i32
        %sign3A_309 = arith.subi %sign3A_305, %sign3A_308 : i32
        %sign3A_310 = arith.constant 0 : i32
        %sign3A_311 = arith.cmpi sgt, %convert_element_type3A, %sign3A_310 : i32
        %sign3A_312 = arith.extui %sign3A_311 : i1 to i32
        %sign3A_313 = arith.constant 0 : i32
        %sign3A_314 = arith.cmpi slt, %convert_element_type3A, %sign3A_313 : i32
        %sign3A_315 = arith.extui %sign3A_314 : i1 to i32
        %sign3A_316 = arith.subi %sign3A_312, %sign3A_315 : i32
        %ne3A = arith.cmpi ne, %sign3A_309, %sign3A_316 : i32
        %rem3A = arith.remsi %while3A_302, %convert_element_type3A : i32
        %ne3A_317 = arith.constant 0 : i32
        %ne3A_318 = arith.cmpi ne, %rem3A, %ne3A_317 : i32
        %and3A = arith.andi %ne3A, %ne3A_318 : i1
        %sub3A = arith.constant 1 : i32
        %sub3A_319 = arith.subi %div3A, %sub3A : i32
        %select_n3A_320 = arith.select %and3A, %sub3A_319, %div3A : i32
        %get3A = arith.index_cast %select_n3A_320 : i32 to index
        %get3A_321 = arith.constant 0 : index
        %get3A_322 = tpu.vector_load %arg13[%get3A, %get3A_321] {strides = array<i32>} : memref<4x16xi32, #tpu.memory_space<vmem>>, vector<1x16xi32>,
        %get3A_323 = vector.shape_cast %get3A_322 : vector<1x16xi32> to vector<16xi32>
        %and3A_324 = arith.constant 15 : i32
        %and3A_325 = arith.andi %while3A_302, %and3A_324 : i32
        %broadcast_in_dim3A_326 = vector.broadcast %and3A_325 : i32 to vector<16xi32>
        %broadcast_in_dim3A_327 = vector.shape_cast %broadcast_in_dim3A_326 : vector<16xi32> to vector<16x1xi32>
        %gather3A = vector.shape_cast %broadcast_in_dim3A_327 : vector<16x1xi32> to vector<16xi32>
        %gather3A_328 = tpu.dynamic_gather %get3A_323[%gather3A] in [0] : vector<16xi32>, vector<16xi32> -> vector<16xi32>
        %get3A_329 = arith.index_cast %while3A_302 : i32 to index
        %get3A_330 = arith.constant 0 : index
        %get3A_331 = tpu.vector_load %arg15[%get3A_329, %get3A_330] {strides = array<i32>} : memref<64x128xf32, #tpu.memory_space<vmem>>, vector<1x16xf32>,
        %get3A_332 = vector.shape_cast %get3A_331 : vector<1x16xf32> to vector<16xf32>
        %broadcast_in_dim3A_333 = vector.shape_cast %gather3A_328 : vector<16xi32> to vector<16x1xi32>
        %gather3A_334 = vector.shape_cast %broadcast_in_dim3A_333 : vector<16x1xi32> to vector<16xi32>
        %gather3A_335 = tpu.dynamic_gather %get3A_332[%gather3A_334] in [0] : vector<16xf32>, vector<16xi32> -> vector<16xf32>
        %get3A_336 = arith.index_cast %while3A_302 : i32 to index
        %get3A_337 = arith.constant 16 : index
        %get3A_338 = tpu.vector_load %arg15[%get3A_336, %get3A_337] {strides = array<i32>} : memref<64x128xf32, #tpu.memory_space<vmem>>, vector<1x16xf32>,
        %get3A_339 = vector.shape_cast %get3A_338 : vector<1x16xf32> to vector<16xf32>
        %broadcast_in_dim3A_340 = vector.shape_cast %gather3A_328 : vector<16xi32> to vector<16x1xi32>
        %gather3A_341 = vector.shape_cast %broadcast_in_dim3A_340 : vector<16x1xi32> to vector<16xi32>
        %gather3A_342 = tpu.dynamic_gather %get3A_339[%gather3A_341] in [0] : vector<16xf32>, vector<16xi32> -> vector<16xf32>
        %get3A_343 = arith.index_cast %while3A_302 : i32 to index
        %get3A_344 = arith.constant 32 : index
        %get3A_345 = tpu.vector_load %arg15[%get3A_343, %get3A_344] {strides = array<i32>} : memref<64x128xf32, #tpu.memory_space<vmem>>, vector<1x16xf32>,
        %get3A_346 = vector.shape_cast %get3A_345 : vector<1x16xf32> to vector<16xf32>
        %broadcast_in_dim3A_347 = vector.shape_cast %gather3A_328 : vector<16xi32> to vector<16x1xi32>
        %gather3A_348 = vector.shape_cast %broadcast_in_dim3A_347 : vector<16x1xi32> to vector<16xi32>
        %gather3A_349 = tpu.dynamic_gather %get3A_346[%gather3A_348] in [0] : vector<16xf32>, vector<16xi32> -> vector<16xf32>
        %get3A_350 = arith.index_cast %while3A_302 : i32 to index
        %get3A_351 = arith.constant 48 : index
        %get3A_352 = tpu.vector_load %arg15[%get3A_350, %get3A_351] {strides = array<i32>} : memref<64x128xf32, #tpu.memory_space<vmem>>, vector<1x16xf32>,
        %get3A_353 = vector.shape_cast %get3A_352 : vector<1x16xf32> to vector<16xf32>
        %broadcast_in_dim3A_354 = vector.shape_cast %gather3A_328 : vector<16xi32> to vector<16x1xi32>
        %gather3A_355 = vector.shape_cast %broadcast_in_dim3A_354 : vector<16x1xi32> to vector<16xi32>
        %gather3A_356 = tpu.dynamic_gather %get3A_353[%gather3A_355] in [0] : vector<16xf32>, vector<16xi32> -> vector<16xf32>
        %get3A_357 = arith.index_cast %while3A_302 : i32 to index
        %get3A_358 = arith.constant 64 : index
        %get3A_359 = tpu.vector_load %arg15[%get3A_357, %get3A_358] {strides = array<i32>} : memref<64x128xf32, #tpu.memory_space<vmem>>, vector<1x16xf32>,
        %get3A_360 = vector.shape_cast %get3A_359 : vector<1x16xf32> to vector<16xf32>
        %broadcast_in_dim3A_361 = vector.shape_cast %gather3A_328 : vector<16xi32> to vector<16x1xi32>
        %gather3A_362 = vector.shape_cast %broadcast_in_dim3A_361 : vector<16x1xi32> to vector<16xi32>
        %gather3A_363 = tpu.dynamic_gather %get3A_360[%gather3A_362] in [0] : vector<16xf32>, vector<16xi32> -> vector<16xf32>
        %get3A_364 = arith.index_cast %while3A_302 : i32 to index
        %get3A_365 = arith.constant 80 : index
        %get3A_366 = tpu.vector_load %arg15[%get3A_364, %get3A_365] {strides = array<i32>} : memref<64x128xf32, #tpu.memory_space<vmem>>, vector<1x16xf32>,
        %get3A_367 = vector.shape_cast %get3A_366 : vector<1x16xf32> to vector<16xf32>
        %broadcast_in_dim3A_368 = vector.shape_cast %gather3A_328 : vector<16xi32> to vector<16x1xi32>
        %gather3A_369 = vector.shape_cast %broadcast_in_dim3A_368 : vector<16x1xi32> to vector<16xi32>
        %gather3A_370 = tpu.dynamic_gather %get3A_367[%gather3A_369] in [0] : vector<16xf32>, vector<16xi32> -> vector<16xf32>
        %get3A_371 = arith.index_cast %while3A_302 : i32 to index
        %get3A_372 = arith.constant 96 : index
        %get3A_373 = tpu.vector_load %arg15[%get3A_371, %get3A_372] {strides = array<i32>} : memref<64x128xf32, #tpu.memory_space<vmem>>, vector<1x16xf32>,
        %get3A_374 = vector.shape_cast %get3A_373 : vector<1x16xf32> to vector<16xf32>
        %broadcast_in_dim3A_375 = vector.shape_cast %gather3A_328 : vector<16xi32> to vector<16x1xi32>
        %gather3A_376 = vector.shape_cast %broadcast_in_dim3A_375 : vector<16x1xi32> to vector<16xi32>
        %gather3A_377 = tpu.dynamic_gather %get3A_374[%gather3A_376] in [0] : vector<16xf32>, vector<16xi32> -> vector<16xf32>
        %get3A_378 = arith.index_cast %while3A_302 : i32 to index
        %get3A_379 = arith.constant 112 : index
        %get3A_380 = tpu.vector_load %arg15[%get3A_378, %get3A_379] {strides = array<i32>} : memref<64x128xf32, #tpu.memory_space<vmem>>, vector<1x16xf32>,
        %get3A_381 = vector.shape_cast %get3A_380 : vector<1x16xf32> to vector<16xf32>
        %broadcast_in_dim3A_382 = vector.shape_cast %gather3A_328 : vector<16xi32> to vector<16x1xi32>
        %gather3A_383 = vector.shape_cast %broadcast_in_dim3A_382 : vector<16x1xi32> to vector<16xi32>
        %gather3A_384 = tpu.dynamic_gather %get3A_381[%gather3A_383] in [0] : vector<16xf32>, vector<16xi32> -> vector<16xf32>
        %mul3A_385 = arith.mulf %gather3A_335, %select_n3A : vector<16xf32>
        %mul3A_386 = arith.mulf %gather3A_342, %select_n3A_21 : vector<16xf32>
        %add3A_387 = arith.addf %mul3A_385, %mul3A_386 : vector<16xf32>
        %mul3A_388 = arith.mulf %gather3A_349, %select_n3A_29 : vector<16xf32>
        %add3A_389 = arith.addf %add3A_387, %mul3A_388 : vector<16xf32>
        %mul3A_390 = arith.mulf %gather3A_356, %select_n3A_37 : vector<16xf32>
        %add3A_391 = arith.addf %add3A_389, %mul3A_390 : vector<16xf32>
        %mul3A_392 = arith.mulf %gather3A_363, %select_n3A_45 : vector<16xf32>
        %add3A_393 = arith.addf %add3A_391, %mul3A_392 : vector<16xf32>
        %mul3A_394 = arith.mulf %gather3A_370, %select_n3A_53 : vector<16xf32>
        %add3A_395 = arith.addf %add3A_393, %mul3A_394 : vector<16xf32>
        %mul3A_396 = arith.mulf %gather3A_377, %select_n3A_61 : vector<16xf32>
        %add3A_397 = arith.addf %add3A_395, %mul3A_396 : vector<16xf32>
        %mul3A_398 = arith.mulf %gather3A_384, %select_n3A_69 : vector<16xf32>
        %add3A_399 = arith.addf %add3A_397, %mul3A_398 : vector<16xf32>
        %get3A_400 = arith.constant 0 : i32
        %get3A_401 = arith.index_cast %get3A_400 : i32 to index
        %get3A_402 = arith.index_cast %while3A_302 : i32 to index
        %get3A_403 = arith.constant 0 : index
        %get3A_404 = tpu.vector_load %arg14[%get3A_401, %get3A_402, %get3A_403] {strides = array<i32>} : memref<8x64x128xf32, #tpu.memory_space<vmem>>, vector<1x1x16xf32>,
        %get3A_405 = vector.shape_cast %get3A_404 : vector<1x1x16xf32> to vector<16xf32>
        %mul3A_406 = arith.mulf %gather3A_335, %get3A_405 : vector<16xf32>
        %get3A_407 = arith.constant 1 : i32
        %get3A_408 = arith.index_cast %get3A_407 : i32 to index
        %get3A_409 = arith.index_cast %while3A_302 : i32 to index
        %get3A_410 = arith.constant 0 : index
        %get3A_411 = tpu.vector_load %arg14[%get3A_408, %get3A_409, %get3A_410] {strides = array<i32>} : memref<8x64x128xf32, #tpu.memory_space<vmem>>, vector<1x1x16xf32>,
        %get3A_412 = vector.shape_cast %get3A_411 : vector<1x1x16xf32> to vector<16xf32>
        %mul3A_413 = arith.mulf %gather3A_342, %get3A_412 : vector<16xf32>
        %add3A_414 = arith.addf %mul3A_406, %mul3A_413 : vector<16xf32>
        %get3A_415 = arith.constant 2 : i32
        %get3A_416 = arith.index_cast %get3A_415 : i32 to index
        %get3A_417 = arith.index_cast %while3A_302 : i32 to index
        %get3A_418 = arith.constant 0 : index
        %get3A_419 = tpu.vector_load %arg14[%get3A_416, %get3A_417, %get3A_418] {strides = array<i32>} : memref<8x64x128xf32, #tpu.memory_space<vmem>>, vector<1x1x16xf32>,
        %get3A_420 = vector.shape_cast %get3A_419 : vector<1x1x16xf32> to vector<16xf32>
        %mul3A_421 = arith.mulf %gather3A_349, %get3A_420 : vector<16xf32>
        %add3A_422 = arith.addf %add3A_414, %mul3A_421 : vector<16xf32>
        %get3A_423 = arith.constant 3 : i32
        %get3A_424 = arith.index_cast %get3A_423 : i32 to index
        %get3A_425 = arith.index_cast %while3A_302 : i32 to index
        %get3A_426 = arith.constant 0 : index
        %get3A_427 = tpu.vector_load %arg14[%get3A_424, %get3A_425, %get3A_426] {strides = array<i32>} : memref<8x64x128xf32, #tpu.memory_space<vmem>>, vector<1x1x16xf32>,
        %get3A_428 = vector.shape_cast %get3A_427 : vector<1x1x16xf32> to vector<16xf32>
        %mul3A_429 = arith.mulf %gather3A_356, %get3A_428 : vector<16xf32>
        %add3A_430 = arith.addf %add3A_422, %mul3A_429 : vector<16xf32>
        %get3A_431 = arith.constant 4 : i32
        %get3A_432 = arith.index_cast %get3A_431 : i32 to index
        %get3A_433 = arith.index_cast %while3A_302 : i32 to index
        %get3A_434 = arith.constant 0 : index
        %get3A_435 = tpu.vector_load %arg14[%get3A_432, %get3A_433, %get3A_434] {strides = array<i32>} : memref<8x64x128xf32, #tpu.memory_space<vmem>>, vector<1x1x16xf32>,
        %get3A_436 = vector.shape_cast %get3A_435 : vector<1x1x16xf32> to vector<16xf32>
        %mul3A_437 = arith.mulf %gather3A_363, %get3A_436 : vector<16xf32>
        %add3A_438 = arith.addf %add3A_430, %mul3A_437 : vector<16xf32>
        %get3A_439 = arith.constant 5 : i32
        %get3A_440 = arith.index_cast %get3A_439 : i32 to index
        %get3A_441 = arith.index_cast %while3A_302 : i32 to index
        %get3A_442 = arith.constant 0 : index
        %get3A_443 = tpu.vector_load %arg14[%get3A_440, %get3A_441, %get3A_442] {strides = array<i32>} : memref<8x64x128xf32, #tpu.memory_space<vmem>>, vector<1x1x16xf32>,
        %get3A_444 = vector.shape_cast %get3A_443 : vector<1x1x16xf32> to vector<16xf32>
        %mul3A_445 = arith.mulf %gather3A_370, %get3A_444 : vector<16xf32>
        %add3A_446 = arith.addf %add3A_438, %mul3A_445 : vector<16xf32>
        %get3A_447 = arith.constant 6 : i32
        %get3A_448 = arith.index_cast %get3A_447 : i32 to index
        %get3A_449 = arith.index_cast %while3A_302 : i32 to index
        %get3A_450 = arith.constant 0 : index
        %get3A_451 = tpu.vector_load %arg14[%get3A_448, %get3A_449, %get3A_450] {strides = array<i32>} : memref<8x64x128xf32, #tpu.memory_space<vmem>>, vector<1x1x16xf32>,
        %get3A_452 = vector.shape_cast %get3A_451 : vector<1x1x16xf32> to vector<16xf32>
        %mul3A_453 = arith.mulf %gather3A_377, %get3A_452 : vector<16xf32>
        %add3A_454 = arith.addf %add3A_446, %mul3A_453 : vector<16xf32>
        %get3A_455 = arith.constant 7 : i32
        %get3A_456 = arith.index_cast %get3A_455 : i32 to index
        %get3A_457 = arith.index_cast %while3A_302 : i32 to index
        %get3A_458 = arith.constant 0 : index
        %get3A_459 = tpu.vector_load %arg14[%get3A_456, %get3A_457, %get3A_458] {strides = array<i32>} : memref<8x64x128xf32, #tpu.memory_space<vmem>>, vector<1x1x16xf32>,
        %get3A_460 = vector.shape_cast %get3A_459 : vector<1x1x16xf32> to vector<16xf32>
        %mul3A_461 = arith.mulf %gather3A_384, %get3A_460 : vector<16xf32>
        %add3A_462 = arith.addf %add3A_454, %mul3A_461 : vector<16xf32>
        %swap3A = arith.index_cast %while3A_302 : i32 to index
        %swap3A_463 = arith.constant 0 : index
        %swap3A_464 = tpu.vector_load %arg16[%swap3A, %swap3A_463] {strides = array<i32>} : memref<64x128xf32, #tpu.memory_space<vmem>>, vector<1x16xf32>,
        %swap3A_465 = vector.shape_cast %swap3A_464 : vector<1x16xf32> to vector<16xf32>
        %swap3A_466 = vector.shape_cast %add3A_462 : vector<16xf32> to vector<1x16xf32>
        tpu.vector_store %arg16[%swap3A, %swap3A_463], %swap3A_466 {strides = array<i32>} : memref<64x128xf32, #tpu.memory_space<vmem>>, vector<1x16xf32>,
        %get3A_467 = arith.constant 0 : i32
        %get3A_468 = arith.index_cast %get3A_467 : i32 to index
        %get3A_469 = arith.index_cast %while3A_302 : i32 to index
        %get3A_470 = arith.constant 16 : index
        %get3A_471 = tpu.vector_load %arg14[%get3A_468, %get3A_469, %get3A_470] {strides = array<i32>} : memref<8x64x128xf32, #tpu.memory_space<vmem>>, vector<1x1x16xf32>,
        %get3A_472 = vector.shape_cast %get3A_471 : vector<1x1x16xf32> to vector<16xf32>
        %mul3A_473 = arith.mulf %gather3A_335, %get3A_472 : vector<16xf32>
        %get3A_474 = arith.constant 1 : i32
        %get3A_475 = arith.index_cast %get3A_474 : i32 to index
        %get3A_476 = arith.index_cast %while3A_302 : i32 to index
        %get3A_477 = arith.constant 16 : index
        %get3A_478 = tpu.vector_load %arg14[%get3A_475, %get3A_476, %get3A_477] {strides = array<i32>} : memref<8x64x128xf32, #tpu.memory_space<vmem>>, vector<1x1x16xf32>,
        %get3A_479 = vector.shape_cast %get3A_478 : vector<1x1x16xf32> to vector<16xf32>
        %mul3A_480 = arith.mulf %gather3A_342, %get3A_479 : vector<16xf32>
        %add3A_481 = arith.addf %mul3A_473, %mul3A_480 : vector<16xf32>
        %get3A_482 = arith.constant 2 : i32
        %get3A_483 = arith.index_cast %get3A_482 : i32 to index
        %get3A_484 = arith.index_cast %while3A_302 : i32 to index
        %get3A_485 = arith.constant 16 : index
        %get3A_486 = tpu.vector_load %arg14[%get3A_483, %get3A_484, %get3A_485] {strides = array<i32>} : memref<8x64x128xf32, #tpu.memory_space<vmem>>, vector<1x1x16xf32>,
        %get3A_487 = vector.shape_cast %get3A_486 : vector<1x1x16xf32> to vector<16xf32>
        %mul3A_488 = arith.mulf %gather3A_349, %get3A_487 : vector<16xf32>
        %add3A_489 = arith.addf %add3A_481, %mul3A_488 : vector<16xf32>
        %get3A_490 = arith.constant 3 : i32
        %get3A_491 = arith.index_cast %get3A_490 : i32 to index
        %get3A_492 = arith.index_cast %while3A_302 : i32 to index
        %get3A_493 = arith.constant 16 : index
        %get3A_494 = tpu.vector_load %arg14[%get3A_491, %get3A_492, %get3A_493] {strides = array<i32>} : memref<8x64x128xf32, #tpu.memory_space<vmem>>, vector<1x1x16xf32>,
        %get3A_495 = vector.shape_cast %get3A_494 : vector<1x1x16xf32> to vector<16xf32>
        %mul3A_496 = arith.mulf %gather3A_356, %get3A_495 : vector<16xf32>
        %add3A_497 = arith.addf %add3A_489, %mul3A_496 : vector<16xf32>
        %get3A_498 = arith.constant 4 : i32
        %get3A_499 = arith.index_cast %get3A_498 : i32 to index
        %get3A_500 = arith.index_cast %while3A_302 : i32 to index
        %get3A_501 = arith.constant 16 : index
        %get3A_502 = tpu.vector_load %arg14[%get3A_499, %get3A_500, %get3A_501] {strides = array<i32>} : memref<8x64x128xf32, #tpu.memory_space<vmem>>, vector<1x1x16xf32>,
        %get3A_503 = vector.shape_cast %get3A_502 : vector<1x1x16xf32> to vector<16xf32>
        %mul3A_504 = arith.mulf %gather3A_363, %get3A_503 : vector<16xf32>
        %add3A_505 = arith.addf %add3A_497, %mul3A_504 : vector<16xf32>
        %get3A_506 = arith.constant 5 : i32
        %get3A_507 = arith.index_cast %get3A_506 : i32 to index
        %get3A_508 = arith.index_cast %while3A_302 : i32 to index
        %get3A_509 = arith.constant 16 : index
        %get3A_510 = tpu.vector_load %arg14[%get3A_507, %get3A_508, %get3A_509] {strides = array<i32>} : memref<8x64x128xf32, #tpu.memory_space<vmem>>, vector<1x1x16xf32>,
        %get3A_511 = vector.shape_cast %get3A_510 : vector<1x1x16xf32> to vector<16xf32>
        %mul3A_512 = arith.mulf %gather3A_370, %get3A_511 : vector<16xf32>
        %add3A_513 = arith.addf %add3A_505, %mul3A_512 : vector<16xf32>
        %get3A_514 = arith.constant 6 : i32
        %get3A_515 = arith.index_cast %get3A_514 : i32 to index
        %get3A_516 = arith.index_cast %while3A_302 : i32 to index
        %get3A_517 = arith.constant 16 : index
        %get3A_518 = tpu.vector_load %arg14[%get3A_515, %get3A_516, %get3A_517] {strides = array<i32>} : memref<8x64x128xf32, #tpu.memory_space<vmem>>, vector<1x1x16xf32>,
        %get3A_519 = vector.shape_cast %get3A_518 : vector<1x1x16xf32> to vector<16xf32>
        %mul3A_520 = arith.mulf %gather3A_377, %get3A_519 : vector<16xf32>
        %add3A_521 = arith.addf %add3A_513, %mul3A_520 : vector<16xf32>
        %get3A_522 = arith.constant 7 : i32
        %get3A_523 = arith.index_cast %get3A_522 : i32 to index
        %get3A_524 = arith.index_cast %while3A_302 : i32 to index
        %get3A_525 = arith.constant 16 : index
        %get3A_526 = tpu.vector_load %arg14[%get3A_523, %get3A_524, %get3A_525] {strides = array<i32>} : memref<8x64x128xf32, #tpu.memory_space<vmem>>, vector<1x1x16xf32>,
        %get3A_527 = vector.shape_cast %get3A_526 : vector<1x1x16xf32> to vector<16xf32>
        %mul3A_528 = arith.mulf %gather3A_384, %get3A_527 : vector<16xf32>
        %add3A_529 = arith.addf %add3A_521, %mul3A_528 : vector<16xf32>
        %swap3A_530 = arith.index_cast %while3A_302 : i32 to index
        %swap3A_531 = arith.constant 16 : index
        %swap3A_532 = tpu.vector_load %arg16[%swap3A_530, %swap3A_531] {strides = array<i32>} : memref<64x128xf32, #tpu.memory_space<vmem>>, vector<1x16xf32>,
        %swap3A_533 = vector.shape_cast %swap3A_532 : vector<1x16xf32> to vector<16xf32>
        %swap3A_534 = vector.shape_cast %add3A_529 : vector<16xf32> to vector<1x16xf32>
        tpu.vector_store %arg16[%swap3A_530, %swap3A_531], %swap3A_534 {strides = array<i32>} : memref<64x128xf32, #tpu.memory_space<vmem>>, vector<1x16xf32>,
        %get3A_535 = arith.constant 0 : i32
        %get3A_536 = arith.index_cast %get3A_535 : i32 to index
        %get3A_537 = arith.index_cast %while3A_302 : i32 to index
        %get3A_538 = arith.constant 32 : index
        %get3A_539 = tpu.vector_load %arg14[%get3A_536, %get3A_537, %get3A_538] {strides = array<i32>} : memref<8x64x128xf32, #tpu.memory_space<vmem>>, vector<1x1x16xf32>,
        %get3A_540 = vector.shape_cast %get3A_539 : vector<1x1x16xf32> to vector<16xf32>
        %mul3A_541 = arith.mulf %gather3A_335, %get3A_540 : vector<16xf32>
        %get3A_542 = arith.constant 1 : i32
        %get3A_543 = arith.index_cast %get3A_542 : i32 to index
        %get3A_544 = arith.index_cast %while3A_302 : i32 to index
        %get3A_545 = arith.constant 32 : index
        %get3A_546 = tpu.vector_load %arg14[%get3A_543, %get3A_544, %get3A_545] {strides = array<i32>} : memref<8x64x128xf32, #tpu.memory_space<vmem>>, vector<1x1x16xf32>,
        %get3A_547 = vector.shape_cast %get3A_546 : vector<1x1x16xf32> to vector<16xf32>
        %mul3A_548 = arith.mulf %gather3A_342, %get3A_547 : vector<16xf32>
        %add3A_549 = arith.addf %mul3A_541, %mul3A_548 : vector<16xf32>
        %get3A_550 = arith.constant 2 : i32
        %get3A_551 = arith.index_cast %get3A_550 : i32 to index
        %get3A_552 = arith.index_cast %while3A_302 : i32 to index
        %get3A_553 = arith.constant 32 : index
        %get3A_554 = tpu.vector_load %arg14[%get3A_551, %get3A_552, %get3A_553] {strides = array<i32>} : memref<8x64x128xf32, #tpu.memory_space<vmem>>, vector<1x1x16xf32>,
        %get3A_555 = vector.shape_cast %get3A_554 : vector<1x1x16xf32> to vector<16xf32>
        %mul3A_556 = arith.mulf %gather3A_349, %get3A_555 : vector<16xf32>
        %add3A_557 = arith.addf %add3A_549, %mul3A_556 : vector<16xf32>
        %get3A_558 = arith.constant 3 : i32
        %get3A_559 = arith.index_cast %get3A_558 : i32 to index
        %get3A_560 = arith.index_cast %while3A_302 : i32 to index
        %get3A_561 = arith.constant 32 : index
        %get3A_562 = tpu.vector_load %arg14[%get3A_559, %get3A_560, %get3A_561] {strides = array<i32>} : memref<8x64x128xf32, #tpu.memory_space<vmem>>, vector<1x1x16xf32>,
        %get3A_563 = vector.shape_cast %get3A_562 : vector<1x1x16xf32> to vector<16xf32>
        %mul3A_564 = arith.mulf %gather3A_356, %get3A_563 : vector<16xf32>
        %add3A_565 = arith.addf %add3A_557, %mul3A_564 : vector<16xf32>
        %get3A_566 = arith.constant 4 : i32
        %get3A_567 = arith.index_cast %get3A_566 : i32 to index
        %get3A_568 = arith.index_cast %while3A_302 : i32 to index
        %get3A_569 = arith.constant 32 : index
        %get3A_570 = tpu.vector_load %arg14[%get3A_567, %get3A_568, %get3A_569] {strides = array<i32>} : memref<8x64x128xf32, #tpu.memory_space<vmem>>, vector<1x1x16xf32>,
        %get3A_571 = vector.shape_cast %get3A_570 : vector<1x1x16xf32> to vector<16xf32>
        %mul3A_572 = arith.mulf %gather3A_363, %get3A_571 : vector<16xf32>
        %add3A_573 = arith.addf %add3A_565, %mul3A_572 : vector<16xf32>
        %get3A_574 = arith.constant 5 : i32
        %get3A_575 = arith.index_cast %get3A_574 : i32 to index
        %get3A_576 = arith.index_cast %while3A_302 : i32 to index
        %get3A_577 = arith.constant 32 : index
        %get3A_578 = tpu.vector_load %arg14[%get3A_575, %get3A_576, %get3A_577] {strides = array<i32>} : memref<8x64x128xf32, #tpu.memory_space<vmem>>, vector<1x1x16xf32>,
        %get3A_579 = vector.shape_cast %get3A_578 : vector<1x1x16xf32> to vector<16xf32>
        %mul3A_580 = arith.mulf %gather3A_370, %get3A_579 : vector<16xf32>
        %add3A_581 = arith.addf %add3A_573, %mul3A_580 : vector<16xf32>
        %get3A_582 = arith.constant 6 : i32
        %get3A_583 = arith.index_cast %get3A_582 : i32 to index
        %get3A_584 = arith.index_cast %while3A_302 : i32 to index
        %get3A_585 = arith.constant 32 : index
        %get3A_586 = tpu.vector_load %arg14[%get3A_583, %get3A_584, %get3A_585] {strides = array<i32>} : memref<8x64x128xf32, #tpu.memory_space<vmem>>, vector<1x1x16xf32>,
        %get3A_587 = vector.shape_cast %get3A_586 : vector<1x1x16xf32> to vector<16xf32>
        %mul3A_588 = arith.mulf %gather3A_377, %get3A_587 : vector<16xf32>
        %add3A_589 = arith.addf %add3A_581, %mul3A_588 : vector<16xf32>
        %get3A_590 = arith.constant 7 : i32
        %get3A_591 = arith.index_cast %get3A_590 : i32 to index
        %get3A_592 = arith.index_cast %while3A_302 : i32 to index
        %get3A_593 = arith.constant 32 : index
        %get3A_594 = tpu.vector_load %arg14[%get3A_591, %get3A_592, %get3A_593] {strides = array<i32>} : memref<8x64x128xf32, #tpu.memory_space<vmem>>, vector<1x1x16xf32>,
        %get3A_595 = vector.shape_cast %get3A_594 : vector<1x1x16xf32> to vector<16xf32>
        %mul3A_596 = arith.mulf %gather3A_384, %get3A_595 : vector<16xf32>
        %add3A_597 = arith.addf %add3A_589, %mul3A_596 : vector<16xf32>
        %swap3A_598 = arith.index_cast %while3A_302 : i32 to index
        %swap3A_599 = arith.constant 32 : index
        %swap3A_600 = tpu.vector_load %arg16[%swap3A_598, %swap3A_599] {strides = array<i32>} : memref<64x128xf32, #tpu.memory_space<vmem>>, vector<1x16xf32>,
        %swap3A_601 = vector.shape_cast %swap3A_600 : vector<1x16xf32> to vector<16xf32>
        %swap3A_602 = vector.shape_cast %add3A_597 : vector<16xf32> to vector<1x16xf32>
        tpu.vector_store %arg16[%swap3A_598, %swap3A_599], %swap3A_602 {strides = array<i32>} : memref<64x128xf32, #tpu.memory_space<vmem>>, vector<1x16xf32>,
        %get3A_603 = arith.constant 0 : i32
        %get3A_604 = arith.index_cast %get3A_603 : i32 to index
        %get3A_605 = arith.index_cast %while3A_302 : i32 to index
        %get3A_606 = arith.constant 40 : index
        %get3A_607 = tpu.vector_load %arg14[%get3A_604, %get3A_605, %get3A_606] {strides = array<i32>} : memref<8x64x128xf32, #tpu.memory_space<vmem>>, vector<1x1x16xf32>,
        %get3A_608 = vector.shape_cast %get3A_607 : vector<1x1x16xf32> to vector<16xf32>
        %mul3A_609 = arith.mulf %gather3A_335, %get3A_608 : vector<16xf32>
        %get3A_610 = arith.constant 1 : i32
        %get3A_611 = arith.index_cast %get3A_610 : i32 to index
        %get3A_612 = arith.index_cast %while3A_302 : i32 to index
        %get3A_613 = arith.constant 40 : index
        %get3A_614 = tpu.vector_load %arg14[%get3A_611, %get3A_612, %get3A_613] {strides = array<i32>} : memref<8x64x128xf32, #tpu.memory_space<vmem>>, vector<1x1x16xf32>,
        %get3A_615 = vector.shape_cast %get3A_614 : vector<1x1x16xf32> to vector<16xf32>
        %mul3A_616 = arith.mulf %gather3A_342, %get3A_615 : vector<16xf32>
        %add3A_617 = arith.addf %mul3A_609, %mul3A_616 : vector<16xf32>
        %get3A_618 = arith.constant 2 : i32
        %get3A_619 = arith.index_cast %get3A_618 : i32 to index
        %get3A_620 = arith.index_cast %while3A_302 : i32 to index
        %get3A_621 = arith.constant 40 : index
        %get3A_622 = tpu.vector_load %arg14[%get3A_619, %get3A_620, %get3A_621] {strides = array<i32>} : memref<8x64x128xf32, #tpu.memory_space<vmem>>, vector<1x1x16xf32>,
        %get3A_623 = vector.shape_cast %get3A_622 : vector<1x1x16xf32> to vector<16xf32>
        %mul3A_624 = arith.mulf %gather3A_349, %get3A_623 : vector<16xf32>
        %add3A_625 = arith.addf %add3A_617, %mul3A_624 : vector<16xf32>
        %get3A_626 = arith.constant 3 : i32
        %get3A_627 = arith.index_cast %get3A_626 : i32 to index
        %get3A_628 = arith.index_cast %while3A_302 : i32 to index
        %get3A_629 = arith.constant 40 : index
        %get3A_630 = tpu.vector_load %arg14[%get3A_627, %get3A_628, %get3A_629] {strides = array<i32>} : memref<8x64x128xf32, #tpu.memory_space<vmem>>, vector<1x1x16xf32>,
        %get3A_631 = vector.shape_cast %get3A_630 : vector<1x1x16xf32> to vector<16xf32>
        %mul3A_632 = arith.mulf %gather3A_356, %get3A_631 : vector<16xf32>
        %add3A_633 = arith.addf %add3A_625, %mul3A_632 : vector<16xf32>
        %get3A_634 = arith.constant 4 : i32
        %get3A_635 = arith.index_cast %get3A_634 : i32 to index
        %get3A_636 = arith.index_cast %while3A_302 : i32 to index
        %get3A_637 = arith.constant 40 : index
        %get3A_638 = tpu.vector_load %arg14[%get3A_635, %get3A_636, %get3A_637] {strides = array<i32>} : memref<8x64x128xf32, #tpu.memory_space<vmem>>, vector<1x1x16xf32>,
        %get3A_639 = vector.shape_cast %get3A_638 : vector<1x1x16xf32> to vector<16xf32>
        %mul3A_640 = arith.mulf %gather3A_363, %get3A_639 : vector<16xf32>
        %add3A_641 = arith.addf %add3A_633, %mul3A_640 : vector<16xf32>
        %get3A_642 = arith.constant 5 : i32
        %get3A_643 = arith.index_cast %get3A_642 : i32 to index
        %get3A_644 = arith.index_cast %while3A_302 : i32 to index
        %get3A_645 = arith.constant 40 : index
        %get3A_646 = tpu.vector_load %arg14[%get3A_643, %get3A_644, %get3A_645] {strides = array<i32>} : memref<8x64x128xf32, #tpu.memory_space<vmem>>, vector<1x1x16xf32>,
        %get3A_647 = vector.shape_cast %get3A_646 : vector<1x1x16xf32> to vector<16xf32>
        %mul3A_648 = arith.mulf %gather3A_370, %get3A_647 : vector<16xf32>
        %add3A_649 = arith.addf %add3A_641, %mul3A_648 : vector<16xf32>
        %get3A_650 = arith.constant 6 : i32
        %get3A_651 = arith.index_cast %get3A_650 : i32 to index
        %get3A_652 = arith.index_cast %while3A_302 : i32 to index
        %get3A_653 = arith.constant 40 : index
        %get3A_654 = tpu.vector_load %arg14[%get3A_651, %get3A_652, %get3A_653] {strides = array<i32>} : memref<8x64x128xf32, #tpu.memory_space<vmem>>, vector<1x1x16xf32>,
        %get3A_655 = vector.shape_cast %get3A_654 : vector<1x1x16xf32> to vector<16xf32>
        %mul3A_656 = arith.mulf %gather3A_377, %get3A_655 : vector<16xf32>
        %add3A_657 = arith.addf %add3A_649, %mul3A_656 : vector<16xf32>
        %get3A_658 = arith.constant 7 : i32
        %get3A_659 = arith.index_cast %get3A_658 : i32 to index
        %get3A_660 = arith.index_cast %while3A_302 : i32 to index
        %get3A_661 = arith.constant 40 : index
        %get3A_662 = tpu.vector_load %arg14[%get3A_659, %get3A_660, %get3A_661] {strides = array<i32>} : memref<8x64x128xf32, #tpu.memory_space<vmem>>, vector<1x1x16xf32>,
        %get3A_663 = vector.shape_cast %get3A_662 : vector<1x1x16xf32> to vector<16xf32>
        %mul3A_664 = arith.mulf %gather3A_384, %get3A_663 : vector<16xf32>
        %add3A_665 = arith.addf %add3A_657, %mul3A_664 : vector<16xf32>
        %broadcast_in_dim3A_666 = vector.shape_cast %min3A_7 : vector<16xi32> to vector<16x1xi32>
        %gather3A_667 = vector.shape_cast %broadcast_in_dim3A_666 : vector<16x1xi32> to vector<16xi32>
        %gather3A_668 = tpu.dynamic_gather %add3A_665[%gather3A_667] in [0] : vector<16xf32>, vector<16xi32> -> vector<16xf32>
        %select_n3A_669 = arith.select %lt3A_9, %gather3A_668, %add3A_399 : vector<16xi1>, vector<16xf32>
        %swap3A_670 = arith.index_cast %while3A_302 : i32 to index
        %swap3A_671 = arith.constant 48 : index
        %swap3A_672 = tpu.vector_load %arg16[%swap3A_670, %swap3A_671] {strides = array<i32>} : memref<64x128xf32, #tpu.memory_space<vmem>>, vector<1x16xf32>,
        %swap3A_673 = vector.shape_cast %swap3A_672 : vector<1x16xf32> to vector<16xf32>
        %swap3A_674 = vector.shape_cast %select_n3A_669 : vector<16xf32> to vector<1x16xf32>
        tpu.vector_store %arg16[%swap3A_670, %swap3A_671], %swap3A_674 {strides = array<i32>} : memref<64x128xf32, #tpu.memory_space<vmem>>, vector<1x16xf32>,
      }
      %while3A_298 = arith.constant 1 : i32
      scf.for %while3A_302 = %while3A_296 to %while3A_292 step %while3A_298  : i32 {
        %jit3A_303 = arith.constant 16 : i64
        %convert_element_type3A = arith.trunci %jit3A_303 : i64 to i32
        %div3A = arith.divsi %while3A_302, %convert_element_type3A : i32
        %sign3A = arith.constant 0 : i32
        %sign3A_304 = arith.cmpi sgt, %while3A_302, %sign3A : i32
        %sign3A_305 = arith.extui %sign3A_304 : i1 to i32
        %sign3A_306 = arith.constant 0 : i32
        %sign3A_307 = arith.cmpi slt, %while3A_302, %sign3A_306 : i32
        %sign3A_308 = arith.extui %sign3A_307 : i1 to i32
        %sign3A_309 = arith.subi %sign3A_305, %sign3A_308 : i32
        %sign3A_310 = arith.constant 0 : i32
        %sign3A_311 = arith.cmpi sgt, %convert_element_type3A, %sign3A_310 : i32
        %sign3A_312 = arith.extui %sign3A_311 : i1 to i32
        %sign3A_313 = arith.constant 0 : i32
        %sign3A_314 = arith.cmpi slt, %convert_element_type3A, %sign3A_313 : i32
        %sign3A_315 = arith.extui %sign3A_314 : i1 to i32
        %sign3A_316 = arith.subi %sign3A_312, %sign3A_315 : i32
        %ne3A = arith.cmpi ne, %sign3A_309, %sign3A_316 : i32
        %rem3A = arith.remsi %while3A_302, %convert_element_type3A : i32
        %ne3A_317 = arith.constant 0 : i32
        %ne3A_318 = arith.cmpi ne, %rem3A, %ne3A_317 : i32
        %and3A = arith.andi %ne3A, %ne3A_318 : i1
        %sub3A = arith.constant 1 : i32
        %sub3A_319 = arith.subi %div3A, %sub3A : i32
        %select_n3A_320 = arith.select %and3A, %sub3A_319, %div3A : i32
        %get3A = arith.index_cast %select_n3A_320 : i32 to index
        %get3A_321 = arith.constant 0 : index
        %get3A_322 = tpu.vector_load %arg13[%get3A, %get3A_321] {strides = array<i32>} : memref<4x16xi32, #tpu.memory_space<vmem>>, vector<1x16xi32>,
        %get3A_323 = vector.shape_cast %get3A_322 : vector<1x16xi32> to vector<16xi32>
        %and3A_324 = arith.constant 15 : i32
        %and3A_325 = arith.andi %while3A_302, %and3A_324 : i32
        %broadcast_in_dim3A_326 = vector.broadcast %and3A_325 : i32 to vector<16xi32>
        %broadcast_in_dim3A_327 = vector.shape_cast %broadcast_in_dim3A_326 : vector<16xi32> to vector<16x1xi32>
        %gather3A = vector.shape_cast %broadcast_in_dim3A_327 : vector<16x1xi32> to vector<16xi32>
        %gather3A_328 = tpu.dynamic_gather %get3A_323[%gather3A] in [0] : vector<16xi32>, vector<16xi32> -> vector<16xi32>
        %get3A_329 = arith.index_cast %while3A_302 : i32 to index
        %get3A_330 = arith.constant 0 : index
        %get3A_331 = tpu.vector_load %arg15[%get3A_329, %get3A_330] {strides = array<i32>} : memref<64x128xf32, #tpu.memory_space<vmem>>, vector<1x16xf32>,
        %get3A_332 = vector.shape_cast %get3A_331 : vector<1x16xf32> to vector<16xf32>
        %broadcast_in_dim3A_333 = vector.shape_cast %gather3A_328 : vector<16xi32> to vector<16x1xi32>
        %gather3A_334 = vector.shape_cast %broadcast_in_dim3A_333 : vector<16x1xi32> to vector<16xi32>
        %gather3A_335 = tpu.dynamic_gather %get3A_332[%gather3A_334] in [0] : vector<16xf32>, vector<16xi32> -> vector<16xf32>
        %get3A_336 = arith.index_cast %while3A_302 : i32 to index
        %get3A_337 = arith.constant 16 : index
        %get3A_338 = tpu.vector_load %arg15[%get3A_336, %get3A_337] {strides = array<i32>} : memref<64x128xf32, #tpu.memory_space<vmem>>, vector<1x16xf32>,
        %get3A_339 = vector.shape_cast %get3A_338 : vector<1x16xf32> to vector<16xf32>
        %broadcast_in_dim3A_340 = vector.shape_cast %gather3A_328 : vector<16xi32> to vector<16x1xi32>
        %gather3A_341 = vector.shape_cast %broadcast_in_dim3A_340 : vector<16x1xi32> to vector<16xi32>
        %gather3A_342 = tpu.dynamic_gather %get3A_339[%gather3A_341] in [0] : vector<16xf32>, vector<16xi32> -> vector<16xf32>
        %get3A_343 = arith.index_cast %while3A_302 : i32 to index
        %get3A_344 = arith.constant 32 : index
        %get3A_345 = tpu.vector_load %arg15[%get3A_343, %get3A_344] {strides = array<i32>} : memref<64x128xf32, #tpu.memory_space<vmem>>, vector<1x16xf32>,
        %get3A_346 = vector.shape_cast %get3A_345 : vector<1x16xf32> to vector<16xf32>
        %broadcast_in_dim3A_347 = vector.shape_cast %gather3A_328 : vector<16xi32> to vector<16x1xi32>
        %gather3A_348 = vector.shape_cast %broadcast_in_dim3A_347 : vector<16x1xi32> to vector<16xi32>
        %gather3A_349 = tpu.dynamic_gather %get3A_346[%gather3A_348] in [0] : vector<16xf32>, vector<16xi32> -> vector<16xf32>
        %get3A_350 = arith.index_cast %while3A_302 : i32 to index
        %get3A_351 = arith.constant 48 : index
        %get3A_352 = tpu.vector_load %arg15[%get3A_350, %get3A_351] {strides = array<i32>} : memref<64x128xf32, #tpu.memory_space<vmem>>, vector<1x16xf32>,
        %get3A_353 = vector.shape_cast %get3A_352 : vector<1x16xf32> to vector<16xf32>
        %broadcast_in_dim3A_354 = vector.shape_cast %gather3A_328 : vector<16xi32> to vector<16x1xi32>
        %gather3A_355 = vector.shape_cast %broadcast_in_dim3A_354 : vector<16x1xi32> to vector<16xi32>
        %gather3A_356 = tpu.dynamic_gather %get3A_353[%gather3A_355] in [0] : vector<16xf32>, vector<16xi32> -> vector<16xf32>
        %get3A_357 = arith.index_cast %while3A_302 : i32 to index
        %get3A_358 = arith.constant 64 : index
        %get3A_359 = tpu.vector_load %arg15[%get3A_357, %get3A_358] {strides = array<i32>} : memref<64x128xf32, #tpu.memory_space<vmem>>, vector<1x16xf32>,
        %get3A_360 = vector.shape_cast %get3A_359 : vector<1x16xf32> to vector<16xf32>
        %broadcast_in_dim3A_361 = vector.shape_cast %gather3A_328 : vector<16xi32> to vector<16x1xi32>
        %gather3A_362 = vector.shape_cast %broadcast_in_dim3A_361 : vector<16x1xi32> to vector<16xi32>
        %gather3A_363 = tpu.dynamic_gather %get3A_360[%gather3A_362] in [0] : vector<16xf32>, vector<16xi32> -> vector<16xf32>
        %get3A_364 = arith.index_cast %while3A_302 : i32 to index
        %get3A_365 = arith.constant 80 : index
        %get3A_366 = tpu.vector_load %arg15[%get3A_364, %get3A_365] {strides = array<i32>} : memref<64x128xf32, #tpu.memory_space<vmem>>, vector<1x16xf32>,
        %get3A_367 = vector.shape_cast %get3A_366 : vector<1x16xf32> to vector<16xf32>
        %broadcast_in_dim3A_368 = vector.shape_cast %gather3A_328 : vector<16xi32> to vector<16x1xi32>
        %gather3A_369 = vector.shape_cast %broadcast_in_dim3A_368 : vector<16x1xi32> to vector<16xi32>
        %gather3A_370 = tpu.dynamic_gather %get3A_367[%gather3A_369] in [0] : vector<16xf32>, vector<16xi32> -> vector<16xf32>
        %get3A_371 = arith.index_cast %while3A_302 : i32 to index
        %get3A_372 = arith.constant 96 : index
        %get3A_373 = tpu.vector_load %arg15[%get3A_371, %get3A_372] {strides = array<i32>} : memref<64x128xf32, #tpu.memory_space<vmem>>, vector<1x16xf32>,
        %get3A_374 = vector.shape_cast %get3A_373 : vector<1x16xf32> to vector<16xf32>
        %broadcast_in_dim3A_375 = vector.shape_cast %gather3A_328 : vector<16xi32> to vector<16x1xi32>
        %gather3A_376 = vector.shape_cast %broadcast_in_dim3A_375 : vector<16x1xi32> to vector<16xi32>
        %gather3A_377 = tpu.dynamic_gather %get3A_374[%gather3A_376] in [0] : vector<16xf32>, vector<16xi32> -> vector<16xf32>
        %get3A_378 = arith.index_cast %while3A_302 : i32 to index
        %get3A_379 = arith.constant 112 : index
        %get3A_380 = tpu.vector_load %arg15[%get3A_378, %get3A_379] {strides = array<i32>} : memref<64x128xf32, #tpu.memory_space<vmem>>, vector<1x16xf32>,
        %get3A_381 = vector.shape_cast %get3A_380 : vector<1x16xf32> to vector<16xf32>
        %broadcast_in_dim3A_382 = vector.shape_cast %gather3A_328 : vector<16xi32> to vector<16x1xi32>
        %gather3A_383 = vector.shape_cast %broadcast_in_dim3A_382 : vector<16x1xi32> to vector<16xi32>
        %gather3A_384 = tpu.dynamic_gather %get3A_381[%gather3A_383] in [0] : vector<16xf32>, vector<16xi32> -> vector<16xf32>
        %mul3A_385 = arith.mulf %gather3A_335, %select_n3A : vector<16xf32>
        %mul3A_386 = arith.mulf %gather3A_342, %select_n3A_21 : vector<16xf32>
        %add3A_387 = arith.addf %mul3A_385, %mul3A_386 : vector<16xf32>
        %mul3A_388 = arith.mulf %gather3A_349, %select_n3A_29 : vector<16xf32>
        %add3A_389 = arith.addf %add3A_387, %mul3A_388 : vector<16xf32>
        %mul3A_390 = arith.mulf %gather3A_356, %select_n3A_37 : vector<16xf32>
        %add3A_391 = arith.addf %add3A_389, %mul3A_390 : vector<16xf32>
        %mul3A_392 = arith.mulf %gather3A_363, %select_n3A_45 : vector<16xf32>
        %add3A_393 = arith.addf %add3A_391, %mul3A_392 : vector<16xf32>
        %mul3A_394 = arith.mulf %gather3A_370, %select_n3A_53 : vector<16xf32>
        %add3A_395 = arith.addf %add3A_393, %mul3A_394 : vector<16xf32>
        %mul3A_396 = arith.mulf %gather3A_377, %select_n3A_61 : vector<16xf32>
        %add3A_397 = arith.addf %add3A_395, %mul3A_396 : vector<16xf32>
        %mul3A_398 = arith.mulf %gather3A_384, %select_n3A_69 : vector<16xf32>
        %add3A_399 = arith.addf %add3A_397, %mul3A_398 : vector<16xf32>
        %get3A_400 = arith.constant 0 : i32
        %get3A_401 = arith.index_cast %get3A_400 : i32 to index
        %get3A_402 = arith.index_cast %while3A_302 : i32 to index
        %get3A_403 = arith.constant 0 : index
        %get3A_404 = tpu.vector_load %arg14[%get3A_401, %get3A_402, %get3A_403] {strides = array<i32>} : memref<8x64x128xf32, #tpu.memory_space<vmem>>, vector<1x1x16xf32>,
        %get3A_405 = vector.shape_cast %get3A_404 : vector<1x1x16xf32> to vector<16xf32>
        %mul3A_406 = arith.mulf %gather3A_335, %get3A_405 : vector<16xf32>
        %get3A_407 = arith.constant 1 : i32
        %get3A_408 = arith.index_cast %get3A_407 : i32 to index
        %get3A_409 = arith.index_cast %while3A_302 : i32 to index
        %get3A_410 = arith.constant 0 : index
        %get3A_411 = tpu.vector_load %arg14[%get3A_408, %get3A_409, %get3A_410] {strides = array<i32>} : memref<8x64x128xf32, #tpu.memory_space<vmem>>, vector<1x1x16xf32>,
        %get3A_412 = vector.shape_cast %get3A_411 : vector<1x1x16xf32> to vector<16xf32>
        %mul3A_413 = arith.mulf %gather3A_342, %get3A_412 : vector<16xf32>
        %add3A_414 = arith.addf %mul3A_406, %mul3A_413 : vector<16xf32>
        %get3A_415 = arith.constant 2 : i32
        %get3A_416 = arith.index_cast %get3A_415 : i32 to index
        %get3A_417 = arith.index_cast %while3A_302 : i32 to index
        %get3A_418 = arith.constant 0 : index
        %get3A_419 = tpu.vector_load %arg14[%get3A_416, %get3A_417, %get3A_418] {strides = array<i32>} : memref<8x64x128xf32, #tpu.memory_space<vmem>>, vector<1x1x16xf32>,
        %get3A_420 = vector.shape_cast %get3A_419 : vector<1x1x16xf32> to vector<16xf32>
        %mul3A_421 = arith.mulf %gather3A_349, %get3A_420 : vector<16xf32>
        %add3A_422 = arith.addf %add3A_414, %mul3A_421 : vector<16xf32>
        %get3A_423 = arith.constant 3 : i32
        %get3A_424 = arith.index_cast %get3A_423 : i32 to index
        %get3A_425 = arith.index_cast %while3A_302 : i32 to index
        %get3A_426 = arith.constant 0 : index
        %get3A_427 = tpu.vector_load %arg14[%get3A_424, %get3A_425, %get3A_426] {strides = array<i32>} : memref<8x64x128xf32, #tpu.memory_space<vmem>>, vector<1x1x16xf32>,
        %get3A_428 = vector.shape_cast %get3A_427 : vector<1x1x16xf32> to vector<16xf32>
        %mul3A_429 = arith.mulf %gather3A_356, %get3A_428 : vector<16xf32>
        %add3A_430 = arith.addf %add3A_422, %mul3A_429 : vector<16xf32>
        %get3A_431 = arith.constant 4 : i32
        %get3A_432 = arith.index_cast %get3A_431 : i32 to index
        %get3A_433 = arith.index_cast %while3A_302 : i32 to index
        %get3A_434 = arith.constant 0 : index
        %get3A_435 = tpu.vector_load %arg14[%get3A_432, %get3A_433, %get3A_434] {strides = array<i32>} : memref<8x64x128xf32, #tpu.memory_space<vmem>>, vector<1x1x16xf32>,
        %get3A_436 = vector.shape_cast %get3A_435 : vector<1x1x16xf32> to vector<16xf32>
        %mul3A_437 = arith.mulf %gather3A_363, %get3A_436 : vector<16xf32>
        %add3A_438 = arith.addf %add3A_430, %mul3A_437 : vector<16xf32>
        %get3A_439 = arith.constant 5 : i32
        %get3A_440 = arith.index_cast %get3A_439 : i32 to index
        %get3A_441 = arith.index_cast %while3A_302 : i32 to index
        %get3A_442 = arith.constant 0 : index
        %get3A_443 = tpu.vector_load %arg14[%get3A_440, %get3A_441, %get3A_442] {strides = array<i32>} : memref<8x64x128xf32, #tpu.memory_space<vmem>>, vector<1x1x16xf32>,
        %get3A_444 = vector.shape_cast %get3A_443 : vector<1x1x16xf32> to vector<16xf32>
        %mul3A_445 = arith.mulf %gather3A_370, %get3A_444 : vector<16xf32>
        %add3A_446 = arith.addf %add3A_438, %mul3A_445 : vector<16xf32>
        %get3A_447 = arith.constant 6 : i32
        %get3A_448 = arith.index_cast %get3A_447 : i32 to index
        %get3A_449 = arith.index_cast %while3A_302 : i32 to index
        %get3A_450 = arith.constant 0 : index
        %get3A_451 = tpu.vector_load %arg14[%get3A_448, %get3A_449, %get3A_450] {strides = array<i32>} : memref<8x64x128xf32, #tpu.memory_space<vmem>>, vector<1x1x16xf32>,
        %get3A_452 = vector.shape_cast %get3A_451 : vector<1x1x16xf32> to vector<16xf32>
        %mul3A_453 = arith.mulf %gather3A_377, %get3A_452 : vector<16xf32>
        %add3A_454 = arith.addf %add3A_446, %mul3A_453 : vector<16xf32>
        %get3A_455 = arith.constant 7 : i32
        %get3A_456 = arith.index_cast %get3A_455 : i32 to index
        %get3A_457 = arith.index_cast %while3A_302 : i32 to index
        %get3A_458 = arith.constant 0 : index
        %get3A_459 = tpu.vector_load %arg14[%get3A_456, %get3A_457, %get3A_458] {strides = array<i32>} : memref<8x64x128xf32, #tpu.memory_space<vmem>>, vector<1x1x16xf32>,
        %get3A_460 = vector.shape_cast %get3A_459 : vector<1x1x16xf32> to vector<16xf32>
        %mul3A_461 = arith.mulf %gather3A_384, %get3A_460 : vector<16xf32>
        %add3A_462 = arith.addf %add3A_454, %mul3A_461 : vector<16xf32>
        %swap3A = arith.index_cast %while3A_302 : i32 to index
        %swap3A_463 = arith.constant 0 : index
        %swap3A_464 = tpu.vector_load %arg16[%swap3A, %swap3A_463] {strides = array<i32>} : memref<64x128xf32, #tpu.memory_space<vmem>>, vector<1x16xf32>,
        %swap3A_465 = vector.shape_cast %swap3A_464 : vector<1x16xf32> to vector<16xf32>
        %swap3A_466 = vector.shape_cast %add3A_462 : vector<16xf32> to vector<1x16xf32>
        tpu.vector_store %arg16[%swap3A, %swap3A_463], %swap3A_466 {strides = array<i32>} : memref<64x128xf32, #tpu.memory_space<vmem>>, vector<1x16xf32>,
        %get3A_467 = arith.constant 0 : i32
        %get3A_468 = arith.index_cast %get3A_467 : i32 to index
        %get3A_469 = arith.index_cast %while3A_302 : i32 to index
        %get3A_470 = arith.constant 16 : index
        %get3A_471 = tpu.vector_load %arg14[%get3A_468, %get3A_469, %get3A_470] {strides = array<i32>} : memref<8x64x128xf32, #tpu.memory_space<vmem>>, vector<1x1x16xf32>,
        %get3A_472 = vector.shape_cast %get3A_471 : vector<1x1x16xf32> to vector<16xf32>
        %mul3A_473 = arith.mulf %gather3A_335, %get3A_472 : vector<16xf32>
        %get3A_474 = arith.constant 1 : i32
        %get3A_475 = arith.index_cast %get3A_474 : i32 to index
        %get3A_476 = arith.index_cast %while3A_302 : i32 to index
        %get3A_477 = arith.constant 16 : index
        %get3A_478 = tpu.vector_load %arg14[%get3A_475, %get3A_476, %get3A_477] {strides = array<i32>} : memref<8x64x128xf32, #tpu.memory_space<vmem>>, vector<1x1x16xf32>,
        %get3A_479 = vector.shape_cast %get3A_478 : vector<1x1x16xf32> to vector<16xf32>
        %mul3A_480 = arith.mulf %gather3A_342, %get3A_479 : vector<16xf32>
        %add3A_481 = arith.addf %mul3A_473, %mul3A_480 : vector<16xf32>
        %get3A_482 = arith.constant 2 : i32
        %get3A_483 = arith.index_cast %get3A_482 : i32 to index
        %get3A_484 = arith.index_cast %while3A_302 : i32 to index
        %get3A_485 = arith.constant 16 : index
        %get3A_486 = tpu.vector_load %arg14[%get3A_483, %get3A_484, %get3A_485] {strides = array<i32>} : memref<8x64x128xf32, #tpu.memory_space<vmem>>, vector<1x1x16xf32>,
        %get3A_487 = vector.shape_cast %get3A_486 : vector<1x1x16xf32> to vector<16xf32>
        %mul3A_488 = arith.mulf %gather3A_349, %get3A_487 : vector<16xf32>
        %add3A_489 = arith.addf %add3A_481, %mul3A_488 : vector<16xf32>
        %get3A_490 = arith.constant 3 : i32
        %get3A_491 = arith.index_cast %get3A_490 : i32 to index
        %get3A_492 = arith.index_cast %while3A_302 : i32 to index
        %get3A_493 = arith.constant 16 : index
        %get3A_494 = tpu.vector_load %arg14[%get3A_491, %get3A_492, %get3A_493] {strides = array<i32>} : memref<8x64x128xf32, #tpu.memory_space<vmem>>, vector<1x1x16xf32>,
        %get3A_495 = vector.shape_cast %get3A_494 : vector<1x1x16xf32> to vector<16xf32>
        %mul3A_496 = arith.mulf %gather3A_356, %get3A_495 : vector<16xf32>
        %add3A_497 = arith.addf %add3A_489, %mul3A_496 : vector<16xf32>
        %get3A_498 = arith.constant 4 : i32
        %get3A_499 = arith.index_cast %get3A_498 : i32 to index
        %get3A_500 = arith.index_cast %while3A_302 : i32 to index
        %get3A_501 = arith.constant 16 : index
        %get3A_502 = tpu.vector_load %arg14[%get3A_499, %get3A_500, %get3A_501] {strides = array<i32>} : memref<8x64x128xf32, #tpu.memory_space<vmem>>, vector<1x1x16xf32>,
        %get3A_503 = vector.shape_cast %get3A_502 : vector<1x1x16xf32> to vector<16xf32>
        %mul3A_504 = arith.mulf %gather3A_363, %get3A_503 : vector<16xf32>
        %add3A_505 = arith.addf %add3A_497, %mul3A_504 : vector<16xf32>
        %get3A_506 = arith.constant 5 : i32
        %get3A_507 = arith.index_cast %get3A_506 : i32 to index
        %get3A_508 = arith.index_cast %while3A_302 : i32 to index
        %get3A_509 = arith.constant 16 : index
        %get3A_510 = tpu.vector_load %arg14[%get3A_507, %get3A_508, %get3A_509] {strides = array<i32>} : memref<8x64x128xf32, #tpu.memory_space<vmem>>, vector<1x1x16xf32>,
        %get3A_511 = vector.shape_cast %get3A_510 : vector<1x1x16xf32> to vector<16xf32>
        %mul3A_512 = arith.mulf %gather3A_370, %get3A_511 : vector<16xf32>
        %add3A_513 = arith.addf %add3A_505, %mul3A_512 : vector<16xf32>
        %get3A_514 = arith.constant 6 : i32
        %get3A_515 = arith.index_cast %get3A_514 : i32 to index
        %get3A_516 = arith.index_cast %while3A_302 : i32 to index
        %get3A_517 = arith.constant 16 : index
        %get3A_518 = tpu.vector_load %arg14[%get3A_515, %get3A_516, %get3A_517] {strides = array<i32>} : memref<8x64x128xf32, #tpu.memory_space<vmem>>, vector<1x1x16xf32>,
        %get3A_519 = vector.shape_cast %get3A_518 : vector<1x1x16xf32> to vector<16xf32>
        %mul3A_520 = arith.mulf %gather3A_377, %get3A_519 : vector<16xf32>
        %add3A_521 = arith.addf %add3A_513, %mul3A_520 : vector<16xf32>
        %get3A_522 = arith.constant 7 : i32
        %get3A_523 = arith.index_cast %get3A_522 : i32 to index
        %get3A_524 = arith.index_cast %while3A_302 : i32 to index
        %get3A_525 = arith.constant 16 : index
        %get3A_526 = tpu.vector_load %arg14[%get3A_523, %get3A_524, %get3A_525] {strides = array<i32>} : memref<8x64x128xf32, #tpu.memory_space<vmem>>, vector<1x1x16xf32>,
        %get3A_527 = vector.shape_cast %get3A_526 : vector<1x1x16xf32> to vector<16xf32>
        %mul3A_528 = arith.mulf %gather3A_384, %get3A_527 : vector<16xf32>
        %add3A_529 = arith.addf %add3A_521, %mul3A_528 : vector<16xf32>
        %swap3A_530 = arith.index_cast %while3A_302 : i32 to index
        %swap3A_531 = arith.constant 16 : index
        %swap3A_532 = tpu.vector_load %arg16[%swap3A_530, %swap3A_531] {strides = array<i32>} : memref<64x128xf32, #tpu.memory_space<vmem>>, vector<1x16xf32>,
        %swap3A_533 = vector.shape_cast %swap3A_532 : vector<1x16xf32> to vector<16xf32>
        %swap3A_534 = vector.shape_cast %add3A_529 : vector<16xf32> to vector<1x16xf32>
        tpu.vector_store %arg16[%swap3A_530, %swap3A_531], %swap3A_534 {strides = array<i32>} : memref<64x128xf32, #tpu.memory_space<vmem>>, vector<1x16xf32>,
        %get3A_535 = arith.constant 0 : i32
        %get3A_536 = arith.index_cast %get3A_535 : i32 to index
        %get3A_537 = arith.index_cast %while3A_302 : i32 to index
        %get3A_538 = arith.constant 32 : index
        %get3A_539 = tpu.vector_load %arg14[%get3A_536, %get3A_537, %get3A_538] {strides = array<i32>} : memref<8x64x128xf32, #tpu.memory_space<vmem>>, vector<1x1x16xf32>,
        %get3A_540 = vector.shape_cast %get3A_539 : vector<1x1x16xf32> to vector<16xf32>
        %mul3A_541 = arith.mulf %gather3A_335, %get3A_540 : vector<16xf32>
        %get3A_542 = arith.constant 1 : i32
        %get3A_543 = arith.index_cast %get3A_542 : i32 to index
        %get3A_544 = arith.index_cast %while3A_302 : i32 to index
        %get3A_545 = arith.constant 32 : index
        %get3A_546 = tpu.vector_load %arg14[%get3A_543, %get3A_544, %get3A_545] {strides = array<i32>} : memref<8x64x128xf32, #tpu.memory_space<vmem>>, vector<1x1x16xf32>,
        %get3A_547 = vector.shape_cast %get3A_546 : vector<1x1x16xf32> to vector<16xf32>
        %mul3A_548 = arith.mulf %gather3A_342, %get3A_547 : vector<16xf32>
        %add3A_549 = arith.addf %mul3A_541, %mul3A_548 : vector<16xf32>
        %get3A_550 = arith.constant 2 : i32
        %get3A_551 = arith.index_cast %get3A_550 : i32 to index
        %get3A_552 = arith.index_cast %while3A_302 : i32 to index
        %get3A_553 = arith.constant 32 : index
        %get3A_554 = tpu.vector_load %arg14[%get3A_551, %get3A_552, %get3A_553] {strides = array<i32>} : memref<8x64x128xf32, #tpu.memory_space<vmem>>, vector<1x1x16xf32>,
        %get3A_555 = vector.shape_cast %get3A_554 : vector<1x1x16xf32> to vector<16xf32>
        %mul3A_556 = arith.mulf %gather3A_349, %get3A_555 : vector<16xf32>
        %add3A_557 = arith.addf %add3A_549, %mul3A_556 : vector<16xf32>
        %get3A_558 = arith.constant 3 : i32
        %get3A_559 = arith.index_cast %get3A_558 : i32 to index
        %get3A_560 = arith.index_cast %while3A_302 : i32 to index
        %get3A_561 = arith.constant 32 : index
        %get3A_562 = tpu.vector_load %arg14[%get3A_559, %get3A_560, %get3A_561] {strides = array<i32>} : memref<8x64x128xf32, #tpu.memory_space<vmem>>, vector<1x1x16xf32>,
        %get3A_563 = vector.shape_cast %get3A_562 : vector<1x1x16xf32> to vector<16xf32>
        %mul3A_564 = arith.mulf %gather3A_356, %get3A_563 : vector<16xf32>
        %add3A_565 = arith.addf %add3A_557, %mul3A_564 : vector<16xf32>
        %get3A_566 = arith.constant 4 : i32
        %get3A_567 = arith.index_cast %get3A_566 : i32 to index
        %get3A_568 = arith.index_cast %while3A_302 : i32 to index
        %get3A_569 = arith.constant 32 : index
        %get3A_570 = tpu.vector_load %arg14[%get3A_567, %get3A_568, %get3A_569] {strides = array<i32>} : memref<8x64x128xf32, #tpu.memory_space<vmem>>, vector<1x1x16xf32>,
        %get3A_571 = vector.shape_cast %get3A_570 : vector<1x1x16xf32> to vector<16xf32>
        %mul3A_572 = arith.mulf %gather3A_363, %get3A_571 : vector<16xf32>
        %add3A_573 = arith.addf %add3A_565, %mul3A_572 : vector<16xf32>
        %get3A_574 = arith.constant 5 : i32
        %get3A_575 = arith.index_cast %get3A_574 : i32 to index
        %get3A_576 = arith.index_cast %while3A_302 : i32 to index
        %get3A_577 = arith.constant 32 : index
        %get3A_578 = tpu.vector_load %arg14[%get3A_575, %get3A_576, %get3A_577] {strides = array<i32>} : memref<8x64x128xf32, #tpu.memory_space<vmem>>, vector<1x1x16xf32>,
        %get3A_579 = vector.shape_cast %get3A_578 : vector<1x1x16xf32> to vector<16xf32>
        %mul3A_580 = arith.mulf %gather3A_370, %get3A_579 : vector<16xf32>
        %add3A_581 = arith.addf %add3A_573, %mul3A_580 : vector<16xf32>
        %get3A_582 = arith.constant 6 : i32
        %get3A_583 = arith.index_cast %get3A_582 : i32 to index
        %get3A_584 = arith.index_cast %while3A_302 : i32 to index
        %get3A_585 = arith.constant 32 : index
        %get3A_586 = tpu.vector_load %arg14[%get3A_583, %get3A_584, %get3A_585] {strides = array<i32>} : memref<8x64x128xf32, #tpu.memory_space<vmem>>, vector<1x1x16xf32>,
        %get3A_587 = vector.shape_cast %get3A_586 : vector<1x1x16xf32> to vector<16xf32>
        %mul3A_588 = arith.mulf %gather3A_377, %get3A_587 : vector<16xf32>
        %add3A_589 = arith.addf %add3A_581, %mul3A_588 : vector<16xf32>
        %get3A_590 = arith.constant 7 : i32
        %get3A_591 = arith.index_cast %get3A_590 : i32 to index
        %get3A_592 = arith.index_cast %while3A_302 : i32 to index
        %get3A_593 = arith.constant 32 : index
        %get3A_594 = tpu.vector_load %arg14[%get3A_591, %get3A_592, %get3A_593] {strides = array<i32>} : memref<8x64x128xf32, #tpu.memory_space<vmem>>, vector<1x1x16xf32>,
        %get3A_595 = vector.shape_cast %get3A_594 : vector<1x1x16xf32> to vector<16xf32>
        %mul3A_596 = arith.mulf %gather3A_384, %get3A_595 : vector<16xf32>
        %add3A_597 = arith.addf %add3A_589, %mul3A_596 : vector<16xf32>
        %swap3A_598 = arith.index_cast %while3A_302 : i32 to index
        %swap3A_599 = arith.constant 32 : index
        %swap3A_600 = tpu.vector_load %arg16[%swap3A_598, %swap3A_599] {strides = array<i32>} : memref<64x128xf32, #tpu.memory_space<vmem>>, vector<1x16xf32>,
        %swap3A_601 = vector.shape_cast %swap3A_600 : vector<1x16xf32> to vector<16xf32>
        %swap3A_602 = vector.shape_cast %add3A_597 : vector<16xf32> to vector<1x16xf32>
        tpu.vector_store %arg16[%swap3A_598, %swap3A_599], %swap3A_602 {strides = array<i32>} : memref<64x128xf32, #tpu.memory_space<vmem>>, vector<1x16xf32>,
        %get3A_603 = arith.constant 0 : i32
        %get3A_604 = arith.index_cast %get3A_603 : i32 to index
        %get3A_605 = arith.index_cast %while3A_302 : i32 to index
        %get3A_606 = arith.constant 40 : index
        %get3A_607 = tpu.vector_load %arg14[%get3A_604, %get3A_605, %get3A_606] {strides = array<i32>} : memref<8x64x128xf32, #tpu.memory_space<vmem>>, vector<1x1x16xf32>,
        %get3A_608 = vector.shape_cast %get3A_607 : vector<1x1x16xf32> to vector<16xf32>
        %mul3A_609 = arith.mulf %gather3A_335, %get3A_608 : vector<16xf32>
        %get3A_610 = arith.constant 1 : i32
        %get3A_611 = arith.index_cast %get3A_610 : i32 to index
        %get3A_612 = arith.index_cast %while3A_302 : i32 to index
        %get3A_613 = arith.constant 40 : index
        %get3A_614 = tpu.vector_load %arg14[%get3A_611, %get3A_612, %get3A_613] {strides = array<i32>} : memref<8x64x128xf32, #tpu.memory_space<vmem>>, vector<1x1x16xf32>,
        %get3A_615 = vector.shape_cast %get3A_614 : vector<1x1x16xf32> to vector<16xf32>
        %mul3A_616 = arith.mulf %gather3A_342, %get3A_615 : vector<16xf32>
        %add3A_617 = arith.addf %mul3A_609, %mul3A_616 : vector<16xf32>
        %get3A_618 = arith.constant 2 : i32
        %get3A_619 = arith.index_cast %get3A_618 : i32 to index
        %get3A_620 = arith.index_cast %while3A_302 : i32 to index
        %get3A_621 = arith.constant 40 : index
        %get3A_622 = tpu.vector_load %arg14[%get3A_619, %get3A_620, %get3A_621] {strides = array<i32>} : memref<8x64x128xf32, #tpu.memory_space<vmem>>, vector<1x1x16xf32>,
        %get3A_623 = vector.shape_cast %get3A_622 : vector<1x1x16xf32> to vector<16xf32>
        %mul3A_624 = arith.mulf %gather3A_349, %get3A_623 : vector<16xf32>
        %add3A_625 = arith.addf %add3A_617, %mul3A_624 : vector<16xf32>
        %get3A_626 = arith.constant 3 : i32
        %get3A_627 = arith.index_cast %get3A_626 : i32 to index
        %get3A_628 = arith.index_cast %while3A_302 : i32 to index
        %get3A_629 = arith.constant 40 : index
        %get3A_630 = tpu.vector_load %arg14[%get3A_627, %get3A_628, %get3A_629] {strides = array<i32>} : memref<8x64x128xf32, #tpu.memory_space<vmem>>, vector<1x1x16xf32>,
        %get3A_631 = vector.shape_cast %get3A_630 : vector<1x1x16xf32> to vector<16xf32>
        %mul3A_632 = arith.mulf %gather3A_356, %get3A_631 : vector<16xf32>
        %add3A_633 = arith.addf %add3A_625, %mul3A_632 : vector<16xf32>
        %get3A_634 = arith.constant 4 : i32
        %get3A_635 = arith.index_cast %get3A_634 : i32 to index
        %get3A_636 = arith.index_cast %while3A_302 : i32 to index
        %get3A_637 = arith.constant 40 : index
        %get3A_638 = tpu.vector_load %arg14[%get3A_635, %get3A_636, %get3A_637] {strides = array<i32>} : memref<8x64x128xf32, #tpu.memory_space<vmem>>, vector<1x1x16xf32>,
        %get3A_639 = vector.shape_cast %get3A_638 : vector<1x1x16xf32> to vector<16xf32>
        %mul3A_640 = arith.mulf %gather3A_363, %get3A_639 : vector<16xf32>
        %add3A_641 = arith.addf %add3A_633, %mul3A_640 : vector<16xf32>
        %get3A_642 = arith.constant 5 : i32
        %get3A_643 = arith.index_cast %get3A_642 : i32 to index
        %get3A_644 = arith.index_cast %while3A_302 : i32 to index
        %get3A_645 = arith.constant 40 : index
        %get3A_646 = tpu.vector_load %arg14[%get3A_643, %get3A_644, %get3A_645] {strides = array<i32>} : memref<8x64x128xf32, #tpu.memory_space<vmem>>, vector<1x1x16xf32>,
        %get3A_647 = vector.shape_cast %get3A_646 : vector<1x1x16xf32> to vector<16xf32>
        %mul3A_648 = arith.mulf %gather3A_370, %get3A_647 : vector<16xf32>
        %add3A_649 = arith.addf %add3A_641, %mul3A_648 : vector<16xf32>
        %get3A_650 = arith.constant 6 : i32
        %get3A_651 = arith.index_cast %get3A_650 : i32 to index
        %get3A_652 = arith.index_cast %while3A_302 : i32 to index
        %get3A_653 = arith.constant 40 : index
        %get3A_654 = tpu.vector_load %arg14[%get3A_651, %get3A_652, %get3A_653] {strides = array<i32>} : memref<8x64x128xf32, #tpu.memory_space<vmem>>, vector<1x1x16xf32>,
        %get3A_655 = vector.shape_cast %get3A_654 : vector<1x1x16xf32> to vector<16xf32>
        %mul3A_656 = arith.mulf %gather3A_377, %get3A_655 : vector<16xf32>
        %add3A_657 = arith.addf %add3A_649, %mul3A_656 : vector<16xf32>
        %get3A_658 = arith.constant 7 : i32
        %get3A_659 = arith.index_cast %get3A_658 : i32 to index
        %get3A_660 = arith.index_cast %while3A_302 : i32 to index
        %get3A_661 = arith.constant 40 : index
        %get3A_662 = tpu.vector_load %arg14[%get3A_659, %get3A_660, %get3A_661] {strides = array<i32>} : memref<8x64x128xf32, #tpu.memory_space<vmem>>, vector<1x1x16xf32>,
        %get3A_663 = vector.shape_cast %get3A_662 : vector<1x1x16xf32> to vector<16xf32>
        %mul3A_664 = arith.mulf %gather3A_384, %get3A_663 : vector<16xf32>
        %add3A_665 = arith.addf %add3A_657, %mul3A_664 : vector<16xf32>
        %broadcast_in_dim3A_666 = vector.shape_cast %min3A_7 : vector<16xi32> to vector<16x1xi32>
        %gather3A_667 = vector.shape_cast %broadcast_in_dim3A_666 : vector<16x1xi32> to vector<16xi32>
        %gather3A_668 = tpu.dynamic_gather %add3A_665[%gather3A_667] in [0] : vector<16xf32>, vector<16xi32> -> vector<16xf32>
        %select_n3A_669 = arith.select %lt3A_9, %gather3A_668, %add3A_399 : vector<16xi1>, vector<16xf32>
        %swap3A_670 = arith.index_cast %while3A_302 : i32 to index
        %swap3A_671 = arith.constant 48 : index
        %swap3A_672 = tpu.vector_load %arg16[%swap3A_670, %swap3A_671] {strides = array<i32>} : memref<64x128xf32, #tpu.memory_space<vmem>>, vector<1x16xf32>,
        %swap3A_673 = vector.shape_cast %swap3A_672 : vector<1x16xf32> to vector<16xf32>
        %swap3A_674 = vector.shape_cast %select_n3A_669 : vector<16xf32> to vector<1x16xf32>
        tpu.vector_store %arg16[%swap3A_670, %swap3A_671], %swap3A_674 {strides = array<i32>} : memref<64x128xf32, #tpu.memory_space<vmem>>, vector<1x16xf32>,
      }
      %mul3A_299 = arith.constant 64 : i32
      %mul3A_300 = arith.muli %while3A_80, %mul3A_299 : i32
      %add3A_301 = arith.addi %multiple_of3A, %mul3A_300 : i32
      "tpu.region"() ({
        %run_scoped3A = tpu.sem_alloc : memref<!tpu.dma_semaphore, #tpu.memory_space<semaphore_mem>>
        %dma_start3A_302 = arith.constant 0 : i32
        %dma_start3A_303 = tpu.memref_slice %arg7[%add3A_301, %dma_start3A_302] : memref<16384x128xf32, #tpu.memory_space<hbm>> -> memref<64x128xf32, #tpu.memory_space<hbm>>
        %dma_start3A_304 = arith.constant 0 : i32
        %dma_start3A_305 = tpu.memref_slice %arg7[%add3A_301, %dma_start3A_304] : memref<16384x128xf32, #tpu.memory_space<hbm>> -> memref<64x128xf32, #tpu.memory_space<hbm>>
        tpu.enqueue_dma source(%arg16 : memref<64x128xf32, #tpu.memory_space<vmem>>) target(%dma_start3A_305 : memref<64x128xf32, #tpu.memory_space<hbm>>) target_semaphore(%run_scoped3A : memref<!tpu.dma_semaphore, #tpu.memory_space<semaphore_mem>>)
        %dma_wait3A_306 = arith.constant 0 : i32
        %dma_wait3A_307 = tpu.memref_slice %arg7[%add3A_301, %dma_wait3A_306] : memref<16384x128xf32, #tpu.memory_space<hbm>> -> memref<64x128xf32, #tpu.memory_space<hbm>>
        %dma_wait3A_308 = arith.constant 0 : i32
        %dma_wait3A_309 = tpu.memref_slice %arg7[%add3A_301, %dma_wait3A_308] : memref<16384x128xf32, #tpu.memory_space<hbm>> -> memref<64x128xf32, #tpu.memory_space<hbm>>
        tpu.wait_dma2 semaphore(%run_scoped3A : memref<!tpu.dma_semaphore, #tpu.memory_space<semaphore_mem>>) src(%arg16 : memref<64x128xf32, #tpu.memory_space<vmem>>) dst(%dma_wait3A_309 : memref<64x128xf32, #tpu.memory_space<hbm>>)
        tpu.yield
      }) : () -> ()
    }
    %while3A_79 = arith.constant 1 : i32
    scf.for %while3A_80 = %while3A_77 to %while3A_73 step %while3A_79  : i32 {
      %while3A_81 = arith.constant 0 : i32
      %while3A_82 = arith.constant 0 : i32
      %while3A_83 = arith.constant 4 : i32
      %while3A_84 = arith.subi %while3A_83, %while3A_82 : i32
      %while3A_85 = arith.addi %while3A_82, %while3A_84 : i32
      %while3A_86 = arith.constant 1 : i32
      %while3A_87 = arith.divsi %while3A_84, %while3A_86 : i32
      %while3A_88 = arith.muli %while3A_87, %while3A_86 : i32
      %while3A_89 = arith.addi %while3A_82, %while3A_88 : i32
      %while3A_90 = arith.constant 1 : i32
      scf.for %while3A_302 = %while3A_82 to %while3A_89 step %while3A_90  : i32 {
        %mul3A_303 = arith.constant 64 : i32
        %mul3A_304 = arith.muli %while3A_80, %mul3A_303 : i32
        %mul3A_305 = arith.constant 16 : i32
        %mul3A_306 = arith.muli %while3A_302, %mul3A_305 : i32
        %add3A_307 = arith.addi %mul3A_304, %mul3A_306 : i32
        %get3A = arith.index_cast %add3A_307 : i32 to index
        %get3A_308 = tpu.vector_load %arg8[%get3A] {strides = array<i32>} : memref<512xi32, #tpu.memory_space<vmem>>, vector<16xi32>,
        %get3A_309 = vector.shape_cast %get3A_308 : vector<16xi32> to vector<16xi32>
        %shift_right_logical3A = arith.constant 10 : i32
        %shift_right_logical3A_310 = vector.broadcast %shift_right_logical3A : i32 to vector<16xi32>
        %shift_right_logical3A_311 = arith.shrui %get3A_309, %shift_right_logical3A_310 : vector<16xi32>
        %and3A = arith.constant 1023 : i32
        %and3A_312 = vector.broadcast %and3A : i32 to vector<16xi32>
        %and3A_313 = arith.andi %get3A_309, %and3A_312 : vector<16xi32>
        %get3A_314 = arith.constant 0 : index
        %get3A_315 = tpu.vector_load %arg9[%get3A_314] {strides = array<i32>} : memref<144xi32, #tpu.memory_space<vmem>>, vector<16xi32>,
        %get3A_316 = vector.shape_cast %get3A_315 : vector<16xi32> to vector<16xi32>
        %get3A_317 = arith.constant 0 : index
        %get3A_318 = tpu.vector_load %arg10[%get3A_317] {strides = array<i32>} : memref<144xi32, #tpu.memory_space<vmem>>, vector<16xi32>,
        %get3A_319 = vector.shape_cast %get3A_318 : vector<16xi32> to vector<16xi32>
        %mul3A_320 = arith.muli %shift_right_logical3A_311, %get3A_316 : vector<16xi32>
        %shift_right_logical3A_321 = arith.constant 5 : i32
        %shift_right_logical3A_322 = vector.broadcast %shift_right_logical3A_321 : i32 to vector<16xi32>
        %shift_right_logical3A_323 = arith.shrui %mul3A_320, %shift_right_logical3A_322 : vector<16xi32>
        %and3A_324 = arith.constant 31 : i32
        %and3A_325 = vector.broadcast %and3A_324 : i32 to vector<16xi32>
        %and3A_326 = arith.andi %mul3A_320, %and3A_325 : vector<16xi32>
        %shift_left3A = arith.constant 26 : i32
        %shift_left3A_327 = vector.broadcast %shift_left3A : i32 to vector<16xi32>
        %shift_left3A_328 = arith.shli %and3A_326, %shift_left3A_327 : vector<16xi32>
        %add3A_329 = arith.addi %shift_right_logical3A_323, %shift_left3A_328 : vector<16xi32>
        %mul3A_330 = arith.muli %shift_right_logical3A_311, %get3A_319 : vector<16xi32>
        %shift_right_logical3A_331 = arith.constant 21 : i32
        %shift_right_logical3A_332 = vector.broadcast %shift_right_logical3A_331 : i32 to vector<16xi32>
        %shift_right_logical3A_333 = arith.shrui %mul3A_330, %shift_right_logical3A_332 : vector<16xi32>
        %and3A_334 = arith.constant 2097151 : i32
        %and3A_335 = vector.broadcast %and3A_334 : i32 to vector<16xi32>
        %and3A_336 = arith.andi %mul3A_330, %and3A_335 : vector<16xi32>
        %shift_left3A_337 = arith.constant 10 : i32
        %shift_left3A_338 = vector.broadcast %shift_left3A_337 : i32 to vector<16xi32>
        %shift_left3A_339 = arith.shli %and3A_336, %shift_left3A_338 : vector<16xi32>
        %add3A_340 = arith.addi %shift_right_logical3A_333, %shift_left3A_339 : vector<16xi32>
        %mul3A_341 = arith.muli %and3A_313, %get3A_316 : vector<16xi32>
        %shift_right_logical3A_342 = arith.constant 15 : i32
        %shift_right_logical3A_343 = vector.broadcast %shift_right_logical3A_342 : i32 to vector<16xi32>
        %shift_right_logical3A_344 = arith.shrui %mul3A_341, %shift_right_logical3A_343 : vector<16xi32>
        %and3A_345 = arith.constant 32767 : i32
        %and3A_346 = vector.broadcast %and3A_345 : i32 to vector<16xi32>
        %and3A_347 = arith.andi %mul3A_341, %and3A_346 : vector<16xi32>
        %shift_left3A_348 = arith.constant 16 : i32
        %shift_left3A_349 = vector.broadcast %shift_left3A_348 : i32 to vector<16xi32>
        %shift_left3A_350 = arith.shli %and3A_347, %shift_left3A_349 : vector<16xi32>
        %add3A_351 = arith.addi %shift_right_logical3A_344, %shift_left3A_350 : vector<16xi32>
        %mul3A_352 = arith.muli %and3A_313, %get3A_319 : vector<16xi32>
        %add3A_353 = arith.addi %add3A_329, %add3A_340 : vector<16xi32>
        %shift_right_logical3A_354 = arith.constant 31 : i32
        %shift_right_logical3A_355 = vector.broadcast %shift_right_logical3A_354 : i32 to vector<16xi32>
        %shift_right_logical3A_356 = arith.shrui %add3A_353, %shift_right_logical3A_355 : vector<16xi32>
        %and3A_357 = arith.constant 2147483647 : i32
        %and3A_358 = vector.broadcast %and3A_357 : i32 to vector<16xi32>
        %and3A_359 = arith.andi %add3A_353, %and3A_358 : vector<16xi32>
        %add3A_360 = arith.addi %shift_right_logical3A_356, %and3A_359 : vector<16xi32>
        %add3A_361 = arith.addi %add3A_360, %add3A_351 : vector<16xi32>
        %shift_right_logical3A_362 = arith.constant 31 : i32
        %shift_right_logical3A_363 = vector.broadcast %shift_right_logical3A_362 : i32 to vector<16xi32>
        %shift_right_logical3A_364 = arith.shrui %add3A_361, %shift_right_logical3A_363 : vector<16xi32>
        %and3A_365 = arith.constant 2147483647 : i32
        %and3A_366 = vector.broadcast %and3A_365 : i32 to vector<16xi32>
        %and3A_367 = arith.andi %add3A_361, %and3A_366 : vector<16xi32>
        %add3A_368 = arith.addi %shift_right_logical3A_364, %and3A_367 : vector<16xi32>
        %add3A_369 = arith.addi %add3A_368, %mul3A_352 : vector<16xi32>
        %shift_right_logical3A_370 = arith.constant 31 : i32
        %shift_right_logical3A_371 = vector.broadcast %shift_right_logical3A_370 : i32 to vector<16xi32>
        %shift_right_logical3A_372 = arith.shrui %add3A_369, %shift_right_logical3A_371 : vector<16xi32>
        %and3A_373 = arith.constant 2147483647 : i32
        %and3A_374 = vector.broadcast %and3A_373 : i32 to vector<16xi32>
        %and3A_375 = arith.andi %add3A_369, %and3A_374 : vector<16xi32>
        %add3A_376 = arith.addi %shift_right_logical3A_372, %and3A_375 : vector<16xi32>
        %ge3A = arith.constant 2147483647 : i32
        %ge3A_377 = vector.broadcast %ge3A : i32 to vector<16xi32>
        %ge3A_378 = arith.cmpi uge, %add3A_376, %ge3A_377 : vector<16xi32>
        %sub3A = arith.constant 2147483647 : i32
        %sub3A_379 = vector.broadcast %sub3A : i32 to vector<16xi32>
        %sub3A_380 = arith.subi %add3A_376, %sub3A_379 : vector<16xi32>
        %select_n3A_381 = arith.select %ge3A_378, %sub3A_380, %add3A_376 : vector<16xi1>, vector<16xi32>
        %jit3A_382 = arith.constant 71428 : i32
        %eq3A_383 = arith.constant 0 : i32
        %eq3A_384 = arith.cmpi eq, %jit3A_382, %eq3A_383 : i32
        %jit3A_385 = arith.constant 1 : i32
        %select_n3A_386 = arith.select %eq3A_384, %jit3A_385, %jit3A_382 : i32
        %rem3A = vector.broadcast %select_n3A_386 : i32 to vector<16xi32>
        %rem3A_387 = arith.remui %select_n3A_381, %rem3A : vector<16xi32>
        %ne3A = arith.constant 0 : i32
        %ne3A_388 = vector.broadcast %ne3A : i32 to vector<16xi32>
        %ne3A_389 = arith.cmpi ne, %rem3A_387, %ne3A_388 : vector<16xi32>
        %lt3A_390 = arith.constant 0 : i32
        %lt3A_391 = vector.broadcast %lt3A_390 : i32 to vector<16xi32>
        %lt3A_392 = arith.cmpi ult, %rem3A_387, %lt3A_391 : vector<16xi32>
        %lt3A_393 = arith.constant 0 : i32
        %lt3A_394 = arith.cmpi ult, %select_n3A_386, %lt3A_393 : i32
        %ne3A_395 = vector.broadcast %lt3A_394 : i1 to vector<16xi1>
        %ne3A_396 = vector.broadcast %ne3A_395 : vector<16xi1> to vector<16xi1>
        %ne3A_397 = arith.xori %lt3A_392, %ne3A_396 : vector<16xi1>
        %and3A_398 = arith.andi %ne3A_397, %ne3A_389 : vector<16xi1>
        %add3A_399 = vector.broadcast %select_n3A_386 : i32 to vector<16xi32>
        %add3A_400 = arith.addi %rem3A_387, %add3A_399 : vector<16xi32>
        %select_n3A_401 = arith.select %and3A_398, %add3A_400, %rem3A_387 : vector<16xi1>, vector<16xi32>
        %mul3A_402 = arith.constant 16 : i32
        %mul3A_403 = arith.muli %while3A_302, %mul3A_402 : i32
        %swap3A = arith.constant 0 : i32
        %swap3A_404 = arith.index_cast %swap3A : i32 to index
        %swap3A_405 = arith.index_cast %mul3A_403 : i32 to index
        %swap3A_406 = tpu.vector_load %arg11[%swap3A_404, %swap3A_405] {strides = array<i32>} : memref<8x64xi32, #tpu.memory_space<vmem>>, vector<1x16xi32>,
        %swap3A_407 = vector.shape_cast %swap3A_406 : vector<1x16xi32> to vector<16xi32>
        %swap3A_408 = vector.shape_cast %select_n3A_401 : vector<16xi32> to vector<1x16xi32>
        tpu.vector_store %arg11[%swap3A_404, %swap3A_405], %swap3A_408 {strides = array<i32>} : memref<8x64xi32, #tpu.memory_space<vmem>>, vector<1x16xi32>,
        %get3A_409 = arith.constant 16 : index
        %get3A_410 = tpu.vector_load %arg9[%get3A_409] {strides = array<i32>} : memref<144xi32, #tpu.memory_space<vmem>>, vector<16xi32>,
        %get3A_411 = vector.shape_cast %get3A_410 : vector<16xi32> to vector<16xi32>
        %get3A_412 = arith.constant 16 : index
        %get3A_413 = tpu.vector_load %arg10[%get3A_412] {strides = array<i32>} : memref<144xi32, #tpu.memory_space<vmem>>, vector<16xi32>,
        %get3A_414 = vector.shape_cast %get3A_413 : vector<16xi32> to vector<16xi32>
        %mul3A_415 = arith.muli %shift_right_logical3A_311, %get3A_411 : vector<16xi32>
        %shift_right_logical3A_416 = arith.constant 5 : i32
        %shift_right_logical3A_417 = vector.broadcast %shift_right_logical3A_416 : i32 to vector<16xi32>
        %shift_right_logical3A_418 = arith.shrui %mul3A_415, %shift_right_logical3A_417 : vector<16xi32>
        %and3A_419 = arith.constant 31 : i32
        %and3A_420 = vector.broadcast %and3A_419 : i32 to vector<16xi32>
        %and3A_421 = arith.andi %mul3A_415, %and3A_420 : vector<16xi32>
        %shift_left3A_422 = arith.constant 26 : i32
        %shift_left3A_423 = vector.broadcast %shift_left3A_422 : i32 to vector<16xi32>
        %shift_left3A_424 = arith.shli %and3A_421, %shift_left3A_423 : vector<16xi32>
        %add3A_425 = arith.addi %shift_right_logical3A_418, %shift_left3A_424 : vector<16xi32>
        %mul3A_426 = arith.muli %shift_right_logical3A_311, %get3A_414 : vector<16xi32>
        %shift_right_logical3A_427 = arith.constant 21 : i32
        %shift_right_logical3A_428 = vector.broadcast %shift_right_logical3A_427 : i32 to vector<16xi32>
        %shift_right_logical3A_429 = arith.shrui %mul3A_426, %shift_right_logical3A_428 : vector<16xi32>
        %and3A_430 = arith.constant 2097151 : i32
        %and3A_431 = vector.broadcast %and3A_430 : i32 to vector<16xi32>
        %and3A_432 = arith.andi %mul3A_426, %and3A_431 : vector<16xi32>
        %shift_left3A_433 = arith.constant 10 : i32
        %shift_left3A_434 = vector.broadcast %shift_left3A_433 : i32 to vector<16xi32>
        %shift_left3A_435 = arith.shli %and3A_432, %shift_left3A_434 : vector<16xi32>
        %add3A_436 = arith.addi %shift_right_logical3A_429, %shift_left3A_435 : vector<16xi32>
        %mul3A_437 = arith.muli %and3A_313, %get3A_411 : vector<16xi32>
        %shift_right_logical3A_438 = arith.constant 15 : i32
        %shift_right_logical3A_439 = vector.broadcast %shift_right_logical3A_438 : i32 to vector<16xi32>
        %shift_right_logical3A_440 = arith.shrui %mul3A_437, %shift_right_logical3A_439 : vector<16xi32>
        %and3A_441 = arith.constant 32767 : i32
        %and3A_442 = vector.broadcast %and3A_441 : i32 to vector<16xi32>
        %and3A_443 = arith.andi %mul3A_437, %and3A_442 : vector<16xi32>
        %shift_left3A_444 = arith.constant 16 : i32
        %shift_left3A_445 = vector.broadcast %shift_left3A_444 : i32 to vector<16xi32>
        %shift_left3A_446 = arith.shli %and3A_443, %shift_left3A_445 : vector<16xi32>
        %add3A_447 = arith.addi %shift_right_logical3A_440, %shift_left3A_446 : vector<16xi32>
        %mul3A_448 = arith.muli %and3A_313, %get3A_414 : vector<16xi32>
        %add3A_449 = arith.addi %add3A_425, %add3A_436 : vector<16xi32>
        %shift_right_logical3A_450 = arith.constant 31 : i32
        %shift_right_logical3A_451 = vector.broadcast %shift_right_logical3A_450 : i32 to vector<16xi32>
        %shift_right_logical3A_452 = arith.shrui %add3A_449, %shift_right_logical3A_451 : vector<16xi32>
        %and3A_453 = arith.constant 2147483647 : i32
        %and3A_454 = vector.broadcast %and3A_453 : i32 to vector<16xi32>
        %and3A_455 = arith.andi %add3A_449, %and3A_454 : vector<16xi32>
        %add3A_456 = arith.addi %shift_right_logical3A_452, %and3A_455 : vector<16xi32>
        %add3A_457 = arith.addi %add3A_456, %add3A_447 : vector<16xi32>
        %shift_right_logical3A_458 = arith.constant 31 : i32
        %shift_right_logical3A_459 = vector.broadcast %shift_right_logical3A_458 : i32 to vector<16xi32>
        %shift_right_logical3A_460 = arith.shrui %add3A_457, %shift_right_logical3A_459 : vector<16xi32>
        %and3A_461 = arith.constant 2147483647 : i32
        %and3A_462 = vector.broadcast %and3A_461 : i32 to vector<16xi32>
        %and3A_463 = arith.andi %add3A_457, %and3A_462 : vector<16xi32>
        %add3A_464 = arith.addi %shift_right_logical3A_460, %and3A_463 : vector<16xi32>
        %add3A_465 = arith.addi %add3A_464, %mul3A_448 : vector<16xi32>
        %shift_right_logical3A_466 = arith.constant 31 : i32
        %shift_right_logical3A_467 = vector.broadcast %shift_right_logical3A_466 : i32 to vector<16xi32>
        %shift_right_logical3A_468 = arith.shrui %add3A_465, %shift_right_logical3A_467 : vector<16xi32>
        %and3A_469 = arith.constant 2147483647 : i32
        %and3A_470 = vector.broadcast %and3A_469 : i32 to vector<16xi32>
        %and3A_471 = arith.andi %add3A_465, %and3A_470 : vector<16xi32>
        %add3A_472 = arith.addi %shift_right_logical3A_468, %and3A_471 : vector<16xi32>
        %ge3A_473 = arith.constant 2147483647 : i32
        %ge3A_474 = vector.broadcast %ge3A_473 : i32 to vector<16xi32>
        %ge3A_475 = arith.cmpi uge, %add3A_472, %ge3A_474 : vector<16xi32>
        %sub3A_476 = arith.constant 2147483647 : i32
        %sub3A_477 = vector.broadcast %sub3A_476 : i32 to vector<16xi32>
        %sub3A_478 = arith.subi %add3A_472, %sub3A_477 : vector<16xi32>
        %select_n3A_479 = arith.select %ge3A_475, %sub3A_478, %add3A_472 : vector<16xi1>, vector<16xi32>
        %jit3A_480 = arith.constant 71428 : i32
        %eq3A_481 = arith.constant 0 : i32
        %eq3A_482 = arith.cmpi eq, %jit3A_480, %eq3A_481 : i32
        %jit3A_483 = arith.constant 1 : i32
        %select_n3A_484 = arith.select %eq3A_482, %jit3A_483, %jit3A_480 : i32
        %rem3A_485 = vector.broadcast %select_n3A_484 : i32 to vector<16xi32>
        %rem3A_486 = arith.remui %select_n3A_479, %rem3A_485 : vector<16xi32>
        %ne3A_487 = arith.constant 0 : i32
        %ne3A_488 = vector.broadcast %ne3A_487 : i32 to vector<16xi32>
        %ne3A_489 = arith.cmpi ne, %rem3A_486, %ne3A_488 : vector<16xi32>
        %lt3A_490 = arith.constant 0 : i32
        %lt3A_491 = vector.broadcast %lt3A_490 : i32 to vector<16xi32>
        %lt3A_492 = arith.cmpi ult, %rem3A_486, %lt3A_491 : vector<16xi32>
        %lt3A_493 = arith.constant 0 : i32
        %lt3A_494 = arith.cmpi ult, %select_n3A_484, %lt3A_493 : i32
        %ne3A_495 = vector.broadcast %lt3A_494 : i1 to vector<16xi1>
        %ne3A_496 = vector.broadcast %ne3A_495 : vector<16xi1> to vector<16xi1>
        %ne3A_497 = arith.xori %lt3A_492, %ne3A_496 : vector<16xi1>
        %and3A_498 = arith.andi %ne3A_497, %ne3A_489 : vector<16xi1>
        %add3A_499 = vector.broadcast %select_n3A_484 : i32 to vector<16xi32>
        %add3A_500 = arith.addi %rem3A_486, %add3A_499 : vector<16xi32>
        %select_n3A_501 = arith.select %and3A_498, %add3A_500, %rem3A_486 : vector<16xi1>, vector<16xi32>
        %mul3A_502 = arith.constant 16 : i32
        %mul3A_503 = arith.muli %while3A_302, %mul3A_502 : i32
        %swap3A_504 = arith.constant 1 : i32
        %swap3A_505 = arith.index_cast %swap3A_504 : i32 to index
        %swap3A_506 = arith.index_cast %mul3A_503 : i32 to index
        %swap3A_507 = tpu.vector_load %arg11[%swap3A_505, %swap3A_506] {strides = array<i32>} : memref<8x64xi32, #tpu.memory_space<vmem>>, vector<1x16xi32>,
        %swap3A_508 = vector.shape_cast %swap3A_507 : vector<1x16xi32> to vector<16xi32>
        %swap3A_509 = vector.shape_cast %select_n3A_501 : vector<16xi32> to vector<1x16xi32>
        tpu.vector_store %arg11[%swap3A_505, %swap3A_506], %swap3A_509 {strides = array<i32>} : memref<8x64xi32, #tpu.memory_space<vmem>>, vector<1x16xi32>,
        %get3A_510 = arith.constant 32 : index
        %get3A_511 = tpu.vector_load %arg9[%get3A_510] {strides = array<i32>} : memref<144xi32, #tpu.memory_space<vmem>>, vector<16xi32>,
        %get3A_512 = vector.shape_cast %get3A_511 : vector<16xi32> to vector<16xi32>
        %get3A_513 = arith.constant 32 : index
        %get3A_514 = tpu.vector_load %arg10[%get3A_513] {strides = array<i32>} : memref<144xi32, #tpu.memory_space<vmem>>, vector<16xi32>,
        %get3A_515 = vector.shape_cast %get3A_514 : vector<16xi32> to vector<16xi32>
        %mul3A_516 = arith.muli %shift_right_logical3A_311, %get3A_512 : vector<16xi32>
        %shift_right_logical3A_517 = arith.constant 5 : i32
        %shift_right_logical3A_518 = vector.broadcast %shift_right_logical3A_517 : i32 to vector<16xi32>
        %shift_right_logical3A_519 = arith.shrui %mul3A_516, %shift_right_logical3A_518 : vector<16xi32>
        %and3A_520 = arith.constant 31 : i32
        %and3A_521 = vector.broadcast %and3A_520 : i32 to vector<16xi32>
        %and3A_522 = arith.andi %mul3A_516, %and3A_521 : vector<16xi32>
        %shift_left3A_523 = arith.constant 26 : i32
        %shift_left3A_524 = vector.broadcast %shift_left3A_523 : i32 to vector<16xi32>
        %shift_left3A_525 = arith.shli %and3A_522, %shift_left3A_524 : vector<16xi32>
        %add3A_526 = arith.addi %shift_right_logical3A_519, %shift_left3A_525 : vector<16xi32>
        %mul3A_527 = arith.muli %shift_right_logical3A_311, %get3A_515 : vector<16xi32>
        %shift_right_logical3A_528 = arith.constant 21 : i32
        %shift_right_logical3A_529 = vector.broadcast %shift_right_logical3A_528 : i32 to vector<16xi32>
        %shift_right_logical3A_530 = arith.shrui %mul3A_527, %shift_right_logical3A_529 : vector<16xi32>
        %and3A_531 = arith.constant 2097151 : i32
        %and3A_532 = vector.broadcast %and3A_531 : i32 to vector<16xi32>
        %and3A_533 = arith.andi %mul3A_527, %and3A_532 : vector<16xi32>
        %shift_left3A_534 = arith.constant 10 : i32
        %shift_left3A_535 = vector.broadcast %shift_left3A_534 : i32 to vector<16xi32>
        %shift_left3A_536 = arith.shli %and3A_533, %shift_left3A_535 : vector<16xi32>
        %add3A_537 = arith.addi %shift_right_logical3A_530, %shift_left3A_536 : vector<16xi32>
        %mul3A_538 = arith.muli %and3A_313, %get3A_512 : vector<16xi32>
        %shift_right_logical3A_539 = arith.constant 15 : i32
        %shift_right_logical3A_540 = vector.broadcast %shift_right_logical3A_539 : i32 to vector<16xi32>
        %shift_right_logical3A_541 = arith.shrui %mul3A_538, %shift_right_logical3A_540 : vector<16xi32>
        %and3A_542 = arith.constant 32767 : i32
        %and3A_543 = vector.broadcast %and3A_542 : i32 to vector<16xi32>
        %and3A_544 = arith.andi %mul3A_538, %and3A_543 : vector<16xi32>
        %shift_left3A_545 = arith.constant 16 : i32
        %shift_left3A_546 = vector.broadcast %shift_left3A_545 : i32 to vector<16xi32>
        %shift_left3A_547 = arith.shli %and3A_544, %shift_left3A_546 : vector<16xi32>
        %add3A_548 = arith.addi %shift_right_logical3A_541, %shift_left3A_547 : vector<16xi32>
        %mul3A_549 = arith.muli %and3A_313, %get3A_515 : vector<16xi32>
        %add3A_550 = arith.addi %add3A_526, %add3A_537 : vector<16xi32>
        %shift_right_logical3A_551 = arith.constant 31 : i32
        %shift_right_logical3A_552 = vector.broadcast %shift_right_logical3A_551 : i32 to vector<16xi32>
        %shift_right_logical3A_553 = arith.shrui %add3A_550, %shift_right_logical3A_552 : vector<16xi32>
        %and3A_554 = arith.constant 2147483647 : i32
        %and3A_555 = vector.broadcast %and3A_554 : i32 to vector<16xi32>
        %and3A_556 = arith.andi %add3A_550, %and3A_555 : vector<16xi32>
        %add3A_557 = arith.addi %shift_right_logical3A_553, %and3A_556 : vector<16xi32>
        %add3A_558 = arith.addi %add3A_557, %add3A_548 : vector<16xi32>
        %shift_right_logical3A_559 = arith.constant 31 : i32
        %shift_right_logical3A_560 = vector.broadcast %shift_right_logical3A_559 : i32 to vector<16xi32>
        %shift_right_logical3A_561 = arith.shrui %add3A_558, %shift_right_logical3A_560 : vector<16xi32>
        %and3A_562 = arith.constant 2147483647 : i32
        %and3A_563 = vector.broadcast %and3A_562 : i32 to vector<16xi32>
        %and3A_564 = arith.andi %add3A_558, %and3A_563 : vector<16xi32>
        %add3A_565 = arith.addi %shift_right_logical3A_561, %and3A_564 : vector<16xi32>
        %add3A_566 = arith.addi %add3A_565, %mul3A_549 : vector<16xi32>
        %shift_right_logical3A_567 = arith.constant 31 : i32
        %shift_right_logical3A_568 = vector.broadcast %shift_right_logical3A_567 : i32 to vector<16xi32>
        %shift_right_logical3A_569 = arith.shrui %add3A_566, %shift_right_logical3A_568 : vector<16xi32>
        %and3A_570 = arith.constant 2147483647 : i32
        %and3A_571 = vector.broadcast %and3A_570 : i32 to vector<16xi32>
        %and3A_572 = arith.andi %add3A_566, %and3A_571 : vector<16xi32>
        %add3A_573 = arith.addi %shift_right_logical3A_569, %and3A_572 : vector<16xi32>
        %ge3A_574 = arith.constant 2147483647 : i32
        %ge3A_575 = vector.broadcast %ge3A_574 : i32 to vector<16xi32>
        %ge3A_576 = arith.cmpi uge, %add3A_573, %ge3A_575 : vector<16xi32>
        %sub3A_577 = arith.constant 2147483647 : i32
        %sub3A_578 = vector.broadcast %sub3A_577 : i32 to vector<16xi32>
        %sub3A_579 = arith.subi %add3A_573, %sub3A_578 : vector<16xi32>
        %select_n3A_580 = arith.select %ge3A_576, %sub3A_579, %add3A_573 : vector<16xi1>, vector<16xi32>
        %jit3A_581 = arith.constant 71428 : i32
        %eq3A_582 = arith.constant 0 : i32
        %eq3A_583 = arith.cmpi eq, %jit3A_581, %eq3A_582 : i32
        %jit3A_584 = arith.constant 1 : i32
        %select_n3A_585 = arith.select %eq3A_583, %jit3A_584, %jit3A_581 : i32
        %rem3A_586 = vector.broadcast %select_n3A_585 : i32 to vector<16xi32>
        %rem3A_587 = arith.remui %select_n3A_580, %rem3A_586 : vector<16xi32>
        %ne3A_588 = arith.constant 0 : i32
        %ne3A_589 = vector.broadcast %ne3A_588 : i32 to vector<16xi32>
        %ne3A_590 = arith.cmpi ne, %rem3A_587, %ne3A_589 : vector<16xi32>
        %lt3A_591 = arith.constant 0 : i32
        %lt3A_592 = vector.broadcast %lt3A_591 : i32 to vector<16xi32>
        %lt3A_593 = arith.cmpi ult, %rem3A_587, %lt3A_592 : vector<16xi32>
        %lt3A_594 = arith.constant 0 : i32
        %lt3A_595 = arith.cmpi ult, %select_n3A_585, %lt3A_594 : i32
        %ne3A_596 = vector.broadcast %lt3A_595 : i1 to vector<16xi1>
        %ne3A_597 = vector.broadcast %ne3A_596 : vector<16xi1> to vector<16xi1>
        %ne3A_598 = arith.xori %lt3A_593, %ne3A_597 : vector<16xi1>
        %and3A_599 = arith.andi %ne3A_598, %ne3A_590 : vector<16xi1>
        %add3A_600 = vector.broadcast %select_n3A_585 : i32 to vector<16xi32>
        %add3A_601 = arith.addi %rem3A_587, %add3A_600 : vector<16xi32>
        %select_n3A_602 = arith.select %and3A_599, %add3A_601, %rem3A_587 : vector<16xi1>, vector<16xi32>
        %mul3A_603 = arith.constant 16 : i32
        %mul3A_604 = arith.muli %while3A_302, %mul3A_603 : i32
        %swap3A_605 = arith.constant 2 : i32
        %swap3A_606 = arith.index_cast %swap3A_605 : i32 to index
        %swap3A_607 = arith.index_cast %mul3A_604 : i32 to index
        %swap3A_608 = tpu.vector_load %arg11[%swap3A_606, %swap3A_607] {strides = array<i32>} : memref<8x64xi32, #tpu.memory_space<vmem>>, vector<1x16xi32>,
        %swap3A_609 = vector.shape_cast %swap3A_608 : vector<1x16xi32> to vector<16xi32>
        %swap3A_610 = vector.shape_cast %select_n3A_602 : vector<16xi32> to vector<1x16xi32>
        tpu.vector_store %arg11[%swap3A_606, %swap3A_607], %swap3A_610 {strides = array<i32>} : memref<8x64xi32, #tpu.memory_space<vmem>>, vector<1x16xi32>,
        %get3A_611 = arith.constant 48 : index
        %get3A_612 = tpu.vector_load %arg9[%get3A_611] {strides = array<i32>} : memref<144xi32, #tpu.memory_space<vmem>>, vector<16xi32>,
        %get3A_613 = vector.shape_cast %get3A_612 : vector<16xi32> to vector<16xi32>
        %get3A_614 = arith.constant 48 : index
        %get3A_615 = tpu.vector_load %arg10[%get3A_614] {strides = array<i32>} : memref<144xi32, #tpu.memory_space<vmem>>, vector<16xi32>,
        %get3A_616 = vector.shape_cast %get3A_615 : vector<16xi32> to vector<16xi32>
        %mul3A_617 = arith.muli %shift_right_logical3A_311, %get3A_613 : vector<16xi32>
        %shift_right_logical3A_618 = arith.constant 5 : i32
        %shift_right_logical3A_619 = vector.broadcast %shift_right_logical3A_618 : i32 to vector<16xi32>
        %shift_right_logical3A_620 = arith.shrui %mul3A_617, %shift_right_logical3A_619 : vector<16xi32>
        %and3A_621 = arith.constant 31 : i32
        %and3A_622 = vector.broadcast %and3A_621 : i32 to vector<16xi32>
        %and3A_623 = arith.andi %mul3A_617, %and3A_622 : vector<16xi32>
        %shift_left3A_624 = arith.constant 26 : i32
        %shift_left3A_625 = vector.broadcast %shift_left3A_624 : i32 to vector<16xi32>
        %shift_left3A_626 = arith.shli %and3A_623, %shift_left3A_625 : vector<16xi32>
        %add3A_627 = arith.addi %shift_right_logical3A_620, %shift_left3A_626 : vector<16xi32>
        %mul3A_628 = arith.muli %shift_right_logical3A_311, %get3A_616 : vector<16xi32>
        %shift_right_logical3A_629 = arith.constant 21 : i32
        %shift_right_logical3A_630 = vector.broadcast %shift_right_logical3A_629 : i32 to vector<16xi32>
        %shift_right_logical3A_631 = arith.shrui %mul3A_628, %shift_right_logical3A_630 : vector<16xi32>
        %and3A_632 = arith.constant 2097151 : i32
        %and3A_633 = vector.broadcast %and3A_632 : i32 to vector<16xi32>
        %and3A_634 = arith.andi %mul3A_628, %and3A_633 : vector<16xi32>
        %shift_left3A_635 = arith.constant 10 : i32
        %shift_left3A_636 = vector.broadcast %shift_left3A_635 : i32 to vector<16xi32>
        %shift_left3A_637 = arith.shli %and3A_634, %shift_left3A_636 : vector<16xi32>
        %add3A_638 = arith.addi %shift_right_logical3A_631, %shift_left3A_637 : vector<16xi32>
        %mul3A_639 = arith.muli %and3A_313, %get3A_613 : vector<16xi32>
        %shift_right_logical3A_640 = arith.constant 15 : i32
        %shift_right_logical3A_641 = vector.broadcast %shift_right_logical3A_640 : i32 to vector<16xi32>
        %shift_right_logical3A_642 = arith.shrui %mul3A_639, %shift_right_logical3A_641 : vector<16xi32>
        %and3A_643 = arith.constant 32767 : i32
        %and3A_644 = vector.broadcast %and3A_643 : i32 to vector<16xi32>
        %and3A_645 = arith.andi %mul3A_639, %and3A_644 : vector<16xi32>
        %shift_left3A_646 = arith.constant 16 : i32
        %shift_left3A_647 = vector.broadcast %shift_left3A_646 : i32 to vector<16xi32>
        %shift_left3A_648 = arith.shli %and3A_645, %shift_left3A_647 : vector<16xi32>
        %add3A_649 = arith.addi %shift_right_logical3A_642, %shift_left3A_648 : vector<16xi32>
        %mul3A_650 = arith.muli %and3A_313, %get3A_616 : vector<16xi32>
        %add3A_651 = arith.addi %add3A_627, %add3A_638 : vector<16xi32>
        %shift_right_logical3A_652 = arith.constant 31 : i32
        %shift_right_logical3A_653 = vector.broadcast %shift_right_logical3A_652 : i32 to vector<16xi32>
        %shift_right_logical3A_654 = arith.shrui %add3A_651, %shift_right_logical3A_653 : vector<16xi32>
        %and3A_655 = arith.constant 2147483647 : i32
        %and3A_656 = vector.broadcast %and3A_655 : i32 to vector<16xi32>
        %and3A_657 = arith.andi %add3A_651, %and3A_656 : vector<16xi32>
        %add3A_658 = arith.addi %shift_right_logical3A_654, %and3A_657 : vector<16xi32>
        %add3A_659 = arith.addi %add3A_658, %add3A_649 : vector<16xi32>
        %shift_right_logical3A_660 = arith.constant 31 : i32
        %shift_right_logical3A_661 = vector.broadcast %shift_right_logical3A_660 : i32 to vector<16xi32>
        %shift_right_logical3A_662 = arith.shrui %add3A_659, %shift_right_logical3A_661 : vector<16xi32>
        %and3A_663 = arith.constant 2147483647 : i32
        %and3A_664 = vector.broadcast %and3A_663 : i32 to vector<16xi32>
        %and3A_665 = arith.andi %add3A_659, %and3A_664 : vector<16xi32>
        %add3A_666 = arith.addi %shift_right_logical3A_662, %and3A_665 : vector<16xi32>
        %add3A_667 = arith.addi %add3A_666, %mul3A_650 : vector<16xi32>
        %shift_right_logical3A_668 = arith.constant 31 : i32
        %shift_right_logical3A_669 = vector.broadcast %shift_right_logical3A_668 : i32 to vector<16xi32>
        %shift_right_logical3A_670 = arith.shrui %add3A_667, %shift_right_logical3A_669 : vector<16xi32>
        %and3A_671 = arith.constant 2147483647 : i32
        %and3A_672 = vector.broadcast %and3A_671 : i32 to vector<16xi32>
        %and3A_673 = arith.andi %add3A_667, %and3A_672 : vector<16xi32>
        %add3A_674 = arith.addi %shift_right_logical3A_670, %and3A_673 : vector<16xi32>
        %ge3A_675 = arith.constant 2147483647 : i32
        %ge3A_676 = vector.broadcast %ge3A_675 : i32 to vector<16xi32>
        %ge3A_677 = arith.cmpi uge, %add3A_674, %ge3A_676 : vector<16xi32>
        %sub3A_678 = arith.constant 2147483647 : i32
        %sub3A_679 = vector.broadcast %sub3A_678 : i32 to vector<16xi32>
        %sub3A_680 = arith.subi %add3A_674, %sub3A_679 : vector<16xi32>
        %select_n3A_681 = arith.select %ge3A_677, %sub3A_680, %add3A_674 : vector<16xi1>, vector<16xi32>
        %jit3A_682 = arith.constant 71428 : i32
        %eq3A_683 = arith.constant 0 : i32
        %eq3A_684 = arith.cmpi eq, %jit3A_682, %eq3A_683 : i32
        %jit3A_685 = arith.constant 1 : i32
        %select_n3A_686 = arith.select %eq3A_684, %jit3A_685, %jit3A_682 : i32
        %rem3A_687 = vector.broadcast %select_n3A_686 : i32 to vector<16xi32>
        %rem3A_688 = arith.remui %select_n3A_681, %rem3A_687 : vector<16xi32>
        %ne3A_689 = arith.constant 0 : i32
        %ne3A_690 = vector.broadcast %ne3A_689 : i32 to vector<16xi32>
        %ne3A_691 = arith.cmpi ne, %rem3A_688, %ne3A_690 : vector<16xi32>
        %lt3A_692 = arith.constant 0 : i32
        %lt3A_693 = vector.broadcast %lt3A_692 : i32 to vector<16xi32>
        %lt3A_694 = arith.cmpi ult, %rem3A_688, %lt3A_693 : vector<16xi32>
        %lt3A_695 = arith.constant 0 : i32
        %lt3A_696 = arith.cmpi ult, %select_n3A_686, %lt3A_695 : i32
        %ne3A_697 = vector.broadcast %lt3A_696 : i1 to vector<16xi1>
        %ne3A_698 = vector.broadcast %ne3A_697 : vector<16xi1> to vector<16xi1>
        %ne3A_699 = arith.xori %lt3A_694, %ne3A_698 : vector<16xi1>
        %and3A_700 = arith.andi %ne3A_699, %ne3A_691 : vector<16xi1>
        %add3A_701 = vector.broadcast %select_n3A_686 : i32 to vector<16xi32>
        %add3A_702 = arith.addi %rem3A_688, %add3A_701 : vector<16xi32>
        %select_n3A_703 = arith.select %and3A_700, %add3A_702, %rem3A_688 : vector<16xi1>, vector<16xi32>
        %mul3A_704 = arith.constant 16 : i32
        %mul3A_705 = arith.muli %while3A_302, %mul3A_704 : i32
        %swap3A_706 = arith.constant 3 : i32
        %swap3A_707 = arith.index_cast %swap3A_706 : i32 to index
        %swap3A_708 = arith.index_cast %mul3A_705 : i32 to index
        %swap3A_709 = tpu.vector_load %arg11[%swap3A_707, %swap3A_708] {strides = array<i32>} : memref<8x64xi32, #tpu.memory_space<vmem>>, vector<1x16xi32>,
        %swap3A_710 = vector.shape_cast %swap3A_709 : vector<1x16xi32> to vector<16xi32>
        %swap3A_711 = vector.shape_cast %select_n3A_703 : vector<16xi32> to vector<1x16xi32>
        tpu.vector_store %arg11[%swap3A_707, %swap3A_708], %swap3A_711 {strides = array<i32>} : memref<8x64xi32, #tpu.memory_space<vmem>>, vector<1x16xi32>,
        %get3A_712 = arith.constant 64 : index
        %get3A_713 = tpu.vector_load %arg9[%get3A_712] {strides = array<i32>} : memref<144xi32, #tpu.memory_space<vmem>>, vector<16xi32>,
        %get3A_714 = vector.shape_cast %get3A_713 : vector<16xi32> to vector<16xi32>
        %get3A_715 = arith.constant 64 : index
        %get3A_716 = tpu.vector_load %arg10[%get3A_715] {strides = array<i32>} : memref<144xi32, #tpu.memory_space<vmem>>, vector<16xi32>,
        %get3A_717 = vector.shape_cast %get3A_716 : vector<16xi32> to vector<16xi32>
        %mul3A_718 = arith.muli %shift_right_logical3A_311, %get3A_714 : vector<16xi32>
        %shift_right_logical3A_719 = arith.constant 5 : i32
        %shift_right_logical3A_720 = vector.broadcast %shift_right_logical3A_719 : i32 to vector<16xi32>
        %shift_right_logical3A_721 = arith.shrui %mul3A_718, %shift_right_logical3A_720 : vector<16xi32>
        %and3A_722 = arith.constant 31 : i32
        %and3A_723 = vector.broadcast %and3A_722 : i32 to vector<16xi32>
        %and3A_724 = arith.andi %mul3A_718, %and3A_723 : vector<16xi32>
        %shift_left3A_725 = arith.constant 26 : i32
        %shift_left3A_726 = vector.broadcast %shift_left3A_725 : i32 to vector<16xi32>
        %shift_left3A_727 = arith.shli %and3A_724, %shift_left3A_726 : vector<16xi32>
        %add3A_728 = arith.addi %shift_right_logical3A_721, %shift_left3A_727 : vector<16xi32>
        %mul3A_729 = arith.muli %shift_right_logical3A_311, %get3A_717 : vector<16xi32>
        %shift_right_logical3A_730 = arith.constant 21 : i32
        %shift_right_logical3A_731 = vector.broadcast %shift_right_logical3A_730 : i32 to vector<16xi32>
        %shift_right_logical3A_732 = arith.shrui %mul3A_729, %shift_right_logical3A_731 : vector<16xi32>
        %and3A_733 = arith.constant 2097151 : i32
        %and3A_734 = vector.broadcast %and3A_733 : i32 to vector<16xi32>
        %and3A_735 = arith.andi %mul3A_729, %and3A_734 : vector<16xi32>
        %shift_left3A_736 = arith.constant 10 : i32
        %shift_left3A_737 = vector.broadcast %shift_left3A_736 : i32 to vector<16xi32>
        %shift_left3A_738 = arith.shli %and3A_735, %shift_left3A_737 : vector<16xi32>
        %add3A_739 = arith.addi %shift_right_logical3A_732, %shift_left3A_738 : vector<16xi32>
        %mul3A_740 = arith.muli %and3A_313, %get3A_714 : vector<16xi32>
        %shift_right_logical3A_741 = arith.constant 15 : i32
        %shift_right_logical3A_742 = vector.broadcast %shift_right_logical3A_741 : i32 to vector<16xi32>
        %shift_right_logical3A_743 = arith.shrui %mul3A_740, %shift_right_logical3A_742 : vector<16xi32>
        %and3A_744 = arith.constant 32767 : i32
        %and3A_745 = vector.broadcast %and3A_744 : i32 to vector<16xi32>
        %and3A_746 = arith.andi %mul3A_740, %and3A_745 : vector<16xi32>
        %shift_left3A_747 = arith.constant 16 : i32
        %shift_left3A_748 = vector.broadcast %shift_left3A_747 : i32 to vector<16xi32>
        %shift_left3A_749 = arith.shli %and3A_746, %shift_left3A_748 : vector<16xi32>
        %add3A_750 = arith.addi %shift_right_logical3A_743, %shift_left3A_749 : vector<16xi32>
        %mul3A_751 = arith.muli %and3A_313, %get3A_717 : vector<16xi32>
        %add3A_752 = arith.addi %add3A_728, %add3A_739 : vector<16xi32>
        %shift_right_logical3A_753 = arith.constant 31 : i32
        %shift_right_logical3A_754 = vector.broadcast %shift_right_logical3A_753 : i32 to vector<16xi32>
        %shift_right_logical3A_755 = arith.shrui %add3A_752, %shift_right_logical3A_754 : vector<16xi32>
        %and3A_756 = arith.constant 2147483647 : i32
        %and3A_757 = vector.broadcast %and3A_756 : i32 to vector<16xi32>
        %and3A_758 = arith.andi %add3A_752, %and3A_757 : vector<16xi32>
        %add3A_759 = arith.addi %shift_right_logical3A_755, %and3A_758 : vector<16xi32>
        %add3A_760 = arith.addi %add3A_759, %add3A_750 : vector<16xi32>
        %shift_right_logical3A_761 = arith.constant 31 : i32
        %shift_right_logical3A_762 = vector.broadcast %shift_right_logical3A_761 : i32 to vector<16xi32>
        %shift_right_logical3A_763 = arith.shrui %add3A_760, %shift_right_logical3A_762 : vector<16xi32>
        %and3A_764 = arith.constant 2147483647 : i32
        %and3A_765 = vector.broadcast %and3A_764 : i32 to vector<16xi32>
        %and3A_766 = arith.andi %add3A_760, %and3A_765 : vector<16xi32>
        %add3A_767 = arith.addi %shift_right_logical3A_763, %and3A_766 : vector<16xi32>
        %add3A_768 = arith.addi %add3A_767, %mul3A_751 : vector<16xi32>
        %shift_right_logical3A_769 = arith.constant 31 : i32
        %shift_right_logical3A_770 = vector.broadcast %shift_right_logical3A_769 : i32 to vector<16xi32>
        %shift_right_logical3A_771 = arith.shrui %add3A_768, %shift_right_logical3A_770 : vector<16xi32>
        %and3A_772 = arith.constant 2147483647 : i32
        %and3A_773 = vector.broadcast %and3A_772 : i32 to vector<16xi32>
        %and3A_774 = arith.andi %add3A_768, %and3A_773 : vector<16xi32>
        %add3A_775 = arith.addi %shift_right_logical3A_771, %and3A_774 : vector<16xi32>
        %ge3A_776 = arith.constant 2147483647 : i32
        %ge3A_777 = vector.broadcast %ge3A_776 : i32 to vector<16xi32>
        %ge3A_778 = arith.cmpi uge, %add3A_775, %ge3A_777 : vector<16xi32>
        %sub3A_779 = arith.constant 2147483647 : i32
        %sub3A_780 = vector.broadcast %sub3A_779 : i32 to vector<16xi32>
        %sub3A_781 = arith.subi %add3A_775, %sub3A_780 : vector<16xi32>
        %select_n3A_782 = arith.select %ge3A_778, %sub3A_781, %add3A_775 : vector<16xi1>, vector<16xi32>
        %jit3A_783 = arith.constant 71428 : i32
        %eq3A_784 = arith.constant 0 : i32
        %eq3A_785 = arith.cmpi eq, %jit3A_783, %eq3A_784 : i32
        %jit3A_786 = arith.constant 1 : i32
        %select_n3A_787 = arith.select %eq3A_785, %jit3A_786, %jit3A_783 : i32
        %rem3A_788 = vector.broadcast %select_n3A_787 : i32 to vector<16xi32>
        %rem3A_789 = arith.remui %select_n3A_782, %rem3A_788 : vector<16xi32>
        %ne3A_790 = arith.constant 0 : i32
        %ne3A_791 = vector.broadcast %ne3A_790 : i32 to vector<16xi32>
        %ne3A_792 = arith.cmpi ne, %rem3A_789, %ne3A_791 : vector<16xi32>
        %lt3A_793 = arith.constant 0 : i32
        %lt3A_794 = vector.broadcast %lt3A_793 : i32 to vector<16xi32>
        %lt3A_795 = arith.cmpi ult, %rem3A_789, %lt3A_794 : vector<16xi32>
        %lt3A_796 = arith.constant 0 : i32
        %lt3A_797 = arith.cmpi ult, %select_n3A_787, %lt3A_796 : i32
        %ne3A_798 = vector.broadcast %lt3A_797 : i1 to vector<16xi1>
        %ne3A_799 = vector.broadcast %ne3A_798 : vector<16xi1> to vector<16xi1>
        %ne3A_800 = arith.xori %lt3A_795, %ne3A_799 : vector<16xi1>
        %and3A_801 = arith.andi %ne3A_800, %ne3A_792 : vector<16xi1>
        %add3A_802 = vector.broadcast %select_n3A_787 : i32 to vector<16xi32>
        %add3A_803 = arith.addi %rem3A_789, %add3A_802 : vector<16xi32>
        %select_n3A_804 = arith.select %and3A_801, %add3A_803, %rem3A_789 : vector<16xi1>, vector<16xi32>
        %mul3A_805 = arith.constant 16 : i32
        %mul3A_806 = arith.muli %while3A_302, %mul3A_805 : i32
        %swap3A_807 = arith.constant 4 : i32
        %swap3A_808 = arith.index_cast %swap3A_807 : i32 to index
        %swap3A_809 = arith.index_cast %mul3A_806 : i32 to index
        %swap3A_810 = tpu.vector_load %arg11[%swap3A_808, %swap3A_809] {strides = array<i32>} : memref<8x64xi32, #tpu.memory_space<vmem>>, vector<1x16xi32>,
        %swap3A_811 = vector.shape_cast %swap3A_810 : vector<1x16xi32> to vector<16xi32>
        %swap3A_812 = vector.shape_cast %select_n3A_804 : vector<16xi32> to vector<1x16xi32>
        tpu.vector_store %arg11[%swap3A_808, %swap3A_809], %swap3A_812 {strides = array<i32>} : memref<8x64xi32, #tpu.memory_space<vmem>>, vector<1x16xi32>,
        %get3A_813 = arith.constant 80 : index
        %get3A_814 = tpu.vector_load %arg9[%get3A_813] {strides = array<i32>} : memref<144xi32, #tpu.memory_space<vmem>>, vector<16xi32>,
        %get3A_815 = vector.shape_cast %get3A_814 : vector<16xi32> to vector<16xi32>
        %get3A_816 = arith.constant 80 : index
        %get3A_817 = tpu.vector_load %arg10[%get3A_816] {strides = array<i32>} : memref<144xi32, #tpu.memory_space<vmem>>, vector<16xi32>,
        %get3A_818 = vector.shape_cast %get3A_817 : vector<16xi32> to vector<16xi32>
        %mul3A_819 = arith.muli %shift_right_logical3A_311, %get3A_815 : vector<16xi32>
        %shift_right_logical3A_820 = arith.constant 5 : i32
        %shift_right_logical3A_821 = vector.broadcast %shift_right_logical3A_820 : i32 to vector<16xi32>
        %shift_right_logical3A_822 = arith.shrui %mul3A_819, %shift_right_logical3A_821 : vector<16xi32>
        %and3A_823 = arith.constant 31 : i32
        %and3A_824 = vector.broadcast %and3A_823 : i32 to vector<16xi32>
        %and3A_825 = arith.andi %mul3A_819, %and3A_824 : vector<16xi32>
        %shift_left3A_826 = arith.constant 26 : i32
        %shift_left3A_827 = vector.broadcast %shift_left3A_826 : i32 to vector<16xi32>
        %shift_left3A_828 = arith.shli %and3A_825, %shift_left3A_827 : vector<16xi32>
        %add3A_829 = arith.addi %shift_right_logical3A_822, %shift_left3A_828 : vector<16xi32>
        %mul3A_830 = arith.muli %shift_right_logical3A_311, %get3A_818 : vector<16xi32>
        %shift_right_logical3A_831 = arith.constant 21 : i32
        %shift_right_logical3A_832 = vector.broadcast %shift_right_logical3A_831 : i32 to vector<16xi32>
        %shift_right_logical3A_833 = arith.shrui %mul3A_830, %shift_right_logical3A_832 : vector<16xi32>
        %and3A_834 = arith.constant 2097151 : i32
        %and3A_835 = vector.broadcast %and3A_834 : i32 to vector<16xi32>
        %and3A_836 = arith.andi %mul3A_830, %and3A_835 : vector<16xi32>
        %shift_left3A_837 = arith.constant 10 : i32
        %shift_left3A_838 = vector.broadcast %shift_left3A_837 : i32 to vector<16xi32>
        %shift_left3A_839 = arith.shli %and3A_836, %shift_left3A_838 : vector<16xi32>
        %add3A_840 = arith.addi %shift_right_logical3A_833, %shift_left3A_839 : vector<16xi32>
        %mul3A_841 = arith.muli %and3A_313, %get3A_815 : vector<16xi32>
        %shift_right_logical3A_842 = arith.constant 15 : i32
        %shift_right_logical3A_843 = vector.broadcast %shift_right_logical3A_842 : i32 to vector<16xi32>
        %shift_right_logical3A_844 = arith.shrui %mul3A_841, %shift_right_logical3A_843 : vector<16xi32>
        %and3A_845 = arith.constant 32767 : i32
        %and3A_846 = vector.broadcast %and3A_845 : i32 to vector<16xi32>
        %and3A_847 = arith.andi %mul3A_841, %and3A_846 : vector<16xi32>
        %shift_left3A_848 = arith.constant 16 : i32
        %shift_left3A_849 = vector.broadcast %shift_left3A_848 : i32 to vector<16xi32>
        %shift_left3A_850 = arith.shli %and3A_847, %shift_left3A_849 : vector<16xi32>
        %add3A_851 = arith.addi %shift_right_logical3A_844, %shift_left3A_850 : vector<16xi32>
        %mul3A_852 = arith.muli %and3A_313, %get3A_818 : vector<16xi32>
        %add3A_853 = arith.addi %add3A_829, %add3A_840 : vector<16xi32>
        %shift_right_logical3A_854 = arith.constant 31 : i32
        %shift_right_logical3A_855 = vector.broadcast %shift_right_logical3A_854 : i32 to vector<16xi32>
        %shift_right_logical3A_856 = arith.shrui %add3A_853, %shift_right_logical3A_855 : vector<16xi32>
        %and3A_857 = arith.constant 2147483647 : i32
        %and3A_858 = vector.broadcast %and3A_857 : i32 to vector<16xi32>
        %and3A_859 = arith.andi %add3A_853, %and3A_858 : vector<16xi32>
        %add3A_860 = arith.addi %shift_right_logical3A_856, %and3A_859 : vector<16xi32>
        %add3A_861 = arith.addi %add3A_860, %add3A_851 : vector<16xi32>
        %shift_right_logical3A_862 = arith.constant 31 : i32
        %shift_right_logical3A_863 = vector.broadcast %shift_right_logical3A_862 : i32 to vector<16xi32>
        %shift_right_logical3A_864 = arith.shrui %add3A_861, %shift_right_logical3A_863 : vector<16xi32>
        %and3A_865 = arith.constant 2147483647 : i32
        %and3A_866 = vector.broadcast %and3A_865 : i32 to vector<16xi32>
        %and3A_867 = arith.andi %add3A_861, %and3A_866 : vector<16xi32>
        %add3A_868 = arith.addi %shift_right_logical3A_864, %and3A_867 : vector<16xi32>
        %add3A_869 = arith.addi %add3A_868, %mul3A_852 : vector<16xi32>
        %shift_right_logical3A_870 = arith.constant 31 : i32
        %shift_right_logical3A_871 = vector.broadcast %shift_right_logical3A_870 : i32 to vector<16xi32>
        %shift_right_logical3A_872 = arith.shrui %add3A_869, %shift_right_logical3A_871 : vector<16xi32>
        %and3A_873 = arith.constant 2147483647 : i32
        %and3A_874 = vector.broadcast %and3A_873 : i32 to vector<16xi32>
        %and3A_875 = arith.andi %add3A_869, %and3A_874 : vector<16xi32>
        %add3A_876 = arith.addi %shift_right_logical3A_872, %and3A_875 : vector<16xi32>
        %ge3A_877 = arith.constant 2147483647 : i32
        %ge3A_878 = vector.broadcast %ge3A_877 : i32 to vector<16xi32>
        %ge3A_879 = arith.cmpi uge, %add3A_876, %ge3A_878 : vector<16xi32>
        %sub3A_880 = arith.constant 2147483647 : i32
        %sub3A_881 = vector.broadcast %sub3A_880 : i32 to vector<16xi32>
        %sub3A_882 = arith.subi %add3A_876, %sub3A_881 : vector<16xi32>
        %select_n3A_883 = arith.select %ge3A_879, %sub3A_882, %add3A_876 : vector<16xi1>, vector<16xi32>
        %jit3A_884 = arith.constant 71428 : i32
        %eq3A_885 = arith.constant 0 : i32
        %eq3A_886 = arith.cmpi eq, %jit3A_884, %eq3A_885 : i32
        %jit3A_887 = arith.constant 1 : i32
        %select_n3A_888 = arith.select %eq3A_886, %jit3A_887, %jit3A_884 : i32
        %rem3A_889 = vector.broadcast %select_n3A_888 : i32 to vector<16xi32>
        %rem3A_890 = arith.remui %select_n3A_883, %rem3A_889 : vector<16xi32>
        %ne3A_891 = arith.constant 0 : i32
        %ne3A_892 = vector.broadcast %ne3A_891 : i32 to vector<16xi32>
        %ne3A_893 = arith.cmpi ne, %rem3A_890, %ne3A_892 : vector<16xi32>
        %lt3A_894 = arith.constant 0 : i32
        %lt3A_895 = vector.broadcast %lt3A_894 : i32 to vector<16xi32>
        %lt3A_896 = arith.cmpi ult, %rem3A_890, %lt3A_895 : vector<16xi32>
        %lt3A_897 = arith.constant 0 : i32
        %lt3A_898 = arith.cmpi ult, %select_n3A_888, %lt3A_897 : i32
        %ne3A_899 = vector.broadcast %lt3A_898 : i1 to vector<16xi1>
        %ne3A_900 = vector.broadcast %ne3A_899 : vector<16xi1> to vector<16xi1>
        %ne3A_901 = arith.xori %lt3A_896, %ne3A_900 : vector<16xi1>
        %and3A_902 = arith.andi %ne3A_901, %ne3A_893 : vector<16xi1>
        %add3A_903 = vector.broadcast %select_n3A_888 : i32 to vector<16xi32>
        %add3A_904 = arith.addi %rem3A_890, %add3A_903 : vector<16xi32>
        %select_n3A_905 = arith.select %and3A_902, %add3A_904, %rem3A_890 : vector<16xi1>, vector<16xi32>
        %mul3A_906 = arith.constant 16 : i32
        %mul3A_907 = arith.muli %while3A_302, %mul3A_906 : i32
        %swap3A_908 = arith.constant 5 : i32
        %swap3A_909 = arith.index_cast %swap3A_908 : i32 to index
        %swap3A_910 = arith.index_cast %mul3A_907 : i32 to index
        %swap3A_911 = tpu.vector_load %arg11[%swap3A_909, %swap3A_910] {strides = array<i32>} : memref<8x64xi32, #tpu.memory_space<vmem>>, vector<1x16xi32>,
        %swap3A_912 = vector.shape_cast %swap3A_911 : vector<1x16xi32> to vector<16xi32>
        %swap3A_913 = vector.shape_cast %select_n3A_905 : vector<16xi32> to vector<1x16xi32>
        tpu.vector_store %arg11[%swap3A_909, %swap3A_910], %swap3A_913 {strides = array<i32>} : memref<8x64xi32, #tpu.memory_space<vmem>>, vector<1x16xi32>,
        %get3A_914 = arith.constant 96 : index
        %get3A_915 = tpu.vector_load %arg9[%get3A_914] {strides = array<i32>} : memref<144xi32, #tpu.memory_space<vmem>>, vector<16xi32>,
        %get3A_916 = vector.shape_cast %get3A_915 : vector<16xi32> to vector<16xi32>
        %get3A_917 = arith.constant 96 : index
        %get3A_918 = tpu.vector_load %arg10[%get3A_917] {strides = array<i32>} : memref<144xi32, #tpu.memory_space<vmem>>, vector<16xi32>,
        %get3A_919 = vector.shape_cast %get3A_918 : vector<16xi32> to vector<16xi32>
        %mul3A_920 = arith.muli %shift_right_logical3A_311, %get3A_916 : vector<16xi32>
        %shift_right_logical3A_921 = arith.constant 5 : i32
        %shift_right_logical3A_922 = vector.broadcast %shift_right_logical3A_921 : i32 to vector<16xi32>
        %shift_right_logical3A_923 = arith.shrui %mul3A_920, %shift_right_logical3A_922 : vector<16xi32>
        %and3A_924 = arith.constant 31 : i32
        %and3A_925 = vector.broadcast %and3A_924 : i32 to vector<16xi32>
        %and3A_926 = arith.andi %mul3A_920, %and3A_925 : vector<16xi32>
        %shift_left3A_927 = arith.constant 26 : i32
        %shift_left3A_928 = vector.broadcast %shift_left3A_927 : i32 to vector<16xi32>
        %shift_left3A_929 = arith.shli %and3A_926, %shift_left3A_928 : vector<16xi32>
        %add3A_930 = arith.addi %shift_right_logical3A_923, %shift_left3A_929 : vector<16xi32>
        %mul3A_931 = arith.muli %shift_right_logical3A_311, %get3A_919 : vector<16xi32>
        %shift_right_logical3A_932 = arith.constant 21 : i32
        %shift_right_logical3A_933 = vector.broadcast %shift_right_logical3A_932 : i32 to vector<16xi32>
        %shift_right_logical3A_934 = arith.shrui %mul3A_931, %shift_right_logical3A_933 : vector<16xi32>
        %and3A_935 = arith.constant 2097151 : i32
        %and3A_936 = vector.broadcast %and3A_935 : i32 to vector<16xi32>
        %and3A_937 = arith.andi %mul3A_931, %and3A_936 : vector<16xi32>
        %shift_left3A_938 = arith.constant 10 : i32
        %shift_left3A_939 = vector.broadcast %shift_left3A_938 : i32 to vector<16xi32>
        %shift_left3A_940 = arith.shli %and3A_937, %shift_left3A_939 : vector<16xi32>
        %add3A_941 = arith.addi %shift_right_logical3A_934, %shift_left3A_940 : vector<16xi32>
        %mul3A_942 = arith.muli %and3A_313, %get3A_916 : vector<16xi32>
        %shift_right_logical3A_943 = arith.constant 15 : i32
        %shift_right_logical3A_944 = vector.broadcast %shift_right_logical3A_943 : i32 to vector<16xi32>
        %shift_right_logical3A_945 = arith.shrui %mul3A_942, %shift_right_logical3A_944 : vector<16xi32>
        %and3A_946 = arith.constant 32767 : i32
        %and3A_947 = vector.broadcast %and3A_946 : i32 to vector<16xi32>
        %and3A_948 = arith.andi %mul3A_942, %and3A_947 : vector<16xi32>
        %shift_left3A_949 = arith.constant 16 : i32
        %shift_left3A_950 = vector.broadcast %shift_left3A_949 : i32 to vector<16xi32>
        %shift_left3A_951 = arith.shli %and3A_948, %shift_left3A_950 : vector<16xi32>
        %add3A_952 = arith.addi %shift_right_logical3A_945, %shift_left3A_951 : vector<16xi32>
        %mul3A_953 = arith.muli %and3A_313, %get3A_919 : vector<16xi32>
        %add3A_954 = arith.addi %add3A_930, %add3A_941 : vector<16xi32>
        %shift_right_logical3A_955 = arith.constant 31 : i32
        %shift_right_logical3A_956 = vector.broadcast %shift_right_logical3A_955 : i32 to vector<16xi32>
        %shift_right_logical3A_957 = arith.shrui %add3A_954, %shift_right_logical3A_956 : vector<16xi32>
        %and3A_958 = arith.constant 2147483647 : i32
        %and3A_959 = vector.broadcast %and3A_958 : i32 to vector<16xi32>
        %and3A_960 = arith.andi %add3A_954, %and3A_959 : vector<16xi32>
        %add3A_961 = arith.addi %shift_right_logical3A_957, %and3A_960 : vector<16xi32>
        %add3A_962 = arith.addi %add3A_961, %add3A_952 : vector<16xi32>
        %shift_right_logical3A_963 = arith.constant 31 : i32
        %shift_right_logical3A_964 = vector.broadcast %shift_right_logical3A_963 : i32 to vector<16xi32>
        %shift_right_logical3A_965 = arith.shrui %add3A_962, %shift_right_logical3A_964 : vector<16xi32>
        %and3A_966 = arith.constant 2147483647 : i32
        %and3A_967 = vector.broadcast %and3A_966 : i32 to vector<16xi32>
        %and3A_968 = arith.andi %add3A_962, %and3A_967 : vector<16xi32>
        %add3A_969 = arith.addi %shift_right_logical3A_965, %and3A_968 : vector<16xi32>
        %add3A_970 = arith.addi %add3A_969, %mul3A_953 : vector<16xi32>
        %shift_right_logical3A_971 = arith.constant 31 : i32
        %shift_right_logical3A_972 = vector.broadcast %shift_right_logical3A_971 : i32 to vector<16xi32>
        %shift_right_logical3A_973 = arith.shrui %add3A_970, %shift_right_logical3A_972 : vector<16xi32>
        %and3A_974 = arith.constant 2147483647 : i32
        %and3A_975 = vector.broadcast %and3A_974 : i32 to vector<16xi32>
        %and3A_976 = arith.andi %add3A_970, %and3A_975 : vector<16xi32>
        %add3A_977 = arith.addi %shift_right_logical3A_973, %and3A_976 : vector<16xi32>
        %ge3A_978 = arith.constant 2147483647 : i32
        %ge3A_979 = vector.broadcast %ge3A_978 : i32 to vector<16xi32>
        %ge3A_980 = arith.cmpi uge, %add3A_977, %ge3A_979 : vector<16xi32>
        %sub3A_981 = arith.constant 2147483647 : i32
        %sub3A_982 = vector.broadcast %sub3A_981 : i32 to vector<16xi32>
        %sub3A_983 = arith.subi %add3A_977, %sub3A_982 : vector<16xi32>
        %select_n3A_984 = arith.select %ge3A_980, %sub3A_983, %add3A_977 : vector<16xi1>, vector<16xi32>
        %jit3A_985 = arith.constant 71428 : i32
        %eq3A_986 = arith.constant 0 : i32
        %eq3A_987 = arith.cmpi eq, %jit3A_985, %eq3A_986 : i32
        %jit3A_988 = arith.constant 1 : i32
        %select_n3A_989 = arith.select %eq3A_987, %jit3A_988, %jit3A_985 : i32
        %rem3A_990 = vector.broadcast %select_n3A_989 : i32 to vector<16xi32>
        %rem3A_991 = arith.remui %select_n3A_984, %rem3A_990 : vector<16xi32>
        %ne3A_992 = arith.constant 0 : i32
        %ne3A_993 = vector.broadcast %ne3A_992 : i32 to vector<16xi32>
        %ne3A_994 = arith.cmpi ne, %rem3A_991, %ne3A_993 : vector<16xi32>
        %lt3A_995 = arith.constant 0 : i32
        %lt3A_996 = vector.broadcast %lt3A_995 : i32 to vector<16xi32>
        %lt3A_997 = arith.cmpi ult, %rem3A_991, %lt3A_996 : vector<16xi32>
        %lt3A_998 = arith.constant 0 : i32
        %lt3A_999 = arith.cmpi ult, %select_n3A_989, %lt3A_998 : i32
        %ne3A_1000 = vector.broadcast %lt3A_999 : i1 to vector<16xi1>
        %ne3A_1001 = vector.broadcast %ne3A_1000 : vector<16xi1> to vector<16xi1>
        %ne3A_1002 = arith.xori %lt3A_997, %ne3A_1001 : vector<16xi1>
        %and3A_1003 = arith.andi %ne3A_1002, %ne3A_994 : vector<16xi1>
        %add3A_1004 = vector.broadcast %select_n3A_989 : i32 to vector<16xi32>
        %add3A_1005 = arith.addi %rem3A_991, %add3A_1004 : vector<16xi32>
        %select_n3A_1006 = arith.select %and3A_1003, %add3A_1005, %rem3A_991 : vector<16xi1>, vector<16xi32>
        %mul3A_1007 = arith.constant 16 : i32
        %mul3A_1008 = arith.muli %while3A_302, %mul3A_1007 : i32
        %swap3A_1009 = arith.constant 6 : i32
        %swap3A_1010 = arith.index_cast %swap3A_1009 : i32 to index
        %swap3A_1011 = arith.index_cast %mul3A_1008 : i32 to index
        %swap3A_1012 = tpu.vector_load %arg11[%swap3A_1010, %swap3A_1011] {strides = array<i32>} : memref<8x64xi32, #tpu.memory_space<vmem>>, vector<1x16xi32>,
        %swap3A_1013 = vector.shape_cast %swap3A_1012 : vector<1x16xi32> to vector<16xi32>
        %swap3A_1014 = vector.shape_cast %select_n3A_1006 : vector<16xi32> to vector<1x16xi32>
        tpu.vector_store %arg11[%swap3A_1010, %swap3A_1011], %swap3A_1014 {strides = array<i32>} : memref<8x64xi32, #tpu.memory_space<vmem>>, vector<1x16xi32>,
        %get3A_1015 = arith.constant 112 : index
        %get3A_1016 = tpu.vector_load %arg9[%get3A_1015] {strides = array<i32>} : memref<144xi32, #tpu.memory_space<vmem>>, vector<16xi32>,
        %get3A_1017 = vector.shape_cast %get3A_1016 : vector<16xi32> to vector<16xi32>
        %get3A_1018 = arith.constant 112 : index
        %get3A_1019 = tpu.vector_load %arg10[%get3A_1018] {strides = array<i32>} : memref<144xi32, #tpu.memory_space<vmem>>, vector<16xi32>,
        %get3A_1020 = vector.shape_cast %get3A_1019 : vector<16xi32> to vector<16xi32>
        %mul3A_1021 = arith.muli %shift_right_logical3A_311, %get3A_1017 : vector<16xi32>
        %shift_right_logical3A_1022 = arith.constant 5 : i32
        %shift_right_logical3A_1023 = vector.broadcast %shift_right_logical3A_1022 : i32 to vector<16xi32>
        %shift_right_logical3A_1024 = arith.shrui %mul3A_1021, %shift_right_logical3A_1023 : vector<16xi32>
        %and3A_1025 = arith.constant 31 : i32
        %and3A_1026 = vector.broadcast %and3A_1025 : i32 to vector<16xi32>
        %and3A_1027 = arith.andi %mul3A_1021, %and3A_1026 : vector<16xi32>
        %shift_left3A_1028 = arith.constant 26 : i32
        %shift_left3A_1029 = vector.broadcast %shift_left3A_1028 : i32 to vector<16xi32>
        %shift_left3A_1030 = arith.shli %and3A_1027, %shift_left3A_1029 : vector<16xi32>
        %add3A_1031 = arith.addi %shift_right_logical3A_1024, %shift_left3A_1030 : vector<16xi32>
        %mul3A_1032 = arith.muli %shift_right_logical3A_311, %get3A_1020 : vector<16xi32>
        %shift_right_logical3A_1033 = arith.constant 21 : i32
        %shift_right_logical3A_1034 = vector.broadcast %shift_right_logical3A_1033 : i32 to vector<16xi32>
        %shift_right_logical3A_1035 = arith.shrui %mul3A_1032, %shift_right_logical3A_1034 : vector<16xi32>
        %and3A_1036 = arith.constant 2097151 : i32
        %and3A_1037 = vector.broadcast %and3A_1036 : i32 to vector<16xi32>
        %and3A_1038 = arith.andi %mul3A_1032, %and3A_1037 : vector<16xi32>
        %shift_left3A_1039 = arith.constant 10 : i32
        %shift_left3A_1040 = vector.broadcast %shift_left3A_1039 : i32 to vector<16xi32>
        %shift_left3A_1041 = arith.shli %and3A_1038, %shift_left3A_1040 : vector<16xi32>
        %add3A_1042 = arith.addi %shift_right_logical3A_1035, %shift_left3A_1041 : vector<16xi32>
        %mul3A_1043 = arith.muli %and3A_313, %get3A_1017 : vector<16xi32>
        %shift_right_logical3A_1044 = arith.constant 15 : i32
        %shift_right_logical3A_1045 = vector.broadcast %shift_right_logical3A_1044 : i32 to vector<16xi32>
        %shift_right_logical3A_1046 = arith.shrui %mul3A_1043, %shift_right_logical3A_1045 : vector<16xi32>
        %and3A_1047 = arith.constant 32767 : i32
        %and3A_1048 = vector.broadcast %and3A_1047 : i32 to vector<16xi32>
        %and3A_1049 = arith.andi %mul3A_1043, %and3A_1048 : vector<16xi32>
        %shift_left3A_1050 = arith.constant 16 : i32
        %shift_left3A_1051 = vector.broadcast %shift_left3A_1050 : i32 to vector<16xi32>
        %shift_left3A_1052 = arith.shli %and3A_1049, %shift_left3A_1051 : vector<16xi32>
        %add3A_1053 = arith.addi %shift_right_logical3A_1046, %shift_left3A_1052 : vector<16xi32>
        %mul3A_1054 = arith.muli %and3A_313, %get3A_1020 : vector<16xi32>
        %add3A_1055 = arith.addi %add3A_1031, %add3A_1042 : vector<16xi32>
        %shift_right_logical3A_1056 = arith.constant 31 : i32
        %shift_right_logical3A_1057 = vector.broadcast %shift_right_logical3A_1056 : i32 to vector<16xi32>
        %shift_right_logical3A_1058 = arith.shrui %add3A_1055, %shift_right_logical3A_1057 : vector<16xi32>
        %and3A_1059 = arith.constant 2147483647 : i32
        %and3A_1060 = vector.broadcast %and3A_1059 : i32 to vector<16xi32>
        %and3A_1061 = arith.andi %add3A_1055, %and3A_1060 : vector<16xi32>
        %add3A_1062 = arith.addi %shift_right_logical3A_1058, %and3A_1061 : vector<16xi32>
        %add3A_1063 = arith.addi %add3A_1062, %add3A_1053 : vector<16xi32>
        %shift_right_logical3A_1064 = arith.constant 31 : i32
        %shift_right_logical3A_1065 = vector.broadcast %shift_right_logical3A_1064 : i32 to vector<16xi32>
        %shift_right_logical3A_1066 = arith.shrui %add3A_1063, %shift_right_logical3A_1065 : vector<16xi32>
        %and3A_1067 = arith.constant 2147483647 : i32
        %and3A_1068 = vector.broadcast %and3A_1067 : i32 to vector<16xi32>
        %and3A_1069 = arith.andi %add3A_1063, %and3A_1068 : vector<16xi32>
        %add3A_1070 = arith.addi %shift_right_logical3A_1066, %and3A_1069 : vector<16xi32>
        %add3A_1071 = arith.addi %add3A_1070, %mul3A_1054 : vector<16xi32>
        %shift_right_logical3A_1072 = arith.constant 31 : i32
        %shift_right_logical3A_1073 = vector.broadcast %shift_right_logical3A_1072 : i32 to vector<16xi32>
        %shift_right_logical3A_1074 = arith.shrui %add3A_1071, %shift_right_logical3A_1073 : vector<16xi32>
        %and3A_1075 = arith.constant 2147483647 : i32
        %and3A_1076 = vector.broadcast %and3A_1075 : i32 to vector<16xi32>
        %and3A_1077 = arith.andi %add3A_1071, %and3A_1076 : vector<16xi32>
        %add3A_1078 = arith.addi %shift_right_logical3A_1074, %and3A_1077 : vector<16xi32>
        %ge3A_1079 = arith.constant 2147483647 : i32
        %ge3A_1080 = vector.broadcast %ge3A_1079 : i32 to vector<16xi32>
        %ge3A_1081 = arith.cmpi uge, %add3A_1078, %ge3A_1080 : vector<16xi32>
        %sub3A_1082 = arith.constant 2147483647 : i32
        %sub3A_1083 = vector.broadcast %sub3A_1082 : i32 to vector<16xi32>
        %sub3A_1084 = arith.subi %add3A_1078, %sub3A_1083 : vector<16xi32>
        %select_n3A_1085 = arith.select %ge3A_1081, %sub3A_1084, %add3A_1078 : vector<16xi1>, vector<16xi32>
        %jit3A_1086 = arith.constant 71428 : i32
        %eq3A_1087 = arith.constant 0 : i32
        %eq3A_1088 = arith.cmpi eq, %jit3A_1086, %eq3A_1087 : i32
        %jit3A_1089 = arith.constant 1 : i32
        %select_n3A_1090 = arith.select %eq3A_1088, %jit3A_1089, %jit3A_1086 : i32
        %rem3A_1091 = vector.broadcast %select_n3A_1090 : i32 to vector<16xi32>
        %rem3A_1092 = arith.remui %select_n3A_1085, %rem3A_1091 : vector<16xi32>
        %ne3A_1093 = arith.constant 0 : i32
        %ne3A_1094 = vector.broadcast %ne3A_1093 : i32 to vector<16xi32>
        %ne3A_1095 = arith.cmpi ne, %rem3A_1092, %ne3A_1094 : vector<16xi32>
        %lt3A_1096 = arith.constant 0 : i32
        %lt3A_1097 = vector.broadcast %lt3A_1096 : i32 to vector<16xi32>
        %lt3A_1098 = arith.cmpi ult, %rem3A_1092, %lt3A_1097 : vector<16xi32>
        %lt3A_1099 = arith.constant 0 : i32
        %lt3A_1100 = arith.cmpi ult, %select_n3A_1090, %lt3A_1099 : i32
        %ne3A_1101 = vector.broadcast %lt3A_1100 : i1 to vector<16xi1>
        %ne3A_1102 = vector.broadcast %ne3A_1101 : vector<16xi1> to vector<16xi1>
        %ne3A_1103 = arith.xori %lt3A_1098, %ne3A_1102 : vector<16xi1>
        %and3A_1104 = arith.andi %ne3A_1103, %ne3A_1095 : vector<16xi1>
        %add3A_1105 = vector.broadcast %select_n3A_1090 : i32 to vector<16xi32>
        %add3A_1106 = arith.addi %rem3A_1092, %add3A_1105 : vector<16xi32>
        %select_n3A_1107 = arith.select %and3A_1104, %add3A_1106, %rem3A_1092 : vector<16xi1>, vector<16xi32>
        %mul3A_1108 = arith.constant 16 : i32
        %mul3A_1109 = arith.muli %while3A_302, %mul3A_1108 : i32
        %swap3A_1110 = arith.constant 7 : i32
        %swap3A_1111 = arith.index_cast %swap3A_1110 : i32 to index
        %swap3A_1112 = arith.index_cast %mul3A_1109 : i32 to index
        %swap3A_1113 = tpu.vector_load %arg11[%swap3A_1111, %swap3A_1112] {strides = array<i32>} : memref<8x64xi32, #tpu.memory_space<vmem>>, vector<1x16xi32>,
        %swap3A_1114 = vector.shape_cast %swap3A_1113 : vector<1x16xi32> to vector<16xi32>
        %swap3A_1115 = vector.shape_cast %select_n3A_1107 : vector<16xi32> to vector<1x16xi32>
        tpu.vector_store %arg11[%swap3A_1111, %swap3A_1112], %swap3A_1115 {strides = array<i32>} : memref<8x64xi32, #tpu.memory_space<vmem>>, vector<1x16xi32>,
        %get3A_1116 = arith.constant 128 : index
        %get3A_1117 = tpu.vector_load %arg9[%get3A_1116] {strides = array<i32>} : memref<144xi32, #tpu.memory_space<vmem>>, vector<16xi32>,
        %get3A_1118 = vector.shape_cast %get3A_1117 : vector<16xi32> to vector<16xi32>
        %get3A_1119 = arith.constant 128 : index
        %get3A_1120 = tpu.vector_load %arg10[%get3A_1119] {strides = array<i32>} : memref<144xi32, #tpu.memory_space<vmem>>, vector<16xi32>,
        %get3A_1121 = vector.shape_cast %get3A_1120 : vector<16xi32> to vector<16xi32>
        %mul3A_1122 = arith.muli %shift_right_logical3A_311, %get3A_1118 : vector<16xi32>
        %shift_right_logical3A_1123 = arith.constant 5 : i32
        %shift_right_logical3A_1124 = vector.broadcast %shift_right_logical3A_1123 : i32 to vector<16xi32>
        %shift_right_logical3A_1125 = arith.shrui %mul3A_1122, %shift_right_logical3A_1124 : vector<16xi32>
        %and3A_1126 = arith.constant 31 : i32
        %and3A_1127 = vector.broadcast %and3A_1126 : i32 to vector<16xi32>
        %and3A_1128 = arith.andi %mul3A_1122, %and3A_1127 : vector<16xi32>
        %shift_left3A_1129 = arith.constant 26 : i32
        %shift_left3A_1130 = vector.broadcast %shift_left3A_1129 : i32 to vector<16xi32>
        %shift_left3A_1131 = arith.shli %and3A_1128, %shift_left3A_1130 : vector<16xi32>
        %add3A_1132 = arith.addi %shift_right_logical3A_1125, %shift_left3A_1131 : vector<16xi32>
        %mul3A_1133 = arith.muli %shift_right_logical3A_311, %get3A_1121 : vector<16xi32>
        %shift_right_logical3A_1134 = arith.constant 21 : i32
        %shift_right_logical3A_1135 = vector.broadcast %shift_right_logical3A_1134 : i32 to vector<16xi32>
        %shift_right_logical3A_1136 = arith.shrui %mul3A_1133, %shift_right_logical3A_1135 : vector<16xi32>
        %and3A_1137 = arith.constant 2097151 : i32
        %and3A_1138 = vector.broadcast %and3A_1137 : i32 to vector<16xi32>
        %and3A_1139 = arith.andi %mul3A_1133, %and3A_1138 : vector<16xi32>
        %shift_left3A_1140 = arith.constant 10 : i32
        %shift_left3A_1141 = vector.broadcast %shift_left3A_1140 : i32 to vector<16xi32>
        %shift_left3A_1142 = arith.shli %and3A_1139, %shift_left3A_1141 : vector<16xi32>
        %add3A_1143 = arith.addi %shift_right_logical3A_1136, %shift_left3A_1142 : vector<16xi32>
        %mul3A_1144 = arith.muli %and3A_313, %get3A_1118 : vector<16xi32>
        %shift_right_logical3A_1145 = arith.constant 15 : i32
        %shift_right_logical3A_1146 = vector.broadcast %shift_right_logical3A_1145 : i32 to vector<16xi32>
        %shift_right_logical3A_1147 = arith.shrui %mul3A_1144, %shift_right_logical3A_1146 : vector<16xi32>
        %and3A_1148 = arith.constant 32767 : i32
        %and3A_1149 = vector.broadcast %and3A_1148 : i32 to vector<16xi32>
        %and3A_1150 = arith.andi %mul3A_1144, %and3A_1149 : vector<16xi32>
        %shift_left3A_1151 = arith.constant 16 : i32
        %shift_left3A_1152 = vector.broadcast %shift_left3A_1151 : i32 to vector<16xi32>
        %shift_left3A_1153 = arith.shli %and3A_1150, %shift_left3A_1152 : vector<16xi32>
        %add3A_1154 = arith.addi %shift_right_logical3A_1147, %shift_left3A_1153 : vector<16xi32>
        %mul3A_1155 = arith.muli %and3A_313, %get3A_1121 : vector<16xi32>
        %add3A_1156 = arith.addi %add3A_1132, %add3A_1143 : vector<16xi32>
        %shift_right_logical3A_1157 = arith.constant 31 : i32
        %shift_right_logical3A_1158 = vector.broadcast %shift_right_logical3A_1157 : i32 to vector<16xi32>
        %shift_right_logical3A_1159 = arith.shrui %add3A_1156, %shift_right_logical3A_1158 : vector<16xi32>
        %and3A_1160 = arith.constant 2147483647 : i32
        %and3A_1161 = vector.broadcast %and3A_1160 : i32 to vector<16xi32>
        %and3A_1162 = arith.andi %add3A_1156, %and3A_1161 : vector<16xi32>
        %add3A_1163 = arith.addi %shift_right_logical3A_1159, %and3A_1162 : vector<16xi32>
        %add3A_1164 = arith.addi %add3A_1163, %add3A_1154 : vector<16xi32>
        %shift_right_logical3A_1165 = arith.constant 31 : i32
        %shift_right_logical3A_1166 = vector.broadcast %shift_right_logical3A_1165 : i32 to vector<16xi32>
        %shift_right_logical3A_1167 = arith.shrui %add3A_1164, %shift_right_logical3A_1166 : vector<16xi32>
        %and3A_1168 = arith.constant 2147483647 : i32
        %and3A_1169 = vector.broadcast %and3A_1168 : i32 to vector<16xi32>
        %and3A_1170 = arith.andi %add3A_1164, %and3A_1169 : vector<16xi32>
        %add3A_1171 = arith.addi %shift_right_logical3A_1167, %and3A_1170 : vector<16xi32>
        %add3A_1172 = arith.addi %add3A_1171, %mul3A_1155 : vector<16xi32>
        %shift_right_logical3A_1173 = arith.constant 31 : i32
        %shift_right_logical3A_1174 = vector.broadcast %shift_right_logical3A_1173 : i32 to vector<16xi32>
        %shift_right_logical3A_1175 = arith.shrui %add3A_1172, %shift_right_logical3A_1174 : vector<16xi32>
        %and3A_1176 = arith.constant 2147483647 : i32
        %and3A_1177 = vector.broadcast %and3A_1176 : i32 to vector<16xi32>
        %and3A_1178 = arith.andi %add3A_1172, %and3A_1177 : vector<16xi32>
        %add3A_1179 = arith.addi %shift_right_logical3A_1175, %and3A_1178 : vector<16xi32>
        %ge3A_1180 = arith.constant 2147483647 : i32
        %ge3A_1181 = vector.broadcast %ge3A_1180 : i32 to vector<16xi32>
        %ge3A_1182 = arith.cmpi uge, %add3A_1179, %ge3A_1181 : vector<16xi32>
        %sub3A_1183 = arith.constant 2147483647 : i32
        %sub3A_1184 = vector.broadcast %sub3A_1183 : i32 to vector<16xi32>
        %sub3A_1185 = arith.subi %add3A_1179, %sub3A_1184 : vector<16xi32>
        %select_n3A_1186 = arith.select %ge3A_1182, %sub3A_1185, %add3A_1179 : vector<16xi1>, vector<16xi32>
        %jit3A_1187 = arith.constant 500000 : i32
        %eq3A_1188 = arith.constant 0 : i32
        %eq3A_1189 = arith.cmpi eq, %jit3A_1187, %eq3A_1188 : i32
        %jit3A_1190 = arith.constant 1 : i32
        %select_n3A_1191 = arith.select %eq3A_1189, %jit3A_1190, %jit3A_1187 : i32
        %rem3A_1192 = vector.broadcast %select_n3A_1191 : i32 to vector<16xi32>
        %rem3A_1193 = arith.remui %select_n3A_1186, %rem3A_1192 : vector<16xi32>
        %ne3A_1194 = arith.constant 0 : i32
        %ne3A_1195 = vector.broadcast %ne3A_1194 : i32 to vector<16xi32>
        %ne3A_1196 = arith.cmpi ne, %rem3A_1193, %ne3A_1195 : vector<16xi32>
        %lt3A_1197 = arith.constant 0 : i32
        %lt3A_1198 = vector.broadcast %lt3A_1197 : i32 to vector<16xi32>
        %lt3A_1199 = arith.cmpi ult, %rem3A_1193, %lt3A_1198 : vector<16xi32>
        %lt3A_1200 = arith.constant 0 : i32
        %lt3A_1201 = arith.cmpi ult, %select_n3A_1191, %lt3A_1200 : i32
        %ne3A_1202 = vector.broadcast %lt3A_1201 : i1 to vector<16xi1>
        %ne3A_1203 = vector.broadcast %ne3A_1202 : vector<16xi1> to vector<16xi1>
        %ne3A_1204 = arith.xori %lt3A_1199, %ne3A_1203 : vector<16xi1>
        %and3A_1205 = arith.andi %ne3A_1204, %ne3A_1196 : vector<16xi1>
        %add3A_1206 = vector.broadcast %select_n3A_1191 : i32 to vector<16xi32>
        %add3A_1207 = arith.addi %rem3A_1193, %add3A_1206 : vector<16xi32>
        %select_n3A_1208 = arith.select %and3A_1205, %add3A_1207, %rem3A_1193 : vector<16xi1>, vector<16xi32>
        %shift_right_arithmetic3A = arith.constant 4 : i32
        %shift_right_arithmetic3A_1209 = vector.broadcast %shift_right_arithmetic3A : i32 to vector<16xi32>
        %shift_right_arithmetic3A_1210 = arith.shrsi %select_n3A_1208, %shift_right_arithmetic3A_1209 : vector<16xi32>
        %mul3A_1211 = arith.constant 16 : i32
        %mul3A_1212 = arith.muli %while3A_302, %mul3A_1211 : i32
        %swap3A_1213 = arith.index_cast %mul3A_1212 : i32 to index
        %swap3A_1214 = tpu.vector_load %arg12[%swap3A_1213] {strides = array<i32>} : memref<64xi32, #tpu.memory_space<vmem>>, vector<16xi32>,
        %swap3A_1215 = vector.shape_cast %swap3A_1214 : vector<16xi32> to vector<16xi32>
        %swap3A_1216 = vector.shape_cast %shift_right_arithmetic3A_1210 : vector<16xi32> to vector<16xi32>
        tpu.vector_store %arg12[%swap3A_1213], %swap3A_1216 {strides = array<i32>} : memref<64xi32, #tpu.memory_space<vmem>>, vector<16xi32>,
        %and3A_1217 = arith.constant 15 : i32
        %and3A_1218 = vector.broadcast %and3A_1217 : i32 to vector<16xi32>
        %and3A_1219 = arith.andi %select_n3A_1208, %and3A_1218 : vector<16xi32>
        %swap3A_1220 = arith.index_cast %while3A_302 : i32 to index
        %swap3A_1221 = arith.constant 0 : index
        %swap3A_1222 = tpu.vector_load %arg13[%swap3A_1220, %swap3A_1221] {strides = array<i32>} : memref<4x16xi32, #tpu.memory_space<vmem>>, vector<1x16xi32>,
        %swap3A_1223 = vector.shape_cast %swap3A_1222 : vector<1x16xi32> to vector<16xi32>
        %swap3A_1224 = vector.shape_cast %and3A_1219 : vector<16xi32> to vector<1x16xi32>
        tpu.vector_store %arg13[%swap3A_1220, %swap3A_1221], %swap3A_1224 {strides = array<i32>} : memref<4x16xi32, #tpu.memory_space<vmem>>, vector<1x16xi32>,
      }
      %while3A_91 = arith.constant 1 : i32
      scf.for %while3A_302 = %while3A_89 to %while3A_85 step %while3A_91  : i32 {
        %mul3A_303 = arith.constant 64 : i32
        %mul3A_304 = arith.muli %while3A_80, %mul3A_303 : i32
        %mul3A_305 = arith.constant 16 : i32
        %mul3A_306 = arith.muli %while3A_302, %mul3A_305 : i32
        %add3A_307 = arith.addi %mul3A_304, %mul3A_306 : i32
        %get3A = arith.index_cast %add3A_307 : i32 to index
        %get3A_308 = tpu.vector_load %arg8[%get3A] {strides = array<i32>} : memref<512xi32, #tpu.memory_space<vmem>>, vector<16xi32>,
        %get3A_309 = vector.shape_cast %get3A_308 : vector<16xi32> to vector<16xi32>
        %shift_right_logical3A = arith.constant 10 : i32
        %shift_right_logical3A_310 = vector.broadcast %shift_right_logical3A : i32 to vector<16xi32>
        %shift_right_logical3A_311 = arith.shrui %get3A_309, %shift_right_logical3A_310 : vector<16xi32>
        %and3A = arith.constant 1023 : i32
        %and3A_312 = vector.broadcast %and3A : i32 to vector<16xi32>
        %and3A_313 = arith.andi %get3A_309, %and3A_312 : vector<16xi32>
        %get3A_314 = arith.constant 0 : index
        %get3A_315 = tpu.vector_load %arg9[%get3A_314] {strides = array<i32>} : memref<144xi32, #tpu.memory_space<vmem>>, vector<16xi32>,
        %get3A_316 = vector.shape_cast %get3A_315 : vector<16xi32> to vector<16xi32>
        %get3A_317 = arith.constant 0 : index
        %get3A_318 = tpu.vector_load %arg10[%get3A_317] {strides = array<i32>} : memref<144xi32, #tpu.memory_space<vmem>>, vector<16xi32>,
        %get3A_319 = vector.shape_cast %get3A_318 : vector<16xi32> to vector<16xi32>
        %mul3A_320 = arith.muli %shift_right_logical3A_311, %get3A_316 : vector<16xi32>
        %shift_right_logical3A_321 = arith.constant 5 : i32
        %shift_right_logical3A_322 = vector.broadcast %shift_right_logical3A_321 : i32 to vector<16xi32>
        %shift_right_logical3A_323 = arith.shrui %mul3A_320, %shift_right_logical3A_322 : vector<16xi32>
        %and3A_324 = arith.constant 31 : i32
        %and3A_325 = vector.broadcast %and3A_324 : i32 to vector<16xi32>
        %and3A_326 = arith.andi %mul3A_320, %and3A_325 : vector<16xi32>
        %shift_left3A = arith.constant 26 : i32
        %shift_left3A_327 = vector.broadcast %shift_left3A : i32 to vector<16xi32>
        %shift_left3A_328 = arith.shli %and3A_326, %shift_left3A_327 : vector<16xi32>
        %add3A_329 = arith.addi %shift_right_logical3A_323, %shift_left3A_328 : vector<16xi32>
        %mul3A_330 = arith.muli %shift_right_logical3A_311, %get3A_319 : vector<16xi32>
        %shift_right_logical3A_331 = arith.constant 21 : i32
        %shift_right_logical3A_332 = vector.broadcast %shift_right_logical3A_331 : i32 to vector<16xi32>
        %shift_right_logical3A_333 = arith.shrui %mul3A_330, %shift_right_logical3A_332 : vector<16xi32>
        %and3A_334 = arith.constant 2097151 : i32
        %and3A_335 = vector.broadcast %and3A_334 : i32 to vector<16xi32>
        %and3A_336 = arith.andi %mul3A_330, %and3A_335 : vector<16xi32>
        %shift_left3A_337 = arith.constant 10 : i32
        %shift_left3A_338 = vector.broadcast %shift_left3A_337 : i32 to vector<16xi32>
        %shift_left3A_339 = arith.shli %and3A_336, %shift_left3A_338 : vector<16xi32>
        %add3A_340 = arith.addi %shift_right_logical3A_333, %shift_left3A_339 : vector<16xi32>
        %mul3A_341 = arith.muli %and3A_313, %get3A_316 : vector<16xi32>
        %shift_right_logical3A_342 = arith.constant 15 : i32
        %shift_right_logical3A_343 = vector.broadcast %shift_right_logical3A_342 : i32 to vector<16xi32>
        %shift_right_logical3A_344 = arith.shrui %mul3A_341, %shift_right_logical3A_343 : vector<16xi32>
        %and3A_345 = arith.constant 32767 : i32
        %and3A_346 = vector.broadcast %and3A_345 : i32 to vector<16xi32>
        %and3A_347 = arith.andi %mul3A_341, %and3A_346 : vector<16xi32>
        %shift_left3A_348 = arith.constant 16 : i32
        %shift_left3A_349 = vector.broadcast %shift_left3A_348 : i32 to vector<16xi32>
        %shift_left3A_350 = arith.shli %and3A_347, %shift_left3A_349 : vector<16xi32>
        %add3A_351 = arith.addi %shift_right_logical3A_344, %shift_left3A_350 : vector<16xi32>
        %mul3A_352 = arith.muli %and3A_313, %get3A_319 : vector<16xi32>
        %add3A_353 = arith.addi %add3A_329, %add3A_340 : vector<16xi32>
        %shift_right_logical3A_354 = arith.constant 31 : i32
        %shift_right_logical3A_355 = vector.broadcast %shift_right_logical3A_354 : i32 to vector<16xi32>
        %shift_right_logical3A_356 = arith.shrui %add3A_353, %shift_right_logical3A_355 : vector<16xi32>
        %and3A_357 = arith.constant 2147483647 : i32
        %and3A_358 = vector.broadcast %and3A_357 : i32 to vector<16xi32>
        %and3A_359 = arith.andi %add3A_353, %and3A_358 : vector<16xi32>
        %add3A_360 = arith.addi %shift_right_logical3A_356, %and3A_359 : vector<16xi32>
        %add3A_361 = arith.addi %add3A_360, %add3A_351 : vector<16xi32>
        %shift_right_logical3A_362 = arith.constant 31 : i32
        %shift_right_logical3A_363 = vector.broadcast %shift_right_logical3A_362 : i32 to vector<16xi32>
        %shift_right_logical3A_364 = arith.shrui %add3A_361, %shift_right_logical3A_363 : vector<16xi32>
        %and3A_365 = arith.constant 2147483647 : i32
        %and3A_366 = vector.broadcast %and3A_365 : i32 to vector<16xi32>
        %and3A_367 = arith.andi %add3A_361, %and3A_366 : vector<16xi32>
        %add3A_368 = arith.addi %shift_right_logical3A_364, %and3A_367 : vector<16xi32>
        %add3A_369 = arith.addi %add3A_368, %mul3A_352 : vector<16xi32>
        %shift_right_logical3A_370 = arith.constant 31 : i32
        %shift_right_logical3A_371 = vector.broadcast %shift_right_logical3A_370 : i32 to vector<16xi32>
        %shift_right_logical3A_372 = arith.shrui %add3A_369, %shift_right_logical3A_371 : vector<16xi32>
        %and3A_373 = arith.constant 2147483647 : i32
        %and3A_374 = vector.broadcast %and3A_373 : i32 to vector<16xi32>
        %and3A_375 = arith.andi %add3A_369, %and3A_374 : vector<16xi32>
        %add3A_376 = arith.addi %shift_right_logical3A_372, %and3A_375 : vector<16xi32>
        %ge3A = arith.constant 2147483647 : i32
        %ge3A_377 = vector.broadcast %ge3A : i32 to vector<16xi32>
        %ge3A_378 = arith.cmpi uge, %add3A_376, %ge3A_377 : vector<16xi32>
        %sub3A = arith.constant 2147483647 : i32
        %sub3A_379 = vector.broadcast %sub3A : i32 to vector<16xi32>
        %sub3A_380 = arith.subi %add3A_376, %sub3A_379 : vector<16xi32>
        %select_n3A_381 = arith.select %ge3A_378, %sub3A_380, %add3A_376 : vector<16xi1>, vector<16xi32>
        %jit3A_382 = arith.constant 71428 : i32
        %eq3A_383 = arith.constant 0 : i32
        %eq3A_384 = arith.cmpi eq, %jit3A_382, %eq3A_383 : i32
        %jit3A_385 = arith.constant 1 : i32
        %select_n3A_386 = arith.select %eq3A_384, %jit3A_385, %jit3A_382 : i32
        %rem3A = vector.broadcast %select_n3A_386 : i32 to vector<16xi32>
        %rem3A_387 = arith.remui %select_n3A_381, %rem3A : vector<16xi32>
        %ne3A = arith.constant 0 : i32
        %ne3A_388 = vector.broadcast %ne3A : i32 to vector<16xi32>
        %ne3A_389 = arith.cmpi ne, %rem3A_387, %ne3A_388 : vector<16xi32>
        %lt3A_390 = arith.constant 0 : i32
        %lt3A_391 = vector.broadcast %lt3A_390 : i32 to vector<16xi32>
        %lt3A_392 = arith.cmpi ult, %rem3A_387, %lt3A_391 : vector<16xi32>
        %lt3A_393 = arith.constant 0 : i32
        %lt3A_394 = arith.cmpi ult, %select_n3A_386, %lt3A_393 : i32
        %ne3A_395 = vector.broadcast %lt3A_394 : i1 to vector<16xi1>
        %ne3A_396 = vector.broadcast %ne3A_395 : vector<16xi1> to vector<16xi1>
        %ne3A_397 = arith.xori %lt3A_392, %ne3A_396 : vector<16xi1>
        %and3A_398 = arith.andi %ne3A_397, %ne3A_389 : vector<16xi1>
        %add3A_399 = vector.broadcast %select_n3A_386 : i32 to vector<16xi32>
        %add3A_400 = arith.addi %rem3A_387, %add3A_399 : vector<16xi32>
        %select_n3A_401 = arith.select %and3A_398, %add3A_400, %rem3A_387 : vector<16xi1>, vector<16xi32>
        %mul3A_402 = arith.constant 16 : i32
        %mul3A_403 = arith.muli %while3A_302, %mul3A_402 : i32
        %swap3A = arith.constant 0 : i32
        %swap3A_404 = arith.index_cast %swap3A : i32 to index
        %swap3A_405 = arith.index_cast %mul3A_403 : i32 to index
        %swap3A_406 = tpu.vector_load %arg11[%swap3A_404, %swap3A_405] {strides = array<i32>} : memref<8x64xi32, #tpu.memory_space<vmem>>, vector<1x16xi32>,
        %swap3A_407 = vector.shape_cast %swap3A_406 : vector<1x16xi32> to vector<16xi32>
        %swap3A_408 = vector.shape_cast %select_n3A_401 : vector<16xi32> to vector<1x16xi32>
        tpu.vector_store %arg11[%swap3A_404, %swap3A_405], %swap3A_408 {strides = array<i32>} : memref<8x64xi32, #tpu.memory_space<vmem>>, vector<1x16xi32>,
        %get3A_409 = arith.constant 16 : index
        %get3A_410 = tpu.vector_load %arg9[%get3A_409] {strides = array<i32>} : memref<144xi32, #tpu.memory_space<vmem>>, vector<16xi32>,
        %get3A_411 = vector.shape_cast %get3A_410 : vector<16xi32> to vector<16xi32>
        %get3A_412 = arith.constant 16 : index
        %get3A_413 = tpu.vector_load %arg10[%get3A_412] {strides = array<i32>} : memref<144xi32, #tpu.memory_space<vmem>>, vector<16xi32>,
        %get3A_414 = vector.shape_cast %get3A_413 : vector<16xi32> to vector<16xi32>
        %mul3A_415 = arith.muli %shift_right_logical3A_311, %get3A_411 : vector<16xi32>
        %shift_right_logical3A_416 = arith.constant 5 : i32
        %shift_right_logical3A_417 = vector.broadcast %shift_right_logical3A_416 : i32 to vector<16xi32>
        %shift_right_logical3A_418 = arith.shrui %mul3A_415, %shift_right_logical3A_417 : vector<16xi32>
        %and3A_419 = arith.constant 31 : i32
        %and3A_420 = vector.broadcast %and3A_419 : i32 to vector<16xi32>
        %and3A_421 = arith.andi %mul3A_415, %and3A_420 : vector<16xi32>
        %shift_left3A_422 = arith.constant 26 : i32
        %shift_left3A_423 = vector.broadcast %shift_left3A_422 : i32 to vector<16xi32>
        %shift_left3A_424 = arith.shli %and3A_421, %shift_left3A_423 : vector<16xi32>
        %add3A_425 = arith.addi %shift_right_logical3A_418, %shift_left3A_424 : vector<16xi32>
        %mul3A_426 = arith.muli %shift_right_logical3A_311, %get3A_414 : vector<16xi32>
        %shift_right_logical3A_427 = arith.constant 21 : i32
        %shift_right_logical3A_428 = vector.broadcast %shift_right_logical3A_427 : i32 to vector<16xi32>
        %shift_right_logical3A_429 = arith.shrui %mul3A_426, %shift_right_logical3A_428 : vector<16xi32>
        %and3A_430 = arith.constant 2097151 : i32
        %and3A_431 = vector.broadcast %and3A_430 : i32 to vector<16xi32>
        %and3A_432 = arith.andi %mul3A_426, %and3A_431 : vector<16xi32>
        %shift_left3A_433 = arith.constant 10 : i32
        %shift_left3A_434 = vector.broadcast %shift_left3A_433 : i32 to vector<16xi32>
        %shift_left3A_435 = arith.shli %and3A_432, %shift_left3A_434 : vector<16xi32>
        %add3A_436 = arith.addi %shift_right_logical3A_429, %shift_left3A_435 : vector<16xi32>
        %mul3A_437 = arith.muli %and3A_313, %get3A_411 : vector<16xi32>
        %shift_right_logical3A_438 = arith.constant 15 : i32
        %shift_right_logical3A_439 = vector.broadcast %shift_right_logical3A_438 : i32 to vector<16xi32>
        %shift_right_logical3A_440 = arith.shrui %mul3A_437, %shift_right_logical3A_439 : vector<16xi32>
        %and3A_441 = arith.constant 32767 : i32
        %and3A_442 = vector.broadcast %and3A_441 : i32 to vector<16xi32>
        %and3A_443 = arith.andi %mul3A_437, %and3A_442 : vector<16xi32>
        %shift_left3A_444 = arith.constant 16 : i32
        %shift_left3A_445 = vector.broadcast %shift_left3A_444 : i32 to vector<16xi32>
        %shift_left3A_446 = arith.shli %and3A_443, %shift_left3A_445 : vector<16xi32>
        %add3A_447 = arith.addi %shift_right_logical3A_440, %shift_left3A_446 : vector<16xi32>
        %mul3A_448 = arith.muli %and3A_313, %get3A_414 : vector<16xi32>
        %add3A_449 = arith.addi %add3A_425, %add3A_436 : vector<16xi32>
        %shift_right_logical3A_450 = arith.constant 31 : i32
        %shift_right_logical3A_451 = vector.broadcast %shift_right_logical3A_450 : i32 to vector<16xi32>
        %shift_right_logical3A_452 = arith.shrui %add3A_449, %shift_right_logical3A_451 : vector<16xi32>
        %and3A_453 = arith.constant 2147483647 : i32
        %and3A_454 = vector.broadcast %and3A_453 : i32 to vector<16xi32>
        %and3A_455 = arith.andi %add3A_449, %and3A_454 : vector<16xi32>
        %add3A_456 = arith.addi %shift_right_logical3A_452, %and3A_455 : vector<16xi32>
        %add3A_457 = arith.addi %add3A_456, %add3A_447 : vector<16xi32>
        %shift_right_logical3A_458 = arith.constant 31 : i32
        %shift_right_logical3A_459 = vector.broadcast %shift_right_logical3A_458 : i32 to vector<16xi32>
        %shift_right_logical3A_460 = arith.shrui %add3A_457, %shift_right_logical3A_459 : vector<16xi32>
        %and3A_461 = arith.constant 2147483647 : i32
        %and3A_462 = vector.broadcast %and3A_461 : i32 to vector<16xi32>
        %and3A_463 = arith.andi %add3A_457, %and3A_462 : vector<16xi32>
        %add3A_464 = arith.addi %shift_right_logical3A_460, %and3A_463 : vector<16xi32>
        %add3A_465 = arith.addi %add3A_464, %mul3A_448 : vector<16xi32>
        %shift_right_logical3A_466 = arith.constant 31 : i32
        %shift_right_logical3A_467 = vector.broadcast %shift_right_logical3A_466 : i32 to vector<16xi32>
        %shift_right_logical3A_468 = arith.shrui %add3A_465, %shift_right_logical3A_467 : vector<16xi32>
        %and3A_469 = arith.constant 2147483647 : i32
        %and3A_470 = vector.broadcast %and3A_469 : i32 to vector<16xi32>
        %and3A_471 = arith.andi %add3A_465, %and3A_470 : vector<16xi32>
        %add3A_472 = arith.addi %shift_right_logical3A_468, %and3A_471 : vector<16xi32>
        %ge3A_473 = arith.constant 2147483647 : i32
        %ge3A_474 = vector.broadcast %ge3A_473 : i32 to vector<16xi32>
        %ge3A_475 = arith.cmpi uge, %add3A_472, %ge3A_474 : vector<16xi32>
        %sub3A_476 = arith.constant 2147483647 : i32
        %sub3A_477 = vector.broadcast %sub3A_476 : i32 to vector<16xi32>
        %sub3A_478 = arith.subi %add3A_472, %sub3A_477 : vector<16xi32>
        %select_n3A_479 = arith.select %ge3A_475, %sub3A_478, %add3A_472 : vector<16xi1>, vector<16xi32>
        %jit3A_480 = arith.constant 71428 : i32
        %eq3A_481 = arith.constant 0 : i32
        %eq3A_482 = arith.cmpi eq, %jit3A_480, %eq3A_481 : i32
        %jit3A_483 = arith.constant 1 : i32
        %select_n3A_484 = arith.select %eq3A_482, %jit3A_483, %jit3A_480 : i32
        %rem3A_485 = vector.broadcast %select_n3A_484 : i32 to vector<16xi32>
        %rem3A_486 = arith.remui %select_n3A_479, %rem3A_485 : vector<16xi32>
        %ne3A_487 = arith.constant 0 : i32
        %ne3A_488 = vector.broadcast %ne3A_487 : i32 to vector<16xi32>
        %ne3A_489 = arith.cmpi ne, %rem3A_486, %ne3A_488 : vector<16xi32>
        %lt3A_490 = arith.constant 0 : i32
        %lt3A_491 = vector.broadcast %lt3A_490 : i32 to vector<16xi32>
        %lt3A_492 = arith.cmpi ult, %rem3A_486, %lt3A_491 : vector<16xi32>
        %lt3A_493 = arith.constant 0 : i32
        %lt3A_494 = arith.cmpi ult, %select_n3A_484, %lt3A_493 : i32
        %ne3A_495 = vector.broadcast %lt3A_494 : i1 to vector<16xi1>
        %ne3A_496 = vector.broadcast %ne3A_495 : vector<16xi1> to vector<16xi1>
        %ne3A_497 = arith.xori %lt3A_492, %ne3A_496 : vector<16xi1>
        %and3A_498 = arith.andi %ne3A_497, %ne3A_489 : vector<16xi1>
        %add3A_499 = vector.broadcast %select_n3A_484 : i32 to vector<16xi32>
        %add3A_500 = arith.addi %rem3A_486, %add3A_499 : vector<16xi32>
        %select_n3A_501 = arith.select %and3A_498, %add3A_500, %rem3A_486 : vector<16xi1>, vector<16xi32>
        %mul3A_502 = arith.constant 16 : i32
        %mul3A_503 = arith.muli %while3A_302, %mul3A_502 : i32
        %swap3A_504 = arith.constant 1 : i32
        %swap3A_505 = arith.index_cast %swap3A_504 : i32 to index
        %swap3A_506 = arith.index_cast %mul3A_503 : i32 to index
        %swap3A_507 = tpu.vector_load %arg11[%swap3A_505, %swap3A_506] {strides = array<i32>} : memref<8x64xi32, #tpu.memory_space<vmem>>, vector<1x16xi32>,
        %swap3A_508 = vector.shape_cast %swap3A_507 : vector<1x16xi32> to vector<16xi32>
        %swap3A_509 = vector.shape_cast %select_n3A_501 : vector<16xi32> to vector<1x16xi32>
        tpu.vector_store %arg11[%swap3A_505, %swap3A_506], %swap3A_509 {strides = array<i32>} : memref<8x64xi32, #tpu.memory_space<vmem>>, vector<1x16xi32>,
        %get3A_510 = arith.constant 32 : index
        %get3A_511 = tpu.vector_load %arg9[%get3A_510] {strides = array<i32>} : memref<144xi32, #tpu.memory_space<vmem>>, vector<16xi32>,
        %get3A_512 = vector.shape_cast %get3A_511 : vector<16xi32> to vector<16xi32>
        %get3A_513 = arith.constant 32 : index
        %get3A_514 = tpu.vector_load %arg10[%get3A_513] {strides = array<i32>} : memref<144xi32, #tpu.memory_space<vmem>>, vector<16xi32>,
        %get3A_515 = vector.shape_cast %get3A_514 : vector<16xi32> to vector<16xi32>
        %mul3A_516 = arith.muli %shift_right_logical3A_311, %get3A_512 : vector<16xi32>
        %shift_right_logical3A_517 = arith.constant 5 : i32
        %shift_right_logical3A_518 = vector.broadcast %shift_right_logical3A_517 : i32 to vector<16xi32>
        %shift_right_logical3A_519 = arith.shrui %mul3A_516, %shift_right_logical3A_518 : vector<16xi32>
        %and3A_520 = arith.constant 31 : i32
        %and3A_521 = vector.broadcast %and3A_520 : i32 to vector<16xi32>
        %and3A_522 = arith.andi %mul3A_516, %and3A_521 : vector<16xi32>
        %shift_left3A_523 = arith.constant 26 : i32
        %shift_left3A_524 = vector.broadcast %shift_left3A_523 : i32 to vector<16xi32>
        %shift_left3A_525 = arith.shli %and3A_522, %shift_left3A_524 : vector<16xi32>
        %add3A_526 = arith.addi %shift_right_logical3A_519, %shift_left3A_525 : vector<16xi32>
        %mul3A_527 = arith.muli %shift_right_logical3A_311, %get3A_515 : vector<16xi32>
        %shift_right_logical3A_528 = arith.constant 21 : i32
        %shift_right_logical3A_529 = vector.broadcast %shift_right_logical3A_528 : i32 to vector<16xi32>
        %shift_right_logical3A_530 = arith.shrui %mul3A_527, %shift_right_logical3A_529 : vector<16xi32>
        %and3A_531 = arith.constant 2097151 : i32
        %and3A_532 = vector.broadcast %and3A_531 : i32 to vector<16xi32>
        %and3A_533 = arith.andi %mul3A_527, %and3A_532 : vector<16xi32>
        %shift_left3A_534 = arith.constant 10 : i32
        %shift_left3A_535 = vector.broadcast %shift_left3A_534 : i32 to vector<16xi32>
        %shift_left3A_536 = arith.shli %and3A_533, %shift_left3A_535 : vector<16xi32>
        %add3A_537 = arith.addi %shift_right_logical3A_530, %shift_left3A_536 : vector<16xi32>
        %mul3A_538 = arith.muli %and3A_313, %get3A_512 : vector<16xi32>
        %shift_right_logical3A_539 = arith.constant 15 : i32
        %shift_right_logical3A_540 = vector.broadcast %shift_right_logical3A_539 : i32 to vector<16xi32>
        %shift_right_logical3A_541 = arith.shrui %mul3A_538, %shift_right_logical3A_540 : vector<16xi32>
        %and3A_542 = arith.constant 32767 : i32
        %and3A_543 = vector.broadcast %and3A_542 : i32 to vector<16xi32>
        %and3A_544 = arith.andi %mul3A_538, %and3A_543 : vector<16xi32>
        %shift_left3A_545 = arith.constant 16 : i32
        %shift_left3A_546 = vector.broadcast %shift_left3A_545 : i32 to vector<16xi32>
        %shift_left3A_547 = arith.shli %and3A_544, %shift_left3A_546 : vector<16xi32>
        %add3A_548 = arith.addi %shift_right_logical3A_541, %shift_left3A_547 : vector<16xi32>
        %mul3A_549 = arith.muli %and3A_313, %get3A_515 : vector<16xi32>
        %add3A_550 = arith.addi %add3A_526, %add3A_537 : vector<16xi32>
        %shift_right_logical3A_551 = arith.constant 31 : i32
        %shift_right_logical3A_552 = vector.broadcast %shift_right_logical3A_551 : i32 to vector<16xi32>
        %shift_right_logical3A_553 = arith.shrui %add3A_550, %shift_right_logical3A_552 : vector<16xi32>
        %and3A_554 = arith.constant 2147483647 : i32
        %and3A_555 = vector.broadcast %and3A_554 : i32 to vector<16xi32>
        %and3A_556 = arith.andi %add3A_550, %and3A_555 : vector<16xi32>
        %add3A_557 = arith.addi %shift_right_logical3A_553, %and3A_556 : vector<16xi32>
        %add3A_558 = arith.addi %add3A_557, %add3A_548 : vector<16xi32>
        %shift_right_logical3A_559 = arith.constant 31 : i32
        %shift_right_logical3A_560 = vector.broadcast %shift_right_logical3A_559 : i32 to vector<16xi32>
        %shift_right_logical3A_561 = arith.shrui %add3A_558, %shift_right_logical3A_560 : vector<16xi32>
        %and3A_562 = arith.constant 2147483647 : i32
        %and3A_563 = vector.broadcast %and3A_562 : i32 to vector<16xi32>
        %and3A_564 = arith.andi %add3A_558, %and3A_563 : vector<16xi32>
        %add3A_565 = arith.addi %shift_right_logical3A_561, %and3A_564 : vector<16xi32>
        %add3A_566 = arith.addi %add3A_565, %mul3A_549 : vector<16xi32>
        %shift_right_logical3A_567 = arith.constant 31 : i32
        %shift_right_logical3A_568 = vector.broadcast %shift_right_logical3A_567 : i32 to vector<16xi32>
        %shift_right_logical3A_569 = arith.shrui %add3A_566, %shift_right_logical3A_568 : vector<16xi32>
        %and3A_570 = arith.constant 2147483647 : i32
        %and3A_571 = vector.broadcast %and3A_570 : i32 to vector<16xi32>
        %and3A_572 = arith.andi %add3A_566, %and3A_571 : vector<16xi32>
        %add3A_573 = arith.addi %shift_right_logical3A_569, %and3A_572 : vector<16xi32>
        %ge3A_574 = arith.constant 2147483647 : i32
        %ge3A_575 = vector.broadcast %ge3A_574 : i32 to vector<16xi32>
        %ge3A_576 = arith.cmpi uge, %add3A_573, %ge3A_575 : vector<16xi32>
        %sub3A_577 = arith.constant 2147483647 : i32
        %sub3A_578 = vector.broadcast %sub3A_577 : i32 to vector<16xi32>
        %sub3A_579 = arith.subi %add3A_573, %sub3A_578 : vector<16xi32>
        %select_n3A_580 = arith.select %ge3A_576, %sub3A_579, %add3A_573 : vector<16xi1>, vector<16xi32>
        %jit3A_581 = arith.constant 71428 : i32
        %eq3A_582 = arith.constant 0 : i32
        %eq3A_583 = arith.cmpi eq, %jit3A_581, %eq3A_582 : i32
        %jit3A_584 = arith.constant 1 : i32
        %select_n3A_585 = arith.select %eq3A_583, %jit3A_584, %jit3A_581 : i32
        %rem3A_586 = vector.broadcast %select_n3A_585 : i32 to vector<16xi32>
        %rem3A_587 = arith.remui %select_n3A_580, %rem3A_586 : vector<16xi32>
        %ne3A_588 = arith.constant 0 : i32
        %ne3A_589 = vector.broadcast %ne3A_588 : i32 to vector<16xi32>
        %ne3A_590 = arith.cmpi ne, %rem3A_587, %ne3A_589 : vector<16xi32>
        %lt3A_591 = arith.constant 0 : i32
        %lt3A_592 = vector.broadcast %lt3A_591 : i32 to vector<16xi32>
        %lt3A_593 = arith.cmpi ult, %rem3A_587, %lt3A_592 : vector<16xi32>
        %lt3A_594 = arith.constant 0 : i32
        %lt3A_595 = arith.cmpi ult, %select_n3A_585, %lt3A_594 : i32
        %ne3A_596 = vector.broadcast %lt3A_595 : i1 to vector<16xi1>
        %ne3A_597 = vector.broadcast %ne3A_596 : vector<16xi1> to vector<16xi1>
        %ne3A_598 = arith.xori %lt3A_593, %ne3A_597 : vector<16xi1>
        %and3A_599 = arith.andi %ne3A_598, %ne3A_590 : vector<16xi1>
        %add3A_600 = vector.broadcast %select_n3A_585 : i32 to vector<16xi32>
        %add3A_601 = arith.addi %rem3A_587, %add3A_600 : vector<16xi32>
        %select_n3A_602 = arith.select %and3A_599, %add3A_601, %rem3A_587 : vector<16xi1>, vector<16xi32>
        %mul3A_603 = arith.constant 16 : i32
        %mul3A_604 = arith.muli %while3A_302, %mul3A_603 : i32
        %swap3A_605 = arith.constant 2 : i32
        %swap3A_606 = arith.index_cast %swap3A_605 : i32 to index
        %swap3A_607 = arith.index_cast %mul3A_604 : i32 to index
        %swap3A_608 = tpu.vector_load %arg11[%swap3A_606, %swap3A_607] {strides = array<i32>} : memref<8x64xi32, #tpu.memory_space<vmem>>, vector<1x16xi32>,
        %swap3A_609 = vector.shape_cast %swap3A_608 : vector<1x16xi32> to vector<16xi32>
        %swap3A_610 = vector.shape_cast %select_n3A_602 : vector<16xi32> to vector<1x16xi32>
        tpu.vector_store %arg11[%swap3A_606, %swap3A_607], %swap3A_610 {strides = array<i32>} : memref<8x64xi32, #tpu.memory_space<vmem>>, vector<1x16xi32>,
        %get3A_611 = arith.constant 48 : index
        %get3A_612 = tpu.vector_load %arg9[%get3A_611] {strides = array<i32>} : memref<144xi32, #tpu.memory_space<vmem>>, vector<16xi32>,
        %get3A_613 = vector.shape_cast %get3A_612 : vector<16xi32> to vector<16xi32>
        %get3A_614 = arith.constant 48 : index
        %get3A_615 = tpu.vector_load %arg10[%get3A_614] {strides = array<i32>} : memref<144xi32, #tpu.memory_space<vmem>>, vector<16xi32>,
        %get3A_616 = vector.shape_cast %get3A_615 : vector<16xi32> to vector<16xi32>
        %mul3A_617 = arith.muli %shift_right_logical3A_311, %get3A_613 : vector<16xi32>
        %shift_right_logical3A_618 = arith.constant 5 : i32
        %shift_right_logical3A_619 = vector.broadcast %shift_right_logical3A_618 : i32 to vector<16xi32>
        %shift_right_logical3A_620 = arith.shrui %mul3A_617, %shift_right_logical3A_619 : vector<16xi32>
        %and3A_621 = arith.constant 31 : i32
        %and3A_622 = vector.broadcast %and3A_621 : i32 to vector<16xi32>
        %and3A_623 = arith.andi %mul3A_617, %and3A_622 : vector<16xi32>
        %shift_left3A_624 = arith.constant 26 : i32
        %shift_left3A_625 = vector.broadcast %shift_left3A_624 : i32 to vector<16xi32>
        %shift_left3A_626 = arith.shli %and3A_623, %shift_left3A_625 : vector<16xi32>
        %add3A_627 = arith.addi %shift_right_logical3A_620, %shift_left3A_626 : vector<16xi32>
        %mul3A_628 = arith.muli %shift_right_logical3A_311, %get3A_616 : vector<16xi32>
        %shift_right_logical3A_629 = arith.constant 21 : i32
        %shift_right_logical3A_630 = vector.broadcast %shift_right_logical3A_629 : i32 to vector<16xi32>
        %shift_right_logical3A_631 = arith.shrui %mul3A_628, %shift_right_logical3A_630 : vector<16xi32>
        %and3A_632 = arith.constant 2097151 : i32
        %and3A_633 = vector.broadcast %and3A_632 : i32 to vector<16xi32>
        %and3A_634 = arith.andi %mul3A_628, %and3A_633 : vector<16xi32>
        %shift_left3A_635 = arith.constant 10 : i32
        %shift_left3A_636 = vector.broadcast %shift_left3A_635 : i32 to vector<16xi32>
        %shift_left3A_637 = arith.shli %and3A_634, %shift_left3A_636 : vector<16xi32>
        %add3A_638 = arith.addi %shift_right_logical3A_631, %shift_left3A_637 : vector<16xi32>
        %mul3A_639 = arith.muli %and3A_313, %get3A_613 : vector<16xi32>
        %shift_right_logical3A_640 = arith.constant 15 : i32
        %shift_right_logical3A_641 = vector.broadcast %shift_right_logical3A_640 : i32 to vector<16xi32>
        %shift_right_logical3A_642 = arith.shrui %mul3A_639, %shift_right_logical3A_641 : vector<16xi32>
        %and3A_643 = arith.constant 32767 : i32
        %and3A_644 = vector.broadcast %and3A_643 : i32 to vector<16xi32>
        %and3A_645 = arith.andi %mul3A_639, %and3A_644 : vector<16xi32>
        %shift_left3A_646 = arith.constant 16 : i32
        %shift_left3A_647 = vector.broadcast %shift_left3A_646 : i32 to vector<16xi32>
        %shift_left3A_648 = arith.shli %and3A_645, %shift_left3A_647 : vector<16xi32>
        %add3A_649 = arith.addi %shift_right_logical3A_642, %shift_left3A_648 : vector<16xi32>
        %mul3A_650 = arith.muli %and3A_313, %get3A_616 : vector<16xi32>
        %add3A_651 = arith.addi %add3A_627, %add3A_638 : vector<16xi32>
        %shift_right_logical3A_652 = arith.constant 31 : i32
        %shift_right_logical3A_653 = vector.broadcast %shift_right_logical3A_652 : i32 to vector<16xi32>
        %shift_right_logical3A_654 = arith.shrui %add3A_651, %shift_right_logical3A_653 : vector<16xi32>
        %and3A_655 = arith.constant 2147483647 : i32
        %and3A_656 = vector.broadcast %and3A_655 : i32 to vector<16xi32>
        %and3A_657 = arith.andi %add3A_651, %and3A_656 : vector<16xi32>
        %add3A_658 = arith.addi %shift_right_logical3A_654, %and3A_657 : vector<16xi32>
        %add3A_659 = arith.addi %add3A_658, %add3A_649 : vector<16xi32>
        %shift_right_logical3A_660 = arith.constant 31 : i32
        %shift_right_logical3A_661 = vector.broadcast %shift_right_logical3A_660 : i32 to vector<16xi32>
        %shift_right_logical3A_662 = arith.shrui %add3A_659, %shift_right_logical3A_661 : vector<16xi32>
        %and3A_663 = arith.constant 2147483647 : i32
        %and3A_664 = vector.broadcast %and3A_663 : i32 to vector<16xi32>
        %and3A_665 = arith.andi %add3A_659, %and3A_664 : vector<16xi32>
        %add3A_666 = arith.addi %shift_right_logical3A_662, %and3A_665 : vector<16xi32>
        %add3A_667 = arith.addi %add3A_666, %mul3A_650 : vector<16xi32>
        %shift_right_logical3A_668 = arith.constant 31 : i32
        %shift_right_logical3A_669 = vector.broadcast %shift_right_logical3A_668 : i32 to vector<16xi32>
        %shift_right_logical3A_670 = arith.shrui %add3A_667, %shift_right_logical3A_669 : vector<16xi32>
        %and3A_671 = arith.constant 2147483647 : i32
        %and3A_672 = vector.broadcast %and3A_671 : i32 to vector<16xi32>
        %and3A_673 = arith.andi %add3A_667, %and3A_672 : vector<16xi32>
        %add3A_674 = arith.addi %shift_right_logical3A_670, %and3A_673 : vector<16xi32>
        %ge3A_675 = arith.constant 2147483647 : i32
        %ge3A_676 = vector.broadcast %ge3A_675 : i32 to vector<16xi32>
        %ge3A_677 = arith.cmpi uge, %add3A_674, %ge3A_676 : vector<16xi32>
        %sub3A_678 = arith.constant 2147483647 : i32
        %sub3A_679 = vector.broadcast %sub3A_678 : i32 to vector<16xi32>
        %sub3A_680 = arith.subi %add3A_674, %sub3A_679 : vector<16xi32>
        %select_n3A_681 = arith.select %ge3A_677, %sub3A_680, %add3A_674 : vector<16xi1>, vector<16xi32>
        %jit3A_682 = arith.constant 71428 : i32
        %eq3A_683 = arith.constant 0 : i32
        %eq3A_684 = arith.cmpi eq, %jit3A_682, %eq3A_683 : i32
        %jit3A_685 = arith.constant 1 : i32
        %select_n3A_686 = arith.select %eq3A_684, %jit3A_685, %jit3A_682 : i32
        %rem3A_687 = vector.broadcast %select_n3A_686 : i32 to vector<16xi32>
        %rem3A_688 = arith.remui %select_n3A_681, %rem3A_687 : vector<16xi32>
        %ne3A_689 = arith.constant 0 : i32
        %ne3A_690 = vector.broadcast %ne3A_689 : i32 to vector<16xi32>
        %ne3A_691 = arith.cmpi ne, %rem3A_688, %ne3A_690 : vector<16xi32>
        %lt3A_692 = arith.constant 0 : i32
        %lt3A_693 = vector.broadcast %lt3A_692 : i32 to vector<16xi32>
        %lt3A_694 = arith.cmpi ult, %rem3A_688, %lt3A_693 : vector<16xi32>
        %lt3A_695 = arith.constant 0 : i32
        %lt3A_696 = arith.cmpi ult, %select_n3A_686, %lt3A_695 : i32
        %ne3A_697 = vector.broadcast %lt3A_696 : i1 to vector<16xi1>
        %ne3A_698 = vector.broadcast %ne3A_697 : vector<16xi1> to vector<16xi1>
        %ne3A_699 = arith.xori %lt3A_694, %ne3A_698 : vector<16xi1>
        %and3A_700 = arith.andi %ne3A_699, %ne3A_691 : vector<16xi1>
        %add3A_701 = vector.broadcast %select_n3A_686 : i32 to vector<16xi32>
        %add3A_702 = arith.addi %rem3A_688, %add3A_701 : vector<16xi32>
        %select_n3A_703 = arith.select %and3A_700, %add3A_702, %rem3A_688 : vector<16xi1>, vector<16xi32>
        %mul3A_704 = arith.constant 16 : i32
        %mul3A_705 = arith.muli %while3A_302, %mul3A_704 : i32
        %swap3A_706 = arith.constant 3 : i32
        %swap3A_707 = arith.index_cast %swap3A_706 : i32 to index
        %swap3A_708 = arith.index_cast %mul3A_705 : i32 to index
        %swap3A_709 = tpu.vector_load %arg11[%swap3A_707, %swap3A_708] {strides = array<i32>} : memref<8x64xi32, #tpu.memory_space<vmem>>, vector<1x16xi32>,
        %swap3A_710 = vector.shape_cast %swap3A_709 : vector<1x16xi32> to vector<16xi32>
        %swap3A_711 = vector.shape_cast %select_n3A_703 : vector<16xi32> to vector<1x16xi32>
        tpu.vector_store %arg11[%swap3A_707, %swap3A_708], %swap3A_711 {strides = array<i32>} : memref<8x64xi32, #tpu.memory_space<vmem>>, vector<1x16xi32>,
        %get3A_712 = arith.constant 64 : index
        %get3A_713 = tpu.vector_load %arg9[%get3A_712] {strides = array<i32>} : memref<144xi32, #tpu.memory_space<vmem>>, vector<16xi32>,
        %get3A_714 = vector.shape_cast %get3A_713 : vector<16xi32> to vector<16xi32>
        %get3A_715 = arith.constant 64 : index
        %get3A_716 = tpu.vector_load %arg10[%get3A_715] {strides = array<i32>} : memref<144xi32, #tpu.memory_space<vmem>>, vector<16xi32>,
        %get3A_717 = vector.shape_cast %get3A_716 : vector<16xi32> to vector<16xi32>
        %mul3A_718 = arith.muli %shift_right_logical3A_311, %get3A_714 : vector<16xi32>
        %shift_right_logical3A_719 = arith.constant 5 : i32
        %shift_right_logical3A_720 = vector.broadcast %shift_right_logical3A_719 : i32 to vector<16xi32>
        %shift_right_logical3A_721 = arith.shrui %mul3A_718, %shift_right_logical3A_720 : vector<16xi32>
        %and3A_722 = arith.constant 31 : i32
        %and3A_723 = vector.broadcast %and3A_722 : i32 to vector<16xi32>
        %and3A_724 = arith.andi %mul3A_718, %and3A_723 : vector<16xi32>
        %shift_left3A_725 = arith.constant 26 : i32
        %shift_left3A_726 = vector.broadcast %shift_left3A_725 : i32 to vector<16xi32>
        %shift_left3A_727 = arith.shli %and3A_724, %shift_left3A_726 : vector<16xi32>
        %add3A_728 = arith.addi %shift_right_logical3A_721, %shift_left3A_727 : vector<16xi32>
        %mul3A_729 = arith.muli %shift_right_logical3A_311, %get3A_717 : vector<16xi32>
        %shift_right_logical3A_730 = arith.constant 21 : i32
        %shift_right_logical3A_731 = vector.broadcast %shift_right_logical3A_730 : i32 to vector<16xi32>
        %shift_right_logical3A_732 = arith.shrui %mul3A_729, %shift_right_logical3A_731 : vector<16xi32>
        %and3A_733 = arith.constant 2097151 : i32
        %and3A_734 = vector.broadcast %and3A_733 : i32 to vector<16xi32>
        %and3A_735 = arith.andi %mul3A_729, %and3A_734 : vector<16xi32>
        %shift_left3A_736 = arith.constant 10 : i32
        %shift_left3A_737 = vector.broadcast %shift_left3A_736 : i32 to vector<16xi32>
        %shift_left3A_738 = arith.shli %and3A_735, %shift_left3A_737 : vector<16xi32>
        %add3A_739 = arith.addi %shift_right_logical3A_732, %shift_left3A_738 : vector<16xi32>
        %mul3A_740 = arith.muli %and3A_313, %get3A_714 : vector<16xi32>
        %shift_right_logical3A_741 = arith.constant 15 : i32
        %shift_right_logical3A_742 = vector.broadcast %shift_right_logical3A_741 : i32 to vector<16xi32>
        %shift_right_logical3A_743 = arith.shrui %mul3A_740, %shift_right_logical3A_742 : vector<16xi32>
        %and3A_744 = arith.constant 32767 : i32
        %and3A_745 = vector.broadcast %and3A_744 : i32 to vector<16xi32>
        %and3A_746 = arith.andi %mul3A_740, %and3A_745 : vector<16xi32>
        %shift_left3A_747 = arith.constant 16 : i32
        %shift_left3A_748 = vector.broadcast %shift_left3A_747 : i32 to vector<16xi32>
        %shift_left3A_749 = arith.shli %and3A_746, %shift_left3A_748 : vector<16xi32>
        %add3A_750 = arith.addi %shift_right_logical3A_743, %shift_left3A_749 : vector<16xi32>
        %mul3A_751 = arith.muli %and3A_313, %get3A_717 : vector<16xi32>
        %add3A_752 = arith.addi %add3A_728, %add3A_739 : vector<16xi32>
        %shift_right_logical3A_753 = arith.constant 31 : i32
        %shift_right_logical3A_754 = vector.broadcast %shift_right_logical3A_753 : i32 to vector<16xi32>
        %shift_right_logical3A_755 = arith.shrui %add3A_752, %shift_right_logical3A_754 : vector<16xi32>
        %and3A_756 = arith.constant 2147483647 : i32
        %and3A_757 = vector.broadcast %and3A_756 : i32 to vector<16xi32>
        %and3A_758 = arith.andi %add3A_752, %and3A_757 : vector<16xi32>
        %add3A_759 = arith.addi %shift_right_logical3A_755, %and3A_758 : vector<16xi32>
        %add3A_760 = arith.addi %add3A_759, %add3A_750 : vector<16xi32>
        %shift_right_logical3A_761 = arith.constant 31 : i32
        %shift_right_logical3A_762 = vector.broadcast %shift_right_logical3A_761 : i32 to vector<16xi32>
        %shift_right_logical3A_763 = arith.shrui %add3A_760, %shift_right_logical3A_762 : vector<16xi32>
        %and3A_764 = arith.constant 2147483647 : i32
        %and3A_765 = vector.broadcast %and3A_764 : i32 to vector<16xi32>
        %and3A_766 = arith.andi %add3A_760, %and3A_765 : vector<16xi32>
        %add3A_767 = arith.addi %shift_right_logical3A_763, %and3A_766 : vector<16xi32>
        %add3A_768 = arith.addi %add3A_767, %mul3A_751 : vector<16xi32>
        %shift_right_logical3A_769 = arith.constant 31 : i32
        %shift_right_logical3A_770 = vector.broadcast %shift_right_logical3A_769 : i32 to vector<16xi32>
        %shift_right_logical3A_771 = arith.shrui %add3A_768, %shift_right_logical3A_770 : vector<16xi32>
        %and3A_772 = arith.constant 2147483647 : i32
        %and3A_773 = vector.broadcast %and3A_772 : i32 to vector<16xi32>
        %and3A_774 = arith.andi %add3A_768, %and3A_773 : vector<16xi32>
        %add3A_775 = arith.addi %shift_right_logical3A_771, %and3A_774 : vector<16xi32>
        %ge3A_776 = arith.constant 2147483647 : i32
        %ge3A_777 = vector.broadcast %ge3A_776 : i32 to vector<16xi32>
        %ge3A_778 = arith.cmpi uge, %add3A_775, %ge3A_777 : vector<16xi32>
        %sub3A_779 = arith.constant 2147483647 : i32
        %sub3A_780 = vector.broadcast %sub3A_779 : i32 to vector<16xi32>
        %sub3A_781 = arith.subi %add3A_775, %sub3A_780 : vector<16xi32>
        %select_n3A_782 = arith.select %ge3A_778, %sub3A_781, %add3A_775 : vector<16xi1>, vector<16xi32>
        %jit3A_783 = arith.constant 71428 : i32
        %eq3A_784 = arith.constant 0 : i32
        %eq3A_785 = arith.cmpi eq, %jit3A_783, %eq3A_784 : i32
        %jit3A_786 = arith.constant 1 : i32
        %select_n3A_787 = arith.select %eq3A_785, %jit3A_786, %jit3A_783 : i32
        %rem3A_788 = vector.broadcast %select_n3A_787 : i32 to vector<16xi32>
        %rem3A_789 = arith.remui %select_n3A_782, %rem3A_788 : vector<16xi32>
        %ne3A_790 = arith.constant 0 : i32
        %ne3A_791 = vector.broadcast %ne3A_790 : i32 to vector<16xi32>
        %ne3A_792 = arith.cmpi ne, %rem3A_789, %ne3A_791 : vector<16xi32>
        %lt3A_793 = arith.constant 0 : i32
        %lt3A_794 = vector.broadcast %lt3A_793 : i32 to vector<16xi32>
        %lt3A_795 = arith.cmpi ult, %rem3A_789, %lt3A_794 : vector<16xi32>
        %lt3A_796 = arith.constant 0 : i32
        %lt3A_797 = arith.cmpi ult, %select_n3A_787, %lt3A_796 : i32
        %ne3A_798 = vector.broadcast %lt3A_797 : i1 to vector<16xi1>
        %ne3A_799 = vector.broadcast %ne3A_798 : vector<16xi1> to vector<16xi1>
        %ne3A_800 = arith.xori %lt3A_795, %ne3A_799 : vector<16xi1>
        %and3A_801 = arith.andi %ne3A_800, %ne3A_792 : vector<16xi1>
        %add3A_802 = vector.broadcast %select_n3A_787 : i32 to vector<16xi32>
        %add3A_803 = arith.addi %rem3A_789, %add3A_802 : vector<16xi32>
        %select_n3A_804 = arith.select %and3A_801, %add3A_803, %rem3A_789 : vector<16xi1>, vector<16xi32>
        %mul3A_805 = arith.constant 16 : i32
        %mul3A_806 = arith.muli %while3A_302, %mul3A_805 : i32
        %swap3A_807 = arith.constant 4 : i32
        %swap3A_808 = arith.index_cast %swap3A_807 : i32 to index
        %swap3A_809 = arith.index_cast %mul3A_806 : i32 to index
        %swap3A_810 = tpu.vector_load %arg11[%swap3A_808, %swap3A_809] {strides = array<i32>} : memref<8x64xi32, #tpu.memory_space<vmem>>, vector<1x16xi32>,
        %swap3A_811 = vector.shape_cast %swap3A_810 : vector<1x16xi32> to vector<16xi32>
        %swap3A_812 = vector.shape_cast %select_n3A_804 : vector<16xi32> to vector<1x16xi32>
        tpu.vector_store %arg11[%swap3A_808, %swap3A_809], %swap3A_812 {strides = array<i32>} : memref<8x64xi32, #tpu.memory_space<vmem>>, vector<1x16xi32>,
        %get3A_813 = arith.constant 80 : index
        %get3A_814 = tpu.vector_load %arg9[%get3A_813] {strides = array<i32>} : memref<144xi32, #tpu.memory_space<vmem>>, vector<16xi32>,
        %get3A_815 = vector.shape_cast %get3A_814 : vector<16xi32> to vector<16xi32>
        %get3A_816 = arith.constant 80 : index
        %get3A_817 = tpu.vector_load %arg10[%get3A_816] {strides = array<i32>} : memref<144xi32, #tpu.memory_space<vmem>>, vector<16xi32>,
        %get3A_818 = vector.shape_cast %get3A_817 : vector<16xi32> to vector<16xi32>
        %mul3A_819 = arith.muli %shift_right_logical3A_311, %get3A_815 : vector<16xi32>
        %shift_right_logical3A_820 = arith.constant 5 : i32
        %shift_right_logical3A_821 = vector.broadcast %shift_right_logical3A_820 : i32 to vector<16xi32>
        %shift_right_logical3A_822 = arith.shrui %mul3A_819, %shift_right_logical3A_821 : vector<16xi32>
        %and3A_823 = arith.constant 31 : i32
        %and3A_824 = vector.broadcast %and3A_823 : i32 to vector<16xi32>
        %and3A_825 = arith.andi %mul3A_819, %and3A_824 : vector<16xi32>
        %shift_left3A_826 = arith.constant 26 : i32
        %shift_left3A_827 = vector.broadcast %shift_left3A_826 : i32 to vector<16xi32>
        %shift_left3A_828 = arith.shli %and3A_825, %shift_left3A_827 : vector<16xi32>
        %add3A_829 = arith.addi %shift_right_logical3A_822, %shift_left3A_828 : vector<16xi32>
        %mul3A_830 = arith.muli %shift_right_logical3A_311, %get3A_818 : vector<16xi32>
        %shift_right_logical3A_831 = arith.constant 21 : i32
        %shift_right_logical3A_832 = vector.broadcast %shift_right_logical3A_831 : i32 to vector<16xi32>
        %shift_right_logical3A_833 = arith.shrui %mul3A_830, %shift_right_logical3A_832 : vector<16xi32>
        %and3A_834 = arith.constant 2097151 : i32
        %and3A_835 = vector.broadcast %and3A_834 : i32 to vector<16xi32>
        %and3A_836 = arith.andi %mul3A_830, %and3A_835 : vector<16xi32>
        %shift_left3A_837 = arith.constant 10 : i32
        %shift_left3A_838 = vector.broadcast %shift_left3A_837 : i32 to vector<16xi32>
        %shift_left3A_839 = arith.shli %and3A_836, %shift_left3A_838 : vector<16xi32>
        %add3A_840 = arith.addi %shift_right_logical3A_833, %shift_left3A_839 : vector<16xi32>
        %mul3A_841 = arith.muli %and3A_313, %get3A_815 : vector<16xi32>
        %shift_right_logical3A_842 = arith.constant 15 : i32
        %shift_right_logical3A_843 = vector.broadcast %shift_right_logical3A_842 : i32 to vector<16xi32>
        %shift_right_logical3A_844 = arith.shrui %mul3A_841, %shift_right_logical3A_843 : vector<16xi32>
        %and3A_845 = arith.constant 32767 : i32
        %and3A_846 = vector.broadcast %and3A_845 : i32 to vector<16xi32>
        %and3A_847 = arith.andi %mul3A_841, %and3A_846 : vector<16xi32>
        %shift_left3A_848 = arith.constant 16 : i32
        %shift_left3A_849 = vector.broadcast %shift_left3A_848 : i32 to vector<16xi32>
        %shift_left3A_850 = arith.shli %and3A_847, %shift_left3A_849 : vector<16xi32>
        %add3A_851 = arith.addi %shift_right_logical3A_844, %shift_left3A_850 : vector<16xi32>
        %mul3A_852 = arith.muli %and3A_313, %get3A_818 : vector<16xi32>
        %add3A_853 = arith.addi %add3A_829, %add3A_840 : vector<16xi32>
        %shift_right_logical3A_854 = arith.constant 31 : i32
        %shift_right_logical3A_855 = vector.broadcast %shift_right_logical3A_854 : i32 to vector<16xi32>
        %shift_right_logical3A_856 = arith.shrui %add3A_853, %shift_right_logical3A_855 : vector<16xi32>
        %and3A_857 = arith.constant 2147483647 : i32
        %and3A_858 = vector.broadcast %and3A_857 : i32 to vector<16xi32>
        %and3A_859 = arith.andi %add3A_853, %and3A_858 : vector<16xi32>
        %add3A_860 = arith.addi %shift_right_logical3A_856, %and3A_859 : vector<16xi32>
        %add3A_861 = arith.addi %add3A_860, %add3A_851 : vector<16xi32>
        %shift_right_logical3A_862 = arith.constant 31 : i32
        %shift_right_logical3A_863 = vector.broadcast %shift_right_logical3A_862 : i32 to vector<16xi32>
        %shift_right_logical3A_864 = arith.shrui %add3A_861, %shift_right_logical3A_863 : vector<16xi32>
        %and3A_865 = arith.constant 2147483647 : i32
        %and3A_866 = vector.broadcast %and3A_865 : i32 to vector<16xi32>
        %and3A_867 = arith.andi %add3A_861, %and3A_866 : vector<16xi32>
        %add3A_868 = arith.addi %shift_right_logical3A_864, %and3A_867 : vector<16xi32>
        %add3A_869 = arith.addi %add3A_868, %mul3A_852 : vector<16xi32>
        %shift_right_logical3A_870 = arith.constant 31 : i32
        %shift_right_logical3A_871 = vector.broadcast %shift_right_logical3A_870 : i32 to vector<16xi32>
        %shift_right_logical3A_872 = arith.shrui %add3A_869, %shift_right_logical3A_871 : vector<16xi32>
        %and3A_873 = arith.constant 2147483647 : i32
        %and3A_874 = vector.broadcast %and3A_873 : i32 to vector<16xi32>
        %and3A_875 = arith.andi %add3A_869, %and3A_874 : vector<16xi32>
        %add3A_876 = arith.addi %shift_right_logical3A_872, %and3A_875 : vector<16xi32>
        %ge3A_877 = arith.constant 2147483647 : i32
        %ge3A_878 = vector.broadcast %ge3A_877 : i32 to vector<16xi32>
        %ge3A_879 = arith.cmpi uge, %add3A_876, %ge3A_878 : vector<16xi32>
        %sub3A_880 = arith.constant 2147483647 : i32
        %sub3A_881 = vector.broadcast %sub3A_880 : i32 to vector<16xi32>
        %sub3A_882 = arith.subi %add3A_876, %sub3A_881 : vector<16xi32>
        %select_n3A_883 = arith.select %ge3A_879, %sub3A_882, %add3A_876 : vector<16xi1>, vector<16xi32>
        %jit3A_884 = arith.constant 71428 : i32
        %eq3A_885 = arith.constant 0 : i32
        %eq3A_886 = arith.cmpi eq, %jit3A_884, %eq3A_885 : i32
        %jit3A_887 = arith.constant 1 : i32
        %select_n3A_888 = arith.select %eq3A_886, %jit3A_887, %jit3A_884 : i32
        %rem3A_889 = vector.broadcast %select_n3A_888 : i32 to vector<16xi32>
        %rem3A_890 = arith.remui %select_n3A_883, %rem3A_889 : vector<16xi32>
        %ne3A_891 = arith.constant 0 : i32
        %ne3A_892 = vector.broadcast %ne3A_891 : i32 to vector<16xi32>
        %ne3A_893 = arith.cmpi ne, %rem3A_890, %ne3A_892 : vector<16xi32>
        %lt3A_894 = arith.constant 0 : i32
        %lt3A_895 = vector.broadcast %lt3A_894 : i32 to vector<16xi32>
        %lt3A_896 = arith.cmpi ult, %rem3A_890, %lt3A_895 : vector<16xi32>
        %lt3A_897 = arith.constant 0 : i32
        %lt3A_898 = arith.cmpi ult, %select_n3A_888, %lt3A_897 : i32
        %ne3A_899 = vector.broadcast %lt3A_898 : i1 to vector<16xi1>
        %ne3A_900 = vector.broadcast %ne3A_899 : vector<16xi1> to vector<16xi1>
        %ne3A_901 = arith.xori %lt3A_896, %ne3A_900 : vector<16xi1>
        %and3A_902 = arith.andi %ne3A_901, %ne3A_893 : vector<16xi1>
        %add3A_903 = vector.broadcast %select_n3A_888 : i32 to vector<16xi32>
        %add3A_904 = arith.addi %rem3A_890, %add3A_903 : vector<16xi32>
        %select_n3A_905 = arith.select %and3A_902, %add3A_904, %rem3A_890 : vector<16xi1>, vector<16xi32>
        %mul3A_906 = arith.constant 16 : i32
        %mul3A_907 = arith.muli %while3A_302, %mul3A_906 : i32
        %swap3A_908 = arith.constant 5 : i32
        %swap3A_909 = arith.index_cast %swap3A_908 : i32 to index
        %swap3A_910 = arith.index_cast %mul3A_907 : i32 to index
        %swap3A_911 = tpu.vector_load %arg11[%swap3A_909, %swap3A_910] {strides = array<i32>} : memref<8x64xi32, #tpu.memory_space<vmem>>, vector<1x16xi32>,
        %swap3A_912 = vector.shape_cast %swap3A_911 : vector<1x16xi32> to vector<16xi32>
        %swap3A_913 = vector.shape_cast %select_n3A_905 : vector<16xi32> to vector<1x16xi32>
        tpu.vector_store %arg11[%swap3A_909, %swap3A_910], %swap3A_913 {strides = array<i32>} : memref<8x64xi32, #tpu.memory_space<vmem>>, vector<1x16xi32>,
        %get3A_914 = arith.constant 96 : index
        %get3A_915 = tpu.vector_load %arg9[%get3A_914] {strides = array<i32>} : memref<144xi32, #tpu.memory_space<vmem>>, vector<16xi32>,
        %get3A_916 = vector.shape_cast %get3A_915 : vector<16xi32> to vector<16xi32>
        %get3A_917 = arith.constant 96 : index
        %get3A_918 = tpu.vector_load %arg10[%get3A_917] {strides = array<i32>} : memref<144xi32, #tpu.memory_space<vmem>>, vector<16xi32>,
        %get3A_919 = vector.shape_cast %get3A_918 : vector<16xi32> to vector<16xi32>
        %mul3A_920 = arith.muli %shift_right_logical3A_311, %get3A_916 : vector<16xi32>
        %shift_right_logical3A_921 = arith.constant 5 : i32
        %shift_right_logical3A_922 = vector.broadcast %shift_right_logical3A_921 : i32 to vector<16xi32>
        %shift_right_logical3A_923 = arith.shrui %mul3A_920, %shift_right_logical3A_922 : vector<16xi32>
        %and3A_924 = arith.constant 31 : i32
        %and3A_925 = vector.broadcast %and3A_924 : i32 to vector<16xi32>
        %and3A_926 = arith.andi %mul3A_920, %and3A_925 : vector<16xi32>
        %shift_left3A_927 = arith.constant 26 : i32
        %shift_left3A_928 = vector.broadcast %shift_left3A_927 : i32 to vector<16xi32>
        %shift_left3A_929 = arith.shli %and3A_926, %shift_left3A_928 : vector<16xi32>
        %add3A_930 = arith.addi %shift_right_logical3A_923, %shift_left3A_929 : vector<16xi32>
        %mul3A_931 = arith.muli %shift_right_logical3A_311, %get3A_919 : vector<16xi32>
        %shift_right_logical3A_932 = arith.constant 21 : i32
        %shift_right_logical3A_933 = vector.broadcast %shift_right_logical3A_932 : i32 to vector<16xi32>
        %shift_right_logical3A_934 = arith.shrui %mul3A_931, %shift_right_logical3A_933 : vector<16xi32>
        %and3A_935 = arith.constant 2097151 : i32
        %and3A_936 = vector.broadcast %and3A_935 : i32 to vector<16xi32>
        %and3A_937 = arith.andi %mul3A_931, %and3A_936 : vector<16xi32>
        %shift_left3A_938 = arith.constant 10 : i32
        %shift_left3A_939 = vector.broadcast %shift_left3A_938 : i32 to vector<16xi32>
        %shift_left3A_940 = arith.shli %and3A_937, %shift_left3A_939 : vector<16xi32>
        %add3A_941 = arith.addi %shift_right_logical3A_934, %shift_left3A_940 : vector<16xi32>
        %mul3A_942 = arith.muli %and3A_313, %get3A_916 : vector<16xi32>
        %shift_right_logical3A_943 = arith.constant 15 : i32
        %shift_right_logical3A_944 = vector.broadcast %shift_right_logical3A_943 : i32 to vector<16xi32>
        %shift_right_logical3A_945 = arith.shrui %mul3A_942, %shift_right_logical3A_944 : vector<16xi32>
        %and3A_946 = arith.constant 32767 : i32
        %and3A_947 = vector.broadcast %and3A_946 : i32 to vector<16xi32>
        %and3A_948 = arith.andi %mul3A_942, %and3A_947 : vector<16xi32>
        %shift_left3A_949 = arith.constant 16 : i32
        %shift_left3A_950 = vector.broadcast %shift_left3A_949 : i32 to vector<16xi32>
        %shift_left3A_951 = arith.shli %and3A_948, %shift_left3A_950 : vector<16xi32>
        %add3A_952 = arith.addi %shift_right_logical3A_945, %shift_left3A_951 : vector<16xi32>
        %mul3A_953 = arith.muli %and3A_313, %get3A_919 : vector<16xi32>
        %add3A_954 = arith.addi %add3A_930, %add3A_941 : vector<16xi32>
        %shift_right_logical3A_955 = arith.constant 31 : i32
        %shift_right_logical3A_956 = vector.broadcast %shift_right_logical3A_955 : i32 to vector<16xi32>
        %shift_right_logical3A_957 = arith.shrui %add3A_954, %shift_right_logical3A_956 : vector<16xi32>
        %and3A_958 = arith.constant 2147483647 : i32
        %and3A_959 = vector.broadcast %and3A_958 : i32 to vector<16xi32>
        %and3A_960 = arith.andi %add3A_954, %and3A_959 : vector<16xi32>
        %add3A_961 = arith.addi %shift_right_logical3A_957, %and3A_960 : vector<16xi32>
        %add3A_962 = arith.addi %add3A_961, %add3A_952 : vector<16xi32>
        %shift_right_logical3A_963 = arith.constant 31 : i32
        %shift_right_logical3A_964 = vector.broadcast %shift_right_logical3A_963 : i32 to vector<16xi32>
        %shift_right_logical3A_965 = arith.shrui %add3A_962, %shift_right_logical3A_964 : vector<16xi32>
        %and3A_966 = arith.constant 2147483647 : i32
        %and3A_967 = vector.broadcast %and3A_966 : i32 to vector<16xi32>
        %and3A_968 = arith.andi %add3A_962, %and3A_967 : vector<16xi32>
        %add3A_969 = arith.addi %shift_right_logical3A_965, %and3A_968 : vector<16xi32>
        %add3A_970 = arith.addi %add3A_969, %mul3A_953 : vector<16xi32>
        %shift_right_logical3A_971 = arith.constant 31 : i32
        %shift_right_logical3A_972 = vector.broadcast %shift_right_logical3A_971 : i32 to vector<16xi32>
        %shift_right_logical3A_973 = arith.shrui %add3A_970, %shift_right_logical3A_972 : vector<16xi32>
        %and3A_974 = arith.constant 2147483647 : i32
        %and3A_975 = vector.broadcast %and3A_974 : i32 to vector<16xi32>
        %and3A_976 = arith.andi %add3A_970, %and3A_975 : vector<16xi32>
        %add3A_977 = arith.addi %shift_right_logical3A_973, %and3A_976 : vector<16xi32>
        %ge3A_978 = arith.constant 2147483647 : i32
        %ge3A_979 = vector.broadcast %ge3A_978 : i32 to vector<16xi32>
        %ge3A_980 = arith.cmpi uge, %add3A_977, %ge3A_979 : vector<16xi32>
        %sub3A_981 = arith.constant 2147483647 : i32
        %sub3A_982 = vector.broadcast %sub3A_981 : i32 to vector<16xi32>
        %sub3A_983 = arith.subi %add3A_977, %sub3A_982 : vector<16xi32>
        %select_n3A_984 = arith.select %ge3A_980, %sub3A_983, %add3A_977 : vector<16xi1>, vector<16xi32>
        %jit3A_985 = arith.constant 71428 : i32
        %eq3A_986 = arith.constant 0 : i32
        %eq3A_987 = arith.cmpi eq, %jit3A_985, %eq3A_986 : i32
        %jit3A_988 = arith.constant 1 : i32
        %select_n3A_989 = arith.select %eq3A_987, %jit3A_988, %jit3A_985 : i32
        %rem3A_990 = vector.broadcast %select_n3A_989 : i32 to vector<16xi32>
        %rem3A_991 = arith.remui %select_n3A_984, %rem3A_990 : vector<16xi32>
        %ne3A_992 = arith.constant 0 : i32
        %ne3A_993 = vector.broadcast %ne3A_992 : i32 to vector<16xi32>
        %ne3A_994 = arith.cmpi ne, %rem3A_991, %ne3A_993 : vector<16xi32>
        %lt3A_995 = arith.constant 0 : i32
        %lt3A_996 = vector.broadcast %lt3A_995 : i32 to vector<16xi32>
        %lt3A_997 = arith.cmpi ult, %rem3A_991, %lt3A_996 : vector<16xi32>
        %lt3A_998 = arith.constant 0 : i32
        %lt3A_999 = arith.cmpi ult, %select_n3A_989, %lt3A_998 : i32
        %ne3A_1000 = vector.broadcast %lt3A_999 : i1 to vector<16xi1>
        %ne3A_1001 = vector.broadcast %ne3A_1000 : vector<16xi1> to vector<16xi1>
        %ne3A_1002 = arith.xori %lt3A_997, %ne3A_1001 : vector<16xi1>
        %and3A_1003 = arith.andi %ne3A_1002, %ne3A_994 : vector<16xi1>
        %add3A_1004 = vector.broadcast %select_n3A_989 : i32 to vector<16xi32>
        %add3A_1005 = arith.addi %rem3A_991, %add3A_1004 : vector<16xi32>
        %select_n3A_1006 = arith.select %and3A_1003, %add3A_1005, %rem3A_991 : vector<16xi1>, vector<16xi32>
        %mul3A_1007 = arith.constant 16 : i32
        %mul3A_1008 = arith.muli %while3A_302, %mul3A_1007 : i32
        %swap3A_1009 = arith.constant 6 : i32
        %swap3A_1010 = arith.index_cast %swap3A_1009 : i32 to index
        %swap3A_1011 = arith.index_cast %mul3A_1008 : i32 to index
        %swap3A_1012 = tpu.vector_load %arg11[%swap3A_1010, %swap3A_1011] {strides = array<i32>} : memref<8x64xi32, #tpu.memory_space<vmem>>, vector<1x16xi32>,
        %swap3A_1013 = vector.shape_cast %swap3A_1012 : vector<1x16xi32> to vector<16xi32>
        %swap3A_1014 = vector.shape_cast %select_n3A_1006 : vector<16xi32> to vector<1x16xi32>
        tpu.vector_store %arg11[%swap3A_1010, %swap3A_1011], %swap3A_1014 {strides = array<i32>} : memref<8x64xi32, #tpu.memory_space<vmem>>, vector<1x16xi32>,
        %get3A_1015 = arith.constant 112 : index
        %get3A_1016 = tpu.vector_load %arg9[%get3A_1015] {strides = array<i32>} : memref<144xi32, #tpu.memory_space<vmem>>, vector<16xi32>,
        %get3A_1017 = vector.shape_cast %get3A_1016 : vector<16xi32> to vector<16xi32>
        %get3A_1018 = arith.constant 112 : index
        %get3A_1019 = tpu.vector_load %arg10[%get3A_1018] {strides = array<i32>} : memref<144xi32, #tpu.memory_space<vmem>>, vector<16xi32>,
        %get3A_1020 = vector.shape_cast %get3A_1019 : vector<16xi32> to vector<16xi32>
        %mul3A_1021 = arith.muli %shift_right_logical3A_311, %get3A_1017 : vector<16xi32>
        %shift_right_logical3A_1022 = arith.constant 5 : i32
        %shift_right_logical3A_1023 = vector.broadcast %shift_right_logical3A_1022 : i32 to vector<16xi32>
        %shift_right_logical3A_1024 = arith.shrui %mul3A_1021, %shift_right_logical3A_1023 : vector<16xi32>
        %and3A_1025 = arith.constant 31 : i32
        %and3A_1026 = vector.broadcast %and3A_1025 : i32 to vector<16xi32>
        %and3A_1027 = arith.andi %mul3A_1021, %and3A_1026 : vector<16xi32>
        %shift_left3A_1028 = arith.constant 26 : i32
        %shift_left3A_1029 = vector.broadcast %shift_left3A_1028 : i32 to vector<16xi32>
        %shift_left3A_1030 = arith.shli %and3A_1027, %shift_left3A_1029 : vector<16xi32>
        %add3A_1031 = arith.addi %shift_right_logical3A_1024, %shift_left3A_1030 : vector<16xi32>
        %mul3A_1032 = arith.muli %shift_right_logical3A_311, %get3A_1020 : vector<16xi32>
        %shift_right_logical3A_1033 = arith.constant 21 : i32
        %shift_right_logical3A_1034 = vector.broadcast %shift_right_logical3A_1033 : i32 to vector<16xi32>
        %shift_right_logical3A_1035 = arith.shrui %mul3A_1032, %shift_right_logical3A_1034 : vector<16xi32>
        %and3A_1036 = arith.constant 2097151 : i32
        %and3A_1037 = vector.broadcast %and3A_1036 : i32 to vector<16xi32>
        %and3A_1038 = arith.andi %mul3A_1032, %and3A_1037 : vector<16xi32>
        %shift_left3A_1039 = arith.constant 10 : i32
        %shift_left3A_1040 = vector.broadcast %shift_left3A_1039 : i32 to vector<16xi32>
        %shift_left3A_1041 = arith.shli %and3A_1038, %shift_left3A_1040 : vector<16xi32>
        %add3A_1042 = arith.addi %shift_right_logical3A_1035, %shift_left3A_1041 : vector<16xi32>
        %mul3A_1043 = arith.muli %and3A_313, %get3A_1017 : vector<16xi32>
        %shift_right_logical3A_1044 = arith.constant 15 : i32
        %shift_right_logical3A_1045 = vector.broadcast %shift_right_logical3A_1044 : i32 to vector<16xi32>
        %shift_right_logical3A_1046 = arith.shrui %mul3A_1043, %shift_right_logical3A_1045 : vector<16xi32>
        %and3A_1047 = arith.constant 32767 : i32
        %and3A_1048 = vector.broadcast %and3A_1047 : i32 to vector<16xi32>
        %and3A_1049 = arith.andi %mul3A_1043, %and3A_1048 : vector<16xi32>
        %shift_left3A_1050 = arith.constant 16 : i32
        %shift_left3A_1051 = vector.broadcast %shift_left3A_1050 : i32 to vector<16xi32>
        %shift_left3A_1052 = arith.shli %and3A_1049, %shift_left3A_1051 : vector<16xi32>
        %add3A_1053 = arith.addi %shift_right_logical3A_1046, %shift_left3A_1052 : vector<16xi32>
        %mul3A_1054 = arith.muli %and3A_313, %get3A_1020 : vector<16xi32>
        %add3A_1055 = arith.addi %add3A_1031, %add3A_1042 : vector<16xi32>
        %shift_right_logical3A_1056 = arith.constant 31 : i32
        %shift_right_logical3A_1057 = vector.broadcast %shift_right_logical3A_1056 : i32 to vector<16xi32>
        %shift_right_logical3A_1058 = arith.shrui %add3A_1055, %shift_right_logical3A_1057 : vector<16xi32>
        %and3A_1059 = arith.constant 2147483647 : i32
        %and3A_1060 = vector.broadcast %and3A_1059 : i32 to vector<16xi32>
        %and3A_1061 = arith.andi %add3A_1055, %and3A_1060 : vector<16xi32>
        %add3A_1062 = arith.addi %shift_right_logical3A_1058, %and3A_1061 : vector<16xi32>
        %add3A_1063 = arith.addi %add3A_1062, %add3A_1053 : vector<16xi32>
        %shift_right_logical3A_1064 = arith.constant 31 : i32
        %shift_right_logical3A_1065 = vector.broadcast %shift_right_logical3A_1064 : i32 to vector<16xi32>
        %shift_right_logical3A_1066 = arith.shrui %add3A_1063, %shift_right_logical3A_1065 : vector<16xi32>
        %and3A_1067 = arith.constant 2147483647 : i32
        %and3A_1068 = vector.broadcast %and3A_1067 : i32 to vector<16xi32>
        %and3A_1069 = arith.andi %add3A_1063, %and3A_1068 : vector<16xi32>
        %add3A_1070 = arith.addi %shift_right_logical3A_1066, %and3A_1069 : vector<16xi32>
        %add3A_1071 = arith.addi %add3A_1070, %mul3A_1054 : vector<16xi32>
        %shift_right_logical3A_1072 = arith.constant 31 : i32
        %shift_right_logical3A_1073 = vector.broadcast %shift_right_logical3A_1072 : i32 to vector<16xi32>
        %shift_right_logical3A_1074 = arith.shrui %add3A_1071, %shift_right_logical3A_1073 : vector<16xi32>
        %and3A_1075 = arith.constant 2147483647 : i32
        %and3A_1076 = vector.broadcast %and3A_1075 : i32 to vector<16xi32>
        %and3A_1077 = arith.andi %add3A_1071, %and3A_1076 : vector<16xi32>
        %add3A_1078 = arith.addi %shift_right_logical3A_1074, %and3A_1077 : vector<16xi32>
        %ge3A_1079 = arith.constant 2147483647 : i32
        %ge3A_1080 = vector.broadcast %ge3A_1079 : i32 to vector<16xi32>
        %ge3A_1081 = arith.cmpi uge, %add3A_1078, %ge3A_1080 : vector<16xi32>
        %sub3A_1082 = arith.constant 2147483647 : i32
        %sub3A_1083 = vector.broadcast %sub3A_1082 : i32 to vector<16xi32>
        %sub3A_1084 = arith.subi %add3A_1078, %sub3A_1083 : vector<16xi32>
        %select_n3A_1085 = arith.select %ge3A_1081, %sub3A_1084, %add3A_1078 : vector<16xi1>, vector<16xi32>
        %jit3A_1086 = arith.constant 71428 : i32
        %eq3A_1087 = arith.constant 0 : i32
        %eq3A_1088 = arith.cmpi eq, %jit3A_1086, %eq3A_1087 : i32
        %jit3A_1089 = arith.constant 1 : i32
        %select_n3A_1090 = arith.select %eq3A_1088, %jit3A_1089, %jit3A_1086 : i32
        %rem3A_1091 = vector.broadcast %select_n3A_1090 : i32 to vector<16xi32>
        %rem3A_1092 = arith.remui %select_n3A_1085, %rem3A_1091 : vector<16xi32>
        %ne3A_1093 = arith.constant 0 : i32
        %ne3A_1094 = vector.broadcast %ne3A_1093 : i32 to vector<16xi32>
        %ne3A_1095 = arith.cmpi ne, %rem3A_1092, %ne3A_1094 : vector<16xi32>
        %lt3A_1096 = arith.constant 0 : i32
        %lt3A_1097 = vector.broadcast %lt3A_1096 : i32 to vector<16xi32>
        %lt3A_1098 = arith.cmpi ult, %rem3A_1092, %lt3A_1097 : vector<16xi32>
        %lt3A_1099 = arith.constant 0 : i32
        %lt3A_1100 = arith.cmpi ult, %select_n3A_1090, %lt3A_1099 : i32
        %ne3A_1101 = vector.broadcast %lt3A_1100 : i1 to vector<16xi1>
        %ne3A_1102 = vector.broadcast %ne3A_1101 : vector<16xi1> to vector<16xi1>
        %ne3A_1103 = arith.xori %lt3A_1098, %ne3A_1102 : vector<16xi1>
        %and3A_1104 = arith.andi %ne3A_1103, %ne3A_1095 : vector<16xi1>
        %add3A_1105 = vector.broadcast %select_n3A_1090 : i32 to vector<16xi32>
        %add3A_1106 = arith.addi %rem3A_1092, %add3A_1105 : vector<16xi32>
        %select_n3A_1107 = arith.select %and3A_1104, %add3A_1106, %rem3A_1092 : vector<16xi1>, vector<16xi32>
        %mul3A_1108 = arith.constant 16 : i32
        %mul3A_1109 = arith.muli %while3A_302, %mul3A_1108 : i32
        %swap3A_1110 = arith.constant 7 : i32
        %swap3A_1111 = arith.index_cast %swap3A_1110 : i32 to index
        %swap3A_1112 = arith.index_cast %mul3A_1109 : i32 to index
        %swap3A_1113 = tpu.vector_load %arg11[%swap3A_1111, %swap3A_1112] {strides = array<i32>} : memref<8x64xi32, #tpu.memory_space<vmem>>, vector<1x16xi32>,
        %swap3A_1114 = vector.shape_cast %swap3A_1113 : vector<1x16xi32> to vector<16xi32>
        %swap3A_1115 = vector.shape_cast %select_n3A_1107 : vector<16xi32> to vector<1x16xi32>
        tpu.vector_store %arg11[%swap3A_1111, %swap3A_1112], %swap3A_1115 {strides = array<i32>} : memref<8x64xi32, #tpu.memory_space<vmem>>, vector<1x16xi32>,
        %get3A_1116 = arith.constant 128 : index
        %get3A_1117 = tpu.vector_load %arg9[%get3A_1116] {strides = array<i32>} : memref<144xi32, #tpu.memory_space<vmem>>, vector<16xi32>,
        %get3A_1118 = vector.shape_cast %get3A_1117 : vector<16xi32> to vector<16xi32>
        %get3A_1119 = arith.constant 128 : index
        %get3A_1120 = tpu.vector_load %arg10[%get3A_1119] {strides = array<i32>} : memref<144xi32, #tpu.memory_space<vmem>>, vector<16xi32>,
        %get3A_1121 = vector.shape_cast %get3A_1120 : vector<16xi32> to vector<16xi32>
        %mul3A_1122 = arith.muli %shift_right_logical3A_311, %get3A_1118 : vector<16xi32>
        %shift_right_logical3A_1123 = arith.constant 5 : i32
        %shift_right_logical3A_1124 = vector.broadcast %shift_right_logical3A_1123 : i32 to vector<16xi32>
        %shift_right_logical3A_1125 = arith.shrui %mul3A_1122, %shift_right_logical3A_1124 : vector<16xi32>
        %and3A_1126 = arith.constant 31 : i32
        %and3A_1127 = vector.broadcast %and3A_1126 : i32 to vector<16xi32>
        %and3A_1128 = arith.andi %mul3A_1122, %and3A_1127 : vector<16xi32>
        %shift_left3A_1129 = arith.constant 26 : i32
        %shift_left3A_1130 = vector.broadcast %shift_left3A_1129 : i32 to vector<16xi32>
        %shift_left3A_1131 = arith.shli %and3A_1128, %shift_left3A_1130 : vector<16xi32>
        %add3A_1132 = arith.addi %shift_right_logical3A_1125, %shift_left3A_1131 : vector<16xi32>
        %mul3A_1133 = arith.muli %shift_right_logical3A_311, %get3A_1121 : vector<16xi32>
        %shift_right_logical3A_1134 = arith.constant 21 : i32
        %shift_right_logical3A_1135 = vector.broadcast %shift_right_logical3A_1134 : i32 to vector<16xi32>
        %shift_right_logical3A_1136 = arith.shrui %mul3A_1133, %shift_right_logical3A_1135 : vector<16xi32>
        %and3A_1137 = arith.constant 2097151 : i32
        %and3A_1138 = vector.broadcast %and3A_1137 : i32 to vector<16xi32>
        %and3A_1139 = arith.andi %mul3A_1133, %and3A_1138 : vector<16xi32>
        %shift_left3A_1140 = arith.constant 10 : i32
        %shift_left3A_1141 = vector.broadcast %shift_left3A_1140 : i32 to vector<16xi32>
        %shift_left3A_1142 = arith.shli %and3A_1139, %shift_left3A_1141 : vector<16xi32>
        %add3A_1143 = arith.addi %shift_right_logical3A_1136, %shift_left3A_1142 : vector<16xi32>
        %mul3A_1144 = arith.muli %and3A_313, %get3A_1118 : vector<16xi32>
        %shift_right_logical3A_1145 = arith.constant 15 : i32
        %shift_right_logical3A_1146 = vector.broadcast %shift_right_logical3A_1145 : i32 to vector<16xi32>
        %shift_right_logical3A_1147 = arith.shrui %mul3A_1144, %shift_right_logical3A_1146 : vector<16xi32>
        %and3A_1148 = arith.constant 32767 : i32
        %and3A_1149 = vector.broadcast %and3A_1148 : i32 to vector<16xi32>
        %and3A_1150 = arith.andi %mul3A_1144, %and3A_1149 : vector<16xi32>
        %shift_left3A_1151 = arith.constant 16 : i32
        %shift_left3A_1152 = vector.broadcast %shift_left3A_1151 : i32 to vector<16xi32>
        %shift_left3A_1153 = arith.shli %and3A_1150, %shift_left3A_1152 : vector<16xi32>
        %add3A_1154 = arith.addi %shift_right_logical3A_1147, %shift_left3A_1153 : vector<16xi32>
        %mul3A_1155 = arith.muli %and3A_313, %get3A_1121 : vector<16xi32>
        %add3A_1156 = arith.addi %add3A_1132, %add3A_1143 : vector<16xi32>
        %shift_right_logical3A_1157 = arith.constant 31 : i32
        %shift_right_logical3A_1158 = vector.broadcast %shift_right_logical3A_1157 : i32 to vector<16xi32>
        %shift_right_logical3A_1159 = arith.shrui %add3A_1156, %shift_right_logical3A_1158 : vector<16xi32>
        %and3A_1160 = arith.constant 2147483647 : i32
        %and3A_1161 = vector.broadcast %and3A_1160 : i32 to vector<16xi32>
        %and3A_1162 = arith.andi %add3A_1156, %and3A_1161 : vector<16xi32>
        %add3A_1163 = arith.addi %shift_right_logical3A_1159, %and3A_1162 : vector<16xi32>
        %add3A_1164 = arith.addi %add3A_1163, %add3A_1154 : vector<16xi32>
        %shift_right_logical3A_1165 = arith.constant 31 : i32
        %shift_right_logical3A_1166 = vector.broadcast %shift_right_logical3A_1165 : i32 to vector<16xi32>
        %shift_right_logical3A_1167 = arith.shrui %add3A_1164, %shift_right_logical3A_1166 : vector<16xi32>
        %and3A_1168 = arith.constant 2147483647 : i32
        %and3A_1169 = vector.broadcast %and3A_1168 : i32 to vector<16xi32>
        %and3A_1170 = arith.andi %add3A_1164, %and3A_1169 : vector<16xi32>
        %add3A_1171 = arith.addi %shift_right_logical3A_1167, %and3A_1170 : vector<16xi32>
        %add3A_1172 = arith.addi %add3A_1171, %mul3A_1155 : vector<16xi32>
        %shift_right_logical3A_1173 = arith.constant 31 : i32
        %shift_right_logical3A_1174 = vector.broadcast %shift_right_logical3A_1173 : i32 to vector<16xi32>
        %shift_right_logical3A_1175 = arith.shrui %add3A_1172, %shift_right_logical3A_1174 : vector<16xi32>
        %and3A_1176 = arith.constant 2147483647 : i32
        %and3A_1177 = vector.broadcast %and3A_1176 : i32 to vector<16xi32>
        %and3A_1178 = arith.andi %add3A_1172, %and3A_1177 : vector<16xi32>
        %add3A_1179 = arith.addi %shift_right_logical3A_1175, %and3A_1178 : vector<16xi32>
        %ge3A_1180 = arith.constant 2147483647 : i32
        %ge3A_1181 = vector.broadcast %ge3A_1180 : i32 to vector<16xi32>
        %ge3A_1182 = arith.cmpi uge, %add3A_1179, %ge3A_1181 : vector<16xi32>
        %sub3A_1183 = arith.constant 2147483647 : i32
        %sub3A_1184 = vector.broadcast %sub3A_1183 : i32 to vector<16xi32>
        %sub3A_1185 = arith.subi %add3A_1179, %sub3A_1184 : vector<16xi32>
        %select_n3A_1186 = arith.select %ge3A_1182, %sub3A_1185, %add3A_1179 : vector<16xi1>, vector<16xi32>
        %jit3A_1187 = arith.constant 500000 : i32
        %eq3A_1188 = arith.constant 0 : i32
        %eq3A_1189 = arith.cmpi eq, %jit3A_1187, %eq3A_1188 : i32
        %jit3A_1190 = arith.constant 1 : i32
        %select_n3A_1191 = arith.select %eq3A_1189, %jit3A_1190, %jit3A_1187 : i32
        %rem3A_1192 = vector.broadcast %select_n3A_1191 : i32 to vector<16xi32>
        %rem3A_1193 = arith.remui %select_n3A_1186, %rem3A_1192 : vector<16xi32>
        %ne3A_1194 = arith.constant 0 : i32
        %ne3A_1195 = vector.broadcast %ne3A_1194 : i32 to vector<16xi32>
        %ne3A_1196 = arith.cmpi ne, %rem3A_1193, %ne3A_1195 : vector<16xi32>
        %lt3A_1197 = arith.constant 0 : i32
        %lt3A_1198 = vector.broadcast %lt3A_1197 : i32 to vector<16xi32>
        %lt3A_1199 = arith.cmpi ult, %rem3A_1193, %lt3A_1198 : vector<16xi32>
        %lt3A_1200 = arith.constant 0 : i32
        %lt3A_1201 = arith.cmpi ult, %select_n3A_1191, %lt3A_1200 : i32
        %ne3A_1202 = vector.broadcast %lt3A_1201 : i1 to vector<16xi1>
        %ne3A_1203 = vector.broadcast %ne3A_1202 : vector<16xi1> to vector<16xi1>
        %ne3A_1204 = arith.xori %lt3A_1199, %ne3A_1203 : vector<16xi1>
        %and3A_1205 = arith.andi %ne3A_1204, %ne3A_1196 : vector<16xi1>
        %add3A_1206 = vector.broadcast %select_n3A_1191 : i32 to vector<16xi32>
        %add3A_1207 = arith.addi %rem3A_1193, %add3A_1206 : vector<16xi32>
        %select_n3A_1208 = arith.select %and3A_1205, %add3A_1207, %rem3A_1193 : vector<16xi1>, vector<16xi32>
        %shift_right_arithmetic3A = arith.constant 4 : i32
        %shift_right_arithmetic3A_1209 = vector.broadcast %shift_right_arithmetic3A : i32 to vector<16xi32>
        %shift_right_arithmetic3A_1210 = arith.shrsi %select_n3A_1208, %shift_right_arithmetic3A_1209 : vector<16xi32>
        %mul3A_1211 = arith.constant 16 : i32
        %mul3A_1212 = arith.muli %while3A_302, %mul3A_1211 : i32
        %swap3A_1213 = arith.index_cast %mul3A_1212 : i32 to index
        %swap3A_1214 = tpu.vector_load %arg12[%swap3A_1213] {strides = array<i32>} : memref<64xi32, #tpu.memory_space<vmem>>, vector<16xi32>,
        %swap3A_1215 = vector.shape_cast %swap3A_1214 : vector<16xi32> to vector<16xi32>
        %swap3A_1216 = vector.shape_cast %shift_right_arithmetic3A_1210 : vector<16xi32> to vector<16xi32>
        tpu.vector_store %arg12[%swap3A_1213], %swap3A_1216 {strides = array<i32>} : memref<64xi32, #tpu.memory_space<vmem>>, vector<16xi32>,
        %and3A_1217 = arith.constant 15 : i32
        %and3A_1218 = vector.broadcast %and3A_1217 : i32 to vector<16xi32>
        %and3A_1219 = arith.andi %select_n3A_1208, %and3A_1218 : vector<16xi32>
        %swap3A_1220 = arith.index_cast %while3A_302 : i32 to index
        %swap3A_1221 = arith.constant 0 : index
        %swap3A_1222 = tpu.vector_load %arg13[%swap3A_1220, %swap3A_1221] {strides = array<i32>} : memref<4x16xi32, #tpu.memory_space<vmem>>, vector<1x16xi32>,
        %swap3A_1223 = vector.shape_cast %swap3A_1222 : vector<1x16xi32> to vector<16xi32>
        %swap3A_1224 = vector.shape_cast %and3A_1219 : vector<16xi32> to vector<1x16xi32>
        tpu.vector_store %arg13[%swap3A_1220, %swap3A_1221], %swap3A_1224 {strides = array<i32>} : memref<4x16xi32, #tpu.memory_space<vmem>>, vector<1x16xi32>,
      }
      %dma_start3A = arith.constant 0 : i32
      %dma_start3A_92 = arith.constant 0 : i32
      %dma_start3A_93 = arith.constant 0 : i32
      %dma_start3A_94 = arith.constant 0 : i32
      %dma_start3A_95 = tpu.memref_slice %arg14[%dma_start3A_92, %dma_start3A_93, %dma_start3A_94] : memref<8x64x128xf32, #tpu.memory_space<vmem>> -> memref<1x64x128xf32, #tpu.memory_space<vmem>>
      %dma_start3A_96 = tpu.memref_squeeze %dma_start3A_95 : memref<1x64x128xf32, #tpu.memory_space<vmem>> -> memref<64x128xf32, #tpu.memory_space<vmem>>
      %dma_start3A_97 = arith.constant 0 : i32
      %dma_start3A_98 = tpu.memref_slice %arg11[%dma_start3A, %dma_start3A_97] : memref<8x64xi32, #tpu.memory_space<vmem>> -> memref<1x64xi32, #tpu.memory_space<vmem>>
      %dma_start3A_99 = tpu.memref_squeeze %dma_start3A_98 : memref<1x64xi32, #tpu.memory_space<vmem>> -> memref<64xi32, #tpu.memory_space<vmem>>
      %dma_start3A_100 = arith.constant 0 : i32
      %dma_start3A_101 = arith.constant 0 : i32
      %dma_start3A_102 = tpu.memref_slice %arg3[%dma_start3A_100, %dma_start3A_101] : memref<71680x128xf32, #tpu.memory_space<hbm>> -> memref<71680x128xf32, #tpu.memory_space<hbm>>
      tpu.enqueue_indirect_dma source(%dma_start3A_102 : memref<71680x128xf32, #tpu.memory_space<hbm>>) target(%dma_start3A_96 : memref<64x128xf32, #tpu.memory_space<vmem>>) offsets(%dma_start3A_99 : memref<64xi32, #tpu.memory_space<vmem>>) semaphore(%arg17 : memref<!tpu.dma_semaphore, #tpu.memory_space<semaphore_mem>>)
      %dma_start3A_103 = arith.constant 1 : i32
      %dma_start3A_104 = arith.constant 1 : i32
      %dma_start3A_105 = arith.constant 0 : i32
      %dma_start3A_106 = arith.constant 0 : i32
      %dma_start3A_107 = tpu.memref_slice %arg14[%dma_start3A_104, %dma_start3A_105, %dma_start3A_106] : memref<8x64x128xf32, #tpu.memory_space<vmem>> -> memref<1x64x128xf32, #tpu.memory_space<vmem>>
      %dma_start3A_108 = tpu.memref_squeeze %dma_start3A_107 : memref<1x64x128xf32, #tpu.memory_space<vmem>> -> memref<64x128xf32, #tpu.memory_space<vmem>>
      %dma_start3A_109 = arith.constant 0 : i32
      %dma_start3A_110 = tpu.memref_slice %arg11[%dma_start3A_103, %dma_start3A_109] : memref<8x64xi32, #tpu.memory_space<vmem>> -> memref<1x64xi32, #tpu.memory_space<vmem>>
      %dma_start3A_111 = tpu.memref_squeeze %dma_start3A_110 : memref<1x64xi32, #tpu.memory_space<vmem>> -> memref<64xi32, #tpu.memory_space<vmem>>
      %dma_start3A_112 = arith.constant 0 : i32
      %dma_start3A_113 = arith.constant 0 : i32
      %dma_start3A_114 = tpu.memref_slice %arg3[%dma_start3A_112, %dma_start3A_113] : memref<71680x128xf32, #tpu.memory_space<hbm>> -> memref<71680x128xf32, #tpu.memory_space<hbm>>
      tpu.enqueue_indirect_dma source(%dma_start3A_114 : memref<71680x128xf32, #tpu.memory_space<hbm>>) target(%dma_start3A_108 : memref<64x128xf32, #tpu.memory_space<vmem>>) offsets(%dma_start3A_111 : memref<64xi32, #tpu.memory_space<vmem>>) semaphore(%arg17 : memref<!tpu.dma_semaphore, #tpu.memory_space<semaphore_mem>>)
      %dma_start3A_115 = arith.constant 2 : i32
      %dma_start3A_116 = arith.constant 2 : i32
      %dma_start3A_117 = arith.constant 0 : i32
      %dma_start3A_118 = arith.constant 0 : i32
      %dma_start3A_119 = tpu.memref_slice %arg14[%dma_start3A_116, %dma_start3A_117, %dma_start3A_118] : memref<8x64x128xf32, #tpu.memory_space<vmem>> -> memref<1x64x128xf32, #tpu.memory_space<vmem>>
      %dma_start3A_120 = tpu.memref_squeeze %dma_start3A_119 : memref<1x64x128xf32, #tpu.memory_space<vmem>> -> memref<64x128xf32, #tpu.memory_space<vmem>>
      %dma_start3A_121 = arith.constant 0 : i32
      %dma_start3A_122 = tpu.memref_slice %arg11[%dma_start3A_115, %dma_start3A_121] : memref<8x64xi32, #tpu.memory_space<vmem>> -> memref<1x64xi32, #tpu.memory_space<vmem>>
      %dma_start3A_123 = tpu.memref_squeeze %dma_start3A_122 : memref<1x64xi32, #tpu.memory_space<vmem>> -> memref<64xi32, #tpu.memory_space<vmem>>
      %dma_start3A_124 = arith.constant 0 : i32
      %dma_start3A_125 = arith.constant 0 : i32
      %dma_start3A_126 = tpu.memref_slice %arg3[%dma_start3A_124, %dma_start3A_125] : memref<71680x128xf32, #tpu.memory_space<hbm>> -> memref<71680x128xf32, #tpu.memory_space<hbm>>
      tpu.enqueue_indirect_dma source(%dma_start3A_126 : memref<71680x128xf32, #tpu.memory_space<hbm>>) target(%dma_start3A_120 : memref<64x128xf32, #tpu.memory_space<vmem>>) offsets(%dma_start3A_123 : memref<64xi32, #tpu.memory_space<vmem>>) semaphore(%arg17 : memref<!tpu.dma_semaphore, #tpu.memory_space<semaphore_mem>>)
      %dma_start3A_127 = arith.constant 3 : i32
      %dma_start3A_128 = arith.constant 3 : i32
      %dma_start3A_129 = arith.constant 0 : i32
      %dma_start3A_130 = arith.constant 0 : i32
      %dma_start3A_131 = tpu.memref_slice %arg14[%dma_start3A_128, %dma_start3A_129, %dma_start3A_130] : memref<8x64x128xf32, #tpu.memory_space<vmem>> -> memref<1x64x128xf32, #tpu.memory_space<vmem>>
      %dma_start3A_132 = tpu.memref_squeeze %dma_start3A_131 : memref<1x64x128xf32, #tpu.memory_space<vmem>> -> memref<64x128xf32, #tpu.memory_space<vmem>>
      %dma_start3A_133 = arith.constant 0 : i32
      %dma_start3A_134 = tpu.memref_slice %arg11[%dma_start3A_127, %dma_start3A_133] : memref<8x64xi32, #tpu.memory_space<vmem>> -> memref<1x64xi32, #tpu.memory_space<vmem>>
      %dma_start3A_135 = tpu.memref_squeeze %dma_start3A_134 : memref<1x64xi32, #tpu.memory_space<vmem>> -> memref<64xi32, #tpu.memory_space<vmem>>
      %dma_start3A_136 = arith.constant 0 : i32
      %dma_start3A_137 = arith.constant 0 : i32
      %dma_start3A_138 = tpu.memref_slice %arg3[%dma_start3A_136, %dma_start3A_137] : memref<71680x128xf32, #tpu.memory_space<hbm>> -> memref<71680x128xf32, #tpu.memory_space<hbm>>
      tpu.enqueue_indirect_dma source(%dma_start3A_138 : memref<71680x128xf32, #tpu.memory_space<hbm>>) target(%dma_start3A_132 : memref<64x128xf32, #tpu.memory_space<vmem>>) offsets(%dma_start3A_135 : memref<64xi32, #tpu.memory_space<vmem>>) semaphore(%arg17 : memref<!tpu.dma_semaphore, #tpu.memory_space<semaphore_mem>>)
      %dma_start3A_139 = arith.constant 4 : i32
      %dma_start3A_140 = arith.constant 4 : i32
      %dma_start3A_141 = arith.constant 0 : i32
      %dma_start3A_142 = arith.constant 0 : i32
      %dma_start3A_143 = tpu.memref_slice %arg14[%dma_start3A_140, %dma_start3A_141, %dma_start3A_142] : memref<8x64x128xf32, #tpu.memory_space<vmem>> -> memref<1x64x128xf32, #tpu.memory_space<vmem>>
      %dma_start3A_144 = tpu.memref_squeeze %dma_start3A_143 : memref<1x64x128xf32, #tpu.memory_space<vmem>> -> memref<64x128xf32, #tpu.memory_space<vmem>>
      %dma_start3A_145 = arith.constant 0 : i32
      %dma_start3A_146 = tpu.memref_slice %arg11[%dma_start3A_139, %dma_start3A_145] : memref<8x64xi32, #tpu.memory_space<vmem>> -> memref<1x64xi32, #tpu.memory_space<vmem>>
      %dma_start3A_147 = tpu.memref_squeeze %dma_start3A_146 : memref<1x64xi32, #tpu.memory_space<vmem>> -> memref<64xi32, #tpu.memory_space<vmem>>
      %dma_start3A_148 = arith.constant 0 : i32
      %dma_start3A_149 = arith.constant 0 : i32
      %dma_start3A_150 = tpu.memref_slice %arg3[%dma_start3A_148, %dma_start3A_149] : memref<71680x128xf32, #tpu.memory_space<hbm>> -> memref<71680x128xf32, #tpu.memory_space<hbm>>
      tpu.enqueue_indirect_dma source(%dma_start3A_150 : memref<71680x128xf32, #tpu.memory_space<hbm>>) target(%dma_start3A_144 : memref<64x128xf32, #tpu.memory_space<vmem>>) offsets(%dma_start3A_147 : memref<64xi32, #tpu.memory_space<vmem>>) semaphore(%arg17 : memref<!tpu.dma_semaphore, #tpu.memory_space<semaphore_mem>>)
      %dma_start3A_151 = arith.constant 5 : i32
      %dma_start3A_152 = arith.constant 5 : i32
      %dma_start3A_153 = arith.constant 0 : i32
      %dma_start3A_154 = arith.constant 0 : i32
      %dma_start3A_155 = tpu.memref_slice %arg14[%dma_start3A_152, %dma_start3A_153, %dma_start3A_154] : memref<8x64x128xf32, #tpu.memory_space<vmem>> -> memref<1x64x128xf32, #tpu.memory_space<vmem>>
      %dma_start3A_156 = tpu.memref_squeeze %dma_start3A_155 : memref<1x64x128xf32, #tpu.memory_space<vmem>> -> memref<64x128xf32, #tpu.memory_space<vmem>>
      %dma_start3A_157 = arith.constant 0 : i32
      %dma_start3A_158 = tpu.memref_slice %arg11[%dma_start3A_151, %dma_start3A_157] : memref<8x64xi32, #tpu.memory_space<vmem>> -> memref<1x64xi32, #tpu.memory_space<vmem>>
      %dma_start3A_159 = tpu.memref_squeeze %dma_start3A_158 : memref<1x64xi32, #tpu.memory_space<vmem>> -> memref<64xi32, #tpu.memory_space<vmem>>
      %dma_start3A_160 = arith.constant 0 : i32
      %dma_start3A_161 = arith.constant 0 : i32
      %dma_start3A_162 = tpu.memref_slice %arg3[%dma_start3A_160, %dma_start3A_161] : memref<71680x128xf32, #tpu.memory_space<hbm>> -> memref<71680x128xf32, #tpu.memory_space<hbm>>
      tpu.enqueue_indirect_dma source(%dma_start3A_162 : memref<71680x128xf32, #tpu.memory_space<hbm>>) target(%dma_start3A_156 : memref<64x128xf32, #tpu.memory_space<vmem>>) offsets(%dma_start3A_159 : memref<64xi32, #tpu.memory_space<vmem>>) semaphore(%arg17 : memref<!tpu.dma_semaphore, #tpu.memory_space<semaphore_mem>>)
      %dma_start3A_163 = arith.constant 6 : i32
      %dma_start3A_164 = arith.constant 6 : i32
      %dma_start3A_165 = arith.constant 0 : i32
      %dma_start3A_166 = arith.constant 0 : i32
      %dma_start3A_167 = tpu.memref_slice %arg14[%dma_start3A_164, %dma_start3A_165, %dma_start3A_166] : memref<8x64x128xf32, #tpu.memory_space<vmem>> -> memref<1x64x128xf32, #tpu.memory_space<vmem>>
      %dma_start3A_168 = tpu.memref_squeeze %dma_start3A_167 : memref<1x64x128xf32, #tpu.memory_space<vmem>> -> memref<64x128xf32, #tpu.memory_space<vmem>>
      %dma_start3A_169 = arith.constant 0 : i32
      %dma_start3A_170 = tpu.memref_slice %arg11[%dma_start3A_163, %dma_start3A_169] : memref<8x64xi32, #tpu.memory_space<vmem>> -> memref<1x64xi32, #tpu.memory_space<vmem>>
      %dma_start3A_171 = tpu.memref_squeeze %dma_start3A_170 : memref<1x64xi32, #tpu.memory_space<vmem>> -> memref<64xi32, #tpu.memory_space<vmem>>
      %dma_start3A_172 = arith.constant 0 : i32
      %dma_start3A_173 = arith.constant 0 : i32
      %dma_start3A_174 = tpu.memref_slice %arg3[%dma_start3A_172, %dma_start3A_173] : memref<71680x128xf32, #tpu.memory_space<hbm>> -> memref<71680x128xf32, #tpu.memory_space<hbm>>
      tpu.enqueue_indirect_dma source(%dma_start3A_174 : memref<71680x128xf32, #tpu.memory_space<hbm>>) target(%dma_start3A_168 : memref<64x128xf32, #tpu.memory_space<vmem>>) offsets(%dma_start3A_171 : memref<64xi32, #tpu.memory_space<vmem>>) semaphore(%arg17 : memref<!tpu.dma_semaphore, #tpu.memory_space<semaphore_mem>>)
      %dma_start3A_175 = arith.constant 7 : i32
      %dma_start3A_176 = arith.constant 7 : i32
      %dma_start3A_177 = arith.constant 0 : i32
      %dma_start3A_178 = arith.constant 0 : i32
      %dma_start3A_179 = tpu.memref_slice %arg14[%dma_start3A_176, %dma_start3A_177, %dma_start3A_178] : memref<8x64x128xf32, #tpu.memory_space<vmem>> -> memref<1x64x128xf32, #tpu.memory_space<vmem>>
      %dma_start3A_180 = tpu.memref_squeeze %dma_start3A_179 : memref<1x64x128xf32, #tpu.memory_space<vmem>> -> memref<64x128xf32, #tpu.memory_space<vmem>>
      %dma_start3A_181 = arith.constant 0 : i32
      %dma_start3A_182 = tpu.memref_slice %arg11[%dma_start3A_175, %dma_start3A_181] : memref<8x64xi32, #tpu.memory_space<vmem>> -> memref<1x64xi32, #tpu.memory_space<vmem>>
      %dma_start3A_183 = tpu.memref_squeeze %dma_start3A_182 : memref<1x64xi32, #tpu.memory_space<vmem>> -> memref<64xi32, #tpu.memory_space<vmem>>
      %dma_start3A_184 = arith.constant 0 : i32
      %dma_start3A_185 = arith.constant 0 : i32
      %dma_start3A_186 = tpu.memref_slice %arg3[%dma_start3A_184, %dma_start3A_185] : memref<71680x128xf32, #tpu.memory_space<hbm>> -> memref<71680x128xf32, #tpu.memory_space<hbm>>
      tpu.enqueue_indirect_dma source(%dma_start3A_186 : memref<71680x128xf32, #tpu.memory_space<hbm>>) target(%dma_start3A_180 : memref<64x128xf32, #tpu.memory_space<vmem>>) offsets(%dma_start3A_183 : memref<64xi32, #tpu.memory_space<vmem>>) semaphore(%arg17 : memref<!tpu.dma_semaphore, #tpu.memory_space<semaphore_mem>>)
      %dma_start3A_187 = arith.constant 0 : i32
      %dma_start3A_188 = arith.constant 0 : i32
      %dma_start3A_189 = tpu.memref_slice %arg4[%dma_start3A_187, %dma_start3A_188] : memref<31250x128xf32, #tpu.memory_space<hbm>> -> memref<31250x128xf32, #tpu.memory_space<hbm>>
      tpu.enqueue_indirect_dma source(%dma_start3A_189 : memref<31250x128xf32, #tpu.memory_space<hbm>>) target(%arg15 : memref<64x128xf32, #tpu.memory_space<vmem>>) offsets(%arg12 : memref<64xi32, #tpu.memory_space<vmem>>) semaphore(%arg17 : memref<!tpu.dma_semaphore, #tpu.memory_space<semaphore_mem>>)
      %dma_wait3A = arith.constant 0 : i32
      %dma_wait3A_190 = arith.constant 0 : i32
      %dma_wait3A_191 = arith.constant 0 : i32
      %dma_wait3A_192 = arith.constant 0 : i32
      %dma_wait3A_193 = tpu.memref_slice %arg14[%dma_wait3A_190, %dma_wait3A_191, %dma_wait3A_192] : memref<8x64x128xf32, #tpu.memory_space<vmem>> -> memref<1x64x128xf32, #tpu.memory_space<vmem>>
      %dma_wait3A_194 = tpu.memref_squeeze %dma_wait3A_193 : memref<1x64x128xf32, #tpu.memory_space<vmem>> -> memref<64x128xf32, #tpu.memory_space<vmem>>
      %dma_wait3A_195 = arith.constant 0 : i32
      %dma_wait3A_196 = tpu.memref_slice %arg11[%dma_wait3A, %dma_wait3A_195] : memref<8x64xi32, #tpu.memory_space<vmem>> -> memref<1x64xi32, #tpu.memory_space<vmem>>
      %dma_wait3A_197 = tpu.memref_squeeze %dma_wait3A_196 : memref<1x64xi32, #tpu.memory_space<vmem>> -> memref<64xi32, #tpu.memory_space<vmem>>
      %dma_wait3A_198 = arith.constant 0 : i32
      %dma_wait3A_199 = arith.constant 0 : i32
      %dma_wait3A_200 = tpu.memref_slice %arg3[%dma_wait3A_198, %dma_wait3A_199] : memref<71680x128xf32, #tpu.memory_space<hbm>> -> memref<71680x128xf32, #tpu.memory_space<hbm>>
      tpu.wait_indirect_dma semaphore(%arg17 : memref<!tpu.dma_semaphore, #tpu.memory_space<semaphore_mem>>) src(%dma_wait3A_200 : memref<71680x128xf32, #tpu.memory_space<hbm>>) dst(%dma_wait3A_194 : memref<64x128xf32, #tpu.memory_space<vmem>>)
      %dma_wait3A_201 = arith.constant 1 : i32
      %dma_wait3A_202 = arith.constant 1 : i32
      %dma_wait3A_203 = arith.constant 0 : i32
      %dma_wait3A_204 = arith.constant 0 : i32
      %dma_wait3A_205 = tpu.memref_slice %arg14[%dma_wait3A_202, %dma_wait3A_203, %dma_wait3A_204] : memref<8x64x128xf32, #tpu.memory_space<vmem>> -> memref<1x64x128xf32, #tpu.memory_space<vmem>>
      %dma_wait3A_206 = tpu.memref_squeeze %dma_wait3A_205 : memref<1x64x128xf32, #tpu.memory_space<vmem>> -> memref<64x128xf32, #tpu.memory_space<vmem>>
      %dma_wait3A_207 = arith.constant 0 : i32
      %dma_wait3A_208 = tpu.memref_slice %arg11[%dma_wait3A_201, %dma_wait3A_207] : memref<8x64xi32, #tpu.memory_space<vmem>> -> memref<1x64xi32, #tpu.memory_space<vmem>>
      %dma_wait3A_209 = tpu.memref_squeeze %dma_wait3A_208 : memref<1x64xi32, #tpu.memory_space<vmem>> -> memref<64xi32, #tpu.memory_space<vmem>>
      %dma_wait3A_210 = arith.constant 0 : i32
      %dma_wait3A_211 = arith.constant 0 : i32
      %dma_wait3A_212 = tpu.memref_slice %arg3[%dma_wait3A_210, %dma_wait3A_211] : memref<71680x128xf32, #tpu.memory_space<hbm>> -> memref<71680x128xf32, #tpu.memory_space<hbm>>
      tpu.wait_indirect_dma semaphore(%arg17 : memref<!tpu.dma_semaphore, #tpu.memory_space<semaphore_mem>>) src(%dma_wait3A_212 : memref<71680x128xf32, #tpu.memory_space<hbm>>) dst(%dma_wait3A_206 : memref<64x128xf32, #tpu.memory_space<vmem>>)
      %dma_wait3A_213 = arith.constant 2 : i32
      %dma_wait3A_214 = arith.constant 2 : i32
      %dma_wait3A_215 = arith.constant 0 : i32
      %dma_wait3A_216 = arith.constant 0 : i32
      %dma_wait3A_217 = tpu.memref_slice %arg14[%dma_wait3A_214, %dma_wait3A_215, %dma_wait3A_216] : memref<8x64x128xf32, #tpu.memory_space<vmem>> -> memref<1x64x128xf32, #tpu.memory_space<vmem>>
      %dma_wait3A_218 = tpu.memref_squeeze %dma_wait3A_217 : memref<1x64x128xf32, #tpu.memory_space<vmem>> -> memref<64x128xf32, #tpu.memory_space<vmem>>
      %dma_wait3A_219 = arith.constant 0 : i32
      %dma_wait3A_220 = tpu.memref_slice %arg11[%dma_wait3A_213, %dma_wait3A_219] : memref<8x64xi32, #tpu.memory_space<vmem>> -> memref<1x64xi32, #tpu.memory_space<vmem>>
      %dma_wait3A_221 = tpu.memref_squeeze %dma_wait3A_220 : memref<1x64xi32, #tpu.memory_space<vmem>> -> memref<64xi32, #tpu.memory_space<vmem>>
      %dma_wait3A_222 = arith.constant 0 : i32
      %dma_wait3A_223 = arith.constant 0 : i32
      %dma_wait3A_224 = tpu.memref_slice %arg3[%dma_wait3A_222, %dma_wait3A_223] : memref<71680x128xf32, #tpu.memory_space<hbm>> -> memref<71680x128xf32, #tpu.memory_space<hbm>>
      tpu.wait_indirect_dma semaphore(%arg17 : memref<!tpu.dma_semaphore, #tpu.memory_space<semaphore_mem>>) src(%dma_wait3A_224 : memref<71680x128xf32, #tpu.memory_space<hbm>>) dst(%dma_wait3A_218 : memref<64x128xf32, #tpu.memory_space<vmem>>)
      %dma_wait3A_225 = arith.constant 3 : i32
      %dma_wait3A_226 = arith.constant 3 : i32
      %dma_wait3A_227 = arith.constant 0 : i32
      %dma_wait3A_228 = arith.constant 0 : i32
      %dma_wait3A_229 = tpu.memref_slice %arg14[%dma_wait3A_226, %dma_wait3A_227, %dma_wait3A_228] : memref<8x64x128xf32, #tpu.memory_space<vmem>> -> memref<1x64x128xf32, #tpu.memory_space<vmem>>
      %dma_wait3A_230 = tpu.memref_squeeze %dma_wait3A_229 : memref<1x64x128xf32, #tpu.memory_space<vmem>> -> memref<64x128xf32, #tpu.memory_space<vmem>>
      %dma_wait3A_231 = arith.constant 0 : i32
      %dma_wait3A_232 = tpu.memref_slice %arg11[%dma_wait3A_225, %dma_wait3A_231] : memref<8x64xi32, #tpu.memory_space<vmem>> -> memref<1x64xi32, #tpu.memory_space<vmem>>
      %dma_wait3A_233 = tpu.memref_squeeze %dma_wait3A_232 : memref<1x64xi32, #tpu.memory_space<vmem>> -> memref<64xi32, #tpu.memory_space<vmem>>
      %dma_wait3A_234 = arith.constant 0 : i32
      %dma_wait3A_235 = arith.constant 0 : i32
      %dma_wait3A_236 = tpu.memref_slice %arg3[%dma_wait3A_234, %dma_wait3A_235] : memref<71680x128xf32, #tpu.memory_space<hbm>> -> memref<71680x128xf32, #tpu.memory_space<hbm>>
      tpu.wait_indirect_dma semaphore(%arg17 : memref<!tpu.dma_semaphore, #tpu.memory_space<semaphore_mem>>) src(%dma_wait3A_236 : memref<71680x128xf32, #tpu.memory_space<hbm>>) dst(%dma_wait3A_230 : memref<64x128xf32, #tpu.memory_space<vmem>>)
      %dma_wait3A_237 = arith.constant 4 : i32
      %dma_wait3A_238 = arith.constant 4 : i32
      %dma_wait3A_239 = arith.constant 0 : i32
      %dma_wait3A_240 = arith.constant 0 : i32
      %dma_wait3A_241 = tpu.memref_slice %arg14[%dma_wait3A_238, %dma_wait3A_239, %dma_wait3A_240] : memref<8x64x128xf32, #tpu.memory_space<vmem>> -> memref<1x64x128xf32, #tpu.memory_space<vmem>>
      %dma_wait3A_242 = tpu.memref_squeeze %dma_wait3A_241 : memref<1x64x128xf32, #tpu.memory_space<vmem>> -> memref<64x128xf32, #tpu.memory_space<vmem>>
      %dma_wait3A_243 = arith.constant 0 : i32
      %dma_wait3A_244 = tpu.memref_slice %arg11[%dma_wait3A_237, %dma_wait3A_243] : memref<8x64xi32, #tpu.memory_space<vmem>> -> memref<1x64xi32, #tpu.memory_space<vmem>>
      %dma_wait3A_245 = tpu.memref_squeeze %dma_wait3A_244 : memref<1x64xi32, #tpu.memory_space<vmem>> -> memref<64xi32, #tpu.memory_space<vmem>>
      %dma_wait3A_246 = arith.constant 0 : i32
      %dma_wait3A_247 = arith.constant 0 : i32
      %dma_wait3A_248 = tpu.memref_slice %arg3[%dma_wait3A_246, %dma_wait3A_247] : memref<71680x128xf32, #tpu.memory_space<hbm>> -> memref<71680x128xf32, #tpu.memory_space<hbm>>
      tpu.wait_indirect_dma semaphore(%arg17 : memref<!tpu.dma_semaphore, #tpu.memory_space<semaphore_mem>>) src(%dma_wait3A_248 : memref<71680x128xf32, #tpu.memory_space<hbm>>) dst(%dma_wait3A_242 : memref<64x128xf32, #tpu.memory_space<vmem>>)
      %dma_wait3A_249 = arith.constant 5 : i32
      %dma_wait3A_250 = arith.constant 5 : i32
      %dma_wait3A_251 = arith.constant 0 : i32
      %dma_wait3A_252 = arith.constant 0 : i32
      %dma_wait3A_253 = tpu.memref_slice %arg14[%dma_wait3A_250, %dma_wait3A_251, %dma_wait3A_252] : memref<8x64x128xf32, #tpu.memory_space<vmem>> -> memref<1x64x128xf32, #tpu.memory_space<vmem>>
      %dma_wait3A_254 = tpu.memref_squeeze %dma_wait3A_253 : memref<1x64x128xf32, #tpu.memory_space<vmem>> -> memref<64x128xf32, #tpu.memory_space<vmem>>
      %dma_wait3A_255 = arith.constant 0 : i32
      %dma_wait3A_256 = tpu.memref_slice %arg11[%dma_wait3A_249, %dma_wait3A_255] : memref<8x64xi32, #tpu.memory_space<vmem>> -> memref<1x64xi32, #tpu.memory_space<vmem>>
      %dma_wait3A_257 = tpu.memref_squeeze %dma_wait3A_256 : memref<1x64xi32, #tpu.memory_space<vmem>> -> memref<64xi32, #tpu.memory_space<vmem>>
      %dma_wait3A_258 = arith.constant 0 : i32
      %dma_wait3A_259 = arith.constant 0 : i32
      %dma_wait3A_260 = tpu.memref_slice %arg3[%dma_wait3A_258, %dma_wait3A_259] : memref<71680x128xf32, #tpu.memory_space<hbm>> -> memref<71680x128xf32, #tpu.memory_space<hbm>>
      tpu.wait_indirect_dma semaphore(%arg17 : memref<!tpu.dma_semaphore, #tpu.memory_space<semaphore_mem>>) src(%dma_wait3A_260 : memref<71680x128xf32, #tpu.memory_space<hbm>>) dst(%dma_wait3A_254 : memref<64x128xf32, #tpu.memory_space<vmem>>)
      %dma_wait3A_261 = arith.constant 6 : i32
      %dma_wait3A_262 = arith.constant 6 : i32
      %dma_wait3A_263 = arith.constant 0 : i32
      %dma_wait3A_264 = arith.constant 0 : i32
      %dma_wait3A_265 = tpu.memref_slice %arg14[%dma_wait3A_262, %dma_wait3A_263, %dma_wait3A_264] : memref<8x64x128xf32, #tpu.memory_space<vmem>> -> memref<1x64x128xf32, #tpu.memory_space<vmem>>
      %dma_wait3A_266 = tpu.memref_squeeze %dma_wait3A_265 : memref<1x64x128xf32, #tpu.memory_space<vmem>> -> memref<64x128xf32, #tpu.memory_space<vmem>>
      %dma_wait3A_267 = arith.constant 0 : i32
      %dma_wait3A_268 = tpu.memref_slice %arg11[%dma_wait3A_261, %dma_wait3A_267] : memref<8x64xi32, #tpu.memory_space<vmem>> -> memref<1x64xi32, #tpu.memory_space<vmem>>
      %dma_wait3A_269 = tpu.memref_squeeze %dma_wait3A_268 : memref<1x64xi32, #tpu.memory_space<vmem>> -> memref<64xi32, #tpu.memory_space<vmem>>
      %dma_wait3A_270 = arith.constant 0 : i32
      %dma_wait3A_271 = arith.constant 0 : i32
      %dma_wait3A_272 = tpu.memref_slice %arg3[%dma_wait3A_270, %dma_wait3A_271] : memref<71680x128xf32, #tpu.memory_space<hbm>> -> memref<71680x128xf32, #tpu.memory_space<hbm>>
      tpu.wait_indirect_dma semaphore(%arg17 : memref<!tpu.dma_semaphore, #tpu.memory_space<semaphore_mem>>) src(%dma_wait3A_272 : memref<71680x128xf32, #tpu.memory_space<hbm>>) dst(%dma_wait3A_266 : memref<64x128xf32, #tpu.memory_space<vmem>>)
      %dma_wait3A_273 = arith.constant 7 : i32
      %dma_wait3A_274 = arith.constant 7 : i32
      %dma_wait3A_275 = arith.constant 0 : i32
      %dma_wait3A_276 = arith.constant 0 : i32
      %dma_wait3A_277 = tpu.memref_slice %arg14[%dma_wait3A_274, %dma_wait3A_275, %dma_wait3A_276] : memref<8x64x128xf32, #tpu.memory_space<vmem>> -> memref<1x64x128xf32, #tpu.memory_space<vmem>>
      %dma_wait3A_278 = tpu.memref_squeeze %dma_wait3A_277 : memref<1x64x128xf32, #tpu.memory_space<vmem>> -> memref<64x128xf32, #tpu.memory_space<vmem>>
      %dma_wait3A_279 = arith.constant 0 : i32
      %dma_wait3A_280 = tpu.memref_slice %arg11[%dma_wait3A_273, %dma_wait3A_279] : memref<8x64xi32, #tpu.memory_space<vmem>> -> memref<1x64xi32, #tpu.memory_space<vmem>>
      %dma_wait3A_281 = tpu.memref_squeeze %dma_wait3A_280 : memref<1x64xi32, #tpu.memory_space<vmem>> -> memref<64xi32, #tpu.memory_space<vmem>>
      %dma_wait3A_282 = arith.constant 0 : i32
      %dma_wait3A_283 = arith.constant 0 : i32
      %dma_wait3A_284 = tpu.memref_slice %arg3[%dma_wait3A_282, %dma_wait3A_283] : memref<71680x128xf32, #tpu.memory_space<hbm>> -> memref<71680x128xf32, #tpu.memory_space<hbm>>
      tpu.wait_indirect_dma semaphore(%arg17 : memref<!tpu.dma_semaphore, #tpu.memory_space<semaphore_mem>>) src(%dma_wait3A_284 : memref<71680x128xf32, #tpu.memory_space<hbm>>) dst(%dma_wait3A_278 : memref<64x128xf32, #tpu.memory_space<vmem>>)
      %dma_wait3A_285 = arith.constant 0 : i32
      %dma_wait3A_286 = arith.constant 0 : i32
      %dma_wait3A_287 = tpu.memref_slice %arg4[%dma_wait3A_285, %dma_wait3A_286] : memref<31250x128xf32, #tpu.memory_space<hbm>> -> memref<31250x128xf32, #tpu.memory_space<hbm>>
      tpu.wait_indirect_dma semaphore(%arg17 : memref<!tpu.dma_semaphore, #tpu.memory_space<semaphore_mem>>) src(%dma_wait3A_287 : memref<31250x128xf32, #tpu.memory_space<hbm>>) dst(%arg15 : memref<64x128xf32, #tpu.memory_space<vmem>>)
      %while3A_288 = arith.constant 0 : i32
      %while3A_289 = arith.constant 0 : i32
      %while3A_290 = arith.constant 64 : i32
      %while3A_291 = arith.subi %while3A_290, %while3A_289 : i32
      %while3A_292 = arith.addi %while3A_289, %while3A_291 : i32
      %while3A_293 = arith.constant 1 : i32
      %while3A_294 = arith.divsi %while3A_291, %while3A_293 : i32
      %while3A_295 = arith.muli %while3A_294, %while3A_293 : i32
      %while3A_296 = arith.addi %while3A_289, %while3A_295 : i32
      %while3A_297 = arith.constant 1 : i32
      scf.for %while3A_302 = %while3A_289 to %while3A_296 step %while3A_297  : i32 {
        %jit3A_303 = arith.constant 16 : i64
        %convert_element_type3A = arith.trunci %jit3A_303 : i64 to i32
        %div3A = arith.divsi %while3A_302, %convert_element_type3A : i32
        %sign3A = arith.constant 0 : i32
        %sign3A_304 = arith.cmpi sgt, %while3A_302, %sign3A : i32
        %sign3A_305 = arith.extui %sign3A_304 : i1 to i32
        %sign3A_306 = arith.constant 0 : i32
        %sign3A_307 = arith.cmpi slt, %while3A_302, %sign3A_306 : i32
        %sign3A_308 = arith.extui %sign3A_307 : i1 to i32
        %sign3A_309 = arith.subi %sign3A_305, %sign3A_308 : i32
        %sign3A_310 = arith.constant 0 : i32
        %sign3A_311 = arith.cmpi sgt, %convert_element_type3A, %sign3A_310 : i32
        %sign3A_312 = arith.extui %sign3A_311 : i1 to i32
        %sign3A_313 = arith.constant 0 : i32
        %sign3A_314 = arith.cmpi slt, %convert_element_type3A, %sign3A_313 : i32
        %sign3A_315 = arith.extui %sign3A_314 : i1 to i32
        %sign3A_316 = arith.subi %sign3A_312, %sign3A_315 : i32
        %ne3A = arith.cmpi ne, %sign3A_309, %sign3A_316 : i32
        %rem3A = arith.remsi %while3A_302, %convert_element_type3A : i32
        %ne3A_317 = arith.constant 0 : i32
        %ne3A_318 = arith.cmpi ne, %rem3A, %ne3A_317 : i32
        %and3A = arith.andi %ne3A, %ne3A_318 : i1
        %sub3A = arith.constant 1 : i32
        %sub3A_319 = arith.subi %div3A, %sub3A : i32
        %select_n3A_320 = arith.select %and3A, %sub3A_319, %div3A : i32
        %get3A = arith.index_cast %select_n3A_320 : i32 to index
        %get3A_321 = arith.constant 0 : index
        %get3A_322 = tpu.vector_load %arg13[%get3A, %get3A_321] {strides = array<i32>} : memref<4x16xi32, #tpu.memory_space<vmem>>, vector<1x16xi32>,
        %get3A_323 = vector.shape_cast %get3A_322 : vector<1x16xi32> to vector<16xi32>
        %and3A_324 = arith.constant 15 : i32
        %and3A_325 = arith.andi %while3A_302, %and3A_324 : i32
        %broadcast_in_dim3A_326 = vector.broadcast %and3A_325 : i32 to vector<16xi32>
        %broadcast_in_dim3A_327 = vector.shape_cast %broadcast_in_dim3A_326 : vector<16xi32> to vector<16x1xi32>
        %gather3A = vector.shape_cast %broadcast_in_dim3A_327 : vector<16x1xi32> to vector<16xi32>
        %gather3A_328 = tpu.dynamic_gather %get3A_323[%gather3A] in [0] : vector<16xi32>, vector<16xi32> -> vector<16xi32>
        %get3A_329 = arith.index_cast %while3A_302 : i32 to index
        %get3A_330 = arith.constant 0 : index
        %get3A_331 = tpu.vector_load %arg15[%get3A_329, %get3A_330] {strides = array<i32>} : memref<64x128xf32, #tpu.memory_space<vmem>>, vector<1x16xf32>,
        %get3A_332 = vector.shape_cast %get3A_331 : vector<1x16xf32> to vector<16xf32>
        %broadcast_in_dim3A_333 = vector.shape_cast %gather3A_328 : vector<16xi32> to vector<16x1xi32>
        %gather3A_334 = vector.shape_cast %broadcast_in_dim3A_333 : vector<16x1xi32> to vector<16xi32>
        %gather3A_335 = tpu.dynamic_gather %get3A_332[%gather3A_334] in [0] : vector<16xf32>, vector<16xi32> -> vector<16xf32>
        %get3A_336 = arith.index_cast %while3A_302 : i32 to index
        %get3A_337 = arith.constant 16 : index
        %get3A_338 = tpu.vector_load %arg15[%get3A_336, %get3A_337] {strides = array<i32>} : memref<64x128xf32, #tpu.memory_space<vmem>>, vector<1x16xf32>,
        %get3A_339 = vector.shape_cast %get3A_338 : vector<1x16xf32> to vector<16xf32>
        %broadcast_in_dim3A_340 = vector.shape_cast %gather3A_328 : vector<16xi32> to vector<16x1xi32>
        %gather3A_341 = vector.shape_cast %broadcast_in_dim3A_340 : vector<16x1xi32> to vector<16xi32>
        %gather3A_342 = tpu.dynamic_gather %get3A_339[%gather3A_341] in [0] : vector<16xf32>, vector<16xi32> -> vector<16xf32>
        %get3A_343 = arith.index_cast %while3A_302 : i32 to index
        %get3A_344 = arith.constant 32 : index
        %get3A_345 = tpu.vector_load %arg15[%get3A_343, %get3A_344] {strides = array<i32>} : memref<64x128xf32, #tpu.memory_space<vmem>>, vector<1x16xf32>,
        %get3A_346 = vector.shape_cast %get3A_345 : vector<1x16xf32> to vector<16xf32>
        %broadcast_in_dim3A_347 = vector.shape_cast %gather3A_328 : vector<16xi32> to vector<16x1xi32>
        %gather3A_348 = vector.shape_cast %broadcast_in_dim3A_347 : vector<16x1xi32> to vector<16xi32>
        %gather3A_349 = tpu.dynamic_gather %get3A_346[%gather3A_348] in [0] : vector<16xf32>, vector<16xi32> -> vector<16xf32>
        %get3A_350 = arith.index_cast %while3A_302 : i32 to index
        %get3A_351 = arith.constant 48 : index
        %get3A_352 = tpu.vector_load %arg15[%get3A_350, %get3A_351] {strides = array<i32>} : memref<64x128xf32, #tpu.memory_space<vmem>>, vector<1x16xf32>,
        %get3A_353 = vector.shape_cast %get3A_352 : vector<1x16xf32> to vector<16xf32>
        %broadcast_in_dim3A_354 = vector.shape_cast %gather3A_328 : vector<16xi32> to vector<16x1xi32>
        %gather3A_355 = vector.shape_cast %broadcast_in_dim3A_354 : vector<16x1xi32> to vector<16xi32>
        %gather3A_356 = tpu.dynamic_gather %get3A_353[%gather3A_355] in [0] : vector<16xf32>, vector<16xi32> -> vector<16xf32>
        %get3A_357 = arith.index_cast %while3A_302 : i32 to index
        %get3A_358 = arith.constant 64 : index
        %get3A_359 = tpu.vector_load %arg15[%get3A_357, %get3A_358] {strides = array<i32>} : memref<64x128xf32, #tpu.memory_space<vmem>>, vector<1x16xf32>,
        %get3A_360 = vector.shape_cast %get3A_359 : vector<1x16xf32> to vector<16xf32>
        %broadcast_in_dim3A_361 = vector.shape_cast %gather3A_328 : vector<16xi32> to vector<16x1xi32>
        %gather3A_362 = vector.shape_cast %broadcast_in_dim3A_361 : vector<16x1xi32> to vector<16xi32>
        %gather3A_363 = tpu.dynamic_gather %get3A_360[%gather3A_362] in [0] : vector<16xf32>, vector<16xi32> -> vector<16xf32>
        %get3A_364 = arith.index_cast %while3A_302 : i32 to index
        %get3A_365 = arith.constant 80 : index
        %get3A_366 = tpu.vector_load %arg15[%get3A_364, %get3A_365] {strides = array<i32>} : memref<64x128xf32, #tpu.memory_space<vmem>>, vector<1x16xf32>,
        %get3A_367 = vector.shape_cast %get3A_366 : vector<1x16xf32> to vector<16xf32>
        %broadcast_in_dim3A_368 = vector.shape_cast %gather3A_328 : vector<16xi32> to vector<16x1xi32>
        %gather3A_369 = vector.shape_cast %broadcast_in_dim3A_368 : vector<16x1xi32> to vector<16xi32>
        %gather3A_370 = tpu.dynamic_gather %get3A_367[%gather3A_369] in [0] : vector<16xf32>, vector<16xi32> -> vector<16xf32>
        %get3A_371 = arith.index_cast %while3A_302 : i32 to index
        %get3A_372 = arith.constant 96 : index
        %get3A_373 = tpu.vector_load %arg15[%get3A_371, %get3A_372] {strides = array<i32>} : memref<64x128xf32, #tpu.memory_space<vmem>>, vector<1x16xf32>,
        %get3A_374 = vector.shape_cast %get3A_373 : vector<1x16xf32> to vector<16xf32>
        %broadcast_in_dim3A_375 = vector.shape_cast %gather3A_328 : vector<16xi32> to vector<16x1xi32>
        %gather3A_376 = vector.shape_cast %broadcast_in_dim3A_375 : vector<16x1xi32> to vector<16xi32>
        %gather3A_377 = tpu.dynamic_gather %get3A_374[%gather3A_376] in [0] : vector<16xf32>, vector<16xi32> -> vector<16xf32>
        %get3A_378 = arith.index_cast %while3A_302 : i32 to index
        %get3A_379 = arith.constant 112 : index
        %get3A_380 = tpu.vector_load %arg15[%get3A_378, %get3A_379] {strides = array<i32>} : memref<64x128xf32, #tpu.memory_space<vmem>>, vector<1x16xf32>,
        %get3A_381 = vector.shape_cast %get3A_380 : vector<1x16xf32> to vector<16xf32>
        %broadcast_in_dim3A_382 = vector.shape_cast %gather3A_328 : vector<16xi32> to vector<16x1xi32>
        %gather3A_383 = vector.shape_cast %broadcast_in_dim3A_382 : vector<16x1xi32> to vector<16xi32>
        %gather3A_384 = tpu.dynamic_gather %get3A_381[%gather3A_383] in [0] : vector<16xf32>, vector<16xi32> -> vector<16xf32>
        %mul3A_385 = arith.mulf %gather3A_335, %select_n3A : vector<16xf32>
        %mul3A_386 = arith.mulf %gather3A_342, %select_n3A_21 : vector<16xf32>
        %add3A_387 = arith.addf %mul3A_385, %mul3A_386 : vector<16xf32>
        %mul3A_388 = arith.mulf %gather3A_349, %select_n3A_29 : vector<16xf32>
        %add3A_389 = arith.addf %add3A_387, %mul3A_388 : vector<16xf32>
        %mul3A_390 = arith.mulf %gather3A_356, %select_n3A_37 : vector<16xf32>
        %add3A_391 = arith.addf %add3A_389, %mul3A_390 : vector<16xf32>
        %mul3A_392 = arith.mulf %gather3A_363, %select_n3A_45 : vector<16xf32>
        %add3A_393 = arith.addf %add3A_391, %mul3A_392 : vector<16xf32>
        %mul3A_394 = arith.mulf %gather3A_370, %select_n3A_53 : vector<16xf32>
        %add3A_395 = arith.addf %add3A_393, %mul3A_394 : vector<16xf32>
        %mul3A_396 = arith.mulf %gather3A_377, %select_n3A_61 : vector<16xf32>
        %add3A_397 = arith.addf %add3A_395, %mul3A_396 : vector<16xf32>
        %mul3A_398 = arith.mulf %gather3A_384, %select_n3A_69 : vector<16xf32>
        %add3A_399 = arith.addf %add3A_397, %mul3A_398 : vector<16xf32>
        %get3A_400 = arith.constant 0 : i32
        %get3A_401 = arith.index_cast %get3A_400 : i32 to index
        %get3A_402 = arith.index_cast %while3A_302 : i32 to index
        %get3A_403 = arith.constant 0 : index
        %get3A_404 = tpu.vector_load %arg14[%get3A_401, %get3A_402, %get3A_403] {strides = array<i32>} : memref<8x64x128xf32, #tpu.memory_space<vmem>>, vector<1x1x16xf32>,
        %get3A_405 = vector.shape_cast %get3A_404 : vector<1x1x16xf32> to vector<16xf32>
        %mul3A_406 = arith.mulf %gather3A_335, %get3A_405 : vector<16xf32>
        %get3A_407 = arith.constant 1 : i32
        %get3A_408 = arith.index_cast %get3A_407 : i32 to index
        %get3A_409 = arith.index_cast %while3A_302 : i32 to index
        %get3A_410 = arith.constant 0 : index
        %get3A_411 = tpu.vector_load %arg14[%get3A_408, %get3A_409, %get3A_410] {strides = array<i32>} : memref<8x64x128xf32, #tpu.memory_space<vmem>>, vector<1x1x16xf32>,
        %get3A_412 = vector.shape_cast %get3A_411 : vector<1x1x16xf32> to vector<16xf32>
        %mul3A_413 = arith.mulf %gather3A_342, %get3A_412 : vector<16xf32>
        %add3A_414 = arith.addf %mul3A_406, %mul3A_413 : vector<16xf32>
        %get3A_415 = arith.constant 2 : i32
        %get3A_416 = arith.index_cast %get3A_415 : i32 to index
        %get3A_417 = arith.index_cast %while3A_302 : i32 to index
        %get3A_418 = arith.constant 0 : index
        %get3A_419 = tpu.vector_load %arg14[%get3A_416, %get3A_417, %get3A_418] {strides = array<i32>} : memref<8x64x128xf32, #tpu.memory_space<vmem>>, vector<1x1x16xf32>,
        %get3A_420 = vector.shape_cast %get3A_419 : vector<1x1x16xf32> to vector<16xf32>
        %mul3A_421 = arith.mulf %gather3A_349, %get3A_420 : vector<16xf32>
        %add3A_422 = arith.addf %add3A_414, %mul3A_421 : vector<16xf32>
        %get3A_423 = arith.constant 3 : i32
        %get3A_424 = arith.index_cast %get3A_423 : i32 to index
        %get3A_425 = arith.index_cast %while3A_302 : i32 to index
        %get3A_426 = arith.constant 0 : index
        %get3A_427 = tpu.vector_load %arg14[%get3A_424, %get3A_425, %get3A_426] {strides = array<i32>} : memref<8x64x128xf32, #tpu.memory_space<vmem>>, vector<1x1x16xf32>,
        %get3A_428 = vector.shape_cast %get3A_427 : vector<1x1x16xf32> to vector<16xf32>
        %mul3A_429 = arith.mulf %gather3A_356, %get3A_428 : vector<16xf32>
        %add3A_430 = arith.addf %add3A_422, %mul3A_429 : vector<16xf32>
        %get3A_431 = arith.constant 4 : i32
        %get3A_432 = arith.index_cast %get3A_431 : i32 to index
        %get3A_433 = arith.index_cast %while3A_302 : i32 to index
        %get3A_434 = arith.constant 0 : index
        %get3A_435 = tpu.vector_load %arg14[%get3A_432, %get3A_433, %get3A_434] {strides = array<i32>} : memref<8x64x128xf32, #tpu.memory_space<vmem>>, vector<1x1x16xf32>,
        %get3A_436 = vector.shape_cast %get3A_435 : vector<1x1x16xf32> to vector<16xf32>
        %mul3A_437 = arith.mulf %gather3A_363, %get3A_436 : vector<16xf32>
        %add3A_438 = arith.addf %add3A_430, %mul3A_437 : vector<16xf32>
        %get3A_439 = arith.constant 5 : i32
        %get3A_440 = arith.index_cast %get3A_439 : i32 to index
        %get3A_441 = arith.index_cast %while3A_302 : i32 to index
        %get3A_442 = arith.constant 0 : index
        %get3A_443 = tpu.vector_load %arg14[%get3A_440, %get3A_441, %get3A_442] {strides = array<i32>} : memref<8x64x128xf32, #tpu.memory_space<vmem>>, vector<1x1x16xf32>,
        %get3A_444 = vector.shape_cast %get3A_443 : vector<1x1x16xf32> to vector<16xf32>
        %mul3A_445 = arith.mulf %gather3A_370, %get3A_444 : vector<16xf32>
        %add3A_446 = arith.addf %add3A_438, %mul3A_445 : vector<16xf32>
        %get3A_447 = arith.constant 6 : i32
        %get3A_448 = arith.index_cast %get3A_447 : i32 to index
        %get3A_449 = arith.index_cast %while3A_302 : i32 to index
        %get3A_450 = arith.constant 0 : index
        %get3A_451 = tpu.vector_load %arg14[%get3A_448, %get3A_449, %get3A_450] {strides = array<i32>} : memref<8x64x128xf32, #tpu.memory_space<vmem>>, vector<1x1x16xf32>,
        %get3A_452 = vector.shape_cast %get3A_451 : vector<1x1x16xf32> to vector<16xf32>
        %mul3A_453 = arith.mulf %gather3A_377, %get3A_452 : vector<16xf32>
        %add3A_454 = arith.addf %add3A_446, %mul3A_453 : vector<16xf32>
        %get3A_455 = arith.constant 7 : i32
        %get3A_456 = arith.index_cast %get3A_455 : i32 to index
        %get3A_457 = arith.index_cast %while3A_302 : i32 to index
        %get3A_458 = arith.constant 0 : index
        %get3A_459 = tpu.vector_load %arg14[%get3A_456, %get3A_457, %get3A_458] {strides = array<i32>} : memref<8x64x128xf32, #tpu.memory_space<vmem>>, vector<1x1x16xf32>,
        %get3A_460 = vector.shape_cast %get3A_459 : vector<1x1x16xf32> to vector<16xf32>
        %mul3A_461 = arith.mulf %gather3A_384, %get3A_460 : vector<16xf32>
        %add3A_462 = arith.addf %add3A_454, %mul3A_461 : vector<16xf32>
        %swap3A = arith.index_cast %while3A_302 : i32 to index
        %swap3A_463 = arith.constant 0 : index
        %swap3A_464 = tpu.vector_load %arg16[%swap3A, %swap3A_463] {strides = array<i32>} : memref<64x128xf32, #tpu.memory_space<vmem>>, vector<1x16xf32>,
        %swap3A_465 = vector.shape_cast %swap3A_464 : vector<1x16xf32> to vector<16xf32>
        %swap3A_466 = vector.shape_cast %add3A_462 : vector<16xf32> to vector<1x16xf32>
        tpu.vector_store %arg16[%swap3A, %swap3A_463], %swap3A_466 {strides = array<i32>} : memref<64x128xf32, #tpu.memory_space<vmem>>, vector<1x16xf32>,
        %get3A_467 = arith.constant 0 : i32
        %get3A_468 = arith.index_cast %get3A_467 : i32 to index
        %get3A_469 = arith.index_cast %while3A_302 : i32 to index
        %get3A_470 = arith.constant 16 : index
        %get3A_471 = tpu.vector_load %arg14[%get3A_468, %get3A_469, %get3A_470] {strides = array<i32>} : memref<8x64x128xf32, #tpu.memory_space<vmem>>, vector<1x1x16xf32>,
        %get3A_472 = vector.shape_cast %get3A_471 : vector<1x1x16xf32> to vector<16xf32>
        %mul3A_473 = arith.mulf %gather3A_335, %get3A_472 : vector<16xf32>
        %get3A_474 = arith.constant 1 : i32
        %get3A_475 = arith.index_cast %get3A_474 : i32 to index
        %get3A_476 = arith.index_cast %while3A_302 : i32 to index
        %get3A_477 = arith.constant 16 : index
        %get3A_478 = tpu.vector_load %arg14[%get3A_475, %get3A_476, %get3A_477] {strides = array<i32>} : memref<8x64x128xf32, #tpu.memory_space<vmem>>, vector<1x1x16xf32>,
        %get3A_479 = vector.shape_cast %get3A_478 : vector<1x1x16xf32> to vector<16xf32>
        %mul3A_480 = arith.mulf %gather3A_342, %get3A_479 : vector<16xf32>
        %add3A_481 = arith.addf %mul3A_473, %mul3A_480 : vector<16xf32>
        %get3A_482 = arith.constant 2 : i32
        %get3A_483 = arith.index_cast %get3A_482 : i32 to index
        %get3A_484 = arith.index_cast %while3A_302 : i32 to index
        %get3A_485 = arith.constant 16 : index
        %get3A_486 = tpu.vector_load %arg14[%get3A_483, %get3A_484, %get3A_485] {strides = array<i32>} : memref<8x64x128xf32, #tpu.memory_space<vmem>>, vector<1x1x16xf32>,
        %get3A_487 = vector.shape_cast %get3A_486 : vector<1x1x16xf32> to vector<16xf32>
        %mul3A_488 = arith.mulf %gather3A_349, %get3A_487 : vector<16xf32>
        %add3A_489 = arith.addf %add3A_481, %mul3A_488 : vector<16xf32>
        %get3A_490 = arith.constant 3 : i32
        %get3A_491 = arith.index_cast %get3A_490 : i32 to index
        %get3A_492 = arith.index_cast %while3A_302 : i32 to index
        %get3A_493 = arith.constant 16 : index
        %get3A_494 = tpu.vector_load %arg14[%get3A_491, %get3A_492, %get3A_493] {strides = array<i32>} : memref<8x64x128xf32, #tpu.memory_space<vmem>>, vector<1x1x16xf32>,
        %get3A_495 = vector.shape_cast %get3A_494 : vector<1x1x16xf32> to vector<16xf32>
        %mul3A_496 = arith.mulf %gather3A_356, %get3A_495 : vector<16xf32>
        %add3A_497 = arith.addf %add3A_489, %mul3A_496 : vector<16xf32>
        %get3A_498 = arith.constant 4 : i32
        %get3A_499 = arith.index_cast %get3A_498 : i32 to index
        %get3A_500 = arith.index_cast %while3A_302 : i32 to index
        %get3A_501 = arith.constant 16 : index
        %get3A_502 = tpu.vector_load %arg14[%get3A_499, %get3A_500, %get3A_501] {strides = array<i32>} : memref<8x64x128xf32, #tpu.memory_space<vmem>>, vector<1x1x16xf32>,
        %get3A_503 = vector.shape_cast %get3A_502 : vector<1x1x16xf32> to vector<16xf32>
        %mul3A_504 = arith.mulf %gather3A_363, %get3A_503 : vector<16xf32>
        %add3A_505 = arith.addf %add3A_497, %mul3A_504 : vector<16xf32>
        %get3A_506 = arith.constant 5 : i32
        %get3A_507 = arith.index_cast %get3A_506 : i32 to index
        %get3A_508 = arith.index_cast %while3A_302 : i32 to index
        %get3A_509 = arith.constant 16 : index
        %get3A_510 = tpu.vector_load %arg14[%get3A_507, %get3A_508, %get3A_509] {strides = array<i32>} : memref<8x64x128xf32, #tpu.memory_space<vmem>>, vector<1x1x16xf32>,
        %get3A_511 = vector.shape_cast %get3A_510 : vector<1x1x16xf32> to vector<16xf32>
        %mul3A_512 = arith.mulf %gather3A_370, %get3A_511 : vector<16xf32>
        %add3A_513 = arith.addf %add3A_505, %mul3A_512 : vector<16xf32>
        %get3A_514 = arith.constant 6 : i32
        %get3A_515 = arith.index_cast %get3A_514 : i32 to index
        %get3A_516 = arith.index_cast %while3A_302 : i32 to index
        %get3A_517 = arith.constant 16 : index
        %get3A_518 = tpu.vector_load %arg14[%get3A_515, %get3A_516, %get3A_517] {strides = array<i32>} : memref<8x64x128xf32, #tpu.memory_space<vmem>>, vector<1x1x16xf32>,
        %get3A_519 = vector.shape_cast %get3A_518 : vector<1x1x16xf32> to vector<16xf32>
        %mul3A_520 = arith.mulf %gather3A_377, %get3A_519 : vector<16xf32>
        %add3A_521 = arith.addf %add3A_513, %mul3A_520 : vector<16xf32>
        %get3A_522 = arith.constant 7 : i32
        %get3A_523 = arith.index_cast %get3A_522 : i32 to index
        %get3A_524 = arith.index_cast %while3A_302 : i32 to index
        %get3A_525 = arith.constant 16 : index
        %get3A_526 = tpu.vector_load %arg14[%get3A_523, %get3A_524, %get3A_525] {strides = array<i32>} : memref<8x64x128xf32, #tpu.memory_space<vmem>>, vector<1x1x16xf32>,
        %get3A_527 = vector.shape_cast %get3A_526 : vector<1x1x16xf32> to vector<16xf32>
        %mul3A_528 = arith.mulf %gather3A_384, %get3A_527 : vector<16xf32>
        %add3A_529 = arith.addf %add3A_521, %mul3A_528 : vector<16xf32>
        %swap3A_530 = arith.index_cast %while3A_302 : i32 to index
        %swap3A_531 = arith.constant 16 : index
        %swap3A_532 = tpu.vector_load %arg16[%swap3A_530, %swap3A_531] {strides = array<i32>} : memref<64x128xf32, #tpu.memory_space<vmem>>, vector<1x16xf32>,
        %swap3A_533 = vector.shape_cast %swap3A_532 : vector<1x16xf32> to vector<16xf32>
        %swap3A_534 = vector.shape_cast %add3A_529 : vector<16xf32> to vector<1x16xf32>
        tpu.vector_store %arg16[%swap3A_530, %swap3A_531], %swap3A_534 {strides = array<i32>} : memref<64x128xf32, #tpu.memory_space<vmem>>, vector<1x16xf32>,
        %get3A_535 = arith.constant 0 : i32
        %get3A_536 = arith.index_cast %get3A_535 : i32 to index
        %get3A_537 = arith.index_cast %while3A_302 : i32 to index
        %get3A_538 = arith.constant 32 : index
        %get3A_539 = tpu.vector_load %arg14[%get3A_536, %get3A_537, %get3A_538] {strides = array<i32>} : memref<8x64x128xf32, #tpu.memory_space<vmem>>, vector<1x1x16xf32>,
        %get3A_540 = vector.shape_cast %get3A_539 : vector<1x1x16xf32> to vector<16xf32>
        %mul3A_541 = arith.mulf %gather3A_335, %get3A_540 : vector<16xf32>
        %get3A_542 = arith.constant 1 : i32
        %get3A_543 = arith.index_cast %get3A_542 : i32 to index
        %get3A_544 = arith.index_cast %while3A_302 : i32 to index
        %get3A_545 = arith.constant 32 : index
        %get3A_546 = tpu.vector_load %arg14[%get3A_543, %get3A_544, %get3A_545] {strides = array<i32>} : memref<8x64x128xf32, #tpu.memory_space<vmem>>, vector<1x1x16xf32>,
        %get3A_547 = vector.shape_cast %get3A_546 : vector<1x1x16xf32> to vector<16xf32>
        %mul3A_548 = arith.mulf %gather3A_342, %get3A_547 : vector<16xf32>
        %add3A_549 = arith.addf %mul3A_541, %mul3A_548 : vector<16xf32>
        %get3A_550 = arith.constant 2 : i32
        %get3A_551 = arith.index_cast %get3A_550 : i32 to index
        %get3A_552 = arith.index_cast %while3A_302 : i32 to index
        %get3A_553 = arith.constant 32 : index
        %get3A_554 = tpu.vector_load %arg14[%get3A_551, %get3A_552, %get3A_553] {strides = array<i32>} : memref<8x64x128xf32, #tpu.memory_space<vmem>>, vector<1x1x16xf32>,
        %get3A_555 = vector.shape_cast %get3A_554 : vector<1x1x16xf32> to vector<16xf32>
        %mul3A_556 = arith.mulf %gather3A_349, %get3A_555 : vector<16xf32>
        %add3A_557 = arith.addf %add3A_549, %mul3A_556 : vector<16xf32>
        %get3A_558 = arith.constant 3 : i32
        %get3A_559 = arith.index_cast %get3A_558 : i32 to index
        %get3A_560 = arith.index_cast %while3A_302 : i32 to index
        %get3A_561 = arith.constant 32 : index
        %get3A_562 = tpu.vector_load %arg14[%get3A_559, %get3A_560, %get3A_561] {strides = array<i32>} : memref<8x64x128xf32, #tpu.memory_space<vmem>>, vector<1x1x16xf32>,
        %get3A_563 = vector.shape_cast %get3A_562 : vector<1x1x16xf32> to vector<16xf32>
        %mul3A_564 = arith.mulf %gather3A_356, %get3A_563 : vector<16xf32>
        %add3A_565 = arith.addf %add3A_557, %mul3A_564 : vector<16xf32>
        %get3A_566 = arith.constant 4 : i32
        %get3A_567 = arith.index_cast %get3A_566 : i32 to index
        %get3A_568 = arith.index_cast %while3A_302 : i32 to index
        %get3A_569 = arith.constant 32 : index
        %get3A_570 = tpu.vector_load %arg14[%get3A_567, %get3A_568, %get3A_569] {strides = array<i32>} : memref<8x64x128xf32, #tpu.memory_space<vmem>>, vector<1x1x16xf32>,
        %get3A_571 = vector.shape_cast %get3A_570 : vector<1x1x16xf32> to vector<16xf32>
        %mul3A_572 = arith.mulf %gather3A_363, %get3A_571 : vector<16xf32>
        %add3A_573 = arith.addf %add3A_565, %mul3A_572 : vector<16xf32>
        %get3A_574 = arith.constant 5 : i32
        %get3A_575 = arith.index_cast %get3A_574 : i32 to index
        %get3A_576 = arith.index_cast %while3A_302 : i32 to index
        %get3A_577 = arith.constant 32 : index
        %get3A_578 = tpu.vector_load %arg14[%get3A_575, %get3A_576, %get3A_577] {strides = array<i32>} : memref<8x64x128xf32, #tpu.memory_space<vmem>>, vector<1x1x16xf32>,
        %get3A_579 = vector.shape_cast %get3A_578 : vector<1x1x16xf32> to vector<16xf32>
        %mul3A_580 = arith.mulf %gather3A_370, %get3A_579 : vector<16xf32>
        %add3A_581 = arith.addf %add3A_573, %mul3A_580 : vector<16xf32>
        %get3A_582 = arith.constant 6 : i32
        %get3A_583 = arith.index_cast %get3A_582 : i32 to index
        %get3A_584 = arith.index_cast %while3A_302 : i32 to index
        %get3A_585 = arith.constant 32 : index
        %get3A_586 = tpu.vector_load %arg14[%get3A_583, %get3A_584, %get3A_585] {strides = array<i32>} : memref<8x64x128xf32, #tpu.memory_space<vmem>>, vector<1x1x16xf32>,
        %get3A_587 = vector.shape_cast %get3A_586 : vector<1x1x16xf32> to vector<16xf32>
        %mul3A_588 = arith.mulf %gather3A_377, %get3A_587 : vector<16xf32>
        %add3A_589 = arith.addf %add3A_581, %mul3A_588 : vector<16xf32>
        %get3A_590 = arith.constant 7 : i32
        %get3A_591 = arith.index_cast %get3A_590 : i32 to index
        %get3A_592 = arith.index_cast %while3A_302 : i32 to index
        %get3A_593 = arith.constant 32 : index
        %get3A_594 = tpu.vector_load %arg14[%get3A_591, %get3A_592, %get3A_593] {strides = array<i32>} : memref<8x64x128xf32, #tpu.memory_space<vmem>>, vector<1x1x16xf32>,
        %get3A_595 = vector.shape_cast %get3A_594 : vector<1x1x16xf32> to vector<16xf32>
        %mul3A_596 = arith.mulf %gather3A_384, %get3A_595 : vector<16xf32>
        %add3A_597 = arith.addf %add3A_589, %mul3A_596 : vector<16xf32>
        %swap3A_598 = arith.index_cast %while3A_302 : i32 to index
        %swap3A_599 = arith.constant 32 : index
        %swap3A_600 = tpu.vector_load %arg16[%swap3A_598, %swap3A_599] {strides = array<i32>} : memref<64x128xf32, #tpu.memory_space<vmem>>, vector<1x16xf32>,
        %swap3A_601 = vector.shape_cast %swap3A_600 : vector<1x16xf32> to vector<16xf32>
        %swap3A_602 = vector.shape_cast %add3A_597 : vector<16xf32> to vector<1x16xf32>
        tpu.vector_store %arg16[%swap3A_598, %swap3A_599], %swap3A_602 {strides = array<i32>} : memref<64x128xf32, #tpu.memory_space<vmem>>, vector<1x16xf32>,
        %get3A_603 = arith.constant 0 : i32
        %get3A_604 = arith.index_cast %get3A_603 : i32 to index
        %get3A_605 = arith.index_cast %while3A_302 : i32 to index
        %get3A_606 = arith.constant 40 : index
        %get3A_607 = tpu.vector_load %arg14[%get3A_604, %get3A_605, %get3A_606] {strides = array<i32>} : memref<8x64x128xf32, #tpu.memory_space<vmem>>, vector<1x1x16xf32>,
        %get3A_608 = vector.shape_cast %get3A_607 : vector<1x1x16xf32> to vector<16xf32>
        %mul3A_609 = arith.mulf %gather3A_335, %get3A_608 : vector<16xf32>
        %get3A_610 = arith.constant 1 : i32
        %get3A_611 = arith.index_cast %get3A_610 : i32 to index
        %get3A_612 = arith.index_cast %while3A_302 : i32 to index
        %get3A_613 = arith.constant 40 : index
        %get3A_614 = tpu.vector_load %arg14[%get3A_611, %get3A_612, %get3A_613] {strides = array<i32>} : memref<8x64x128xf32, #tpu.memory_space<vmem>>, vector<1x1x16xf32>,
        %get3A_615 = vector.shape_cast %get3A_614 : vector<1x1x16xf32> to vector<16xf32>
        %mul3A_616 = arith.mulf %gather3A_342, %get3A_615 : vector<16xf32>
        %add3A_617 = arith.addf %mul3A_609, %mul3A_616 : vector<16xf32>
        %get3A_618 = arith.constant 2 : i32
        %get3A_619 = arith.index_cast %get3A_618 : i32 to index
        %get3A_620 = arith.index_cast %while3A_302 : i32 to index
        %get3A_621 = arith.constant 40 : index
        %get3A_622 = tpu.vector_load %arg14[%get3A_619, %get3A_620, %get3A_621] {strides = array<i32>} : memref<8x64x128xf32, #tpu.memory_space<vmem>>, vector<1x1x16xf32>,
        %get3A_623 = vector.shape_cast %get3A_622 : vector<1x1x16xf32> to vector<16xf32>
        %mul3A_624 = arith.mulf %gather3A_349, %get3A_623 : vector<16xf32>
        %add3A_625 = arith.addf %add3A_617, %mul3A_624 : vector<16xf32>
        %get3A_626 = arith.constant 3 : i32
        %get3A_627 = arith.index_cast %get3A_626 : i32 to index
        %get3A_628 = arith.index_cast %while3A_302 : i32 to index
        %get3A_629 = arith.constant 40 : index
        %get3A_630 = tpu.vector_load %arg14[%get3A_627, %get3A_628, %get3A_629] {strides = array<i32>} : memref<8x64x128xf32, #tpu.memory_space<vmem>>, vector<1x1x16xf32>,
        %get3A_631 = vector.shape_cast %get3A_630 : vector<1x1x16xf32> to vector<16xf32>
        %mul3A_632 = arith.mulf %gather3A_356, %get3A_631 : vector<16xf32>
        %add3A_633 = arith.addf %add3A_625, %mul3A_632 : vector<16xf32>
        %get3A_634 = arith.constant 4 : i32
        %get3A_635 = arith.index_cast %get3A_634 : i32 to index
        %get3A_636 = arith.index_cast %while3A_302 : i32 to index
        %get3A_637 = arith.constant 40 : index
        %get3A_638 = tpu.vector_load %arg14[%get3A_635, %get3A_636, %get3A_637] {strides = array<i32>} : memref<8x64x128xf32, #tpu.memory_space<vmem>>, vector<1x1x16xf32>,
        %get3A_639 = vector.shape_cast %get3A_638 : vector<1x1x16xf32> to vector<16xf32>
        %mul3A_640 = arith.mulf %gather3A_363, %get3A_639 : vector<16xf32>
        %add3A_641 = arith.addf %add3A_633, %mul3A_640 : vector<16xf32>
        %get3A_642 = arith.constant 5 : i32
        %get3A_643 = arith.index_cast %get3A_642 : i32 to index
        %get3A_644 = arith.index_cast %while3A_302 : i32 to index
        %get3A_645 = arith.constant 40 : index
        %get3A_646 = tpu.vector_load %arg14[%get3A_643, %get3A_644, %get3A_645] {strides = array<i32>} : memref<8x64x128xf32, #tpu.memory_space<vmem>>, vector<1x1x16xf32>,
        %get3A_647 = vector.shape_cast %get3A_646 : vector<1x1x16xf32> to vector<16xf32>
        %mul3A_648 = arith.mulf %gather3A_370, %get3A_647 : vector<16xf32>
        %add3A_649 = arith.addf %add3A_641, %mul3A_648 : vector<16xf32>
        %get3A_650 = arith.constant 6 : i32
        %get3A_651 = arith.index_cast %get3A_650 : i32 to index
        %get3A_652 = arith.index_cast %while3A_302 : i32 to index
        %get3A_653 = arith.constant 40 : index
        %get3A_654 = tpu.vector_load %arg14[%get3A_651, %get3A_652, %get3A_653] {strides = array<i32>} : memref<8x64x128xf32, #tpu.memory_space<vmem>>, vector<1x1x16xf32>,
        %get3A_655 = vector.shape_cast %get3A_654 : vector<1x1x16xf32> to vector<16xf32>
        %mul3A_656 = arith.mulf %gather3A_377, %get3A_655 : vector<16xf32>
        %add3A_657 = arith.addf %add3A_649, %mul3A_656 : vector<16xf32>
        %get3A_658 = arith.constant 7 : i32
        %get3A_659 = arith.index_cast %get3A_658 : i32 to index
        %get3A_660 = arith.index_cast %while3A_302 : i32 to index
        %get3A_661 = arith.constant 40 : index
        %get3A_662 = tpu.vector_load %arg14[%get3A_659, %get3A_660, %get3A_661] {strides = array<i32>} : memref<8x64x128xf32, #tpu.memory_space<vmem>>, vector<1x1x16xf32>,
        %get3A_663 = vector.shape_cast %get3A_662 : vector<1x1x16xf32> to vector<16xf32>
        %mul3A_664 = arith.mulf %gather3A_384, %get3A_663 : vector<16xf32>
        %add3A_665 = arith.addf %add3A_657, %mul3A_664 : vector<16xf32>
        %broadcast_in_dim3A_666 = vector.shape_cast %min3A_7 : vector<16xi32> to vector<16x1xi32>
        %gather3A_667 = vector.shape_cast %broadcast_in_dim3A_666 : vector<16x1xi32> to vector<16xi32>
        %gather3A_668 = tpu.dynamic_gather %add3A_665[%gather3A_667] in [0] : vector<16xf32>, vector<16xi32> -> vector<16xf32>
        %select_n3A_669 = arith.select %lt3A_9, %gather3A_668, %add3A_399 : vector<16xi1>, vector<16xf32>
        %swap3A_670 = arith.index_cast %while3A_302 : i32 to index
        %swap3A_671 = arith.constant 48 : index
        %swap3A_672 = tpu.vector_load %arg16[%swap3A_670, %swap3A_671] {strides = array<i32>} : memref<64x128xf32, #tpu.memory_space<vmem>>, vector<1x16xf32>,
        %swap3A_673 = vector.shape_cast %swap3A_672 : vector<1x16xf32> to vector<16xf32>
        %swap3A_674 = vector.shape_cast %select_n3A_669 : vector<16xf32> to vector<1x16xf32>
        tpu.vector_store %arg16[%swap3A_670, %swap3A_671], %swap3A_674 {strides = array<i32>} : memref<64x128xf32, #tpu.memory_space<vmem>>, vector<1x16xf32>,
      }
      %while3A_298 = arith.constant 1 : i32
      scf.for %while3A_302 = %while3A_296 to %while3A_292 step %while3A_298  : i32 {
        %jit3A_303 = arith.constant 16 : i64
        %convert_element_type3A = arith.trunci %jit3A_303 : i64 to i32
        %div3A = arith.divsi %while3A_302, %convert_element_type3A : i32
        %sign3A = arith.constant 0 : i32
        %sign3A_304 = arith.cmpi sgt, %while3A_302, %sign3A : i32
        %sign3A_305 = arith.extui %sign3A_304 : i1 to i32
        %sign3A_306 = arith.constant 0 : i32
        %sign3A_307 = arith.cmpi slt, %while3A_302, %sign3A_306 : i32
        %sign3A_308 = arith.extui %sign3A_307 : i1 to i32
        %sign3A_309 = arith.subi %sign3A_305, %sign3A_308 : i32
        %sign3A_310 = arith.constant 0 : i32
        %sign3A_311 = arith.cmpi sgt, %convert_element_type3A, %sign3A_310 : i32
        %sign3A_312 = arith.extui %sign3A_311 : i1 to i32
        %sign3A_313 = arith.constant 0 : i32
        %sign3A_314 = arith.cmpi slt, %convert_element_type3A, %sign3A_313 : i32
        %sign3A_315 = arith.extui %sign3A_314 : i1 to i32
        %sign3A_316 = arith.subi %sign3A_312, %sign3A_315 : i32
        %ne3A = arith.cmpi ne, %sign3A_309, %sign3A_316 : i32
        %rem3A = arith.remsi %while3A_302, %convert_element_type3A : i32
        %ne3A_317 = arith.constant 0 : i32
        %ne3A_318 = arith.cmpi ne, %rem3A, %ne3A_317 : i32
        %and3A = arith.andi %ne3A, %ne3A_318 : i1
        %sub3A = arith.constant 1 : i32
        %sub3A_319 = arith.subi %div3A, %sub3A : i32
        %select_n3A_320 = arith.select %and3A, %sub3A_319, %div3A : i32
        %get3A = arith.index_cast %select_n3A_320 : i32 to index
        %get3A_321 = arith.constant 0 : index
        %get3A_322 = tpu.vector_load %arg13[%get3A, %get3A_321] {strides = array<i32>} : memref<4x16xi32, #tpu.memory_space<vmem>>, vector<1x16xi32>,
        %get3A_323 = vector.shape_cast %get3A_322 : vector<1x16xi32> to vector<16xi32>
        %and3A_324 = arith.constant 15 : i32
        %and3A_325 = arith.andi %while3A_302, %and3A_324 : i32
        %broadcast_in_dim3A_326 = vector.broadcast %and3A_325 : i32 to vector<16xi32>
        %broadcast_in_dim3A_327 = vector.shape_cast %broadcast_in_dim3A_326 : vector<16xi32> to vector<16x1xi32>
        %gather3A = vector.shape_cast %broadcast_in_dim3A_327 : vector<16x1xi32> to vector<16xi32>
        %gather3A_328 = tpu.dynamic_gather %get3A_323[%gather3A] in [0] : vector<16xi32>, vector<16xi32> -> vector<16xi32>
        %get3A_329 = arith.index_cast %while3A_302 : i32 to index
        %get3A_330 = arith.constant 0 : index
        %get3A_331 = tpu.vector_load %arg15[%get3A_329, %get3A_330] {strides = array<i32>} : memref<64x128xf32, #tpu.memory_space<vmem>>, vector<1x16xf32>,
        %get3A_332 = vector.shape_cast %get3A_331 : vector<1x16xf32> to vector<16xf32>
        %broadcast_in_dim3A_333 = vector.shape_cast %gather3A_328 : vector<16xi32> to vector<16x1xi32>
        %gather3A_334 = vector.shape_cast %broadcast_in_dim3A_333 : vector<16x1xi32> to vector<16xi32>
        %gather3A_335 = tpu.dynamic_gather %get3A_332[%gather3A_334] in [0] : vector<16xf32>, vector<16xi32> -> vector<16xf32>
        %get3A_336 = arith.index_cast %while3A_302 : i32 to index
        %get3A_337 = arith.constant 16 : index
        %get3A_338 = tpu.vector_load %arg15[%get3A_336, %get3A_337] {strides = array<i32>} : memref<64x128xf32, #tpu.memory_space<vmem>>, vector<1x16xf32>,
        %get3A_339 = vector.shape_cast %get3A_338 : vector<1x16xf32> to vector<16xf32>
        %broadcast_in_dim3A_340 = vector.shape_cast %gather3A_328 : vector<16xi32> to vector<16x1xi32>
        %gather3A_341 = vector.shape_cast %broadcast_in_dim3A_340 : vector<16x1xi32> to vector<16xi32>
        %gather3A_342 = tpu.dynamic_gather %get3A_339[%gather3A_341] in [0] : vector<16xf32>, vector<16xi32> -> vector<16xf32>
        %get3A_343 = arith.index_cast %while3A_302 : i32 to index
        %get3A_344 = arith.constant 32 : index
        %get3A_345 = tpu.vector_load %arg15[%get3A_343, %get3A_344] {strides = array<i32>} : memref<64x128xf32, #tpu.memory_space<vmem>>, vector<1x16xf32>,
        %get3A_346 = vector.shape_cast %get3A_345 : vector<1x16xf32> to vector<16xf32>
        %broadcast_in_dim3A_347 = vector.shape_cast %gather3A_328 : vector<16xi32> to vector<16x1xi32>
        %gather3A_348 = vector.shape_cast %broadcast_in_dim3A_347 : vector<16x1xi32> to vector<16xi32>
        %gather3A_349 = tpu.dynamic_gather %get3A_346[%gather3A_348] in [0] : vector<16xf32>, vector<16xi32> -> vector<16xf32>
        %get3A_350 = arith.index_cast %while3A_302 : i32 to index
        %get3A_351 = arith.constant 48 : index
        %get3A_352 = tpu.vector_load %arg15[%get3A_350, %get3A_351] {strides = array<i32>} : memref<64x128xf32, #tpu.memory_space<vmem>>, vector<1x16xf32>,
        %get3A_353 = vector.shape_cast %get3A_352 : vector<1x16xf32> to vector<16xf32>
        %broadcast_in_dim3A_354 = vector.shape_cast %gather3A_328 : vector<16xi32> to vector<16x1xi32>
        %gather3A_355 = vector.shape_cast %broadcast_in_dim3A_354 : vector<16x1xi32> to vector<16xi32>
        %gather3A_356 = tpu.dynamic_gather %get3A_353[%gather3A_355] in [0] : vector<16xf32>, vector<16xi32> -> vector<16xf32>
        %get3A_357 = arith.index_cast %while3A_302 : i32 to index
        %get3A_358 = arith.constant 64 : index
        %get3A_359 = tpu.vector_load %arg15[%get3A_357, %get3A_358] {strides = array<i32>} : memref<64x128xf32, #tpu.memory_space<vmem>>, vector<1x16xf32>,
        %get3A_360 = vector.shape_cast %get3A_359 : vector<1x16xf32> to vector<16xf32>
        %broadcast_in_dim3A_361 = vector.shape_cast %gather3A_328 : vector<16xi32> to vector<16x1xi32>
        %gather3A_362 = vector.shape_cast %broadcast_in_dim3A_361 : vector<16x1xi32> to vector<16xi32>
        %gather3A_363 = tpu.dynamic_gather %get3A_360[%gather3A_362] in [0] : vector<16xf32>, vector<16xi32> -> vector<16xf32>
        %get3A_364 = arith.index_cast %while3A_302 : i32 to index
        %get3A_365 = arith.constant 80 : index
        %get3A_366 = tpu.vector_load %arg15[%get3A_364, %get3A_365] {strides = array<i32>} : memref<64x128xf32, #tpu.memory_space<vmem>>, vector<1x16xf32>,
        %get3A_367 = vector.shape_cast %get3A_366 : vector<1x16xf32> to vector<16xf32>
        %broadcast_in_dim3A_368 = vector.shape_cast %gather3A_328 : vector<16xi32> to vector<16x1xi32>
        %gather3A_369 = vector.shape_cast %broadcast_in_dim3A_368 : vector<16x1xi32> to vector<16xi32>
        %gather3A_370 = tpu.dynamic_gather %get3A_367[%gather3A_369] in [0] : vector<16xf32>, vector<16xi32> -> vector<16xf32>
        %get3A_371 = arith.index_cast %while3A_302 : i32 to index
        %get3A_372 = arith.constant 96 : index
        %get3A_373 = tpu.vector_load %arg15[%get3A_371, %get3A_372] {strides = array<i32>} : memref<64x128xf32, #tpu.memory_space<vmem>>, vector<1x16xf32>,
        %get3A_374 = vector.shape_cast %get3A_373 : vector<1x16xf32> to vector<16xf32>
        %broadcast_in_dim3A_375 = vector.shape_cast %gather3A_328 : vector<16xi32> to vector<16x1xi32>
        %gather3A_376 = vector.shape_cast %broadcast_in_dim3A_375 : vector<16x1xi32> to vector<16xi32>
        %gather3A_377 = tpu.dynamic_gather %get3A_374[%gather3A_376] in [0] : vector<16xf32>, vector<16xi32> -> vector<16xf32>
        %get3A_378 = arith.index_cast %while3A_302 : i32 to index
        %get3A_379 = arith.constant 112 : index
        %get3A_380 = tpu.vector_load %arg15[%get3A_378, %get3A_379] {strides = array<i32>} : memref<64x128xf32, #tpu.memory_space<vmem>>, vector<1x16xf32>,
        %get3A_381 = vector.shape_cast %get3A_380 : vector<1x16xf32> to vector<16xf32>
        %broadcast_in_dim3A_382 = vector.shape_cast %gather3A_328 : vector<16xi32> to vector<16x1xi32>
        %gather3A_383 = vector.shape_cast %broadcast_in_dim3A_382 : vector<16x1xi32> to vector<16xi32>
        %gather3A_384 = tpu.dynamic_gather %get3A_381[%gather3A_383] in [0] : vector<16xf32>, vector<16xi32> -> vector<16xf32>
        %mul3A_385 = arith.mulf %gather3A_335, %select_n3A : vector<16xf32>
        %mul3A_386 = arith.mulf %gather3A_342, %select_n3A_21 : vector<16xf32>
        %add3A_387 = arith.addf %mul3A_385, %mul3A_386 : vector<16xf32>
        %mul3A_388 = arith.mulf %gather3A_349, %select_n3A_29 : vector<16xf32>
        %add3A_389 = arith.addf %add3A_387, %mul3A_388 : vector<16xf32>
        %mul3A_390 = arith.mulf %gather3A_356, %select_n3A_37 : vector<16xf32>
        %add3A_391 = arith.addf %add3A_389, %mul3A_390 : vector<16xf32>
        %mul3A_392 = arith.mulf %gather3A_363, %select_n3A_45 : vector<16xf32>
        %add3A_393 = arith.addf %add3A_391, %mul3A_392 : vector<16xf32>
        %mul3A_394 = arith.mulf %gather3A_370, %select_n3A_53 : vector<16xf32>
        %add3A_395 = arith.addf %add3A_393, %mul3A_394 : vector<16xf32>
        %mul3A_396 = arith.mulf %gather3A_377, %select_n3A_61 : vector<16xf32>
        %add3A_397 = arith.addf %add3A_395, %mul3A_396 : vector<16xf32>
        %mul3A_398 = arith.mulf %gather3A_384, %select_n3A_69 : vector<16xf32>
        %add3A_399 = arith.addf %add3A_397, %mul3A_398 : vector<16xf32>
        %get3A_400 = arith.constant 0 : i32
        %get3A_401 = arith.index_cast %get3A_400 : i32 to index
        %get3A_402 = arith.index_cast %while3A_302 : i32 to index
        %get3A_403 = arith.constant 0 : index
        %get3A_404 = tpu.vector_load %arg14[%get3A_401, %get3A_402, %get3A_403] {strides = array<i32>} : memref<8x64x128xf32, #tpu.memory_space<vmem>>, vector<1x1x16xf32>,
        %get3A_405 = vector.shape_cast %get3A_404 : vector<1x1x16xf32> to vector<16xf32>
        %mul3A_406 = arith.mulf %gather3A_335, %get3A_405 : vector<16xf32>
        %get3A_407 = arith.constant 1 : i32
        %get3A_408 = arith.index_cast %get3A_407 : i32 to index
        %get3A_409 = arith.index_cast %while3A_302 : i32 to index
        %get3A_410 = arith.constant 0 : index
        %get3A_411 = tpu.vector_load %arg14[%get3A_408, %get3A_409, %get3A_410] {strides = array<i32>} : memref<8x64x128xf32, #tpu.memory_space<vmem>>, vector<1x1x16xf32>,
        %get3A_412 = vector.shape_cast %get3A_411 : vector<1x1x16xf32> to vector<16xf32>
        %mul3A_413 = arith.mulf %gather3A_342, %get3A_412 : vector<16xf32>
        %add3A_414 = arith.addf %mul3A_406, %mul3A_413 : vector<16xf32>
        %get3A_415 = arith.constant 2 : i32
        %get3A_416 = arith.index_cast %get3A_415 : i32 to index
        %get3A_417 = arith.index_cast %while3A_302 : i32 to index
        %get3A_418 = arith.constant 0 : index
        %get3A_419 = tpu.vector_load %arg14[%get3A_416, %get3A_417, %get3A_418] {strides = array<i32>} : memref<8x64x128xf32, #tpu.memory_space<vmem>>, vector<1x1x16xf32>,
        %get3A_420 = vector.shape_cast %get3A_419 : vector<1x1x16xf32> to vector<16xf32>
        %mul3A_421 = arith.mulf %gather3A_349, %get3A_420 : vector<16xf32>
        %add3A_422 = arith.addf %add3A_414, %mul3A_421 : vector<16xf32>
        %get3A_423 = arith.constant 3 : i32
        %get3A_424 = arith.index_cast %get3A_423 : i32 to index
        %get3A_425 = arith.index_cast %while3A_302 : i32 to index
        %get3A_426 = arith.constant 0 : index
        %get3A_427 = tpu.vector_load %arg14[%get3A_424, %get3A_425, %get3A_426] {strides = array<i32>} : memref<8x64x128xf32, #tpu.memory_space<vmem>>, vector<1x1x16xf32>,
        %get3A_428 = vector.shape_cast %get3A_427 : vector<1x1x16xf32> to vector<16xf32>
        %mul3A_429 = arith.mulf %gather3A_356, %get3A_428 : vector<16xf32>
        %add3A_430 = arith.addf %add3A_422, %mul3A_429 : vector<16xf32>
        %get3A_431 = arith.constant 4 : i32
        %get3A_432 = arith.index_cast %get3A_431 : i32 to index
        %get3A_433 = arith.index_cast %while3A_302 : i32 to index
        %get3A_434 = arith.constant 0 : index
        %get3A_435 = tpu.vector_load %arg14[%get3A_432, %get3A_433, %get3A_434] {strides = array<i32>} : memref<8x64x128xf32, #tpu.memory_space<vmem>>, vector<1x1x16xf32>,
        %get3A_436 = vector.shape_cast %get3A_435 : vector<1x1x16xf32> to vector<16xf32>
        %mul3A_437 = arith.mulf %gather3A_363, %get3A_436 : vector<16xf32>
        %add3A_438 = arith.addf %add3A_430, %mul3A_437 : vector<16xf32>
        %get3A_439 = arith.constant 5 : i32
        %get3A_440 = arith.index_cast %get3A_439 : i32 to index
        %get3A_441 = arith.index_cast %while3A_302 : i32 to index
        %get3A_442 = arith.constant 0 : index
        %get3A_443 = tpu.vector_load %arg14[%get3A_440, %get3A_441, %get3A_442] {strides = array<i32>} : memref<8x64x128xf32, #tpu.memory_space<vmem>>, vector<1x1x16xf32>,
        %get3A_444 = vector.shape_cast %get3A_443 : vector<1x1x16xf32> to vector<16xf32>
        %mul3A_445 = arith.mulf %gather3A_370, %get3A_444 : vector<16xf32>
        %add3A_446 = arith.addf %add3A_438, %mul3A_445 : vector<16xf32>
        %get3A_447 = arith.constant 6 : i32
        %get3A_448 = arith.index_cast %get3A_447 : i32 to index
        %get3A_449 = arith.index_cast %while3A_302 : i32 to index
        %get3A_450 = arith.constant 0 : index
        %get3A_451 = tpu.vector_load %arg14[%get3A_448, %get3A_449, %get3A_450] {strides = array<i32>} : memref<8x64x128xf32, #tpu.memory_space<vmem>>, vector<1x1x16xf32>,
        %get3A_452 = vector.shape_cast %get3A_451 : vector<1x1x16xf32> to vector<16xf32>
        %mul3A_453 = arith.mulf %gather3A_377, %get3A_452 : vector<16xf32>
        %add3A_454 = arith.addf %add3A_446, %mul3A_453 : vector<16xf32>
        %get3A_455 = arith.constant 7 : i32
        %get3A_456 = arith.index_cast %get3A_455 : i32 to index
        %get3A_457 = arith.index_cast %while3A_302 : i32 to index
        %get3A_458 = arith.constant 0 : index
        %get3A_459 = tpu.vector_load %arg14[%get3A_456, %get3A_457, %get3A_458] {strides = array<i32>} : memref<8x64x128xf32, #tpu.memory_space<vmem>>, vector<1x1x16xf32>,
        %get3A_460 = vector.shape_cast %get3A_459 : vector<1x1x16xf32> to vector<16xf32>
        %mul3A_461 = arith.mulf %gather3A_384, %get3A_460 : vector<16xf32>
        %add3A_462 = arith.addf %add3A_454, %mul3A_461 : vector<16xf32>
        %swap3A = arith.index_cast %while3A_302 : i32 to index
        %swap3A_463 = arith.constant 0 : index
        %swap3A_464 = tpu.vector_load %arg16[%swap3A, %swap3A_463] {strides = array<i32>} : memref<64x128xf32, #tpu.memory_space<vmem>>, vector<1x16xf32>,
        %swap3A_465 = vector.shape_cast %swap3A_464 : vector<1x16xf32> to vector<16xf32>
        %swap3A_466 = vector.shape_cast %add3A_462 : vector<16xf32> to vector<1x16xf32>
        tpu.vector_store %arg16[%swap3A, %swap3A_463], %swap3A_466 {strides = array<i32>} : memref<64x128xf32, #tpu.memory_space<vmem>>, vector<1x16xf32>,
        %get3A_467 = arith.constant 0 : i32
        %get3A_468 = arith.index_cast %get3A_467 : i32 to index
        %get3A_469 = arith.index_cast %while3A_302 : i32 to index
        %get3A_470 = arith.constant 16 : index
        %get3A_471 = tpu.vector_load %arg14[%get3A_468, %get3A_469, %get3A_470] {strides = array<i32>} : memref<8x64x128xf32, #tpu.memory_space<vmem>>, vector<1x1x16xf32>,
        %get3A_472 = vector.shape_cast %get3A_471 : vector<1x1x16xf32> to vector<16xf32>
        %mul3A_473 = arith.mulf %gather3A_335, %get3A_472 : vector<16xf32>
        %get3A_474 = arith.constant 1 : i32
        %get3A_475 = arith.index_cast %get3A_474 : i32 to index
        %get3A_476 = arith.index_cast %while3A_302 : i32 to index
        %get3A_477 = arith.constant 16 : index
        %get3A_478 = tpu.vector_load %arg14[%get3A_475, %get3A_476, %get3A_477] {strides = array<i32>} : memref<8x64x128xf32, #tpu.memory_space<vmem>>, vector<1x1x16xf32>,
        %get3A_479 = vector.shape_cast %get3A_478 : vector<1x1x16xf32> to vector<16xf32>
        %mul3A_480 = arith.mulf %gather3A_342, %get3A_479 : vector<16xf32>
        %add3A_481 = arith.addf %mul3A_473, %mul3A_480 : vector<16xf32>
        %get3A_482 = arith.constant 2 : i32
        %get3A_483 = arith.index_cast %get3A_482 : i32 to index
        %get3A_484 = arith.index_cast %while3A_302 : i32 to index
        %get3A_485 = arith.constant 16 : index
        %get3A_486 = tpu.vector_load %arg14[%get3A_483, %get3A_484, %get3A_485] {strides = array<i32>} : memref<8x64x128xf32, #tpu.memory_space<vmem>>, vector<1x1x16xf32>,
        %get3A_487 = vector.shape_cast %get3A_486 : vector<1x1x16xf32> to vector<16xf32>
        %mul3A_488 = arith.mulf %gather3A_349, %get3A_487 : vector<16xf32>
        %add3A_489 = arith.addf %add3A_481, %mul3A_488 : vector<16xf32>
        %get3A_490 = arith.constant 3 : i32
        %get3A_491 = arith.index_cast %get3A_490 : i32 to index
        %get3A_492 = arith.index_cast %while3A_302 : i32 to index
        %get3A_493 = arith.constant 16 : index
        %get3A_494 = tpu.vector_load %arg14[%get3A_491, %get3A_492, %get3A_493] {strides = array<i32>} : memref<8x64x128xf32, #tpu.memory_space<vmem>>, vector<1x1x16xf32>,
        %get3A_495 = vector.shape_cast %get3A_494 : vector<1x1x16xf32> to vector<16xf32>
        %mul3A_496 = arith.mulf %gather3A_356, %get3A_495 : vector<16xf32>
        %add3A_497 = arith.addf %add3A_489, %mul3A_496 : vector<16xf32>
        %get3A_498 = arith.constant 4 : i32
        %get3A_499 = arith.index_cast %get3A_498 : i32 to index
        %get3A_500 = arith.index_cast %while3A_302 : i32 to index
        %get3A_501 = arith.constant 16 : index
        %get3A_502 = tpu.vector_load %arg14[%get3A_499, %get3A_500, %get3A_501] {strides = array<i32>} : memref<8x64x128xf32, #tpu.memory_space<vmem>>, vector<1x1x16xf32>,
        %get3A_503 = vector.shape_cast %get3A_502 : vector<1x1x16xf32> to vector<16xf32>
        %mul3A_504 = arith.mulf %gather3A_363, %get3A_503 : vector<16xf32>
        %add3A_505 = arith.addf %add3A_497, %mul3A_504 : vector<16xf32>
        %get3A_506 = arith.constant 5 : i32
        %get3A_507 = arith.index_cast %get3A_506 : i32 to index
        %get3A_508 = arith.index_cast %while3A_302 : i32 to index
        %get3A_509 = arith.constant 16 : index
        %get3A_510 = tpu.vector_load %arg14[%get3A_507, %get3A_508, %get3A_509] {strides = array<i32>} : memref<8x64x128xf32, #tpu.memory_space<vmem>>, vector<1x1x16xf32>,
        %get3A_511 = vector.shape_cast %get3A_510 : vector<1x1x16xf32> to vector<16xf32>
        %mul3A_512 = arith.mulf %gather3A_370, %get3A_511 : vector<16xf32>
        %add3A_513 = arith.addf %add3A_505, %mul3A_512 : vector<16xf32>
        %get3A_514 = arith.constant 6 : i32
        %get3A_515 = arith.index_cast %get3A_514 : i32 to index
        %get3A_516 = arith.index_cast %while3A_302 : i32 to index
        %get3A_517 = arith.constant 16 : index
        %get3A_518 = tpu.vector_load %arg14[%get3A_515, %get3A_516, %get3A_517] {strides = array<i32>} : memref<8x64x128xf32, #tpu.memory_space<vmem>>, vector<1x1x16xf32>,
        %get3A_519 = vector.shape_cast %get3A_518 : vector<1x1x16xf32> to vector<16xf32>
        %mul3A_520 = arith.mulf %gather3A_377, %get3A_519 : vector<16xf32>
        %add3A_521 = arith.addf %add3A_513, %mul3A_520 : vector<16xf32>
        %get3A_522 = arith.constant 7 : i32
        %get3A_523 = arith.index_cast %get3A_522 : i32 to index
        %get3A_524 = arith.index_cast %while3A_302 : i32 to index
        %get3A_525 = arith.constant 16 : index
        %get3A_526 = tpu.vector_load %arg14[%get3A_523, %get3A_524, %get3A_525] {strides = array<i32>} : memref<8x64x128xf32, #tpu.memory_space<vmem>>, vector<1x1x16xf32>,
        %get3A_527 = vector.shape_cast %get3A_526 : vector<1x1x16xf32> to vector<16xf32>
        %mul3A_528 = arith.mulf %gather3A_384, %get3A_527 : vector<16xf32>
        %add3A_529 = arith.addf %add3A_521, %mul3A_528 : vector<16xf32>
        %swap3A_530 = arith.index_cast %while3A_302 : i32 to index
        %swap3A_531 = arith.constant 16 : index
        %swap3A_532 = tpu.vector_load %arg16[%swap3A_530, %swap3A_531] {strides = array<i32>} : memref<64x128xf32, #tpu.memory_space<vmem>>, vector<1x16xf32>,
        %swap3A_533 = vector.shape_cast %swap3A_532 : vector<1x16xf32> to vector<16xf32>
        %swap3A_534 = vector.shape_cast %add3A_529 : vector<16xf32> to vector<1x16xf32>
        tpu.vector_store %arg16[%swap3A_530, %swap3A_531], %swap3A_534 {strides = array<i32>} : memref<64x128xf32, #tpu.memory_space<vmem>>, vector<1x16xf32>,
        %get3A_535 = arith.constant 0 : i32
        %get3A_536 = arith.index_cast %get3A_535 : i32 to index
        %get3A_537 = arith.index_cast %while3A_302 : i32 to index
        %get3A_538 = arith.constant 32 : index
        %get3A_539 = tpu.vector_load %arg14[%get3A_536, %get3A_537, %get3A_538] {strides = array<i32>} : memref<8x64x128xf32, #tpu.memory_space<vmem>>, vector<1x1x16xf32>,
        %get3A_540 = vector.shape_cast %get3A_539 : vector<1x1x16xf32> to vector<16xf32>
        %mul3A_541 = arith.mulf %gather3A_335, %get3A_540 : vector<16xf32>
        %get3A_542 = arith.constant 1 : i32
        %get3A_543 = arith.index_cast %get3A_542 : i32 to index
        %get3A_544 = arith.index_cast %while3A_302 : i32 to index
        %get3A_545 = arith.constant 32 : index
        %get3A_546 = tpu.vector_load %arg14[%get3A_543, %get3A_544, %get3A_545] {strides = array<i32>} : memref<8x64x128xf32, #tpu.memory_space<vmem>>, vector<1x1x16xf32>,
        %get3A_547 = vector.shape_cast %get3A_546 : vector<1x1x16xf32> to vector<16xf32>
        %mul3A_548 = arith.mulf %gather3A_342, %get3A_547 : vector<16xf32>
        %add3A_549 = arith.addf %mul3A_541, %mul3A_548 : vector<16xf32>
        %get3A_550 = arith.constant 2 : i32
        %get3A_551 = arith.index_cast %get3A_550 : i32 to index
        %get3A_552 = arith.index_cast %while3A_302 : i32 to index
        %get3A_553 = arith.constant 32 : index
        %get3A_554 = tpu.vector_load %arg14[%get3A_551, %get3A_552, %get3A_553] {strides = array<i32>} : memref<8x64x128xf32, #tpu.memory_space<vmem>>, vector<1x1x16xf32>,
        %get3A_555 = vector.shape_cast %get3A_554 : vector<1x1x16xf32> to vector<16xf32>
        %mul3A_556 = arith.mulf %gather3A_349, %get3A_555 : vector<16xf32>
        %add3A_557 = arith.addf %add3A_549, %mul3A_556 : vector<16xf32>
        %get3A_558 = arith.constant 3 : i32
        %get3A_559 = arith.index_cast %get3A_558 : i32 to index
        %get3A_560 = arith.index_cast %while3A_302 : i32 to index
        %get3A_561 = arith.constant 32 : index
        %get3A_562 = tpu.vector_load %arg14[%get3A_559, %get3A_560, %get3A_561] {strides = array<i32>} : memref<8x64x128xf32, #tpu.memory_space<vmem>>, vector<1x1x16xf32>,
        %get3A_563 = vector.shape_cast %get3A_562 : vector<1x1x16xf32> to vector<16xf32>
        %mul3A_564 = arith.mulf %gather3A_356, %get3A_563 : vector<16xf32>
        %add3A_565 = arith.addf %add3A_557, %mul3A_564 : vector<16xf32>
        %get3A_566 = arith.constant 4 : i32
        %get3A_567 = arith.index_cast %get3A_566 : i32 to index
        %get3A_568 = arith.index_cast %while3A_302 : i32 to index
        %get3A_569 = arith.constant 32 : index
        %get3A_570 = tpu.vector_load %arg14[%get3A_567, %get3A_568, %get3A_569] {strides = array<i32>} : memref<8x64x128xf32, #tpu.memory_space<vmem>>, vector<1x1x16xf32>,
        %get3A_571 = vector.shape_cast %get3A_570 : vector<1x1x16xf32> to vector<16xf32>
        %mul3A_572 = arith.mulf %gather3A_363, %get3A_571 : vector<16xf32>
        %add3A_573 = arith.addf %add3A_565, %mul3A_572 : vector<16xf32>
        %get3A_574 = arith.constant 5 : i32
        %get3A_575 = arith.index_cast %get3A_574 : i32 to index
        %get3A_576 = arith.index_cast %while3A_302 : i32 to index
        %get3A_577 = arith.constant 32 : index
        %get3A_578 = tpu.vector_load %arg14[%get3A_575, %get3A_576, %get3A_577] {strides = array<i32>} : memref<8x64x128xf32, #tpu.memory_space<vmem>>, vector<1x1x16xf32>,
        %get3A_579 = vector.shape_cast %get3A_578 : vector<1x1x16xf32> to vector<16xf32>
        %mul3A_580 = arith.mulf %gather3A_370, %get3A_579 : vector<16xf32>
        %add3A_581 = arith.addf %add3A_573, %mul3A_580 : vector<16xf32>
        %get3A_582 = arith.constant 6 : i32
        %get3A_583 = arith.index_cast %get3A_582 : i32 to index
        %get3A_584 = arith.index_cast %while3A_302 : i32 to index
        %get3A_585 = arith.constant 32 : index
        %get3A_586 = tpu.vector_load %arg14[%get3A_583, %get3A_584, %get3A_585] {strides = array<i32>} : memref<8x64x128xf32, #tpu.memory_space<vmem>>, vector<1x1x16xf32>,
        %get3A_587 = vector.shape_cast %get3A_586 : vector<1x1x16xf32> to vector<16xf32>
        %mul3A_588 = arith.mulf %gather3A_377, %get3A_587 : vector<16xf32>
        %add3A_589 = arith.addf %add3A_581, %mul3A_588 : vector<16xf32>
        %get3A_590 = arith.constant 7 : i32
        %get3A_591 = arith.index_cast %get3A_590 : i32 to index
        %get3A_592 = arith.index_cast %while3A_302 : i32 to index
        %get3A_593 = arith.constant 32 : index
        %get3A_594 = tpu.vector_load %arg14[%get3A_591, %get3A_592, %get3A_593] {strides = array<i32>} : memref<8x64x128xf32, #tpu.memory_space<vmem>>, vector<1x1x16xf32>,
        %get3A_595 = vector.shape_cast %get3A_594 : vector<1x1x16xf32> to vector<16xf32>
        %mul3A_596 = arith.mulf %gather3A_384, %get3A_595 : vector<16xf32>
        %add3A_597 = arith.addf %add3A_589, %mul3A_596 : vector<16xf32>
        %swap3A_598 = arith.index_cast %while3A_302 : i32 to index
        %swap3A_599 = arith.constant 32 : index
        %swap3A_600 = tpu.vector_load %arg16[%swap3A_598, %swap3A_599] {strides = array<i32>} : memref<64x128xf32, #tpu.memory_space<vmem>>, vector<1x16xf32>,
        %swap3A_601 = vector.shape_cast %swap3A_600 : vector<1x16xf32> to vector<16xf32>
        %swap3A_602 = vector.shape_cast %add3A_597 : vector<16xf32> to vector<1x16xf32>
        tpu.vector_store %arg16[%swap3A_598, %swap3A_599], %swap3A_602 {strides = array<i32>} : memref<64x128xf32, #tpu.memory_space<vmem>>, vector<1x16xf32>,
        %get3A_603 = arith.constant 0 : i32
        %get3A_604 = arith.index_cast %get3A_603 : i32 to index
        %get3A_605 = arith.index_cast %while3A_302 : i32 to index
        %get3A_606 = arith.constant 40 : index
        %get3A_607 = tpu.vector_load %arg14[%get3A_604, %get3A_605, %get3A_606] {strides = array<i32>} : memref<8x64x128xf32, #tpu.memory_space<vmem>>, vector<1x1x16xf32>,
        %get3A_608 = vector.shape_cast %get3A_607 : vector<1x1x16xf32> to vector<16xf32>
        %mul3A_609 = arith.mulf %gather3A_335, %get3A_608 : vector<16xf32>
        %get3A_610 = arith.constant 1 : i32
        %get3A_611 = arith.index_cast %get3A_610 : i32 to index
        %get3A_612 = arith.index_cast %while3A_302 : i32 to index
        %get3A_613 = arith.constant 40 : index
        %get3A_614 = tpu.vector_load %arg14[%get3A_611, %get3A_612, %get3A_613] {strides = array<i32>} : memref<8x64x128xf32, #tpu.memory_space<vmem>>, vector<1x1x16xf32>,
        %get3A_615 = vector.shape_cast %get3A_614 : vector<1x1x16xf32> to vector<16xf32>
        %mul3A_616 = arith.mulf %gather3A_342, %get3A_615 : vector<16xf32>
        %add3A_617 = arith.addf %mul3A_609, %mul3A_616 : vector<16xf32>
        %get3A_618 = arith.constant 2 : i32
        %get3A_619 = arith.index_cast %get3A_618 : i32 to index
        %get3A_620 = arith.index_cast %while3A_302 : i32 to index
        %get3A_621 = arith.constant 40 : index
        %get3A_622 = tpu.vector_load %arg14[%get3A_619, %get3A_620, %get3A_621] {strides = array<i32>} : memref<8x64x128xf32, #tpu.memory_space<vmem>>, vector<1x1x16xf32>,
        %get3A_623 = vector.shape_cast %get3A_622 : vector<1x1x16xf32> to vector<16xf32>
        %mul3A_624 = arith.mulf %gather3A_349, %get3A_623 : vector<16xf32>
        %add3A_625 = arith.addf %add3A_617, %mul3A_624 : vector<16xf32>
        %get3A_626 = arith.constant 3 : i32
        %get3A_627 = arith.index_cast %get3A_626 : i32 to index
        %get3A_628 = arith.index_cast %while3A_302 : i32 to index
        %get3A_629 = arith.constant 40 : index
        %get3A_630 = tpu.vector_load %arg14[%get3A_627, %get3A_628, %get3A_629] {strides = array<i32>} : memref<8x64x128xf32, #tpu.memory_space<vmem>>, vector<1x1x16xf32>,
        %get3A_631 = vector.shape_cast %get3A_630 : vector<1x1x16xf32> to vector<16xf32>
        %mul3A_632 = arith.mulf %gather3A_356, %get3A_631 : vector<16xf32>
        %add3A_633 = arith.addf %add3A_625, %mul3A_632 : vector<16xf32>
        %get3A_634 = arith.constant 4 : i32
        %get3A_635 = arith.index_cast %get3A_634 : i32 to index
        %get3A_636 = arith.index_cast %while3A_302 : i32 to index
        %get3A_637 = arith.constant 40 : index
        %get3A_638 = tpu.vector_load %arg14[%get3A_635, %get3A_636, %get3A_637] {strides = array<i32>} : memref<8x64x128xf32, #tpu.memory_space<vmem>>, vector<1x1x16xf32>,
        %get3A_639 = vector.shape_cast %get3A_638 : vector<1x1x16xf32> to vector<16xf32>
        %mul3A_640 = arith.mulf %gather3A_363, %get3A_639 : vector<16xf32>
        %add3A_641 = arith.addf %add3A_633, %mul3A_640 : vector<16xf32>
        %get3A_642 = arith.constant 5 : i32
        %get3A_643 = arith.index_cast %get3A_642 : i32 to index
        %get3A_644 = arith.index_cast %while3A_302 : i32 to index
        %get3A_645 = arith.constant 40 : index
        %get3A_646 = tpu.vector_load %arg14[%get3A_643, %get3A_644, %get3A_645] {strides = array<i32>} : memref<8x64x128xf32, #tpu.memory_space<vmem>>, vector<1x1x16xf32>,
        %get3A_647 = vector.shape_cast %get3A_646 : vector<1x1x16xf32> to vector<16xf32>
        %mul3A_648 = arith.mulf %gather3A_370, %get3A_647 : vector<16xf32>
        %add3A_649 = arith.addf %add3A_641, %mul3A_648 : vector<16xf32>
        %get3A_650 = arith.constant 6 : i32
        %get3A_651 = arith.index_cast %get3A_650 : i32 to index
        %get3A_652 = arith.index_cast %while3A_302 : i32 to index
        %get3A_653 = arith.constant 40 : index
        %get3A_654 = tpu.vector_load %arg14[%get3A_651, %get3A_652, %get3A_653] {strides = array<i32>} : memref<8x64x128xf32, #tpu.memory_space<vmem>>, vector<1x1x16xf32>,
        %get3A_655 = vector.shape_cast %get3A_654 : vector<1x1x16xf32> to vector<16xf32>
        %mul3A_656 = arith.mulf %gather3A_377, %get3A_655 : vector<16xf32>
        %add3A_657 = arith.addf %add3A_649, %mul3A_656 : vector<16xf32>
        %get3A_658 = arith.constant 7 : i32
        %get3A_659 = arith.index_cast %get3A_658 : i32 to index
        %get3A_660 = arith.index_cast %while3A_302 : i32 to index
        %get3A_661 = arith.constant 40 : index
        %get3A_662 = tpu.vector_load %arg14[%get3A_659, %get3A_660, %get3A_661] {strides = array<i32>} : memref<8x64x128xf32, #tpu.memory_space<vmem>>, vector<1x1x16xf32>,
        %get3A_663 = vector.shape_cast %get3A_662 : vector<1x1x16xf32> to vector<16xf32>
        %mul3A_664 = arith.mulf %gather3A_384, %get3A_663 : vector<16xf32>
        %add3A_665 = arith.addf %add3A_657, %mul3A_664 : vector<16xf32>
        %broadcast_in_dim3A_666 = vector.shape_cast %min3A_7 : vector<16xi32> to vector<16x1xi32>
        %gather3A_667 = vector.shape_cast %broadcast_in_dim3A_666 : vector<16x1xi32> to vector<16xi32>
        %gather3A_668 = tpu.dynamic_gather %add3A_665[%gather3A_667] in [0] : vector<16xf32>, vector<16xi32> -> vector<16xf32>
        %select_n3A_669 = arith.select %lt3A_9, %gather3A_668, %add3A_399 : vector<16xi1>, vector<16xf32>
        %swap3A_670 = arith.index_cast %while3A_302 : i32 to index
        %swap3A_671 = arith.constant 48 : index
        %swap3A_672 = tpu.vector_load %arg16[%swap3A_670, %swap3A_671] {strides = array<i32>} : memref<64x128xf32, #tpu.memory_space<vmem>>, vector<1x16xf32>,
        %swap3A_673 = vector.shape_cast %swap3A_672 : vector<1x16xf32> to vector<16xf32>
        %swap3A_674 = vector.shape_cast %select_n3A_669 : vector<16xf32> to vector<1x16xf32>
        tpu.vector_store %arg16[%swap3A_670, %swap3A_671], %swap3A_674 {strides = array<i32>} : memref<64x128xf32, #tpu.memory_space<vmem>>, vector<1x16xf32>,
      }
      %mul3A_299 = arith.constant 64 : i32
      %mul3A_300 = arith.muli %while3A_80, %mul3A_299 : i32
      %add3A_301 = arith.addi %multiple_of3A, %mul3A_300 : i32
      "tpu.region"() ({
        %run_scoped3A = tpu.sem_alloc : memref<!tpu.dma_semaphore, #tpu.memory_space<semaphore_mem>>
        %dma_start3A_302 = arith.constant 0 : i32
        %dma_start3A_303 = tpu.memref_slice %arg7[%add3A_301, %dma_start3A_302] : memref<16384x128xf32, #tpu.memory_space<hbm>> -> memref<64x128xf32, #tpu.memory_space<hbm>>
        %dma_start3A_304 = arith.constant 0 : i32
        %dma_start3A_305 = tpu.memref_slice %arg7[%add3A_301, %dma_start3A_304] : memref<16384x128xf32, #tpu.memory_space<hbm>> -> memref<64x128xf32, #tpu.memory_space<hbm>>
        tpu.enqueue_dma source(%arg16 : memref<64x128xf32, #tpu.memory_space<vmem>>) target(%dma_start3A_305 : memref<64x128xf32, #tpu.memory_space<hbm>>) target_semaphore(%run_scoped3A : memref<!tpu.dma_semaphore, #tpu.memory_space<semaphore_mem>>)
        %dma_wait3A_306 = arith.constant 0 : i32
        %dma_wait3A_307 = tpu.memref_slice %arg7[%add3A_301, %dma_wait3A_306] : memref<16384x128xf32, #tpu.memory_space<hbm>> -> memref<64x128xf32, #tpu.memory_space<hbm>>
        %dma_wait3A_308 = arith.constant 0 : i32
        %dma_wait3A_309 = tpu.memref_slice %arg7[%add3A_301, %dma_wait3A_308] : memref<16384x128xf32, #tpu.memory_space<hbm>> -> memref<64x128xf32, #tpu.memory_space<hbm>>
        tpu.wait_dma2 semaphore(%run_scoped3A : memref<!tpu.dma_semaphore, #tpu.memory_space<semaphore_mem>>) src(%arg16 : memref<64x128xf32, #tpu.memory_space<vmem>>) dst(%dma_wait3A_309 : memref<64x128xf32, #tpu.memory_space<hbm>>)
        tpu.yield
      }) : () -> ()
    }
    return
  }
}

module attributes {stable_mosaic.version = 14 : i64} {
  func.func @_tp_body(%arg0: i32, %arg1: memref<56x2048xf32, #tpu.memory_space<vmem>>, %arg2: memref<2048x128xf32, #tpu.memory_space<vmem>>) attributes {dimension_semantics = [#tpu.dimension_semantics<arbitrary>], iteration_bounds = array<i64: 35>, scalar_prefetch = 0 : i64, scratch_operands = 0 : i64, tpu.core_type = #tpu.core_type<tc>, window_params = [{transform_indices = @transform_0, window_bounds = array<i64: 56, 2048>}, {transform_indices = @transform_1, window_bounds = array<i64: 2048, 128>}]} {
    %get3A = arith.constant 0 : index
    %get3A_0 = arith.constant 0 : index
    %get3A_1 = vector.load %arg1[%get3A, %get3A_0] : memref<56x2048xf32, #tpu.memory_space<vmem>>, vector<56x2048xf32>
    %transpose3A = tpu.transpose %get3A_1, [1, 0] : vector<56x2048xf32> -> vector<2048x56xf32>
    %swap3A = arith.constant 0 : index
    %swap3A_2 = arith.constant 0 : index
    %swap3A_3 = vector.load %arg2[%swap3A, %swap3A_2] : memref<2048x128xf32, #tpu.memory_space<vmem>>, vector<2048x56xf32>
    tpu.vector_store %arg2[%swap3A, %swap3A_2], %transpose3A {strides = array<i32>} : memref<2048x128xf32, #tpu.memory_space<vmem>>, vector<2048x56xf32>,
    return
  }
  func.func @transform_0(%arg0: i32) -> (i32, i32) {
    %c0_i32 = arith.constant 0 : i32
    %c0_i32_0 = arith.constant 0 : i32
    return %c0_i32, %arg0 : i32, i32
  }
  func.func @transform_1(%arg0: i32) -> (i32, i32) {
    %c0_i32 = arith.constant 0 : i32
    %c0_i32_0 = arith.constant 0 : i32
    return %arg0, %c0_i32 : i32, i32
  }
}

</mosaic_0001>

<sc_bundles>
// kernel: kernel.4.cloned.1.call-start
scs
__scs_entry_jumppad:
0x0: {  	(pc) =	sbr.rel $0x88, $3  }
0x1: {  	(tag) =	ssettag $0x0;
	lr =	simm.s32 $0x1  }
0x2: {  	[smem:$0x3F9C] =	sst lr;
	_ =	strace $0xD0000000  }
0x3: {  	_ = 	snop  }
0x4: {  	_ = 	snop  }
0x5: {  	_ = 	snop  }
0x6: {  	_ = 	snop  }
0x7: {  	_ = 	snop  }
__scs_overlays_trampoline_lowered:
0x8: {  	[smem:$0x3FAB] =	sst s0  }
0x9: {  	[smem:$0x3FAC] =	sst s1  }
0xa: {  	[smem:$0x3FAD] =	sst s2  }
0xb: {  	[smem:$0x3FAE] =	sst s3  }
0xc: {  	[smem:$0x3FAF] =	sst s4  }
0xd: {  	[smem:$0x3FB0] =	sst s5  }
0xe: {  	[smem:$0x3FB1] =	sst s6  }
0xf: {  	[smem:$0x3FB2] =	sst s7  }
0x10: {  	[smem:$0x3FB3] =	sst s8  }
0x11: {  	[smem:$0x3FB4] =	sst s9;
	s0 =	simm.s32 @!p0 $0x0  }
0x12: {  	s1 =	sld [smem:$0x3F9A];
	s0 =	simm.s32 @p0 $0x1  }
0x13: {  	[smem:$0x3FB5] =	sst s0;
	s0 =	simm.s32 @!p1 $0x0  }
0x14: {  	s2 =	sld [smem:$0x3F99];
	s0 =	simm.s32 @p1 $0x1  }
0x15: {  	[smem:$0x3FB6] =	sst s0;
	s0 =	simm.s32 @!p2 $0x0  }
0x16: {  	s3 =	sld [smem:$0x3FDB];
	s0 =	simm.s32 @p2 $0x1  }
0x17: {  	s4 =	simm.s32 $0x1BF5;
	[smem:$0x3FB8] =	sst s0  }
0x18: {  	s0 =	sld [smem:$0x3F9B];
	_ =	swait.ge [sflag:s4], $0x0  }
0x19: {  	s7 =	sld [smem:$0x3F9C]  }
0x1a: {  	s8 =	sadd.s32 $0xFFFFE003, lr  }
0x1b: {  	s9 =	sadd.s32 $0xFFFFFEF7, lr;
	s5 =	simm.s32 $0xFFFFFFFF;
	p2 =	slt.u32 s8, $0xFFFFF086  }
0x1c: {  	p1 =	slt.u32 s9, $0xF7A;
	s5 =	simm.s32 @!p2 $0x0  }
0x1d: {  	s5 =	simm.s32 @p1 $0x1;
	p0 =	seq.s32 s7, s2  }
0x1e: {  	s7 =	smul.u32 @!p0 $0xF7A, s2;
	p2 =	seq.s32 @!p0 s5, $0x0  }
0x1f: {  	s9 =	smul.u32 $0xF7A, s1;
	s8 =	simm.s32 @!p0 $0x1BF5;
	p2 =	por !p2, p0  }
0x20: {  	[sflag:s8] =	ssyncset.s32 @!p0 $0xFFFFF086;
	s6 =	sadd.s32 @!p0 s3, s7;
	s7 =	simm.s32 @!p0 $0x108  }
0x21: {  	s3 =	sadd.s32 s3, s9;
	s6 =	sadd.s32 @!p0 $0x88, s6;
	s7 =	simm.s32 @p2 $0x1082  }
0x22: {  	[simem:s7], [sflag:s8] =	dma.local @!p0 [hbm:s6], $0xF7A  }
0x23: {  	s9 =	sor.u32 $0xD0000000, s2;
	s6 =	simm.s32 $0x108;
	_ =	swait.ge @!p0 [sflag:s8], $0x0  }
0x24: {  	s3 =	sadd.s32 $0x88, s3;
	s6 =	simm.s32 @!p1 $0x1082;
	[sflag:s4] =	ssyncset.s32 $0xFFFFF086  }
0x25: {  	[simem:s6], [sflag:s4] =	dma.local [hbm:s3], $0xF7A  }
0x26: {  	[smem:$0x3F9C] =	sst s1;
	(tag) =	ssettag s2;
	_ =	strace s9  }
0x27: {  	s1 =	sld [smem:$0x3FAC]  }
0x28: {  	s2 =	sld [smem:$0x3FAD]  }
0x29: {  	s4 =	sld [smem:$0x3FAF]  }
0x2a: {  	p0 =	seq.s32 s5, $0x0;
	s5 =	sld [smem:$0x3FB0]  }
0x2b: {  	s6 =	sld [smem:$0x3FB1]  }
0x2c: {  	s7 =	sld [smem:$0x3FB2]  }
0x2d: {  	s3 =	simm.s32 $0x108;
	s8 =	sld [smem:$0x3FB3]  }
0x2e: {  	s3 =	simm.s32 @!p0 $0x1082;
	s9 =	sld [smem:$0x3FB4]  }
0x2f: {  	lr =	sadd.s32 s0, s3;
	s0 =	sld [smem:$0x3FAB]  }
0x30: {  	s3 =	sld [smem:$0x3FAE]  }
0x31: {  	[smem:$0x3FB7] =	sst s10  }
0x32: {  	s10 =	sld [smem:$0x3FB5];
	_ =	sdelay $0x3  }
0x33: {  	p0 =	seq.s32 s10, $0x1;
	s10 =	sld [smem:$0x3FB7];
	_ =	sdelay $0x3  }
0x34: {  	[smem:$0x3FB7] =	sst s10  }
0x35: {  	s10 =	sld [smem:$0x3FB6];
	_ =	sdelay $0x3  }
0x36: {  	p1 =	seq.s32 s10, $0x1;
	s10 =	sld [smem:$0x3FB7];
	_ =	sdelay $0x3  }
0x37: {  	[smem:$0x3FB7] =	sst s10  }
0x38: {  	s10 =	sld [smem:$0x3FB8]  }
0x39: {  	_ = 	snop;
	(pc) =	sbr.ind lr, $3  }
0x3a: {  	_ = 	snop  }
0x3b: {  	_ = 	snop  }
0x3c: {  	p2 =	seq.s32 s10, $0x1;
	s10 =	sld [smem:$0x3FB7]  }
0x3d: {  	_ =	shalt  }
0x3e: {  	_ =	shalt  }
0x3f: {  	_ =	shalt  }
0x40: {  	_ =	shalt  }
0x41: {  	_ =	shalt  }
0x42: {  	_ =	shalt  }
0x43: {  	_ =	shalt  }
0x44: {  	_ =	shalt  }
0x45: {  	_ =	shalt  }
0x46: {  	_ =	shalt  }
0x47: {  	_ =	shalt  }
0x48: {  	_ =	shalt  }
0x49: {  	_ =	shalt  }
0x4a: {  	_ =	shalt  }
0x4b: {  	_ =	shalt  }
0x4c: {  	_ =	shalt  }
0x4d: {  	_ =	shalt  }
0x4e: {  	_ =	shalt  }
0x4f: {  	_ =	shalt  }
0x50: {  	_ =	shalt  }
0x51: {  	_ =	shalt  }
0x52: {  	_ =	shalt  }
0x53: {  	_ =	shalt  }
0x54: {  	_ =	shalt  }
0x55: {  	_ =	shalt  }
0x56: {  	_ =	shalt  }
0x57: {  	_ =	shalt  }
0x58: {  	_ =	shalt  }
0x59: {  	_ =	shalt  }
0x5a: {  	_ =	shalt  }
0x5b: {  	_ =	shalt  }
0x5c: {  	_ =	shalt  }
0x5d: {  	_ =	shalt  }
0x5e: {  	_ =	shalt  }
0x5f: {  	_ =	shalt  }
0x60: {  	_ =	shalt  }
0x61: {  	_ =	shalt  }
0x62: {  	_ =	shalt  }
0x63: {  	_ =	shalt  }
0x64: {  	_ =	shalt  }
0x65: {  	_ =	shalt  }
0x66: {  	_ =	shalt  }
0x67: {  	_ =	shalt  }
0x68: {  	_ =	shalt  }
0x69: {  	_ =	shalt  }
0x6a: {  	_ =	shalt  }
0x6b: {  	_ =	shalt  }
0x6c: {  	_ =	shalt  }
0x6d: {  	_ =	shalt  }
0x6e: {  	_ =	shalt  }
0x6f: {  	_ =	shalt  }
0x70: {  	_ =	shalt  }
0x71: {  	_ =	shalt  }
0x72: {  	_ =	shalt  }
0x73: {  	_ =	shalt  }
0x74: {  	_ =	shalt  }
0x75: {  	_ =	shalt  }
0x76: {  	_ =	shalt  }
0x77: {  	_ =	shalt  }
0x78: {  	_ =	shalt  }
0x79: {  	_ =	shalt  }
0x7a: {  	_ =	shalt  }
0x7b: {  	_ =	shalt  }
0x7c: {  	_ =	shalt  }
0x7d: {  	_ =	shalt  }
0x7e: {  	_ =	shalt  }
0x7f: {  	_ =	shalt  }
0x80: {  	_ =	shalt  }
0x81: {  	_ =	shalt  }
0x82: {  	_ =	shalt  }
0x83: {  	_ =	shalt  }
0x84: {  	_ =	shalt  }
0x85: {  	_ =	shalt  }
0x86: {  	_ =	shalt  }
0x87: {  	_ =	shalt  }
.Lfunc_end0:
.L_simem_size_0:
called_computation_lowered:
.L_overlay_start_0:
0x88: {  	s2 =	sld [smem:$0x3FD9]  }
0x89: {  	s3 =	sld [smem:$0x3FFE];
	_ =	sdelay $0x1  }
0x8a: {  	s1 =	srdreg.scid  }
0x8b: {  	s0 =	sand.u32 $0x1, s1  }
0x8c: {  	s17 =	sshll.u32 s0, $0xA;
	s2 =	sadd.s32 s3, s2  }
0x8d: {  	s2 =	sadd.s32 s2, s17  }
0x8e: {  	[smem:$0x3FC3] =	sst s2  }
0x8f: {  	_ = 	snop  }
0x90: {  	s2 =	sld [smem:$0x3FD0];
	(tm) =	ssettm $0x1  }
0x91: {  	s18 =	sld [smem:$0x3FFB];
	_ =	sdelay $0x3  }
0x92: {  	_ =	strace s18  }
0x93: {  	s3 =	sld [smem:$0x3FFC];
	_ =	sdelay $0x3  }
0x94: {  	_ =	strace s3  }
0x95: {  	s3 =	sld [smem:$0x3FFD];
	_ =	sdelay $0x3  }
0x96: {  	_ =	strace s3  }
0x97: {  	_ =	strace $0x8FFFFFFF  }
0x98: {  	s19 =	sld [smem:$0x3FDB];
	_ =	sdelay $0x1  }
0x99: {  	s4 =	simm.s32 $_scs_section_size  }
0x9a: {  	s5 =	simm.s32 $_size__tile_overlayer_lowered;
	s6 =	simm.s32 $_tile_overlayer_lowered  }
0x9b: {  	s22 =	simm.s32 $0x1BFF;
	s21 =	sshll.u32 s6, $0x1;
	s3 =	sadd.s32 s4, s19  }
0x9c: {  	s7 =	simm.s32 $0x0;
	s20 =	sshll.u32 s5, $0x1;
	s5 =	sadd.s32 s21, s3  }
0x9d: {  	[timem:s7], [sflag:s22] =	dma.local [hbm:s5], s20  }
0x9e: {  	_ =	swait.ge [sflag:s22], s20  }
0x9f: {  	s4 =	ssub.s32 $0x0, s20;
	[sflag:s22] =	ssyncset.done $0x0  }
0xa0: {  	[sflag:s22] =	ssyncadd.s32 s4;
	_ =	sdelay $0x1  }
0xa1: {  	s23 =	simm.s32 $0x1B8B  }
0xa2: {  	_ =	swait.ge [sflag:s23], $0x1  }
0xa3: {  	[sflag:s23] =	ssyncset.done $0x0  }
0xa4: {  	s25 =	simm.s32 $0x1B8E;
	s24 =	sld [smem:$0x3FFE];
	[sflag:s23] =	ssyncadd.s32 $0xFFFFFFFF  }
0xa5: {  	s26 =	simm.s32 $execute0_lowered;
	[smem:$0x3FD2] =	sst s25  }
0xa6: {  	s5 =	sshll.u32 s26, $0x1;
	_ =	strace $0x80000046;
	[dreg:$0x1] =	wrdreg $0xFFFFFFFF  }
0xa7: {  	s28 =	simm.s32 $_size_execute0_lowered;
	s3 =	sadd.s32 s3, s5;
	[dreg:$0x0] =	wrdreg $0x0  }
0xa8: {  	s5 =	sshll.u32 s28, $0x1;
	[dreg:$0x2] =	wrdreg s3  }
0xa9: {  	[dreg:$0x3] =	wrdreg s5  }
0xaa: {  	[dreg:$0x4] =	wrdreg $0xC0  }
0xab: {  	_ =	task [dreg:s7], $0x5FFFF  }
0xac: {  	[dreg:$0x1] =	wrdreg $0xFFFFFFFF  }
0xad: {  	[dreg:$0x0] =	wrdreg $0x60  }
0xae: {  	[dreg:$0x2] =	wrdreg s2  }
0xaf: {  	[dreg:$0x3] =	wrdreg s24  }
0xb0: {  	[dreg:$0x4] =	wrdreg $0x9  }
0xb1: {  	_ =	task.clear_ibuf [dreg:s7], $0x5FFFF;
	_ =	strace $0x90000046  }
0xb2: {  	s29 =	simm.s32 $0x9;
	_ =	strace $0x80000048  }
0xb3: {  	_ =	swait.ge [sflag:s29], $0x1  }
0xb4: {  	[sflag:s29] =	ssyncadd.s32 $0xFFFFFFFF  }
0xb5: {  	_ =	strace $0x90000048  }
0xb6: {  	_ =	sfence  }
0xb7: {  	s30 =	sld [smem:$0x0];
	_ =	sdelay $0x2  }
0xb8: {  	s31 =	sshll.u32 s1, $0xD;
	s1 =	sshrl.u32 s1, $0x2  }
0xb9: {  	s3 =	sand.u32 $0x4000, s31;
	s1 =	sadd.s32 s1, s30  }
0xba: {  	s0 =	sor.u32 s3, s0;
	s1 =	sshll.u32 s1, $0x11  }
0xbb: {  	s0 =	sor.u32 s1, s0  }
0xbc: {  	s0 =	sadd.s32 $0x8F2B, s0  }
0xbd: {  	[sflag:s0] =	ssyncadd.remote.s32 $0x1  }
0xbe: {  	_ =	sfence.sel $0xFFFF  }
0xbf: {  	[dreg:$0x0] =	wrdreg $0xFFFFFFFF;
	(pc) =	sbr.abs _section_cstart, $3  }
0xc0: {  	[dreg:$0x1] =	wrdreg $0xFFFFFFFF  }
0xc1: {  	_ =	task.clear_ibuf [dreg:s7], $0x2FFFF;
	_ =	strace $0x9FFFFFFF  }
0xc2: {  	(tm) =	ssettm $0x7FFFFFFF  }
0xc3: {  	_ =	shalt  }
tec
execute0_lowered:
.L_overlay_start_1:
0x0: {  	(tag) =	ssettag $0x1  }
0x1: {  	s0 =	rddreg [dreg:$0x0]  }
0x2: {  	s2 =	rddreg [dreg:$0x1]  }
0x3: {  	s1 =	simm.s32 $0x0;
	s5 =	srdreg.scid;
	s6 =	stileid.u32  }
0x4: {  	s10 =	simm.s32 $0x2;
	s13 =	simm.s32 $0x40;
	s18 =	simm.s32 $0x500  }
0x5: {  	s19 =	simm.s32 $0x4A80;
	s20 =	simm.s32 $0x580;
	s21 =	simm.s32 $0x6A80  }
0x6: {  	s22 =	simm.s32 $0x600;
	s23 =	simm.s32 $0x8A80;
	s28 =	simm.s32 $0xCA80  }
0x7: {  	s29 =	simm.s32 $0x780;
	s30 =	simm.s32 $0xEA80;
	s31 =	simm.s32 $0x800  }
0x8: {  	s11 =	simm.s32 $0x12A80;
	[smem:$0x7FF] =	sst s1;
	s3 =	sadd.s32 $0x7BC00, s2  }
0x9: {  	s4 =	sadd.s32 $0x1A00, s2;
	s5 =	sand.u32 $0x1, s5;
	s7 =	sadd.s32 $0x1600, s2  }
0xa: {  	s6 =	sshll.u32 s6, $0xA;
	s8 =	sadd.s32 $0x1800, s2;
	_ =	strace $0x80000047  }
0xb: {  	[dreg:$0x3] =	wrdreg s7;
	s24 =	sshll.u32 s5, $0x9;
	s5 =	ssub.s32 $0x2, s5  }
0xc: {  	v1 =	vimm.s32 $0xFEDCBA98;
	vm0 =	vcmask $0x2320;
	[dreg:$0x4] =	wrdreg s8;
	s6 =	sor.u32 s24, s6;
	s25 =	sshrl.u32 s5, $0x1  }
0xd: {  	v0 =	vimm.f32 $0.0e+00;
	vm1 =	vcmask $0x2724;
	v1 =	vunpack.c.l.s4.s8 v1;
	s24 =	simm.s32 $0x680;
	s7 =	sshll.u32 s6, $0x4;
	s6 =	sshrl.u32 s6, $0x3  }
0xe: {  	vm2 =	vcmask $0x2B28;
	vm3 =	vcmask $0x2F2C;
	vm4 =	vcmask $0x3330;
	s5 =	ssub.s32 s5, s25;
	s25 =	simm.s32 $0xAA80;
	s0 =	sadd.s32 s0, s6  }
0xf: {  	vm6 =	vcmask $0x3B20;
	v2 =	vunpack.c.0.s8.s32 v1;
	v1 =	vimm.f32 $1.250000000e-01;
	s2 =	sadd.s32 s7, s2;
	s26 =	smax.u32 s5, $0x1;
	[dreg:$0x5] =	wrdreg s0  }
0x10: {  	vm5 =	vcmask $0x3734;
	vm7 =	vcmask $0x1F00;
	v1 =	vsel vm6, $0x0, v1;
	s6 =	simm.s32 $0x0;
	s8 =	sadd.s32 $0x193C00, s2;
	[dreg:$0x6] =	wrdreg s26  }
0x11: {  	vm6 =	vcmask $0x3B38;
	v2 =	vnsel vm7, $0xF, v2;
	vm7 =	vmmov $0xff;
	s26 =	simm.s32 $0x700;
	s0 =	simm.s32 $0x10A80;
	s2 =	simm.s32 $0x1  }
.LBB2_1:
0x12: {  	[dreg:$0x7] =	wrdreg s6  }
0x13: {  	s5 =	rddreg [dreg:$0x5]  }
0x14: {  	[tilespmem:s1], [sflag:$0x2] =	stream.linear.gather [hbm4b:s5+s1], $0x200, $0x38;
	[tilespmem:$0x14A80] =	vst v63  }
0x15: {  	_ =	swait.ge [sflag:s10], $0x200  }
0x16: {  	[sflag:s10] =	ssyncset.done $0x0  }
0x17: {  	s15 =	simm.s32 $0x200;
	s14 =	rddreg [dreg:$0x3];
	[sflag:s10] =	ssyncadd.s32 $0xFFFFFE00  }
0x18: {  	[tilespmem:s15], [sflag:$0x2] =	stream.linear.gather [hbm4b:s14+s1], $0x100, $0x38;
	[tilespmem:$0x14A80] =	vst v63  }
0x19: {  	_ =	swait.ge [sflag:s10], $0x100  }
0x1a: {  	[sflag:s10] =	ssyncset.done $0x0  }
0x1b: {  	s17 =	simm.s32 $0x300;
	s16 =	rddreg [dreg:$0x4];
	[sflag:s10] =	ssyncadd.s32 $0xFFFFFF00  }
0x1c: {  	[tilespmem:s17], [sflag:$0x2] =	stream.linear.gather [hbm4b:s16+s1], $0x100, $0x38;
	[tilespmem:$0x14A80] =	vst v63  }
0x1d: {  	_ =	swait.ge [sflag:s10], $0x100  }
0x1e: {  	[sflag:s10] =	ssyncset.done $0x0  }
0x1f: {  	s6 =	simm.s32 $0x0;
	s5 =	simm.s32 $0x0;
	[sflag:s10] =	ssyncadd.s32 $0xFFFFFF00  }
.LBB2_2:
0x20: {  	v3 =	vmov s5;
	_ =	sdelay $0x3  }
0x21: {  	s12 =	simm.s32 $0x0  }
0x22: {  	v4 =	vld.idx.msk [tilespmem:v3+s12+$0x0 ss:$0x1], $0xffff  }
0x23: {  	v6 =	vld [tilespmem:$0x200];
	_ =	sdelay $0x1  }
0x24: {  	v7 =	vld [tilespmem:$0x300];
	_ =	sdelay $0x1  }
0x25: {  	v5 =	vshrl.u32 v4, $0xA  }
0x26: {  	v8 =	vmul.u32 v6, v5;
	_ =	sdelay $0x1  }
0x27: {  	v4 =	vand.u32 $0x3FF, v4;
	v9 =	vmul.u32 v5, v7;
	v10 =	vshll.u32 v8, $0x1A  }
0x28: {  	v6 =	vmul.u32 v6, v4;
	v8 =	vshrl.u32 v8, $0x5;
	v10 =	vand.u32 $0x7C000000, v10  }
0x29: {  	v11 =	vshll.u32 v9, $0xA;
	v9 =	vshrl.u32 v9, $0x15;
	v8 =	vadd.s32 v8, v10  }
0x2a: {  	v16 =	vshll.u32 v6, $0x10;
	v11 =	vand.u32 $0x7FFFFC00, v11;
	v8 =	vadd.s32 v9, v8  }
0x2b: {  	v6 =	vshrl.u32 v6, $0xF;
	v17 =	vand.u32 $0x7FFF0000, v16;
	v8 =	vadd.s32 v11, v8  }
0x2c: {  	v6 =	vadd.s32 v6, v17;
	v18 =	vand.u32 $0x7FFFFFFF, v8  }
0x2d: {  	v8 =	vshrl.u32 v8, $0x1F;
	v6 =	vadd.s32 v18, v6  }
0x2e: {  	v7 =	vmul.u32 v4, v7;
	v6 =	vadd.s32 v8, v6  }
0x2f: {  	v8 =	vand.u32 $0x7FFFFFFF, v6  }
0x30: {  	v6 =	vshrl.u32 v6, $0x1F;
	v7 =	vadd.s32 v7, v8  }
0x31: {  	v6 =	vadd.s32 v6, v7  }
0x32: {  	v7 =	vshrl.u32 v6, $0x1F;
	v6 =	vand.u32 $0x7FFFFFFF, v6  }
0x33: {  	v6 =	vadd.s32 v6, v7  }
0x34: {  	v7 =	vadd.s32 $0x80000001, v6  }
0x35: {  	v6 =	vmin.u32 v7, v6  }
0x36: {  	v7 =	vmulhi.u32 $0xEAE205F, v6;
	_ =	sdelay $0x1  }
0x37: {  	v7 =	vshrl.u32 v7, $0xC  }
0x38: {  	v7 =	vmul.u32 $0x11704, v7;
	_ =	sdelay $0x1  }
0x39: {  	v6 =	vsub.s32 v6, v7  }
0x3a: {  	[tilespmem:s12+$0x400] =	vst v6  }
0x3b: {  	v6 =	vld [tilespmem:$0x210];
	_ =	sdelay $0x1  }
0x3c: {  	v7 =	vld [tilespmem:$0x310];
	_ =	sdelay $0x2  }
0x3d: {  	v19 =	vmul.u32 v5, v6;
	_ =	sdelay $0x1  }
0x3e: {  	v21 =	vmul.u32 v5, v7;
	v20 =	vshll.u32 v19, $0x1A  }
0x3f: {  	v6 =	vmul.u32 v4, v6;
	v8 =	vshrl.u32 v19, $0x5;
	v9 =	vand.u32 $0x7C000000, v20  }
0x40: {  	v22 =	vshrl.u32 v21, $0x15;
	v10 =	vshll.u32 v21, $0xA;
	v8 =	vadd.s32 v8, v9  }
0x41: {  	v23 =	vshll.u32 v6, $0x10;
	v10 =	vand.u32 $0x7FFFFC00, v10;
	v8 =	vadd.s32 v22, v8  }
0x42: {  	v6 =	vshrl.u32 v6, $0xF;
	v9 =	vand.u32 $0x7FFF0000, v23;
	v8 =	vadd.s32 v10, v8  }
0x43: {  	v6 =	vadd.s32 v6, v9;
	v10 =	vand.u32 $0x7FFFFFFF, v8  }
0x44: {  	v8 =	vshrl.u32 v8, $0x1F;
	v6 =	vadd.s32 v10, v6  }
0x45: {  	v7 =	vmul.u32 v4, v7;
	v6 =	vadd.s32 v8, v6  }
0x46: {  	v8 =	vand.u32 $0x7FFFFFFF, v6  }
0x47: {  	v6 =	vshrl.u32 v6, $0x1F;
	v7 =	vadd.s32 v7, v8  }
0x48: {  	v6 =	vadd.s32 v6, v7  }
0x49: {  	v7 =	vshrl.u32 v6, $0x1F;
	v6 =	vand.u32 $0x7FFFFFFF, v6  }
0x4a: {  	v6 =	vadd.s32 v6, v7  }
0x4b: {  	v7 =	vadd.s32 $0x80000001, v6  }
0x4c: {  	v6 =	vmin.u32 v7, v6  }
0x4d: {  	v7 =	vmulhi.u32 $0xEAE205F, v6;
	_ =	sdelay $0x1  }
0x4e: {  	v7 =	vshrl.u32 v7, $0xC  }
0x4f: {  	v7 =	vmul.u32 $0x11704, v7;
	_ =	sdelay $0x1  }
0x50: {  	v6 =	vsub.s32 v6, v7  }
0x51: {  	[tilespmem:s12+$0x480] =	vst v6  }
0x52: {  	v6 =	vld [tilespmem:$0x220];
	_ =	sdelay $0x1  }
0x53: {  	v7 =	vld [tilespmem:$0x320];
	_ =	sdelay $0x2  }
0x54: {  	v24 =	vmul.u32 v5, v6;
	_ =	sdelay $0x1  }
0x55: {  	v26 =	vmul.u32 v5, v7;
	v25 =	vshll.u32 v24, $0x1A  }
0x56: {  	v6 =	vmul.u32 v4, v6;
	v8 =	vshrl.u32 v24, $0x5;
	v9 =	vand.u32 $0x7C000000, v25  }
0x57: {  	v27 =	vshrl.u32 v26, $0x15;
	v10 =	vshll.u32 v26, $0xA;
	v8 =	vadd.s32 v8, v9  }
0x58: {  	v28 =	vshll.u32 v6, $0x10;
	v10 =	vand.u32 $0x7FFFFC00, v10;
	v8 =	vadd.s32 v27, v8  }
0x59: {  	v6 =	vshrl.u32 v6, $0xF;
	v9 =	vand.u32 $0x7FFF0000, v28;
	v8 =	vadd.s32 v10, v8  }
0x5a: {  	v6 =	vadd.s32 v6, v9;
	v10 =	vand.u32 $0x7FFFFFFF, v8  }
0x5b: {  	v8 =	vshrl.u32 v8, $0x1F;
	v6 =	vadd.s32 v10, v6  }
0x5c: {  	v7 =	vmul.u32 v4, v7;
	v6 =	vadd.s32 v8, v6  }
0x5d: {  	v8 =	vand.u32 $0x7FFFFFFF, v6  }
0x5e: {  	v6 =	vshrl.u32 v6, $0x1F;
	v7 =	vadd.s32 v7, v8  }
0x5f: {  	v6 =	vadd.s32 v6, v7  }
0x60: {  	v7 =	vshrl.u32 v6, $0x1F;
	v6 =	vand.u32 $0x7FFFFFFF, v6  }
0x61: {  	v6 =	vadd.s32 v6, v7  }
0x62: {  	v7 =	vadd.s32 $0x80000001, v6  }
0x63: {  	v6 =	vmin.u32 v7, v6  }
0x64: {  	v7 =	vmulhi.u32 $0xEAE205F, v6;
	_ =	sdelay $0x1  }
0x65: {  	v7 =	vshrl.u32 v7, $0xC  }
0x66: {  	v7 =	vmul.u32 $0x11704, v7;
	_ =	sdelay $0x1  }
0x67: {  	v6 =	vsub.s32 v6, v7  }
0x68: {  	[tilespmem:s12+$0x500] =	vst v6  }
0x69: {  	v6 =	vld [tilespmem:$0x230];
	_ =	sdelay $0x1  }
0x6a: {  	v7 =	vld [tilespmem:$0x330];
	_ =	sdelay $0x2  }
0x6b: {  	v29 =	vmul.u32 v5, v6;
	_ =	sdelay $0x1  }
0x6c: {  	v31 =	vmul.u32 v5, v7;
	v30 =	vshll.u32 v29, $0x1A  }
0x6d: {  	v6 =	vmul.u32 v4, v6;
	v8 =	vshrl.u32 v29, $0x5;
	v9 =	vand.u32 $0x7C000000, v30  }
0x6e: {  	v32 =	vshrl.u32 v31, $0x15;
	v10 =	vshll.u32 v31, $0xA;
	v8 =	vadd.s32 v8, v9  }
0x6f: {  	v33 =	vshll.u32 v6, $0x10;
	v10 =	vand.u32 $0x7FFFFC00, v10;
	v8 =	vadd.s32 v32, v8  }
0x70: {  	v6 =	vshrl.u32 v6, $0xF;
	v9 =	vand.u32 $0x7FFF0000, v33;
	v8 =	vadd.s32 v10, v8  }
0x71: {  	v6 =	vadd.s32 v6, v9;
	v10 =	vand.u32 $0x7FFFFFFF, v8  }
0x72: {  	v8 =	vshrl.u32 v8, $0x1F;
	v6 =	vadd.s32 v10, v6  }
0x73: {  	v7 =	vmul.u32 v4, v7;
	v6 =	vadd.s32 v8, v6  }
0x74: {  	v8 =	vand.u32 $0x7FFFFFFF, v6  }
0x75: {  	v6 =	vshrl.u32 v6, $0x1F;
	v7 =	vadd.s32 v7, v8  }
0x76: {  	v6 =	vadd.s32 v6, v7  }
0x77: {  	v7 =	vshrl.u32 v6, $0x1F;
	v6 =	vand.u32 $0x7FFFFFFF, v6  }
0x78: {  	v6 =	vadd.s32 v6, v7  }
0x79: {  	v7 =	vadd.s32 $0x80000001, v6  }
0x7a: {  	v6 =	vmin.u32 v7, v6  }
0x7b: {  	v7 =	vmulhi.u32 $0xEAE205F, v6;
	_ =	sdelay $0x1  }
0x7c: {  	v7 =	vshrl.u32 v7, $0xC  }
0x7d: {  	v7 =	vmul.u32 $0x11704, v7;
	_ =	sdelay $0x1  }
0x7e: {  	v6 =	vsub.s32 v6, v7  }
0x7f: {  	[tilespmem:s12+$0x580] =	vst v6  }
0x80: {  	v6 =	vld [tilespmem:$0x240];
	_ =	sdelay $0x1  }
0x81: {  	v7 =	vld [tilespmem:$0x340];
	_ =	sdelay $0x2  }
0x82: {  	v34 =	vmul.u32 v5, v6;
	_ =	sdelay $0x1  }
0x83: {  	v36 =	vmul.u32 v5, v7;
	v35 =	vshll.u32 v34, $0x1A  }
0x84: {  	v6 =	vmul.u32 v4, v6;
	v8 =	vshrl.u32 v34, $0x5;
	v9 =	vand.u32 $0x7C000000, v35  }
0x85: {  	v37 =	vshrl.u32 v36, $0x15;
	v10 =	vshll.u32 v36, $0xA;
	v8 =	vadd.s32 v8, v9  }
0x86: {  	v38 =	vshll.u32 v6, $0x10;
	v10 =	vand.u32 $0x7FFFFC00, v10;
	v8 =	vadd.s32 v37, v8  }
0x87: {  	v6 =	vshrl.u32 v6, $0xF;
	v9 =	vand.u32 $0x7FFF0000, v38;
	v8 =	vadd.s32 v10, v8  }
0x88: {  	v6 =	vadd.s32 v6, v9;
	v10 =	vand.u32 $0x7FFFFFFF, v8  }
0x89: {  	v8 =	vshrl.u32 v8, $0x1F;
	v6 =	vadd.s32 v10, v6  }
0x8a: {  	v7 =	vmul.u32 v4, v7;
	v6 =	vadd.s32 v8, v6  }
0x8b: {  	v8 =	vand.u32 $0x7FFFFFFF, v6  }
0x8c: {  	v6 =	vshrl.u32 v6, $0x1F;
	v7 =	vadd.s32 v7, v8  }
0x8d: {  	v6 =	vadd.s32 v6, v7  }
0x8e: {  	v7 =	vshrl.u32 v6, $0x1F;
	v6 =	vand.u32 $0x7FFFFFFF, v6  }
0x8f: {  	v6 =	vadd.s32 v6, v7  }
0x90: {  	v7 =	vadd.s32 $0x80000001, v6  }
0x91: {  	v6 =	vmin.u32 v7, v6  }
0x92: {  	v7 =	vmulhi.u32 $0xEAE205F, v6;
	_ =	sdelay $0x1  }
0x93: {  	v7 =	vshrl.u32 v7, $0xC  }
0x94: {  	v7 =	vmul.u32 $0x11704, v7;
	_ =	sdelay $0x1  }
0x95: {  	v6 =	vsub.s32 v6, v7  }
0x96: {  	[tilespmem:s12+$0x600] =	vst v6  }
0x97: {  	v6 =	vld [tilespmem:$0x250];
	_ =	sdelay $0x1  }
0x98: {  	v7 =	vld [tilespmem:$0x350];
	_ =	sdelay $0x2  }
0x99: {  	v39 =	vmul.u32 v5, v6;
	_ =	sdelay $0x1  }
0x9a: {  	v41 =	vmul.u32 v5, v7;
	v40 =	vshll.u32 v39, $0x1A  }
0x9b: {  	v6 =	vmul.u32 v4, v6;
	v8 =	vshrl.u32 v39, $0x5;
	v9 =	vand.u32 $0x7C000000, v40  }
0x9c: {  	v42 =	vshrl.u32 v41, $0x15;
	v10 =	vshll.u32 v41, $0xA;
	v8 =	vadd.s32 v8, v9  }
0x9d: {  	v43 =	vshll.u32 v6, $0x10;
	v10 =	vand.u32 $0x7FFFFC00, v10;
	v8 =	vadd.s32 v42, v8  }
0x9e: {  	v6 =	vshrl.u32 v6, $0xF;
	v9 =	vand.u32 $0x7FFF0000, v43;
	v8 =	vadd.s32 v10, v8  }
0x9f: {  	v6 =	vadd.s32 v6, v9;
	v10 =	vand.u32 $0x7FFFFFFF, v8  }
0xa0: {  	v8 =	vshrl.u32 v8, $0x1F;
	v6 =	vadd.s32 v10, v6  }
0xa1: {  	v7 =	vmul.u32 v4, v7;
	v6 =	vadd.s32 v8, v6  }
0xa2: {  	v8 =	vand.u32 $0x7FFFFFFF, v6  }
0xa3: {  	v6 =	vshrl.u32 v6, $0x1F;
	v7 =	vadd.s32 v7, v8  }
0xa4: {  	v6 =	vadd.s32 v6, v7  }
0xa5: {  	v7 =	vshrl.u32 v6, $0x1F;
	v6 =	vand.u32 $0x7FFFFFFF, v6  }
0xa6: {  	v6 =	vadd.s32 v6, v7  }
0xa7: {  	v7 =	vadd.s32 $0x80000001, v6  }
0xa8: {  	v6 =	vmin.u32 v7, v6  }
0xa9: {  	v7 =	vmulhi.u32 $0xEAE205F, v6;
	_ =	sdelay $0x1  }
0xaa: {  	v7 =	vshrl.u32 v7, $0xC  }
0xab: {  	v7 =	vmul.u32 $0x11704, v7;
	_ =	sdelay $0x1  }
0xac: {  	v6 =	vsub.s32 v6, v7  }
0xad: {  	[tilespmem:s12+$0x680] =	vst v6  }
0xae: {  	v6 =	vld [tilespmem:$0x260];
	_ =	sdelay $0x1  }
0xaf: {  	v7 =	vld [tilespmem:$0x360];
	_ =	sdelay $0x2  }
0xb0: {  	v44 =	vmul.u32 v5, v6;
	_ =	sdelay $0x1  }
0xb1: {  	v45 =	vmul.u32 v5, v7;
	v46 =	vshll.u32 v44, $0x1A  }
0xb2: {  	v6 =	vmul.u32 v4, v6;
	v8 =	vshrl.u32 v44, $0x5;
	v10 =	vand.u32 $0x7C000000, v46  }
0xb3: {  	v47 =	vshll.u32 v45, $0xA;
	v9 =	vshrl.u32 v45, $0x15;
	v8 =	vadd.s32 v8, v10  }
0xb4: {  	v48 =	vshll.u32 v6, $0x10;
	v11 =	vand.u32 $0x7FFFFC00, v47;
	v8 =	vadd.s32 v9, v8  }
0xb5: {  	v6 =	vshrl.u32 v6, $0xF;
	v49 =	vand.u32 $0x7FFF0000, v48;
	v8 =	vadd.s32 v11, v8  }
0xb6: {  	v6 =	vadd.s32 v6, v49;
	v50 =	vand.u32 $0x7FFFFFFF, v8  }
0xb7: {  	v8 =	vshrl.u32 v8, $0x1F;
	v6 =	vadd.s32 v50, v6  }
0xb8: {  	v7 =	vmul.u32 v4, v7;
	v6 =	vadd.s32 v8, v6  }
0xb9: {  	v8 =	vand.u32 $0x7FFFFFFF, v6  }
0xba: {  	v6 =	vshrl.u32 v6, $0x1F;
	v7 =	vadd.s32 v7, v8  }
0xbb: {  	v6 =	vadd.s32 v6, v7  }
0xbc: {  	v7 =	vshrl.u32 v6, $0x1F;
	v6 =	vand.u32 $0x7FFFFFFF, v6  }
0xbd: {  	v6 =	vadd.s32 v6, v7  }
0xbe: {  	v7 =	vadd.s32 $0x80000001, v6  }
0xbf: {  	v6 =	vmin.u32 v7, v6  }
0xc0: {  	v7 =	vmulhi.u32 $0xEAE205F, v6;
	_ =	sdelay $0x1  }
0xc1: {  	v7 =	vshrl.u32 v7, $0xC  }
0xc2: {  	v7 =	vmul.u32 $0x11704, v7;
	_ =	sdelay $0x1  }
0xc3: {  	v6 =	vsub.s32 v6, v7  }
0xc4: {  	[tilespmem:s12+$0x700] =	vst v6  }
0xc5: {  	v6 =	vld [tilespmem:$0x270];
	_ =	sdelay $0x1  }
0xc6: {  	v7 =	vld [tilespmem:$0x370];
	_ =	sdelay $0x2  }
0xc7: {  	v51 =	vmul.u32 v5, v6;
	_ =	sdelay $0x1  }
0xc8: {  	v52 =	vmul.u32 v5, v7;
	v53 =	vshll.u32 v51, $0x1A  }
0xc9: {  	v6 =	vmul.u32 v4, v6;
	v8 =	vshrl.u32 v51, $0x5;
	v10 =	vand.u32 $0x7C000000, v53  }
0xca: {  	v54 =	vshll.u32 v52, $0xA;
	v9 =	vshrl.u32 v52, $0x15;
	v8 =	vadd.s32 v8, v10  }
0xcb: {  	v55 =	vshll.u32 v6, $0x10;
	v11 =	vand.u32 $0x7FFFFC00, v54;
	v8 =	vadd.s32 v9, v8  }
0xcc: {  	v6 =	vshrl.u32 v6, $0xF;
	v56 =	vand.u32 $0x7FFF0000, v55;
	v8 =	vadd.s32 v11, v8  }
0xcd: {  	v6 =	vadd.s32 v6, v56;
	v57 =	vand.u32 $0x7FFFFFFF, v8  }
0xce: {  	v8 =	vshrl.u32 v8, $0x1F;
	v6 =	vadd.s32 v57, v6  }
0xcf: {  	v7 =	vmul.u32 v4, v7;
	v6 =	vadd.s32 v8, v6  }
0xd0: {  	v8 =	vand.u32 $0x7FFFFFFF, v6  }
0xd1: {  	v6 =	vshrl.u32 v6, $0x1F;
	v7 =	vadd.s32 v7, v8  }
0xd2: {  	v6 =	vadd.s32 v6, v7  }
0xd3: {  	v7 =	vshrl.u32 v6, $0x1F;
	v6 =	vand.u32 $0x7FFFFFFF, v6  }
0xd4: {  	v6 =	vadd.s32 v6, v7  }
0xd5: {  	v7 =	vadd.s32 $0x80000001, v6  }
0xd6: {  	v6 =	vmin.u32 v7, v6  }
0xd7: {  	v7 =	vmulhi.u32 $0xEAE205F, v6;
	_ =	sdelay $0x1  }
0xd8: {  	v7 =	vshrl.u32 v7, $0xC  }
0xd9: {  	v7 =	vmul.u32 $0x11704, v7;
	_ =	sdelay $0x1  }
0xda: {  	v6 =	vsub.s32 v6, v7  }
0xdb: {  	[tilespmem:s12+$0x780] =	vst v6  }
0xdc: {  	v6 =	vld [tilespmem:$0x280];
	_ =	sdelay $0x1  }
0xdd: {  	v7 =	vld [tilespmem:$0x380];
	_ =	sdelay $0x2  }
0xde: {  	v58 =	vmul.u32 v5, v6;
	_ =	sdelay $0x1  }
0xdf: {  	v5 =	vmul.u32 v5, v7;
	v59 =	vshll.u32 v58, $0x1A  }
0xe0: {  	v6 =	vmul.u32 v4, v6;
	v8 =	vshrl.u32 v58, $0x5;
	v9 =	vand.u32 $0x7C000000, v59  }
0xe1: {  	v60 =	vshll.u32 v5, $0xA;
	v5 =	vshrl.u32 v5, $0x15;
	v8 =	vadd.s32 v8, v9  }
0xe2: {  	v61 =	vshll.u32 v6, $0x10;
	v10 =	vand.u32 $0x7FFFFC00, v60;
	v5 =	vadd.s32 v5, v8  }
0xe3: {  	v6 =	vshrl.u32 v6, $0xF;
	v62 =	vand.u32 $0x7FFF0000, v61;
	v5 =	vadd.s32 v10, v5  }
0xe4: {  	v6 =	vadd.s32 v6, v62;
	v63 =	vand.u32 $0x7FFFFFFF, v5  }
0xe5: {  	v5 =	vshrl.u32 v5, $0x1F;
	v6 =	vadd.s32 v63, v6  }
0xe6: {  	v4 =	vmul.u32 v4, v7;
	v5 =	vadd.s32 v5, v6  }
0xe7: {  	v6 =	vand.u32 $0x7FFFFFFF, v5  }
0xe8: {  	v5 =	vshrl.u32 v5, $0x1F;
	v4 =	vadd.s32 v4, v6  }
0xe9: {  	v4 =	vadd.s32 v5, v4  }
0xea: {  	v5 =	vshrl.u32 v4, $0x1F;
	v4 =	vand.u32 $0x7FFFFFFF, v4  }
0xeb: {  	v4 =	vadd.s32 v4, v5  }
0xec: {  	v5 =	vadd.s32 $0x80000001, v4  }
0xed: {  	v4 =	vmin.u32 v5, v4  }
0xee: {  	v5 =	vmulhi.u32 $0x431BDE83, v4;
	_ =	sdelay $0x1  }
0xef: {  	v5 =	vshrl.u32 v5, $0x11  }
0xf0: {  	v5 =	vmul.u32 $0x7A120, v5;
	_ =	sdelay $0x1  }
0xf1: {  	v4 =	vsub.s32 v4, v5  }
0xf2: {  	v5 =	vshrl.u32 v4, $0x4  }
0xf3: {  	s7 =	simm.s32 $0x880;
	s9 =	simm.s32 $0x40;
	s15 =	simm.s32 $0x80;
	v4 =	vand.u32 $0xF, v4;
	[tilespmem:s12+$0x800] =	vst v5  }
.LBB2_3:
0xf4: {  	s12 =	sshra.s32 s9, $0x2  }
0xf5: {  	[tilespmem:s7+$0x0] =	vst v4;
	s7 =	sadd.s32 $0x80, s7;
	s9 =	smov.u32 s15;
	s14 =	sadd.s32 $0x40, s15  }
0xf6: {  	p0 =	sne.s32 s15, $0xC0;
	v5 =	vld.idx.msk [tilespmem:v3+s12+$0x0 ss:$0x1], $0xffff  }
0xf7: {  	v6 =	vld [tilespmem:$0x300]  }
0xf8: {  	v7 =	vld [tilespmem:$0x200];
	_ =	sdelay $0x3  }
0xf9: {  	v4 =	vshrl.u32 v5, $0xA;
	v5 =	vand.u32 $0x3FF, v5  }
0xfa: {  	v9 =	vmul.u32 v4, v6;
	v8 =	vmul.u32 v7, v4;
	v7 =	vmul.u32 v7, v5  }
0xfb: {  	v6 =	vmul.u32 v5, v6  }
0xfc: {  	v11 =	vshll.u32 v9, $0xA;
	v10 =	vshll.u32 v8, $0x1A;
	v12 =	vshll.u32 v7, $0x10  }
0xfd: {  	v8 =	vshrl.u32 v8, $0x5;
	v10 =	vand.u32 $0x7C000000, v10;
	v12 =	vand.u32 $0x7FFF0000, v12  }
0xfe: {  	v9 =	vshrl.u32 v9, $0x15;
	v8 =	vadd.s32 v8, v10  }
0xff: {  	v10 =	vand.u32 $0x7FFFFC00, v11;
	v8 =	vadd.s32 v9, v8  }
0x100: {  	v7 =	vshrl.u32 v7, $0xF;
	v8 =	vadd.s32 v10, v8  }
0x101: {  	v7 =	vadd.s32 v7, v12;
	v9 =	vand.u32 $0x7FFFFFFF, v8  }
0x102: {  	v8 =	vshrl.u32 v8, $0x1F;
	v7 =	vadd.s32 v9, v7  }
0x103: {  	v7 =	vadd.s32 v8, v7  }
0x104: {  	v8 =	vand.u32 $0x7FFFFFFF, v7  }
0x105: {  	v7 =	vshrl.u32 v7, $0x1F;
	v6 =	vadd.s32 v6, v8  }
0x106: {  	v6 =	vadd.s32 v7, v6  }
0x107: {  	v7 =	vshrl.u32 v6, $0x1F;
	v6 =	vand.u32 $0x7FFFFFFF, v6  }
0x108: {  	v6 =	vadd.s32 v6, v7  }
0x109: {  	v7 =	vadd.s32 $0x80000001, v6  }
0x10a: {  	v6 =	vmin.u32 v7, v6  }
0x10b: {  	v7 =	vmulhi.u32 $0xEAE205F, v6;
	_ =	sdelay $0x1  }
0x10c: {  	v7 =	vshrl.u32 v7, $0xC  }
0x10d: {  	v7 =	vmul.u32 $0x11704, v7;
	_ =	sdelay $0x1  }
0x10e: {  	v6 =	vsub.s32 v6, v7  }
0x10f: {  	[tilespmem:s12+$0x400] =	vst v6  }
0x110: {  	v6 =	vld [tilespmem:$0x210];
	_ =	sdelay $0x1  }
0x111: {  	v7 =	vld [tilespmem:$0x310];
	_ =	sdelay $0x2  }
0x112: {  	v8 =	vmul.u32 v4, v6;
	v6 =	vmul.u32 v5, v6;
	_ =	sdelay $0x1  }
0x113: {  	v9 =	vshll.u32 v8, $0x1A;
	v10 =	vmul.u32 v4, v7;
	v11 =	vshll.u32 v6, $0x10  }
0x114: {  	v8 =	vshrl.u32 v8, $0x5;
	v9 =	vand.u32 $0x7C000000, v9;
	v11 =	vand.u32 $0x7FFF0000, v11  }
0x115: {  	v12 =	vshrl.u32 v10, $0x15;
	v10 =	vshll.u32 v10, $0xA;
	v8 =	vadd.s32 v8, v9  }
0x116: {  	v7 =	vmul.u32 v5, v7;
	v9 =	vand.u32 $0x7FFFFC00, v10;
	v8 =	vadd.s32 v12, v8  }
0x117: {  	v6 =	vshrl.u32 v6, $0xF;
	v8 =	vadd.s32 v9, v8  }
0x118: {  	v6 =	vadd.s32 v6, v11;
	v9 =	vand.u32 $0x7FFFFFFF, v8  }
0x119: {  	v8 =	vshrl.u32 v8, $0x1F;
	v6 =	vadd.s32 v9, v6  }
0x11a: {  	v6 =	vadd.s32 v8, v6  }
0x11b: {  	v8 =	vand.u32 $0x7FFFFFFF, v6  }
0x11c: {  	v6 =	vshrl.u32 v6, $0x1F;
	v7 =	vadd.s32 v7, v8  }
0x11d: {  	v6 =	vadd.s32 v6, v7  }
0x11e: {  	v7 =	vshrl.u32 v6, $0x1F;
	v6 =	vand.u32 $0x7FFFFFFF, v6  }
0x11f: {  	v6 =	vadd.s32 v6, v7  }
0x120: {  	v7 =	vadd.s32 $0x80000001, v6  }
0x121: {  	v6 =	vmin.u32 v7, v6  }
0x122: {  	v7 =	vmulhi.u32 $0xEAE205F, v6;
	_ =	sdelay $0x1  }
0x123: {  	v7 =	vshrl.u32 v7, $0xC  }
0x124: {  	v7 =	vmul.u32 $0x11704, v7;
	_ =	sdelay $0x1  }
0x125: {  	v6 =	vsub.s32 v6, v7  }
0x126: {  	[tilespmem:s12+$0x480] =	vst v6  }
0x127: {  	v6 =	vld [tilespmem:$0x220];
	_ =	sdelay $0x1  }
0x128: {  	v7 =	vld [tilespmem:$0x320];
	_ =	sdelay $0x2  }
0x129: {  	v8 =	vmul.u32 v4, v6;
	v6 =	vmul.u32 v5, v6;
	_ =	sdelay $0x1  }
0x12a: {  	v9 =	vshll.u32 v8, $0x1A;
	v10 =	vmul.u32 v4, v7;
	v11 =	vshll.u32 v6, $0x10  }
0x12b: {  	v8 =	vshrl.u32 v8, $0x5;
	v9 =	vand.u32 $0x7C000000, v9;
	v11 =	vand.u32 $0x7FFF0000, v11  }
0x12c: {  	v12 =	vshrl.u32 v10, $0x15;
	v10 =	vshll.u32 v10, $0xA;
	v8 =	vadd.s32 v8, v9  }
0x12d: {  	v7 =	vmul.u32 v5, v7;
	v9 =	vand.u32 $0x7FFFFC00, v10;
	v8 =	vadd.s32 v12, v8  }
0x12e: {  	v6 =	vshrl.u32 v6, $0xF;
	v8 =	vadd.s32 v9, v8  }
0x12f: {  	v6 =	vadd.s32 v6, v11;
	v9 =	vand.u32 $0x7FFFFFFF, v8  }
0x130: {  	v8 =	vshrl.u32 v8, $0x1F;
	v6 =	vadd.s32 v9, v6  }
0x131: {  	v6 =	vadd.s32 v8, v6  }
0x132: {  	v8 =	vand.u32 $0x7FFFFFFF, v6  }
0x133: {  	v6 =	vshrl.u32 v6, $0x1F;
	v7 =	vadd.s32 v7, v8  }
0x134: {  	v6 =	vadd.s32 v6, v7  }
0x135: {  	v7 =	vshrl.u32 v6, $0x1F;
	v6 =	vand.u32 $0x7FFFFFFF, v6  }
0x136: {  	v6 =	vadd.s32 v6, v7  }
0x137: {  	v7 =	vadd.s32 $0x80000001, v6  }
0x138: {  	v6 =	vmin.u32 v7, v6  }
0x139: {  	v7 =	vmulhi.u32 $0xEAE205F, v6;
	_ =	sdelay $0x1  }
0x13a: {  	v7 =	vshrl.u32 v7, $0xC  }
0x13b: {  	v7 =	vmul.u32 $0x11704, v7;
	_ =	sdelay $0x1  }
0x13c: {  	v6 =	vsub.s32 v6, v7  }
0x13d: {  	[tilespmem:s12+$0x500] =	vst v6  }
0x13e: {  	v6 =	vld [tilespmem:$0x230];
	_ =	sdelay $0x1  }
0x13f: {  	v7 =	vld [tilespmem:$0x330];
	_ =	sdelay $0x2  }
0x140: {  	v8 =	vmul.u32 v4, v6;
	v6 =	vmul.u32 v5, v6;
	_ =	sdelay $0x1  }
0x141: {  	v9 =	vshll.u32 v8, $0x1A;
	v10 =	vmul.u32 v4, v7;
	v11 =	vshll.u32 v6, $0x10  }
0x142: {  	v8 =	vshrl.u32 v8, $0x5;
	v9 =	vand.u32 $0x7C000000, v9;
	v11 =	vand.u32 $0x7FFF0000, v11  }
0x143: {  	v12 =	vshrl.u32 v10, $0x15;
	v10 =	vshll.u32 v10, $0xA;
	v8 =	vadd.s32 v8, v9  }
0x144: {  	v7 =	vmul.u32 v5, v7;
	v9 =	vand.u32 $0x7FFFFC00, v10;
	v8 =	vadd.s32 v12, v8  }
0x145: {  	v6 =	vshrl.u32 v6, $0xF;
	v8 =	vadd.s32 v9, v8  }
0x146: {  	v6 =	vadd.s32 v6, v11;
	v9 =	vand.u32 $0x7FFFFFFF, v8  }
0x147: {  	v8 =	vshrl.u32 v8, $0x1F;
	v6 =	vadd.s32 v9, v6  }
0x148: {  	v6 =	vadd.s32 v8, v6  }
0x149: {  	v8 =	vand.u32 $0x7FFFFFFF, v6  }
0x14a: {  	v6 =	vshrl.u32 v6, $0x1F;
	v7 =	vadd.s32 v7, v8  }
0x14b: {  	v6 =	vadd.s32 v6, v7  }
0x14c: {  	v7 =	vshrl.u32 v6, $0x1F;
	v6 =	vand.u32 $0x7FFFFFFF, v6  }
0x14d: {  	v6 =	vadd.s32 v6, v7  }
0x14e: {  	v7 =	vadd.s32 $0x80000001, v6  }
0x14f: {  	v6 =	vmin.u32 v7, v6  }
0x150: {  	v7 =	vmulhi.u32 $0xEAE205F, v6;
	_ =	sdelay $0x1  }
0x151: {  	v7 =	vshrl.u32 v7, $0xC  }
0x152: {  	v7 =	vmul.u32 $0x11704, v7;
	_ =	sdelay $0x1  }
0x153: {  	v6 =	vsub.s32 v6, v7  }
0x154: {  	[tilespmem:s12+$0x580] =	vst v6  }
0x155: {  	v6 =	vld [tilespmem:$0x240];
	_ =	sdelay $0x1  }
0x156: {  	v7 =	vld [tilespmem:$0x340];
	_ =	sdelay $0x2  }
0x157: {  	v8 =	vmul.u32 v4, v6;
	v6 =	vmul.u32 v5, v6;
	_ =	sdelay $0x1  }
0x158: {  	v9 =	vshll.u32 v8, $0x1A;
	v10 =	vmul.u32 v4, v7;
	v11 =	vshll.u32 v6, $0x10  }
0x159: {  	v8 =	vshrl.u32 v8, $0x5;
	v9 =	vand.u32 $0x7C000000, v9;
	v11 =	vand.u32 $0x7FFF0000, v11  }
0x15a: {  	v12 =	vshrl.u32 v10, $0x15;
	v10 =	vshll.u32 v10, $0xA;
	v8 =	vadd.s32 v8, v9  }
0x15b: {  	v7 =	vmul.u32 v5, v7;
	v9 =	vand.u32 $0x7FFFFC00, v10;
	v8 =	vadd.s32 v12, v8  }
0x15c: {  	v6 =	vshrl.u32 v6, $0xF;
	v8 =	vadd.s32 v9, v8  }
0x15d: {  	v6 =	vadd.s32 v6, v11;
	v9 =	vand.u32 $0x7FFFFFFF, v8  }
0x15e: {  	v8 =	vshrl.u32 v8, $0x1F;
	v6 =	vadd.s32 v9, v6  }
0x15f: {  	v6 =	vadd.s32 v8, v6  }
0x160: {  	v8 =	vand.u32 $0x7FFFFFFF, v6  }
0x161: {  	v6 =	vshrl.u32 v6, $0x1F;
	v7 =	vadd.s32 v7, v8  }
0x162: {  	v6 =	vadd.s32 v6, v7  }
0x163: {  	v7 =	vshrl.u32 v6, $0x1F;
	v6 =	vand.u32 $0x7FFFFFFF, v6  }
0x164: {  	v6 =	vadd.s32 v6, v7  }
0x165: {  	v7 =	vadd.s32 $0x80000001, v6  }
0x166: {  	v6 =	vmin.u32 v7, v6  }
0x167: {  	v7 =	vmulhi.u32 $0xEAE205F, v6;
	_ =	sdelay $0x1  }
0x168: {  	v7 =	vshrl.u32 v7, $0xC  }
0x169: {  	v7 =	vmul.u32 $0x11704, v7;
	_ =	sdelay $0x1  }
0x16a: {  	v6 =	vsub.s32 v6, v7  }
0x16b: {  	[tilespmem:s12+$0x600] =	vst v6  }
0x16c: {  	v6 =	vld [tilespmem:$0x250];
	_ =	sdelay $0x1  }
0x16d: {  	v7 =	vld [tilespmem:$0x350];
	_ =	sdelay $0x2  }
0x16e: {  	v8 =	vmul.u32 v4, v6;
	v6 =	vmul.u32 v5, v6;
	_ =	sdelay $0x1  }
0x16f: {  	v9 =	vshll.u32 v8, $0x1A;
	v10 =	vmul.u32 v4, v7;
	v11 =	vshll.u32 v6, $0x10  }
0x170: {  	v8 =	vshrl.u32 v8, $0x5;
	v9 =	vand.u32 $0x7C000000, v9;
	v11 =	vand.u32 $0x7FFF0000, v11  }
0x171: {  	v12 =	vshrl.u32 v10, $0x15;
	v10 =	vshll.u32 v10, $0xA;
	v8 =	vadd.s32 v8, v9  }
0x172: {  	v7 =	vmul.u32 v5, v7;
	v9 =	vand.u32 $0x7FFFFC00, v10;
	v8 =	vadd.s32 v12, v8  }
0x173: {  	v6 =	vshrl.u32 v6, $0xF;
	v8 =	vadd.s32 v9, v8  }
0x174: {  	v6 =	vadd.s32 v6, v11;
	v9 =	vand.u32 $0x7FFFFFFF, v8  }
0x175: {  	v8 =	vshrl.u32 v8, $0x1F;
	v6 =	vadd.s32 v9, v6  }
0x176: {  	v6 =	vadd.s32 v8, v6  }
0x177: {  	v8 =	vand.u32 $0x7FFFFFFF, v6  }
0x178: {  	v6 =	vshrl.u32 v6, $0x1F;
	v7 =	vadd.s32 v7, v8  }
0x179: {  	v6 =	vadd.s32 v6, v7  }
0x17a: {  	v7 =	vshrl.u32 v6, $0x1F;
	v6 =	vand.u32 $0x7FFFFFFF, v6  }
0x17b: {  	v6 =	vadd.s32 v6, v7  }
0x17c: {  	v7 =	vadd.s32 $0x80000001, v6  }
0x17d: {  	v6 =	vmin.u32 v7, v6  }
0x17e: {  	v7 =	vmulhi.u32 $0xEAE205F, v6;
	_ =	sdelay $0x1  }
0x17f: {  	v7 =	vshrl.u32 v7, $0xC  }
0x180: {  	v7 =	vmul.u32 $0x11704, v7;
	_ =	sdelay $0x1  }
0x181: {  	v6 =	vsub.s32 v6, v7  }
0x182: {  	[tilespmem:s12+$0x680] =	vst v6  }
0x183: {  	v6 =	vld [tilespmem:$0x260]  }
0x184: {  	v7 =	vld [tilespmem:$0x360];
	_ =	sdelay $0x3  }
0x185: {  	v8 =	vmul.u32 v4, v6;
	v6 =	vmul.u32 v5, v6  }
0x186: {  	v9 =	vmul.u32 v4, v7;
	v7 =	vmul.u32 v5, v7  }
0x187: {  	v10 =	vshll.u32 v8, $0x1A;
	v11 =	vshll.u32 v6, $0x10  }
0x188: {  	v8 =	vshrl.u32 v8, $0x5;
	v10 =	vand.u32 $0x7C000000, v10;
	v12 =	vshll.u32 v9, $0xA  }
0x189: {  	v9 =	vshrl.u32 v9, $0x15;
	v11 =	vand.u32 $0x7FFF0000, v11;
	v8 =	vadd.s32 v8, v10  }
0x18a: {  	v10 =	vand.u32 $0x7FFFFC00, v12;
	v8 =	vadd.s32 v9, v8  }
0x18b: {  	v6 =	vshrl.u32 v6, $0xF;
	v8 =	vadd.s32 v10, v8  }
0x18c: {  	v6 =	vadd.s32 v6, v11;
	v9 =	vand.u32 $0x7FFFFFFF, v8  }
0x18d: {  	v8 =	vshrl.u32 v8, $0x1F;
	v6 =	vadd.s32 v9, v6  }
0x18e: {  	v6 =	vadd.s32 v8, v6  }
0x18f: {  	v8 =	vand.u32 $0x7FFFFFFF, v6  }
0x190: {  	v6 =	vshrl.u32 v6, $0x1F;
	v7 =	vadd.s32 v7, v8  }
0x191: {  	v6 =	vadd.s32 v6, v7  }
0x192: {  	v7 =	vshrl.u32 v6, $0x1F;
	v6 =	vand.u32 $0x7FFFFFFF, v6  }
0x193: {  	v6 =	vadd.s32 v6, v7  }
0x194: {  	v7 =	vadd.s32 $0x80000001, v6  }
0x195: {  	v6 =	vmin.u32 v7, v6  }
0x196: {  	v7 =	vmulhi.u32 $0xEAE205F, v6;
	_ =	sdelay $0x1  }
0x197: {  	v7 =	vshrl.u32 v7, $0xC  }
0x198: {  	v7 =	vmul.u32 $0x11704, v7;
	_ =	sdelay $0x1  }
0x199: {  	v6 =	vsub.s32 v6, v7  }
0x19a: {  	[tilespmem:s12+$0x700] =	vst v6  }
0x19b: {  	v6 =	vld [tilespmem:$0x270]  }
0x19c: {  	v7 =	vld [tilespmem:$0x370];
	_ =	sdelay $0x3  }
0x19d: {  	v8 =	vmul.u32 v4, v6;
	v6 =	vmul.u32 v5, v6  }
0x19e: {  	v9 =	vmul.u32 v4, v7;
	v7 =	vmul.u32 v5, v7  }
0x19f: {  	v10 =	vshll.u32 v8, $0x1A;
	v11 =	vshll.u32 v6, $0x10  }
0x1a0: {  	v8 =	vshrl.u32 v8, $0x5;
	v10 =	vand.u32 $0x7C000000, v10;
	v12 =	vshll.u32 v9, $0xA  }
0x1a1: {  	v9 =	vshrl.u32 v9, $0x15;
	v11 =	vand.u32 $0x7FFF0000, v11;
	v8 =	vadd.s32 v8, v10  }
0x1a2: {  	v10 =	vand.u32 $0x7FFFFC00, v12;
	v8 =	vadd.s32 v9, v8  }
0x1a3: {  	v6 =	vshrl.u32 v6, $0xF;
	v8 =	vadd.s32 v10, v8  }
0x1a4: {  	v6 =	vadd.s32 v6, v11;
	v9 =	vand.u32 $0x7FFFFFFF, v8  }
0x1a5: {  	v8 =	vshrl.u32 v8, $0x1F;
	v6 =	vadd.s32 v9, v6  }
0x1a6: {  	v6 =	vadd.s32 v8, v6  }
0x1a7: {  	v8 =	vand.u32 $0x7FFFFFFF, v6  }
0x1a8: {  	v6 =	vshrl.u32 v6, $0x1F;
	v7 =	vadd.s32 v7, v8  }
0x1a9: {  	v6 =	vadd.s32 v6, v7  }
0x1aa: {  	v7 =	vshrl.u32 v6, $0x1F;
	v6 =	vand.u32 $0x7FFFFFFF, v6  }
0x1ab: {  	v6 =	vadd.s32 v6, v7  }
0x1ac: {  	v7 =	vadd.s32 $0x80000001, v6  }
0x1ad: {  	v6 =	vmin.u32 v7, v6  }
0x1ae: {  	v7 =	vmulhi.u32 $0xEAE205F, v6;
	_ =	sdelay $0x1  }
0x1af: {  	v7 =	vshrl.u32 v7, $0xC  }
0x1b0: {  	v7 =	vmul.u32 $0x11704, v7;
	_ =	sdelay $0x1  }
0x1b1: {  	v6 =	vsub.s32 v6, v7  }
0x1b2: {  	[tilespmem:s12+$0x780] =	vst v6  }
0x1b3: {  	v6 =	vld [tilespmem:$0x280]  }
0x1b4: {  	v7 =	vld [tilespmem:$0x380];
	_ =	sdelay $0x3  }
0x1b5: {  	v8 =	vmul.u32 v4, v6;
	v6 =	vmul.u32 v5, v6  }
0x1b6: {  	v4 =	vmul.u32 v4, v7;
	v5 =	vmul.u32 v5, v7  }
0x1b7: {  	v7 =	vshll.u32 v8, $0x1A;
	v9 =	vshll.u32 v6, $0x10  }
0x1b8: {  	v8 =	vshrl.u32 v8, $0x5;
	v7 =	vand.u32 $0x7C000000, v7;
	v10 =	vshll.u32 v4, $0xA  }
0x1b9: {  	v4 =	vshrl.u32 v4, $0x15;
	v9 =	vand.u32 $0x7FFF0000, v9;
	v7 =	vadd.s32 v8, v7  }
0x1ba: {  	v8 =	vand.u32 $0x7FFFFC00, v10;
	v4 =	vadd.s32 v4, v7  }
0x1bb: {  	v6 =	vshrl.u32 v6, $0xF;
	v4 =	vadd.s32 v8, v4  }
0x1bc: {  	v6 =	vadd.s32 v6, v9;
	v7 =	vand.u32 $0x7FFFFFFF, v4  }
0x1bd: {  	v4 =	vshrl.u32 v4, $0x1F;
	v6 =	vadd.s32 v7, v6  }
0x1be: {  	v4 =	vadd.s32 v4, v6  }
0x1bf: {  	v6 =	vand.u32 $0x7FFFFFFF, v4  }
0x1c0: {  	v4 =	vshrl.u32 v4, $0x1F;
	v5 =	vadd.s32 v5, v6  }
0x1c1: {  	v4 =	vadd.s32 v4, v5  }
0x1c2: {  	v5 =	vshrl.u32 v4, $0x1F;
	v4 =	vand.u32 $0x7FFFFFFF, v4  }
0x1c3: {  	v4 =	vadd.s32 v4, v5  }
0x1c4: {  	v5 =	vadd.s32 $0x80000001, v4  }
0x1c5: {  	v4 =	vmin.u32 v5, v4  }
0x1c6: {  	v5 =	vmulhi.u32 $0x431BDE83, v4;
	_ =	sdelay $0x1  }
0x1c7: {  	v5 =	vshrl.u32 v5, $0x11  }
.Ltmp0:
0x1c8: {  	v5 =	vmul.u32 $0x7A120, v5;
	(pc) =	sbr.rel @p0 .LBB2_3-.Ltmp0, $4  }
0x1c9: {  	_ = 	snop  }
0x1ca: {  	v4 =	vsub.s32 v4, v5  }
0x1cb: {  	v5 =	vshrl.u32 v4, $0x4  }
0x1cc: {  	s15 =	smov.u32 s14;
	v4 =	vand.u32 $0xF, v4;
	[tilespmem:s12+$0x800] =	vst v5  }
0x1cd: {  	_ =	sdelay $0x2  }
0x1ce: {  	s9 =	sshra.s32 s9, $0x2;
	[tilespmem:s7+$0x0] =	vst v4  }
0x1cf: {  	v3 =	vld.idx.msk [tilespmem:v3+s9+$0x0 ss:$0x1], $0xffff  }
0x1d0: {  	v5 =	vld [tilespmem:$0x200];
	_ =	sdelay $0x1  }
0x1d1: {  	v6 =	vld [tilespmem:$0x300];
	_ =	sdelay $0x1  }
0x1d2: {  	v4 =	vshrl.u32 v3, $0xA  }
0x1d3: {  	v7 =	vmul.u32 v5, v4;
	_ =	sdelay $0x1  }
0x1d4: {  	v3 =	vand.u32 $0x3FF, v3;
	v8 =	vmul.u32 v4, v6;
	v9 =	vshll.u32 v7, $0x1A  }
0x1d5: {  	v5 =	vmul.u32 v5, v3;
	v7 =	vshrl.u32 v7, $0x5;
	v9 =	vand.u32 $0x7C000000, v9  }
0x1d6: {  	v10 =	vshll.u32 v8, $0xA;
	v8 =	vshrl.u32 v8, $0x15;
	v7 =	vadd.s32 v7, v9  }
0x1d7: {  	v10 =	vand.u32 $0x7FFFFC00, v10;
	v9 =	vshll.u32 v5, $0x10;
	v7 =	vadd.s32 v8, v7  }
0x1d8: {  	v5 =	vshrl.u32 v5, $0xF;
	v8 =	vand.u32 $0x7FFF0000, v9;
	v7 =	vadd.s32 v10, v7  }
0x1d9: {  	v5 =	vadd.s32 v5, v8;
	v9 =	vand.u32 $0x7FFFFFFF, v7  }
0x1da: {  	v7 =	vshrl.u32 v7, $0x1F;
	v5 =	vadd.s32 v9, v5  }
0x1db: {  	v6 =	vmul.u32 v3, v6;
	v5 =	vadd.s32 v7, v5  }
0x1dc: {  	v7 =	vand.u32 $0x7FFFFFFF, v5  }
0x1dd: {  	v5 =	vshrl.u32 v5, $0x1F;
	v6 =	vadd.s32 v6, v7  }
0x1de: {  	v5 =	vadd.s32 v5, v6  }
0x1df: {  	v6 =	vshrl.u32 v5, $0x1F;
	v5 =	vand.u32 $0x7FFFFFFF, v5  }
0x1e0: {  	v5 =	vadd.s32 v5, v6  }
0x1e1: {  	v6 =	vadd.s32 $0x80000001, v5  }
0x1e2: {  	v5 =	vmin.u32 v6, v5  }
0x1e3: {  	v6 =	vmulhi.u32 $0xEAE205F, v5;
	_ =	sdelay $0x1  }
0x1e4: {  	v6 =	vshrl.u32 v6, $0xC  }
0x1e5: {  	v6 =	vmul.u32 $0x11704, v6;
	_ =	sdelay $0x1  }
0x1e6: {  	v5 =	vsub.s32 v5, v6  }
0x1e7: {  	[tilespmem:s9+$0x400] =	vst v5  }
0x1e8: {  	v5 =	vld [tilespmem:$0x210];
	_ =	sdelay $0x1  }
0x1e9: {  	v6 =	vld [tilespmem:$0x310];
	_ =	sdelay $0x2  }
0x1ea: {  	v7 =	vmul.u32 v4, v5;
	_ =	sdelay $0x1  }
0x1eb: {  	v9 =	vmul.u32 v4, v6;
	v8 =	vshll.u32 v7, $0x1A  }
0x1ec: {  	v5 =	vmul.u32 v3, v5;
	v7 =	vshrl.u32 v7, $0x5;
	v8 =	vand.u32 $0x7C000000, v8  }
0x1ed: {  	v10 =	vshrl.u32 v9, $0x15;
	v9 =	vshll.u32 v9, $0xA;
	v7 =	vadd.s32 v7, v8  }
0x1ee: {  	v9 =	vand.u32 $0x7FFFFC00, v9;
	v8 =	vshll.u32 v5, $0x10;
	v7 =	vadd.s32 v10, v7  }
0x1ef: {  	v5 =	vshrl.u32 v5, $0xF;
	v8 =	vand.u32 $0x7FFF0000, v8;
	v7 =	vadd.s32 v9, v7  }
0x1f0: {  	v5 =	vadd.s32 v5, v8;
	v9 =	vand.u32 $0x7FFFFFFF, v7  }
0x1f1: {  	v7 =	vshrl.u32 v7, $0x1F;
	v5 =	vadd.s32 v9, v5  }
0x1f2: {  	v6 =	vmul.u32 v3, v6;
	v5 =	vadd.s32 v7, v5  }
0x1f3: {  	v7 =	vand.u32 $0x7FFFFFFF, v5  }
0x1f4: {  	v5 =	vshrl.u32 v5, $0x1F;
	v6 =	vadd.s32 v6, v7  }
0x1f5: {  	v5 =	vadd.s32 v5, v6  }
0x1f6: {  	v6 =	vshrl.u32 v5, $0x1F;
	v5 =	vand.u32 $0x7FFFFFFF, v5  }
0x1f7: {  	v5 =	vadd.s32 v5, v6  }
0x1f8: {  	v6 =	vadd.s32 $0x80000001, v5  }
0x1f9: {  	v5 =	vmin.u32 v6, v5  }
0x1fa: {  	v6 =	vmulhi.u32 $0xEAE205F, v5;
	_ =	sdelay $0x1  }
0x1fb: {  	v6 =	vshrl.u32 v6, $0xC  }
0x1fc: {  	v6 =	vmul.u32 $0x11704, v6;
	_ =	sdelay $0x1  }
0x1fd: {  	v5 =	vsub.s32 v5, v6  }
0x1fe: {  	[tilespmem:s9+$0x480] =	vst v5  }
0x1ff: {  	v5 =	vld [tilespmem:$0x220];
	_ =	sdelay $0x1  }
0x200: {  	v6 =	vld [tilespmem:$0x320];
	_ =	sdelay $0x2  }
0x201: {  	v7 =	vmul.u32 v4, v5;
	_ =	sdelay $0x1  }
0x202: {  	v9 =	vmul.u32 v4, v6;
	v8 =	vshll.u32 v7, $0x1A  }
0x203: {  	v5 =	vmul.u32 v3, v5;
	v7 =	vshrl.u32 v7, $0x5;
	v8 =	vand.u32 $0x7C000000, v8  }
0x204: {  	v10 =	vshrl.u32 v9, $0x15;
	v9 =	vshll.u32 v9, $0xA;
	v7 =	vadd.s32 v7, v8  }
0x205: {  	v9 =	vand.u32 $0x7FFFFC00, v9;
	v8 =	vshll.u32 v5, $0x10;
	v7 =	vadd.s32 v10, v7  }
0x206: {  	v5 =	vshrl.u32 v5, $0xF;
	v8 =	vand.u32 $0x7FFF0000, v8;
	v7 =	vadd.s32 v9, v7  }
0x207: {  	v5 =	vadd.s32 v5, v8;
	v9 =	vand.u32 $0x7FFFFFFF, v7  }
0x208: {  	v7 =	vshrl.u32 v7, $0x1F;
	v5 =	vadd.s32 v9, v5  }
0x209: {  	v6 =	vmul.u32 v3, v6;
	v5 =	vadd.s32 v7, v5  }
0x20a: {  	v7 =	vand.u32 $0x7FFFFFFF, v5  }
0x20b: {  	v5 =	vshrl.u32 v5, $0x1F;
	v6 =	vadd.s32 v6, v7  }
0x20c: {  	v5 =	vadd.s32 v5, v6  }
0x20d: {  	v6 =	vshrl.u32 v5, $0x1F;
	v5 =	vand.u32 $0x7FFFFFFF, v5  }
0x20e: {  	v5 =	vadd.s32 v5, v6  }
0x20f: {  	v6 =	vadd.s32 $0x80000001, v5  }
0x210: {  	v5 =	vmin.u32 v6, v5  }
0x211: {  	v6 =	vmulhi.u32 $0xEAE205F, v5;
	_ =	sdelay $0x1  }
0x212: {  	v6 =	vshrl.u32 v6, $0xC  }
0x213: {  	v6 =	vmul.u32 $0x11704, v6;
	_ =	sdelay $0x1  }
0x214: {  	v5 =	vsub.s32 v5, v6  }
0x215: {  	[tilespmem:s9+$0x500] =	vst v5  }
0x216: {  	v5 =	vld [tilespmem:$0x230];
	_ =	sdelay $0x1  }
0x217: {  	v6 =	vld [tilespmem:$0x330];
	_ =	sdelay $0x2  }
0x218: {  	v7 =	vmul.u32 v4, v5;
	_ =	sdelay $0x1  }
0x219: {  	v9 =	vmul.u32 v4, v6;
	v8 =	vshll.u32 v7, $0x1A  }
0x21a: {  	v5 =	vmul.u32 v3, v5;
	v7 =	vshrl.u32 v7, $0x5;
	v8 =	vand.u32 $0x7C000000, v8  }
0x21b: {  	v10 =	vshrl.u32 v9, $0x15;
	v9 =	vshll.u32 v9, $0xA;
	v7 =	vadd.s32 v7, v8  }
0x21c: {  	v9 =	vand.u32 $0x7FFFFC00, v9;
	v8 =	vshll.u32 v5, $0x10;
	v7 =	vadd.s32 v10, v7  }
0x21d: {  	v5 =	vshrl.u32 v5, $0xF;
	v8 =	vand.u32 $0x7FFF0000, v8;
	v7 =	vadd.s32 v9, v7  }
0x21e: {  	v5 =	vadd.s32 v5, v8;
	v9 =	vand.u32 $0x7FFFFFFF, v7  }
0x21f: {  	v7 =	vshrl.u32 v7, $0x1F;
	v5 =	vadd.s32 v9, v5  }
0x220: {  	v6 =	vmul.u32 v3, v6;
	v5 =	vadd.s32 v7, v5  }
0x221: {  	v7 =	vand.u32 $0x7FFFFFFF, v5  }
0x222: {  	v5 =	vshrl.u32 v5, $0x1F;
	v6 =	vadd.s32 v6, v7  }
0x223: {  	v5 =	vadd.s32 v5, v6  }
0x224: {  	v6 =	vshrl.u32 v5, $0x1F;
	v5 =	vand.u32 $0x7FFFFFFF, v5  }
0x225: {  	v5 =	vadd.s32 v5, v6  }
0x226: {  	v6 =	vadd.s32 $0x80000001, v5  }
0x227: {  	v5 =	vmin.u32 v6, v5  }
0x228: {  	v6 =	vmulhi.u32 $0xEAE205F, v5;
	_ =	sdelay $0x1  }
0x229: {  	v6 =	vshrl.u32 v6, $0xC  }
0x22a: {  	v6 =	vmul.u32 $0x11704, v6;
	_ =	sdelay $0x1  }
0x22b: {  	v5 =	vsub.s32 v5, v6  }
0x22c: {  	[tilespmem:s9+$0x580] =	vst v5  }
0x22d: {  	v5 =	vld [tilespmem:$0x240];
	_ =	sdelay $0x1  }
0x22e: {  	v6 =	vld [tilespmem:$0x340];
	_ =	sdelay $0x2  }
0x22f: {  	v7 =	vmul.u32 v4, v5;
	_ =	sdelay $0x1  }
0x230: {  	v9 =	vmul.u32 v4, v6;
	v8 =	vshll.u32 v7, $0x1A  }
0x231: {  	v5 =	vmul.u32 v3, v5;
	v7 =	vshrl.u32 v7, $0x5;
	v8 =	vand.u32 $0x7C000000, v8  }
0x232: {  	v10 =	vshrl.u32 v9, $0x15;
	v9 =	vshll.u32 v9, $0xA;
	v7 =	vadd.s32 v7, v8  }
0x233: {  	v9 =	vand.u32 $0x7FFFFC00, v9;
	v8 =	vshll.u32 v5, $0x10;
	v7 =	vadd.s32 v10, v7  }
0x234: {  	v5 =	vshrl.u32 v5, $0xF;
	v8 =	vand.u32 $0x7FFF0000, v8;
	v7 =	vadd.s32 v9, v7  }
0x235: {  	v5 =	vadd.s32 v5, v8;
	v9 =	vand.u32 $0x7FFFFFFF, v7  }
0x236: {  	v7 =	vshrl.u32 v7, $0x1F;
	v5 =	vadd.s32 v9, v5  }
0x237: {  	v6 =	vmul.u32 v3, v6;
	v5 =	vadd.s32 v7, v5  }
0x238: {  	v7 =	vand.u32 $0x7FFFFFFF, v5  }
0x239: {  	v5 =	vshrl.u32 v5, $0x1F;
	v6 =	vadd.s32 v6, v7  }
0x23a: {  	v5 =	vadd.s32 v5, v6  }
0x23b: {  	v6 =	vshrl.u32 v5, $0x1F;
	v5 =	vand.u32 $0x7FFFFFFF, v5  }
0x23c: {  	v5 =	vadd.s32 v5, v6  }
0x23d: {  	v6 =	vadd.s32 $0x80000001, v5  }
0x23e: {  	v5 =	vmin.u32 v6, v5  }
0x23f: {  	v6 =	vmulhi.u32 $0xEAE205F, v5;
	_ =	sdelay $0x1  }
0x240: {  	v6 =	vshrl.u32 v6, $0xC  }
0x241: {  	v6 =	vmul.u32 $0x11704, v6;
	_ =	sdelay $0x1  }
0x242: {  	v5 =	vsub.s32 v5, v6  }
0x243: {  	[tilespmem:s9+$0x600] =	vst v5  }
0x244: {  	v5 =	vld [tilespmem:$0x250];
	_ =	sdelay $0x1  }
0x245: {  	v6 =	vld [tilespmem:$0x350];
	_ =	sdelay $0x2  }
0x246: {  	v7 =	vmul.u32 v4, v5;
	_ =	sdelay $0x1  }
0x247: {  	v9 =	vmul.u32 v4, v6;
	v8 =	vshll.u32 v7, $0x1A  }
0x248: {  	v5 =	vmul.u32 v3, v5;
	v7 =	vshrl.u32 v7, $0x5;
	v8 =	vand.u32 $0x7C000000, v8  }
0x249: {  	v10 =	vshrl.u32 v9, $0x15;
	v9 =	vshll.u32 v9, $0xA;
	v7 =	vadd.s32 v7, v8  }
0x24a: {  	v9 =	vand.u32 $0x7FFFFC00, v9;
	v8 =	vshll.u32 v5, $0x10;
	v7 =	vadd.s32 v10, v7  }
0x24b: {  	v5 =	vshrl.u32 v5, $0xF;
	v8 =	vand.u32 $0x7FFF0000, v8;
	v7 =	vadd.s32 v9, v7  }
0x24c: {  	v5 =	vadd.s32 v5, v8;
	v9 =	vand.u32 $0x7FFFFFFF, v7  }
0x24d: {  	v7 =	vshrl.u32 v7, $0x1F;
	v5 =	vadd.s32 v9, v5  }
0x24e: {  	v6 =	vmul.u32 v3, v6;
	v5 =	vadd.s32 v7, v5  }
0x24f: {  	v7 =	vand.u32 $0x7FFFFFFF, v5  }
0x250: {  	v5 =	vshrl.u32 v5, $0x1F;
	v6 =	vadd.s32 v6, v7  }
0x251: {  	v5 =	vadd.s32 v5, v6  }
0x252: {  	v6 =	vshrl.u32 v5, $0x1F;
	v5 =	vand.u32 $0x7FFFFFFF, v5  }
0x253: {  	v5 =	vadd.s32 v5, v6  }
0x254: {  	v6 =	vadd.s32 $0x80000001, v5  }
0x255: {  	v5 =	vmin.u32 v6, v5  }
0x256: {  	v6 =	vmulhi.u32 $0xEAE205F, v5;
	_ =	sdelay $0x1  }
0x257: {  	v6 =	vshrl.u32 v6, $0xC  }
0x258: {  	v6 =	vmul.u32 $0x11704, v6;
	_ =	sdelay $0x1  }
0x259: {  	v5 =	vsub.s32 v5, v6  }
0x25a: {  	[tilespmem:s9+$0x680] =	vst v5  }
0x25b: {  	v5 =	vld [tilespmem:$0x260];
	_ =	sdelay $0x1  }
0x25c: {  	v6 =	vld [tilespmem:$0x360];
	_ =	sdelay $0x2  }
0x25d: {  	v7 =	vmul.u32 v4, v5;
	_ =	sdelay $0x1  }
0x25e: {  	v8 =	vmul.u32 v4, v6;
	v9 =	vshll.u32 v7, $0x1A  }
0x25f: {  	v5 =	vmul.u32 v3, v5;
	v7 =	vshrl.u32 v7, $0x5;
	v9 =	vand.u32 $0x7C000000, v9  }
0x260: {  	v10 =	vshll.u32 v8, $0xA;
	v8 =	vshrl.u32 v8, $0x15;
	v7 =	vadd.s32 v7, v9  }
0x261: {  	v10 =	vand.u32 $0x7FFFFC00, v10;
	v9 =	vshll.u32 v5, $0x10;
	v7 =	vadd.s32 v8, v7  }
0x262: {  	v5 =	vshrl.u32 v5, $0xF;
	v8 =	vand.u32 $0x7FFF0000, v9;
	v7 =	vadd.s32 v10, v7  }
0x263: {  	v5 =	vadd.s32 v5, v8;
	v9 =	vand.u32 $0x7FFFFFFF, v7  }
0x264: {  	v7 =	vshrl.u32 v7, $0x1F;
	v5 =	vadd.s32 v9, v5  }
0x265: {  	v6 =	vmul.u32 v3, v6;
	v5 =	vadd.s32 v7, v5  }
0x266: {  	v7 =	vand.u32 $0x7FFFFFFF, v5  }
0x267: {  	v5 =	vshrl.u32 v5, $0x1F;
	v6 =	vadd.s32 v6, v7  }
0x268: {  	v5 =	vadd.s32 v5, v6  }
0x269: {  	v6 =	vshrl.u32 v5, $0x1F;
	v5 =	vand.u32 $0x7FFFFFFF, v5  }
0x26a: {  	v5 =	vadd.s32 v5, v6  }
0x26b: {  	v6 =	vadd.s32 $0x80000001, v5  }
0x26c: {  	v5 =	vmin.u32 v6, v5  }
0x26d: {  	v6 =	vmulhi.u32 $0xEAE205F, v5;
	_ =	sdelay $0x1  }
0x26e: {  	v6 =	vshrl.u32 v6, $0xC  }
0x26f: {  	v6 =	vmul.u32 $0x11704, v6;
	_ =	sdelay $0x1  }
0x270: {  	v5 =	vsub.s32 v5, v6  }
0x271: {  	[tilespmem:s9+$0x700] =	vst v5  }
0x272: {  	v5 =	vld [tilespmem:$0x270];
	_ =	sdelay $0x1  }
0x273: {  	v6 =	vld [tilespmem:$0x370];
	_ =	sdelay $0x2  }
0x274: {  	v7 =	vmul.u32 v4, v5;
	_ =	sdelay $0x1  }
0x275: {  	v8 =	vmul.u32 v4, v6;
	v9 =	vshll.u32 v7, $0x1A  }
0x276: {  	v5 =	vmul.u32 v3, v5;
	v7 =	vshrl.u32 v7, $0x5;
	v9 =	vand.u32 $0x7C000000, v9  }
0x277: {  	v10 =	vshll.u32 v8, $0xA;
	v8 =	vshrl.u32 v8, $0x15;
	v7 =	vadd.s32 v7, v9  }
0x278: {  	v10 =	vand.u32 $0x7FFFFC00, v10;
	v9 =	vshll.u32 v5, $0x10;
	v7 =	vadd.s32 v8, v7  }
0x279: {  	v5 =	vshrl.u32 v5, $0xF;
	v8 =	vand.u32 $0x7FFF0000, v9;
	v7 =	vadd.s32 v10, v7  }
0x27a: {  	v5 =	vadd.s32 v5, v8;
	v9 =	vand.u32 $0x7FFFFFFF, v7  }
0x27b: {  	v7 =	vshrl.u32 v7, $0x1F;
	v5 =	vadd.s32 v9, v5  }
0x27c: {  	v6 =	vmul.u32 v3, v6;
	v5 =	vadd.s32 v7, v5  }
0x27d: {  	v7 =	vand.u32 $0x7FFFFFFF, v5  }
0x27e: {  	v5 =	vshrl.u32 v5, $0x1F;
	v6 =	vadd.s32 v6, v7  }
0x27f: {  	v5 =	vadd.s32 v5, v6  }
0x280: {  	v6 =	vshrl.u32 v5, $0x1F;
	v5 =	vand.u32 $0x7FFFFFFF, v5  }
0x281: {  	v5 =	vadd.s32 v5, v6  }
0x282: {  	v6 =	vadd.s32 $0x80000001, v5  }
0x283: {  	v5 =	vmin.u32 v6, v5  }
0x284: {  	v6 =	vmulhi.u32 $0xEAE205F, v5;
	_ =	sdelay $0x1  }
0x285: {  	v6 =	vshrl.u32 v6, $0xC  }
0x286: {  	v6 =	vmul.u32 $0x11704, v6;
	_ =	sdelay $0x1  }
0x287: {  	v5 =	vsub.s32 v5, v6  }
0x288: {  	[tilespmem:s9+$0x780] =	vst v5  }
0x289: {  	v5 =	vld [tilespmem:$0x280];
	_ =	sdelay $0x1  }
0x28a: {  	v6 =	vld [tilespmem:$0x380];
	_ =	sdelay $0x2  }
0x28b: {  	v7 =	vmul.u32 v4, v5;
	_ =	sdelay $0x1  }
0x28c: {  	v4 =	vmul.u32 v4, v6;
	v8 =	vshll.u32 v7, $0x1A  }
0x28d: {  	v5 =	vmul.u32 v3, v5;
	v7 =	vshrl.u32 v7, $0x5;
	v8 =	vand.u32 $0x7C000000, v8  }
0x28e: {  	v9 =	vshll.u32 v4, $0xA;
	v4 =	vshrl.u32 v4, $0x15;
	v7 =	vadd.s32 v7, v8  }
0x28f: {  	v9 =	vand.u32 $0x7FFFFC00, v9;
	v8 =	vshll.u32 v5, $0x10;
	v4 =	vadd.s32 v4, v7  }
0x290: {  	v5 =	vshrl.u32 v5, $0xF;
	v7 =	vand.u32 $0x7FFF0000, v8;
	v4 =	vadd.s32 v9, v4  }
0x291: {  	v5 =	vadd.s32 v5, v7;
	v8 =	vand.u32 $0x7FFFFFFF, v4  }
0x292: {  	v4 =	vshrl.u32 v4, $0x1F;
	v5 =	vadd.s32 v8, v5  }
0x293: {  	v3 =	vmul.u32 v3, v6;
	v4 =	vadd.s32 v4, v5  }
0x294: {  	v5 =	vand.u32 $0x7FFFFFFF, v4  }
0x295: {  	v4 =	vshrl.u32 v4, $0x1F;
	v3 =	vadd.s32 v3, v5  }
0x296: {  	v3 =	vadd.s32 v4, v3  }
0x297: {  	v4 =	vshrl.u32 v3, $0x1F;
	v3 =	vand.u32 $0x7FFFFFFF, v3  }
0x298: {  	v3 =	vadd.s32 v3, v4  }
0x299: {  	v4 =	vadd.s32 $0x80000001, v3  }
0x29a: {  	v3 =	vmin.u32 v4, v3  }
0x29b: {  	v4 =	vmulhi.u32 $0x431BDE83, v3;
	_ =	sdelay $0x1  }
0x29c: {  	v4 =	vshrl.u32 v4, $0x11  }
0x29d: {  	v4 =	vmul.u32 $0x7A120, v4;
	_ =	sdelay $0x1  }
0x29e: {  	v3 =	vsub.s32 v3, v4  }
0x29f: {  	v4 =	vshrl.u32 v3, $0x4  }
0x2a0: {  	s17 =	sadd.s32 $0x80, s7;
	v3 =	vand.u32 $0xF, v3;
	[tilespmem:s9+$0x800] =	vst v4  }
0x2a1: {  	s12 =	simm.s32 $0x400;
	s14 =	simm.s32 $0xA80;
	[tilespmem:s17+$0x0] =	vst v3  }
0x2a2: {  	[tilespmem:s14], [sflag:$0x1] =	stream.indirect.gather [hbm4b:s3+s13], $0x80, s12, s13, $0xb8;
	[tilespmem:$0x14A80] =	vst v63  }
0x2a3: {  	s15 =	simm.s32 $0x480;
	s16 =	simm.s32 $0x2A80  }
0x2a4: {  	[tilespmem:s16], [sflag:$0x1] =	stream.indirect.gather [hbm4b:s3+s13], $0x80, s15, s13, $0xb8;
	[tilespmem:$0x14A80] =	vst v63  }
0x2a5: {  	_ = 	snop  }
0x2a6: {  	[tilespmem:s19], [sflag:$0x1] =	stream.indirect.gather [hbm4b:s3+s13], $0x80, s18, s13, $0xb8;
	[tilespmem:$0x14A80] =	vst v63  }
0x2a7: {  	_ = 	snop  }
0x2a8: {  	[tilespmem:s21], [sflag:$0x1] =	stream.indirect.gather [hbm4b:s3+s13], $0x80, s20, s13, $0xb8;
	[tilespmem:$0x14A80] =	vst v63  }
0x2a9: {  	_ = 	snop  }
0x2aa: {  	[tilespmem:s23], [sflag:$0x1] =	stream.indirect.gather [hbm4b:s3+s13], $0x80, s22, s13, $0xb8;
	[tilespmem:$0x14A80] =	vst v63  }
0x2ab: {  	_ = 	snop  }
0x2ac: {  	[tilespmem:s25], [sflag:$0x1] =	stream.indirect.gather [hbm4b:s3+s13], $0x80, s24, s13, $0xb8;
	[tilespmem:$0x14A80] =	vst v63  }
0x2ad: {  	_ = 	snop  }
0x2ae: {  	[tilespmem:s28], [sflag:$0x1] =	stream.indirect.gather [hbm4b:s3+s13], $0x80, s26, s13, $0xb8;
	[tilespmem:$0x14A80] =	vst v63  }
0x2af: {  	_ = 	snop  }
0x2b0: {  	[tilespmem:s30], [sflag:$0x1] =	stream.indirect.gather [hbm4b:s3+s13], $0x80, s29, s13, $0xb8;
	[tilespmem:$0x14A80] =	vst v63  }
0x2b1: {  	_ = 	snop  }
0x2b2: {  	[tilespmem:s0], [sflag:$0x1] =	stream.indirect.gather [hbm4b:s4+s13], $0x80, s31, s13, $0xb8;
	[tilespmem:$0x14A80] =	vst v63  }
0x2b3: {  	_ =	swait.ge [sflag:s2], $0x2000  }
0x2b4: {  	[sflag:s2] =	ssyncset.done $0x0  }
0x2b5: {  	[sflag:s2] =	ssyncadd.s32 $0xFFFFE000  }
0x2b6: {  	_ =	swait.ge [sflag:s2], $0x2000  }
0x2b7: {  	[sflag:s2] =	ssyncset.done $0x0  }
0x2b8: {  	[sflag:s2] =	ssyncadd.s32 $0xFFFFE000  }
0x2b9: {  	_ =	swait.ge [sflag:s2], $0x2000  }
0x2ba: {  	[sflag:s2] =	ssyncset.done $0x0  }
0x2bb: {  	[sflag:s2] =	ssyncadd.s32 $0xFFFFE000  }
0x2bc: {  	_ =	swait.ge [sflag:s2], $0x2000  }
0x2bd: {  	[sflag:s2] =	ssyncset.done $0x0  }
0x2be: {  	[sflag:s2] =	ssyncadd.s32 $0xFFFFE000  }
0x2bf: {  	_ =	swait.ge [sflag:s2], $0x2000  }
0x2c0: {  	[sflag:s2] =	ssyncset.done $0x0  }
0x2c1: {  	[sflag:s2] =	ssyncadd.s32 $0xFFFFE000  }
0x2c2: {  	_ =	swait.ge [sflag:s2], $0x2000  }
0x2c3: {  	[sflag:s2] =	ssyncset.done $0x0  }
0x2c4: {  	[sflag:s2] =	ssyncadd.s32 $0xFFFFE000  }
0x2c5: {  	_ =	swait.ge [sflag:s2], $0x2000  }
0x2c6: {  	[sflag:s2] =	ssyncset.done $0x0  }
0x2c7: {  	[sflag:s2] =	ssyncadd.s32 $0xFFFFE000  }
0x2c8: {  	_ =	swait.ge [sflag:s2], $0x2000  }
0x2c9: {  	[sflag:s2] =	ssyncset.done $0x0  }
0x2ca: {  	[sflag:s2] =	ssyncadd.s32 $0xFFFFE000  }
0x2cb: {  	_ =	swait.ge [sflag:s2], $0x2000  }
0x2cc: {  	[sflag:s2] =	ssyncset.done $0x0  }
0x2cd: {  	s7 =	simm.s32 $0x0;
	[sflag:s2] =	ssyncadd.s32 $0xFFFFE000  }
0x2ce: {  	v13 =	vld [tilespmem:s7+$0x8A80]  }
0x2cf: {  	v3 =	vld [tilespmem:s7+$0x10AB0]  }
0x2d0: {  	v14 =	vld [tilespmem:s7+$0xAA8]  }
0x2d1: {  	v4 =	vld [tilespmem:s7+$0x10AA0]  }
0x2d2: {  	v16 =	vld [tilespmem:s7+$0x8AA8]  }
0x2d3: {  	v5 =	vld [tilespmem:s7+$0x10A90]  }
0x2d4: {  	v6 =	vld [tilespmem:s7+$0x10A80]  }
0x2d5: {  	s17 =	simm.s32 $0x0;
	v7 =	vld [tilespmem:s7+$0x10AE0]  }
0x2d6: {  	s12 =	sand.u32 $0x600, s17;
	v19 =	vld [tilespmem:s7+$0xA80]  }
0x2d7: {  	s12 =	sshrl.u32 s12, $0x2;
	v8 =	vld [tilespmem:s7+$0xA90]  }
0x2d8: {  	v10 =	vld [tilespmem:s12+$0x880]  }
0x2d9: {  	v9 =	vld [tilespmem:s7+$0x6AA0]  }
0x2da: {  	v15 =	vld [tilespmem:s7+$0x8A90]  }
0x2db: {  	v11 =	vld [tilespmem:s7+$0x8AA0]  }
0x2dc: {  	v17 =	vmov s17;
	v12 =	vld [tilespmem:s7+$0x10AC0]  }
0x2dd: {  	v20 =	vld [tilespmem:s7+$0x2A80];
	v10 =	vperm.xlane v10, v17  }
0x2de: {  	v17 =	vld [tilespmem:s7+$0x10AD0]  }
0x2df: {  	v21 =	vld [tilespmem:s7+$0x4AA8];
	v23 =	vand.u32 $0xF, v10  }
0x2e0: {  	v18 =	vld [tilespmem:s7+$0x4A80];
	v24 =	vperm.xlane v5, v23;
	v25 =	vperm.xlane v4, v23  }
0x2e1: {  	v22 =	vld [tilespmem:s7+$0x4A90];
	v29 =	vperm.xlane v3, v23;
	v30 =	vperm.xlane v12, v23  }
0x2e2: {  	v26 =	vld [tilespmem:s7+$0x4AA0];
	v31 =	vperm.xlane v6, v23;
	v10 =	vperm.xlane v7, v23  }
0x2e3: {  	v27 =	vld [tilespmem:s7+$0x2AA0];
	v12 =	vperm.xlane v17, v23;
	v32 =	vmul.f32 v20, v24  }
0x2e4: {  	v28 =	vld [tilespmem:s7+$0xAA0];
	v3 =	vsel vm2, $0x3E000000, v0;
	v11 =	vmul.f32 v11, v30;
	v35 =	vmul.f32 v21, v25  }
0x2e5: {  	v36 =	vld [tilespmem:s7+$0x2AA8];
	v6 =	vsel vm1, $0x3E000000, v0;
	v33 =	vmul.f32 v3, v25;
	v37 =	vmul.f32 v9, v29  }
0x2e6: {  	v40 =	vld [tilespmem:s7+$0xAA90];
	v5 =	vsel vm3, $0x3E000000, v0;
	v34 =	vmul.f32 v15, v30;
	v38 =	vmul.f32 v6, v24  }
0x2e7: {  	v43 =	vld [tilespmem:s7+$0x6AA8];
	v17 =	vmul.f32 v5, v29;
	v39 =	vmul.f32 v18, v25  }
0x2e8: {  	v4 =	vld [tilespmem:s7+$0x2A90];
	v41 =	vmul.f32 v26, v25;
	v18 =	vmul.f32 v8, v31  }
0x2e9: {  	v20 =	vld [tilespmem:s7+$0x6A90];
	v45 =	vmul.f32 v28, v31;
	v46 =	vmul.f32 v27, v24  }
0x2ea: {  	v47 =	vld [tilespmem:s7+$0xAAA0];
	v36 =	vmul.f32 v36, v24;
	v62 =	vmul.f32 v19, v31  }
0x2eb: {  	v63 =	vld [tilespmem:s7+$0xCA90];
	v7 =	vsel vm5, $0x3E000000, v0;
	v27 =	vmul.f32 v13, v30;
	v14 =	vmul.f32 v14, v31  }
0x2ec: {  	v21 =	vld [tilespmem:s7+$0x6A80];
	v8 =	vsel vm0, $0x3E000000, v0;
	v13 =	vmul.f32 v43, v29;
	v16 =	vmul.f32 v16, v30  }
0x2ed: {  	v26 =	vld [tilespmem:s7+$0xAA80];
	v15 =	vmul.f32 v7, v12;
	v14 =	vadd.f32 v36, v14;
	v9 =	vmul.f32 v4, v24  }
0x2ee: {  	v45 =	vadd.f32 v46, v45;
	v42 =	vmul.f32 v20, v29;
	v20 =	vmul.f32 v22, v25;
	v25 =	vld [tilespmem:s7+$0x10AF0]  }
0x2ef: {  	v28 =	vmul.f32 v40, v12;
	v36 =	vadd.f32 v35, v14;
	v14 =	vld [tilespmem:s7+$0xCAA8];
	v44 =	vadd.f32 v9, v18  }
0x2f0: {  	v40 =	vadd.f32 v32, v62;
	v32 =	vmul.f32 v63, v10;
	v22 =	vmul.f32 v8, v31;
	v18 =	vld [tilespmem:s7+$0xEA90]  }
0x2f1: {  	v4 =	vsel vm6, $0x3E000000, v0;
	v21 =	vmul.f32 v21, v29;
	v24 =	vadd.f32 v20, v44;
	v20 =	vld [tilespmem:s7+$0xAAA8]  }
0x2f2: {  	v29 =	vadd.f32 v41, v45;
	v38 =	vadd.f32 v38, v22;
	v22 =	vmul.f32 v26, v12;
	v26 =	vld [tilespmem:s7+$0xCA80]  }
0x2f3: {  	v35 =	vadd.f32 v39, v40;
	v31 =	vadd.f32 v42, v24;
	v19 =	vperm.xlane v25, v23;
	v25 =	vld [tilespmem:s7+$0xEAA8]  }
0x2f4: {  	v9 =	vsel vm4, $0x3E000000, v0;
	v29 =	vadd.f32 v37, v29;
	v24 =	vmul.f32 v47, v12;
	v23 =	vld [tilespmem:s7+$0xCAA0]  }
0x2f5: {  	s9 =	simm.s32 $0x1;
	s14 =	simm.s32 $0x200;
	s12 =	simm.s32 $0x20;
	v33 =	vadd.f32 v33, v38;
	v34 =	vadd.f32 v34, v31;
	v31 =	vmul.f32 v9, v30;
	v30 =	vld [tilespmem:s7+$0xEA80]  }
.LBB2_5:
0x2f6: {  	s17 =	smov.u32 s14  }
0x2f7: {  	s16 =	sand.u32 $0x600, s12;
	s15 =	sshra.s32 s14, $0x2;
	v28 =	vadd.f32 v28, v34;
	v18 =	vmul.f32 v18, v19;
	v34 =	vld [tilespmem:s7+$0xEAA0];
	v36 =	vadd.f32 v13, v36;
	s17 =	sadd.s32 $0x200, s14  }
0x2f8: {  	p0 =	sne.s32 s14, $0x7E00;
	v17 =	vadd.f32 v17, v33;
	v26 =	vmul.f32 v26, v10;
	s16 =	sshrl.u32 s16, $0x2;
	v21 =	vadd.f32 v21, v35;
	v13 =	vld [tilespmem:s15+$0x8A80]  }
0x2f9: {  	v12 =	vmul.f32 v20, v12;
	v28 =	vadd.f32 v32, v28;
	v32 =	vadd.f32 v16, v36;
	v33 =	vld [tilespmem:s15+$0x10AB0]  }
0x2fa: {  	v20 =	vmul.f32 v4, v10;
	v17 =	vadd.f32 v31, v17;
	v21 =	vadd.f32 v27, v21;
	v16 =	vld [tilespmem:s15+$0xAA8]  }
0x2fb: {  	v31 =	vmul.f32 v14, v10;
	v30 =	vmul.f32 v30, v19;
	v12 =	vadd.f32 v12, v32;
	v27 =	vld [tilespmem:s15+$0x10AA0]  }
0x2fc: {  	v15 =	vadd.f32 v15, v17;
	v17 =	vadd.f32 v22, v21;
	v21 =	vmul.f32 v25, v19;
	v14 =	vld [tilespmem:s15+$0x8AA8]  }
0x2fd: {  	v11 =	vadd.f32 v11, v29;
	v22 =	vmov s9;
	v12 =	vadd.f32 v31, v12;
	v25 =	vld [tilespmem:s15+$0x10A90]  }
0x2fe: {  	v10 =	vmul.f32 v23, v10;
	v15 =	vadd.f32 v20, v15;
	v17 =	vadd.f32 v26, v17;
	v29 =	vld [tilespmem:s15+$0x10A80]  }
0x2ff: {  	v23 =	vmul.f32 v1, v19;
	v11 =	vadd.f32 v24, v11;
	v12 =	vadd.f32 v21, v12;
	v20 =	vld [tilespmem:s15+$0x10AE0]  }
0x300: {  	v18 =	vadd.f32 v18, v28;
	v19 =	vmul.f32 v34, v19;
	v17 =	vadd.f32 v30, v17;
	v24 =	vld [tilespmem:s15+$0xA80]  }
0x301: {  	v10 =	vadd.f32 v10, v11;
	v15 =	vadd.f32 v23, v15;
	v11 =	vperm.xlane v12, v2;
	v21 =	vld [tilespmem:s15+$0xA90]  }
0x302: {  	v23 =	vld [tilespmem:s15+$0x6AA0];
	[tilespmem:s7+$0x12A90] =	vst v18  }
0x303: {  	v10 =	vadd.f32 v19, v10;
	v11 =	vsel vm7, v11, v15;
	v26 =	vld [tilespmem:s15+$0x8A90];
	[tilespmem:s7+$0x12A80] =	vst v17  }
0x304: {  	v15 =	vld [tilespmem:s15+$0x8AA0];
	[tilespmem:s7+$0x12AB0] =	vst v11  }
0x305: {  	v11 =	vld [tilespmem:s15+$0x10AC0];
	[tilespmem:s7+$0x12AA0] =	vst v10;
	s7 =	smov.u32 s15  }
0x306: {  	v10 =	vld [tilespmem:s16+$0x880]  }
0x307: {  	v30 =	vld [tilespmem:s7+$0x6AA8]  }
0x308: {  	v19 =	vld [tilespmem:s7+$0x4A80]  }
0x309: {  	v28 =	vld [tilespmem:s7+$0x4A90]  }
0x30a: {  	v31 =	vld [tilespmem:s7+$0x4AA0]  }
0x30b: {  	v10 =	vperm.xlane v10, v22;
	v12 =	vld [tilespmem:s7+$0x10AD0]  }
0x30c: {  	v17 =	vld [tilespmem:s7+$0x2A80]  }
0x30d: {  	v32 =	vand.u32 $0xF, v10;
	v22 =	vld [tilespmem:s7+$0x4AA8]  }
0x30e: {  	v25 =	vperm.xlane v25, v32;
	v27 =	vperm.xlane v27, v32;
	v18 =	vld [tilespmem:s7+$0xEA90]  }
0x30f: {  	v33 =	vperm.xlane v33, v32;
	v35 =	vperm.xlane v11, v32;
	v34 =	vld [tilespmem:s7+$0x2A90]  }
0x310: {  	v29 =	vperm.xlane v29, v32;
	v12 =	vperm.xlane v12, v32;
	v36 =	vld [tilespmem:s7+$0x2AA0]  }
0x311: {  	v10 =	vperm.xlane v20, v32;
	v37 =	vmul.f32 v17, v25;
	v38 =	vld [tilespmem:s7+$0xAA0]  }
0x312: {  	v11 =	vmul.f32 v15, v35;
	v39 =	vld [tilespmem:s7+$0x6A90];
	v40 =	vmul.f32 v22, v27  }
0x313: {  	v41 =	vmul.f32 v3, v27;
	v42 =	vmul.f32 v23, v33;
	v15 =	vld [tilespmem:s7+$0x6A80]  }
0x314: {  	v22 =	vmul.f32 v34, v25;
	v34 =	vmul.f32 v26, v35;
	v23 =	vld [tilespmem:s7+$0x2AA8]  }
0x315: {  	v43 =	vmul.f32 v6, v25;
	v17 =	vmul.f32 v5, v33;
	v20 =	vld [tilespmem:s7+$0xAAA8]  }
0x316: {  	v44 =	vmul.f32 v19, v27;
	v31 =	vmul.f32 v31, v27;
	v19 =	vld [tilespmem:s7+$0xAA90]  }
0x317: {  	v46 =	vmul.f32 v21, v29;
	v45 =	vld [tilespmem:s7+$0xAA80];
	v39 =	vmul.f32 v39, v33  }
0x318: {  	v27 =	vmul.f32 v28, v27;
	v47 =	vld [tilespmem:s7+$0x10AF0];
	v21 =	vmul.f32 v15, v33  }
0x319: {  	v28 =	vmul.f32 v8, v29;
	v46 =	vadd.f32 v22, v46;
	v15 =	vmul.f32 v7, v12;
	v26 =	vld [tilespmem:s7+$0xCA80]  }
0x31a: {  	v36 =	vmul.f32 v36, v25;
	v38 =	vmul.f32 v38, v29;
	v48 =	vld [tilespmem:s7+$0xAAA0]  }
0x31b: {  	v43 =	vadd.f32 v43, v28;
	v49 =	vmul.f32 v23, v25;
	v28 =	vmul.f32 v19, v12;
	v25 =	vld [tilespmem:s7+$0xEAA8]  }
0x31c: {  	v50 =	vmul.f32 v24, v29;
	v24 =	vadd.f32 v27, v46;
	v22 =	vmul.f32 v45, v12;
	v45 =	vld [tilespmem:s7+$0xCA90]  }
0x31d: {  	v16 =	vmul.f32 v16, v29;
	v27 =	vmul.f32 v13, v35;
	v36 =	vadd.f32 v36, v38;
	v23 =	vld [tilespmem:s7+$0xCAA0]  }
.Ltmp1:
0x31e: {  	v13 =	vmul.f32 v30, v33;
	v29 =	vadd.f32 v39, v24;
	v19 =	vperm.xlane v47, v32;
	(pc) =	sbr.rel @p0 .LBB2_5-.Ltmp1, $4  }
0x31f: {  	v38 =	vadd.f32 v31, v36;
	v30 =	vadd.f32 v49, v16;
	v24 =	vmul.f32 v48, v12  }
0x320: {  	v37 =	vadd.f32 v37, v50;
	v16 =	vmul.f32 v14, v35;
	v34 =	vadd.f32 v34, v29  }
0x321: {  	v33 =	vadd.f32 v41, v43;
	v36 =	vadd.f32 v40, v30;
	v32 =	vmul.f32 v45, v10;
	v14 =	vld [tilespmem:s7+$0xCAA8]  }
0x322: {  	s12 =	sadd.s32 $0x20, s12;
	s14 =	smov.u32 s17;
	s9 =	sadd.s32 $0x1, s9;
	v31 =	vmul.f32 v9, v35;
	v35 =	vadd.f32 v44, v37;
	v29 =	vadd.f32 v42, v38;
	v30 =	vld [tilespmem:s7+$0xEA80]  }
0x323: {  	v3 =	vadd.f32 v28, v34;
	v5 =	vadd.f32 v13, v36  }
0x324: {  	v6 =	vmul.f32 v18, v19;
	v7 =	vadd.f32 v17, v33;
	v9 =	vmul.f32 v20, v12  }
0x325: {  	v54 =	vmul.f32 v26, v10;
	v8 =	vadd.f32 v21, v35;
	v11 =	vadd.f32 v11, v29  }
0x326: {  	v4 =	vmul.f32 v4, v10;
	v3 =	vadd.f32 v32, v3;
	v5 =	vadd.f32 v16, v5  }
0x327: {  	v55 =	vld [tilespmem:s7+$0xEAA0];
	v58 =	vmul.f32 v25, v19;
	v7 =	vadd.f32 v31, v7;
	v8 =	vadd.f32 v27, v8  }
0x328: {  	v56 =	vmul.f32 v14, v10;
	v62 =	vadd.f32 v24, v11;
	v5 =	vadd.f32 v9, v5  }
0x329: {  	v60 =	vmul.f32 v23, v10;
	v7 =	vadd.f32 v15, v7;
	v8 =	vadd.f32 v22, v8  }
0x32a: {  	v61 =	vmul.f32 v1, v19;
	v3 =	vadd.f32 v6, v3;
	v5 =	vadd.f32 v56, v5  }
0x32b: {  	v57 =	vmul.f32 v30, v19;
	v4 =	vadd.f32 v4, v7;
	v59 =	vadd.f32 v54, v8  }
0x32c: {  	v63 =	vmul.f32 v55, v19;
	v8 =	vadd.f32 v60, v62;
	v5 =	vadd.f32 v58, v5  }
0x32d: {  	v7 =	vadd.f32 v57, v59  }
0x32e: {  	[tilespmem:s7+$0x12A90] =	vst v3;
	v4 =	vadd.f32 v61, v4;
	v3 =	vadd.f32 v63, v8;
	v5 =	vperm.xlane v5, v2  }
0x32f: {  	s9 =	sshll.u32 s6, $0xA;
	s6 =	sadd.s32 $0x1, s6;
	[tilespmem:s7+$0x12A80] =	vst v7  }
0x330: {  	p0 =	sne.s32 s6, $0x8;
	[tilespmem:s7+$0x12AA0] =	vst v3;
	v4 =	vsel vm7, v5, v4  }
.Ltmp2:
0x331: {  	s17 =	sadd.s32 s9, s8;
	[tilespmem:s7+$0x12AB0] =	vst v4;
	(pc) =	sbr.rel @p0 .LBB2_2-.Ltmp2, $4  }
0x332: {  	[hbm4b:s17+s1] =	stream.linear.scatter [tilespmem:s11], [sflag:$0x2], $0x2000, $0x38;
	[tilespmem:$0x14A80] =	vst v63  }
0x333: {  	_ =	swait.ge [sflag:s10], $0x2000  }
0x334: {  	[sflag:s10] =	ssyncset.done $0x0  }
0x335: {  	s5 =	sadd.s32 $0x40, s5;
	[sflag:s10] =	ssyncadd.s32 $0xFFFFE000  }
0x336: {  	s6 =	rddreg [dreg:$0x7]  }
0x337: {  	s5 =	rddreg [dreg:$0x6];
	s6 =	sadd.s32 $0x1, s6  }
0x338: {  	p0 =	sne.s32 s6, s5  }
.Ltmp3:
0x339: {  	_ = 	snop;
	(pc) =	sbr.rel @p0 .LBB2_1-.Ltmp3, $1  }
0x33a: {  	_ =	sdelay $0x3  }
0x33b: {  	_ =	sfence.sel $0x180000  }
0x33c: {  	[bflag:$0x0] =	sbarrier.arrive $0xFFFF  }
0x33d: {  	_ =	strace $0x90000047  }
0x33e: {  	s0 =	stileid.u32;
	[bflag:$0x2] =	sbarrier.arrive $0xFFFF  }
0x33f: {  	p0 =	sne.s32 s0, $0x0;
	s0 =	rddreg [dreg:$0x2]  }
0x340: {  	s0 =	sadd.s32 @!p0 $0x100000, s0  }
0x341: {  	[sflag:s0] =	ssyncadd.tile.s32 @!p0 $0x1;
	_ =	shalt  }
.Lfunc_end2:
_tile_overlayer_lowered:
.L_overlay_start_2:
0x342: {  	(tag) =	ssettag $0x2  }
0x343: {  	s0 =	rddreg [dreg:$0x0];
	s2 =	stileid.u32  }
0x344: {  	s1 =	rddreg [dreg:$0x1];
	p0 =	sne.s32 s2, $0x0  }
0x345: {  	s3 =	rddreg [dreg:$0x2];
	[bflag:$0x3] =	sbarrier.arrive $0xFFFF;
	s2 =	simm.s32 @!p0 $0x1C02  }
0x346: {  	[timem:s3], [sflag:s2] =	dma.local @!p0 [hbm:s0], s1  }
0x347: {  	s0 =	simm.s32 @!p0 $0x2  }
0x348: {  	_ =	swait.ge @!p0 [sflag:s0], s1  }
0x349: {  	s1 =	ssub.s32 @!p0 $0x0, s1;
	[sflag:s0] =	ssyncset.done @!p0 $0x0  }
0x34a: {  	[sflag:s0] =	ssyncadd.s32 @!p0 s1  }
0x34b: {  	[bflag:$0x3] =	sbarrier.arrive $0xFFFF  }
0x34c: {  	_ =	shalt  }

</sc_bundles>
